<compile_context>
chip_gen: v7x
topology: tpu7x:2x2x1
jax: 0.10.2.dev20260603
libtpu: 0.0.44.dev20260713+nightly
codegen_flags: <defaults>
</compile_context>

<pallas_src>
import functools

import jax
import jax.numpy as jnp
from jax import lax
from jax.experimental import pallas as pl
from jax.experimental.pallas import tpu as pltpu
from jax.experimental.pallas import tpu_sc as plsc

N = 10000
E = 320000
D = 128
NC = 2
NS = 16
NW = NC * NS
EPW = 10240
EPAD = EPW * NW
B = 80
NCHUNK = EPW // B
CPB = 32
NBLK = NCHUNK // CPB
RPT = N // NS
NSUM = 10240
SPT = NSUM // NS


def _prep_body(h_ref, w_ref, asrc_ref, adst_ref, wh_ref, s_ref, d_ref, ub_ref):
    wh = jnp.dot(h_ref[...], w_ref[...], preferred_element_type=jnp.float32)
    s = jnp.dot(wh, asrc_ref[...], preferred_element_type=jnp.float32)
    d = jnp.dot(wh, adst_ref[...], preferred_element_type=jnp.float32)
    wh_ref[...] = wh
    s_ref[...] = s
    d_ref[...] = d
    ub0 = jnp.max(s) + jnp.max(d)
    ub = jnp.where(ub0 > 0, ub0, 0.01 * ub0)
    ub_ref[...] = jnp.full((8, 128), ub, jnp.float32)


_prep = pl.pallas_call(
    _prep_body,
    out_shape=[
        jax.ShapeDtypeStruct((N, D), jnp.float32),
        jax.ShapeDtypeStruct((N, 1), jnp.float32),
        jax.ShapeDtypeStruct((N, 1), jnp.float32),
        jax.ShapeDtypeStruct((8, 128), jnp.float32),
    ],
)


NB = 2


def _sc_body(src_hbm, dst_hbm, s_hbm, d_hbm, ub_hbm, wh_hbm,
             acc_out, sums_out, qmax_out,
             s_v, d_v, zsum, ub_v, qst,
             si_blk, di_blk, si0, si1, di0, di1, q0, q1, r0, r1,
             g0, g1, rs0, rs1, ss0, ss1,
             acc_sh, sums_sh):
    si = [si0, si1]
    di = [di0, di1]
    qv = [q0, q1]
    rows = [r0, r1]
    gsem = [g0, g1]
    rsem = [rs0, rs1]
    ssem = [ss0, ss1]

    c = lax.axis_index("c")
    sid = lax.axis_index("s")
    wid = c * NS + sid

    pltpu.sync_copy(s_hbm, s_v)
    pltpu.sync_copy(d_hbm, d_v)
    pltpu.sync_copy(ub_hbm, ub_v)

    def zfill(i, carry):
        for cc in range(D // 16):
            r0[i, pl.ds(cc * 16, 16)] = jnp.zeros((16,), jnp.float32)
        return carry
    lax.fori_loop(0, B, zfill, 0)

    def zsfill(i, carry):
        zsum[pl.ds(i * 16, 16)] = jnp.zeros((16,), jnp.float32)
        return carry
    lax.fori_loop(0, SPT // 16, zsfill, 0)

    row0 = sid * RPT
    for k in range(RPT // B):
        pltpu.sync_copy(r0, acc_sh.at[pl.ds(row0 + k * B, B)])
    rem = RPT - (RPT // B) * B
    if rem:
        pltpu.sync_copy(r0.at[pl.ds(0, rem)],
                        acc_sh.at[pl.ds(row0 + (RPT // B) * B, rem)])
    pltpu.sync_copy(zsum, sums_sh.at[pl.ds(sid * SPT, SPT)])
    plsc.subcore_barrier()

    ub = ub_v[...]
    ebase = wid * EPW

    def drain(b):
        pltpu.make_async_copy(rows[b], acc_sh.at[di[b]], rsem[b]).wait()
        pltpu.make_async_copy(qv[b], sums_sh.at[di[b]], ssem[b]).wait()

    def issue(ci, b):
        for k in range(B // 16):
            si[b][pl.ds(k * 16, 16)] = si_blk[pl.ds(ci * B + k * 16, 16)]
            di[b][pl.ds(k * 16, 16)] = di_blk[pl.ds(ci * B + k * 16, 16)]
        pltpu.async_copy(wh_hbm.at[si[b]], rows[b], gsem[b])

    def process(gci, b, qmax):
        def qbody(i, qm):
            sv = si[b][pl.ds(i * 16, 16)]
            dv = di[b][pl.ds(i * 16, 16)]
            e = plsc.load_gather(s_v, [sv]) + plsc.load_gather(d_v, [dv])
            e = jnp.where(e > 0, e, 0.01 * e)
            q = jnp.exp(e - ub)
            gid = ebase + gci * B + i * 16 + jnp.arange(16, dtype=jnp.int32)
            q = jnp.where(gid < E, q, 0.0)
            qv[b][pl.ds(i * 16, 16)] = q
            return jnp.maximum(qm, q)
        qmax = lax.fori_loop(0, B // 16, qbody, qmax)

        pltpu.make_async_copy(wh_hbm.at[si[b]], rows[b], gsem[b]).wait()

        @plsc.parallel_loop(0, B, 1, unroll=4)
        def sbody(j):
            qb = plsc.load_gather(qv[b], [jnp.full((16,), j, jnp.int32)])
            for cc in range(D // 16):
                rows[b][j, pl.ds(cc * 16, 16)] = (
                    rows[b][j, pl.ds(cc * 16, 16)] * qb)

        pltpu.async_copy(rows[b], acc_sh.at[di[b]], rsem[b], add=True)
        pltpu.async_copy(qv[b], sums_sh.at[di[b]], ssem[b], add=True)
        return qmax

    qmax = jnp.zeros((16,), jnp.float32)
    for blk in range(NBLK):
        bbase = ebase + blk * CPB * B
        pltpu.sync_copy(src_hbm.at[pl.ds(bbase, CPB * B)], si_blk)
        pltpu.sync_copy(dst_hbm.at[pl.ds(bbase, CPB * B)], di_blk)
        issue(0, 0)

        def pair_body(g, qm, _blk=blk):
            gc0 = _blk * CPB + 2 * g
            @pl.when(g > 0)
            def _():
                drain(1)
            issue(2 * g + 1, 1)
            qm = process(gc0, 0, qm)
            qm = process(gc0 + 1, 1, qm)
            drain(0)
            @pl.when(g < CPB // 2 - 1)
            def _():
                issue(2 * g + 2, 0)
            return qm

        qmax = lax.fori_loop(0, CPB // 2, pair_body, qmax)
        drain(1)

    plsc.subcore_barrier()
    pltpu.sync_copy(acc_sh.at[pl.ds(row0, RPT)],
                    acc_out.at[c, pl.ds(row0, RPT)])
    pltpu.sync_copy(sums_sh.at[pl.ds(sid * SPT, SPT)],
                    sums_out.at[c, pl.ds(sid * SPT, SPT)])
    qst[0, :] = qmax
    pltpu.sync_copy(qst, qmax_out.at[pl.ds(wid, 1)])


@functools.lru_cache(maxsize=None)
def _make_sc_edges():
  return functools.partial(
    pl.kernel,
    out_type=[
        jax.ShapeDtypeStruct((NC, N, D), jnp.float32),
        jax.ShapeDtypeStruct((NC, NSUM), jnp.float32),
        jax.ShapeDtypeStruct((NW, 16), jnp.float32),
    ],
    mesh=plsc.VectorSubcoreMesh(core_axis_name="c", subcore_axis_name="s",
                                num_cores=NC, num_subcores=NS),
    compiler_params=pltpu.CompilerParams(use_tc_tiling_on_sc=False,
                                         needs_layout_passes=False),
    scratch_types=(
        [
            pltpu.VMEM((N,), jnp.float32),
            pltpu.VMEM((N,), jnp.float32),
            pltpu.VMEM((SPT,), jnp.float32),
            pltpu.VMEM((16,), jnp.float32),
            pltpu.VMEM((1, 16), jnp.float32),
        ]
        + [pltpu.VMEM((CPB * B,), jnp.int32) for _ in range(2)]
        + [pltpu.VMEM((B,), jnp.int32) for _ in range(2 * NB)]
        + [pltpu.VMEM((B,), jnp.float32) for _ in range(NB)]
        + [pltpu.VMEM((B, D), jnp.float32) for _ in range(NB)]
        + [pltpu.SemaphoreType.DMA for _ in range(3 * NB)]
        + [
            pltpu.VMEM_SHARED((N, D), jnp.float32),
            pltpu.VMEM_SHARED((NSUM,), jnp.float32),
        ]
    ),
  )(_sc_body)


def _fin_body(acc_ref, sums_ref, qmax_ref, out_ref):
    acc = acc_ref[0] + acc_ref[1]
    sums = sums_ref[0, :N] + sums_ref[1, :N]
    qmax = jnp.max(qmax_ref[...])
    denom = jnp.reshape(sums, (N, 1)) + 1e-9 * qmax
    res = acc / denom
    out_ref[...] = jnp.where(res > 0, res, jnp.exp(res) - 1.0)


_fin = pl.pallas_call(
    _fin_body,
    out_shape=jax.ShapeDtypeStruct((N, D), jnp.float32),
)


def kernel(h, edge_index, W, a_src, a_dst):
    wh, s, d, ubf = _prep(h, W, a_src, a_dst)
    idx_pad = jnp.arange(EPAD - E, dtype=jnp.int32) % N
    ei = jnp.concatenate([edge_index, jnp.stack([idx_pad, idx_pad])], axis=1)
    src = ei[0]
    dst = ei[1]
    s1 = jnp.reshape(s, (N,))
    d1 = jnp.reshape(d, (N,))
    ub16 = ubf[0, :16]
    acc, sums, qmaxp = _make_sc_edges()(src, dst, s1, d1, ub16, wh)
    return _fin(acc, sums, qmaxp)

# --- scband reference (transcript-rebuilt; emitter-appended) ---
"""Pipeline reference for scband-sparse-graph-attention-layer-19129784336814 (READ-ONLY COPY).

The authoritative reference and input builder live on the scoring server;
editing this copy changes nothing except your own understanding.
"""

import jax, jax.numpy as jnp
import numpy as np

N = 10000
E = 320000
D = 128

def setup_inputs(seed: int = 0) -> dict:
    key = jax.random.key(seed)
    k1, k2, k3, k4, k5 = jax.random.split(key, 5)
    h = jax.random.normal(k1, (N, D), dtype=jnp.float32)
    edge_index = jax.random.randint(k2, (2, E), 0, N, dtype=jnp.int32)
    # Linear weight (no bias): torch stores [out, in]; here we use [in, out] and h @ W
    W = jax.random.normal(k3, (D, D), dtype=jnp.float32) * 0.1
    a_src = jax.random.normal(k4, (D, 1), dtype=jnp.float32) * 0.1
    a_dst = jax.random.normal(k5, (D, 1), dtype=jnp.float32) * 0.1
    return {"h": h, "edge_index": edge_index, "W": W, "a_src": a_src, "a_dst": a_dst}

def reference(h, edge_index, W, a_src, a_dst):
    Wh = h @ W
    src = edge_index[0]
    dst = edge_index[1]
    Wh_src = Wh[src]
    Wh_dst = Wh[dst]
    e = (Wh_src @ a_src + Wh_dst @ a_dst)[:, 0]
    # LeakyReLU(alpha=0.01)
    e = jnp.where(e > 0, e, 0.01 * e)
    attention = jnp.exp(e - jnp.max(e))
    attention_sum = jax.ops.segment_sum(attention, dst, num_segments=N)
    attention = attention / (attention_sum[dst] + 1e-09)
    # dropout p=0.0 (eval) -> identity
    out = jnp.zeros_like(Wh).at[dst].add(attention[:, None] * Wh_src)
    # ELU (concat=True)
    return jnp.where(out > 0, out, jnp.exp(out) - 1.0)

if __name__ == "__main__":
    import jax
    _d = setup_inputs()
    print(jax.jit(kernel)(*tuple(_d.values())))

</pallas_src>

<mosaic_0001>
#map = affine_map<(d0, d1) -> (0)>
#map1 = affine_map<(d0, d1) -> (0, 0)>
#map2 = affine_map<(d0, d1) -> (0, 0, 0)>
module attributes {stable_mosaic.version = 14 : i64} {
  func.func @_sc_body(%arg0: i32, %arg1: i32, %arg2: memref<327680xi32, #tpu.memory_space<hbm>>, %arg3: memref<327680xi32, #tpu.memory_space<hbm>>, %arg4: memref<10000xf32, #tpu.memory_space<hbm>>, %arg5: memref<10000xf32, #tpu.memory_space<hbm>>, %arg6: memref<16xf32, #tpu.memory_space<hbm>>, %arg7: memref<10000x128xf32, #tpu.memory_space<hbm>>, %arg8: memref<2x10000x128xf32, #tpu.memory_space<hbm>>, %arg9: memref<2x10240xf32, #tpu.memory_space<hbm>>, %arg10: memref<32x16xf32, #tpu.memory_space<hbm>>, %arg11: memref<10000xf32, #tpu.memory_space<vmem>>, %arg12: memref<10000xf32, #tpu.memory_space<vmem>>, %arg13: memref<640xf32, #tpu.memory_space<vmem>>, %arg14: memref<16xf32, #tpu.memory_space<vmem>>, %arg15: memref<1x16xf32, #tpu.memory_space<vmem>>, %arg16: memref<2560xi32, #tpu.memory_space<vmem>>, %arg17: memref<2560xi32, #tpu.memory_space<vmem>>, %arg18: memref<80xi32, #tpu.memory_space<vmem>>, %arg19: memref<80xi32, #tpu.memory_space<vmem>>, %arg20: memref<80xi32, #tpu.memory_space<vmem>>, %arg21: memref<80xi32, #tpu.memory_space<vmem>>, %arg22: memref<80xf32, #tpu.memory_space<vmem>>, %arg23: memref<80xf32, #tpu.memory_space<vmem>>, %arg24: memref<80x128xf32, #tpu.memory_space<vmem>>, %arg25: memref<80x128xf32, #tpu.memory_space<vmem>>, %arg26: memref<!tpu.dma_semaphore, #tpu.memory_space<semaphore_mem>>, %arg27: memref<!tpu.dma_semaphore, #tpu.memory_space<semaphore_mem>>, %arg28: memref<!tpu.dma_semaphore, #tpu.memory_space<semaphore_mem>>, %arg29: memref<!tpu.dma_semaphore, #tpu.memory_space<semaphore_mem>>, %arg30: memref<!tpu.dma_semaphore, #tpu.memory_space<semaphore_mem>>, %arg31: memref<!tpu.dma_semaphore, #tpu.memory_space<semaphore_mem>>, %arg32: memref<10000x128xf32, #tpu.memory_space<vmem_shared>>, %arg33: memref<10240xf32, #tpu.memory_space<vmem_shared>>) attributes {dimension_semantics = [#tpu.dimension_semantics<core_parallel>, #tpu.dimension_semantics<subcore_parallel>], iteration_bounds = array<i64: 2, 16>, scalar_prefetch = 0 : i64, scratch_operands = 23 : i64, tpu.core_type = #tpu.core_type<sc_vector_subcore>, window_params = [{transform_indices = #map}, {transform_indices = #map}, {transform_indices = #map}, {transform_indices = #map}, {transform_indices = #map}, {transform_indices = #map1}, {transform_indices = #map2}, {transform_indices = #map1}, {transform_indices = #map1}]} {
    %mul3A = arith.constant 16 : i32
    %mul3A_0 = arith.muli %arg0, %mul3A : i32
    %add3A = arith.addi %mul3A_0, %arg1 : i32
    "tpu.region"() ({
      %run_scoped3A = tpu.sem_alloc : memref<!tpu.dma_semaphore, #tpu.memory_space<semaphore_mem>>
      tpu.enqueue_dma source(%arg4 : memref<10000xf32, #tpu.memory_space<hbm>>) target(%arg11 : memref<10000xf32, #tpu.memory_space<vmem>>) target_semaphore(%run_scoped3A : memref<!tpu.dma_semaphore, #tpu.memory_space<semaphore_mem>>)
      tpu.wait_dma2 semaphore(%run_scoped3A : memref<!tpu.dma_semaphore, #tpu.memory_space<semaphore_mem>>) src(%arg4 : memref<10000xf32, #tpu.memory_space<hbm>>) dst(%arg11 : memref<10000xf32, #tpu.memory_space<vmem>>)
      tpu.yield
    }) : () -> ()
    "tpu.region"() ({
      %run_scoped3A = tpu.sem_alloc : memref<!tpu.dma_semaphore, #tpu.memory_space<semaphore_mem>>
      tpu.enqueue_dma source(%arg5 : memref<10000xf32, #tpu.memory_space<hbm>>) target(%arg12 : memref<10000xf32, #tpu.memory_space<vmem>>) target_semaphore(%run_scoped3A : memref<!tpu.dma_semaphore, #tpu.memory_space<semaphore_mem>>)
      tpu.wait_dma2 semaphore(%run_scoped3A : memref<!tpu.dma_semaphore, #tpu.memory_space<semaphore_mem>>) src(%arg5 : memref<10000xf32, #tpu.memory_space<hbm>>) dst(%arg12 : memref<10000xf32, #tpu.memory_space<vmem>>)
      tpu.yield
    }) : () -> ()
    "tpu.region"() ({
      %run_scoped3A = tpu.sem_alloc : memref<!tpu.dma_semaphore, #tpu.memory_space<semaphore_mem>>
      tpu.enqueue_dma source(%arg6 : memref<16xf32, #tpu.memory_space<hbm>>) target(%arg14 : memref<16xf32, #tpu.memory_space<vmem>>) target_semaphore(%run_scoped3A : memref<!tpu.dma_semaphore, #tpu.memory_space<semaphore_mem>>)
      tpu.wait_dma2 semaphore(%run_scoped3A : memref<!tpu.dma_semaphore, #tpu.memory_space<semaphore_mem>>) src(%arg6 : memref<16xf32, #tpu.memory_space<hbm>>) dst(%arg14 : memref<16xf32, #tpu.memory_space<vmem>>)
      tpu.yield
    }) : () -> ()
    %scan3A = arith.constant 0 : i32
    %scan3A_1 = arith.constant 0 : i32
    %scan3A_2 = arith.constant 80 : i32
    %scan3A_3 = arith.addi %scan3A_1, %scan3A_2 : i32
    %scan3A_4 = arith.constant 1 : i32
    scf.for %scan3A_266 = %scan3A_1 to %scan3A_3 step %scan3A_4  : i32 {
      %broadcast_in_dim3A_267 = arith.constant 0.000000e+00 : f32
      %broadcast_in_dim3A_268 = vector.broadcast %broadcast_in_dim3A_267 : f32 to vector<16xf32>
      %swap3A_269 = arith.index_cast %scan3A_266 : i32 to index
      %swap3A_270 = arith.constant 0 : index
      %swap3A_271 = tpu.vector_load %arg24[%swap3A_269, %swap3A_270] {strides = array<i32>} : memref<80x128xf32, #tpu.memory_space<vmem>>, vector<16xf32>,
      tpu.vector_store %arg24[%swap3A_269, %swap3A_270], %broadcast_in_dim3A_268 {strides = array<i32>} : memref<80x128xf32, #tpu.memory_space<vmem>>, vector<16xf32>,
      %broadcast_in_dim3A_272 = arith.constant 0.000000e+00 : f32
      %broadcast_in_dim3A_273 = vector.broadcast %broadcast_in_dim3A_272 : f32 to vector<16xf32>
      %swap3A_274 = arith.index_cast %scan3A_266 : i32 to index
      %swap3A_275 = arith.constant 16 : index
      %swap3A_276 = tpu.vector_load %arg24[%swap3A_274, %swap3A_275] {strides = array<i32>} : memref<80x128xf32, #tpu.memory_space<vmem>>, vector<16xf32>,
      tpu.vector_store %arg24[%swap3A_274, %swap3A_275], %broadcast_in_dim3A_273 {strides = array<i32>} : memref<80x128xf32, #tpu.memory_space<vmem>>, vector<16xf32>,
      %broadcast_in_dim3A_277 = arith.constant 0.000000e+00 : f32
      %broadcast_in_dim3A_278 = vector.broadcast %broadcast_in_dim3A_277 : f32 to vector<16xf32>
      %swap3A_279 = arith.index_cast %scan3A_266 : i32 to index
      %swap3A_280 = arith.constant 32 : index
      %swap3A_281 = tpu.vector_load %arg24[%swap3A_279, %swap3A_280] {strides = array<i32>} : memref<80x128xf32, #tpu.memory_space<vmem>>, vector<16xf32>,
      tpu.vector_store %arg24[%swap3A_279, %swap3A_280], %broadcast_in_dim3A_278 {strides = array<i32>} : memref<80x128xf32, #tpu.memory_space<vmem>>, vector<16xf32>,
      %broadcast_in_dim3A_282 = arith.constant 0.000000e+00 : f32
      %broadcast_in_dim3A_283 = vector.broadcast %broadcast_in_dim3A_282 : f32 to vector<16xf32>
      %swap3A_284 = arith.index_cast %scan3A_266 : i32 to index
      %swap3A_285 = arith.constant 48 : index
      %swap3A_286 = tpu.vector_load %arg24[%swap3A_284, %swap3A_285] {strides = array<i32>} : memref<80x128xf32, #tpu.memory_space<vmem>>, vector<16xf32>,
      tpu.vector_store %arg24[%swap3A_284, %swap3A_285], %broadcast_in_dim3A_283 {strides = array<i32>} : memref<80x128xf32, #tpu.memory_space<vmem>>, vector<16xf32>,
      %broadcast_in_dim3A_287 = arith.constant 0.000000e+00 : f32
      %broadcast_in_dim3A_288 = vector.broadcast %broadcast_in_dim3A_287 : f32 to vector<16xf32>
      %swap3A_289 = arith.index_cast %scan3A_266 : i32 to index
      %swap3A_290 = arith.constant 64 : index
      %swap3A_291 = tpu.vector_load %arg24[%swap3A_289, %swap3A_290] {strides = array<i32>} : memref<80x128xf32, #tpu.memory_space<vmem>>, vector<16xf32>,
      tpu.vector_store %arg24[%swap3A_289, %swap3A_290], %broadcast_in_dim3A_288 {strides = array<i32>} : memref<80x128xf32, #tpu.memory_space<vmem>>, vector<16xf32>,
      %broadcast_in_dim3A_292 = arith.constant 0.000000e+00 : f32
      %broadcast_in_dim3A_293 = vector.broadcast %broadcast_in_dim3A_292 : f32 to vector<16xf32>
      %swap3A_294 = arith.index_cast %scan3A_266 : i32 to index
      %swap3A_295 = arith.constant 80 : index
      %swap3A_296 = tpu.vector_load %arg24[%swap3A_294, %swap3A_295] {strides = array<i32>} : memref<80x128xf32, #tpu.memory_space<vmem>>, vector<16xf32>,
      tpu.vector_store %arg24[%swap3A_294, %swap3A_295], %broadcast_in_dim3A_293 {strides = array<i32>} : memref<80x128xf32, #tpu.memory_space<vmem>>, vector<16xf32>,
      %broadcast_in_dim3A_297 = arith.constant 0.000000e+00 : f32
      %broadcast_in_dim3A_298 = vector.broadcast %broadcast_in_dim3A_297 : f32 to vector<16xf32>
      %swap3A_299 = arith.index_cast %scan3A_266 : i32 to index
      %swap3A_300 = arith.constant 96 : index
      %swap3A_301 = tpu.vector_load %arg24[%swap3A_299, %swap3A_300] {strides = array<i32>} : memref<80x128xf32, #tpu.memory_space<vmem>>, vector<16xf32>,
      tpu.vector_store %arg24[%swap3A_299, %swap3A_300], %broadcast_in_dim3A_298 {strides = array<i32>} : memref<80x128xf32, #tpu.memory_space<vmem>>, vector<16xf32>,
      %broadcast_in_dim3A_302 = arith.constant 0.000000e+00 : f32
      %broadcast_in_dim3A_303 = vector.broadcast %broadcast_in_dim3A_302 : f32 to vector<16xf32>
      %swap3A_304 = arith.index_cast %scan3A_266 : i32 to index
      %swap3A_305 = arith.constant 112 : index
      %swap3A_306 = tpu.vector_load %arg24[%swap3A_304, %swap3A_305] {strides = array<i32>} : memref<80x128xf32, #tpu.memory_space<vmem>>, vector<16xf32>,
      tpu.vector_store %arg24[%swap3A_304, %swap3A_305], %broadcast_in_dim3A_303 {strides = array<i32>} : memref<80x128xf32, #tpu.memory_space<vmem>>, vector<16xf32>,
    }
    %scan3A_5 = arith.constant 80 : i32
    %scan3A_6 = arith.constant 0 : i32
    %scan3A_7 = arith.constant 0 : i32
    %scan3A_8 = arith.constant 40 : i32
    %scan3A_9 = arith.addi %scan3A_7, %scan3A_8 : i32
    %scan3A_10 = arith.constant 1 : i32
    scf.for %scan3A_266 = %scan3A_7 to %scan3A_9 step %scan3A_10  : i32 {
      %broadcast_in_dim3A_267 = arith.constant 0.000000e+00 : f32
      %broadcast_in_dim3A_268 = vector.broadcast %broadcast_in_dim3A_267 : f32 to vector<16xf32>
      %mul3A_269 = arith.constant 16 : i32
      %mul3A_270 = arith.muli %scan3A_266, %mul3A_269 : i32
      %swap3A_271 = arith.index_cast %mul3A_270 : i32 to index
      %swap3A_272 = tpu.vector_load %arg13[%swap3A_271] {strides = array<i32>} : memref<640xf32, #tpu.memory_space<vmem>>, vector<16xf32>,
      tpu.vector_store %arg13[%swap3A_271], %broadcast_in_dim3A_268 {strides = array<i32>} : memref<640xf32, #tpu.memory_space<vmem>>, vector<16xf32>,
    }
    %scan3A_11 = arith.constant 40 : i32
    %mul3A_12 = arith.constant 625 : i32
    %mul3A_13 = arith.muli %arg1, %mul3A_12 : i32
    %add3A_14 = arith.constant 0 : i32
    %add3A_15 = arith.addi %mul3A_13, %add3A_14 : i32
    "tpu.region"() ({
      %run_scoped3A = tpu.sem_alloc : memref<!tpu.dma_semaphore, #tpu.memory_space<semaphore_mem>>
      %dma_start3A_266 = arith.constant 0 : i32
      %dma_start3A_267 = tpu.memref_slice %arg32[%add3A_15, %dma_start3A_266] : memref<10000x128xf32, #tpu.memory_space<vmem_shared>> -> memref<80x128xf32, #tpu.memory_space<vmem_shared>>
      %dma_start3A_268 = arith.constant 0 : i32
      %dma_start3A_269 = tpu.memref_slice %arg32[%add3A_15, %dma_start3A_268] : memref<10000x128xf32, #tpu.memory_space<vmem_shared>> -> memref<80x128xf32, #tpu.memory_space<vmem_shared>>
      tpu.enqueue_dma source(%arg24 : memref<80x128xf32, #tpu.memory_space<vmem>>) target(%dma_start3A_269 : memref<80x128xf32, #tpu.memory_space<vmem_shared>>) target_semaphore(%run_scoped3A : memref<!tpu.dma_semaphore, #tpu.memory_space<semaphore_mem>>)
      %dma_wait3A_270 = arith.constant 0 : i32
      %dma_wait3A_271 = tpu.memref_slice %arg32[%add3A_15, %dma_wait3A_270] : memref<10000x128xf32, #tpu.memory_space<vmem_shared>> -> memref<80x128xf32, #tpu.memory_space<vmem_shared>>
      %dma_wait3A_272 = arith.constant 0 : i32
      %dma_wait3A_273 = tpu.memref_slice %arg32[%add3A_15, %dma_wait3A_272] : memref<10000x128xf32, #tpu.memory_space<vmem_shared>> -> memref<80x128xf32, #tpu.memory_space<vmem_shared>>
      tpu.wait_dma2 semaphore(%run_scoped3A : memref<!tpu.dma_semaphore, #tpu.memory_space<semaphore_mem>>) src(%arg24 : memref<80x128xf32, #tpu.memory_space<vmem>>) dst(%dma_wait3A_273 : memref<80x128xf32, #tpu.memory_space<vmem_shared>>)
      tpu.yield
    }) : () -> ()
    %add3A_16 = arith.constant 80 : i32
    %add3A_17 = arith.addi %mul3A_13, %add3A_16 : i32
    "tpu.region"() ({
      %run_scoped3A = tpu.sem_alloc : memref<!tpu.dma_semaphore, #tpu.memory_space<semaphore_mem>>
      %dma_start3A_266 = arith.constant 0 : i32
      %dma_start3A_267 = tpu.memref_slice %arg32[%add3A_17, %dma_start3A_266] : memref<10000x128xf32, #tpu.memory_space<vmem_shared>> -> memref<80x128xf32, #tpu.memory_space<vmem_shared>>
      %dma_start3A_268 = arith.constant 0 : i32
      %dma_start3A_269 = tpu.memref_slice %arg32[%add3A_17, %dma_start3A_268] : memref<10000x128xf32, #tpu.memory_space<vmem_shared>> -> memref<80x128xf32, #tpu.memory_space<vmem_shared>>
      tpu.enqueue_dma source(%arg24 : memref<80x128xf32, #tpu.memory_space<vmem>>) target(%dma_start3A_269 : memref<80x128xf32, #tpu.memory_space<vmem_shared>>) target_semaphore(%run_scoped3A : memref<!tpu.dma_semaphore, #tpu.memory_space<semaphore_mem>>)
      %dma_wait3A_270 = arith.constant 0 : i32
      %dma_wait3A_271 = tpu.memref_slice %arg32[%add3A_17, %dma_wait3A_270] : memref<10000x128xf32, #tpu.memory_space<vmem_shared>> -> memref<80x128xf32, #tpu.memory_space<vmem_shared>>
      %dma_wait3A_272 = arith.constant 0 : i32
      %dma_wait3A_273 = tpu.memref_slice %arg32[%add3A_17, %dma_wait3A_272] : memref<10000x128xf32, #tpu.memory_space<vmem_shared>> -> memref<80x128xf32, #tpu.memory_space<vmem_shared>>
      tpu.wait_dma2 semaphore(%run_scoped3A : memref<!tpu.dma_semaphore, #tpu.memory_space<semaphore_mem>>) src(%arg24 : memref<80x128xf32, #tpu.memory_space<vmem>>) dst(%dma_wait3A_273 : memref<80x128xf32, #tpu.memory_space<vmem_shared>>)
      tpu.yield
    }) : () -> ()
    %add3A_18 = arith.constant 160 : i32
    %add3A_19 = arith.addi %mul3A_13, %add3A_18 : i32
    "tpu.region"() ({
      %run_scoped3A = tpu.sem_alloc : memref<!tpu.dma_semaphore, #tpu.memory_space<semaphore_mem>>
      %dma_start3A_266 = arith.constant 0 : i32
      %dma_start3A_267 = tpu.memref_slice %arg32[%add3A_19, %dma_start3A_266] : memref<10000x128xf32, #tpu.memory_space<vmem_shared>> -> memref<80x128xf32, #tpu.memory_space<vmem_shared>>
      %dma_start3A_268 = arith.constant 0 : i32
      %dma_start3A_269 = tpu.memref_slice %arg32[%add3A_19, %dma_start3A_268] : memref<10000x128xf32, #tpu.memory_space<vmem_shared>> -> memref<80x128xf32, #tpu.memory_space<vmem_shared>>
      tpu.enqueue_dma source(%arg24 : memref<80x128xf32, #tpu.memory_space<vmem>>) target(%dma_start3A_269 : memref<80x128xf32, #tpu.memory_space<vmem_shared>>) target_semaphore(%run_scoped3A : memref<!tpu.dma_semaphore, #tpu.memory_space<semaphore_mem>>)
      %dma_wait3A_270 = arith.constant 0 : i32
      %dma_wait3A_271 = tpu.memref_slice %arg32[%add3A_19, %dma_wait3A_270] : memref<10000x128xf32, #tpu.memory_space<vmem_shared>> -> memref<80x128xf32, #tpu.memory_space<vmem_shared>>
      %dma_wait3A_272 = arith.constant 0 : i32
      %dma_wait3A_273 = tpu.memref_slice %arg32[%add3A_19, %dma_wait3A_272] : memref<10000x128xf32, #tpu.memory_space<vmem_shared>> -> memref<80x128xf32, #tpu.memory_space<vmem_shared>>
      tpu.wait_dma2 semaphore(%run_scoped3A : memref<!tpu.dma_semaphore, #tpu.memory_space<semaphore_mem>>) src(%arg24 : memref<80x128xf32, #tpu.memory_space<vmem>>) dst(%dma_wait3A_273 : memref<80x128xf32, #tpu.memory_space<vmem_shared>>)
      tpu.yield
    }) : () -> ()
    %add3A_20 = arith.constant 240 : i32
    %add3A_21 = arith.addi %mul3A_13, %add3A_20 : i32
    "tpu.region"() ({
      %run_scoped3A = tpu.sem_alloc : memref<!tpu.dma_semaphore, #tpu.memory_space<semaphore_mem>>
      %dma_start3A_266 = arith.constant 0 : i32
      %dma_start3A_267 = tpu.memref_slice %arg32[%add3A_21, %dma_start3A_266] : memref<10000x128xf32, #tpu.memory_space<vmem_shared>> -> memref<80x128xf32, #tpu.memory_space<vmem_shared>>
      %dma_start3A_268 = arith.constant 0 : i32
      %dma_start3A_269 = tpu.memref_slice %arg32[%add3A_21, %dma_start3A_268] : memref<10000x128xf32, #tpu.memory_space<vmem_shared>> -> memref<80x128xf32, #tpu.memory_space<vmem_shared>>
      tpu.enqueue_dma source(%arg24 : memref<80x128xf32, #tpu.memory_space<vmem>>) target(%dma_start3A_269 : memref<80x128xf32, #tpu.memory_space<vmem_shared>>) target_semaphore(%run_scoped3A : memref<!tpu.dma_semaphore, #tpu.memory_space<semaphore_mem>>)
      %dma_wait3A_270 = arith.constant 0 : i32
      %dma_wait3A_271 = tpu.memref_slice %arg32[%add3A_21, %dma_wait3A_270] : memref<10000x128xf32, #tpu.memory_space<vmem_shared>> -> memref<80x128xf32, #tpu.memory_space<vmem_shared>>
      %dma_wait3A_272 = arith.constant 0 : i32
      %dma_wait3A_273 = tpu.memref_slice %arg32[%add3A_21, %dma_wait3A_272] : memref<10000x128xf32, #tpu.memory_space<vmem_shared>> -> memref<80x128xf32, #tpu.memory_space<vmem_shared>>
      tpu.wait_dma2 semaphore(%run_scoped3A : memref<!tpu.dma_semaphore, #tpu.memory_space<semaphore_mem>>) src(%arg24 : memref<80x128xf32, #tpu.memory_space<vmem>>) dst(%dma_wait3A_273 : memref<80x128xf32, #tpu.memory_space<vmem_shared>>)
      tpu.yield
    }) : () -> ()
    %add3A_22 = arith.constant 320 : i32
    %add3A_23 = arith.addi %mul3A_13, %add3A_22 : i32
    "tpu.region"() ({
      %run_scoped3A = tpu.sem_alloc : memref<!tpu.dma_semaphore, #tpu.memory_space<semaphore_mem>>
      %dma_start3A_266 = arith.constant 0 : i32
      %dma_start3A_267 = tpu.memref_slice %arg32[%add3A_23, %dma_start3A_266] : memref<10000x128xf32, #tpu.memory_space<vmem_shared>> -> memref<80x128xf32, #tpu.memory_space<vmem_shared>>
      %dma_start3A_268 = arith.constant 0 : i32
      %dma_start3A_269 = tpu.memref_slice %arg32[%add3A_23, %dma_start3A_268] : memref<10000x128xf32, #tpu.memory_space<vmem_shared>> -> memref<80x128xf32, #tpu.memory_space<vmem_shared>>
      tpu.enqueue_dma source(%arg24 : memref<80x128xf32, #tpu.memory_space<vmem>>) target(%dma_start3A_269 : memref<80x128xf32, #tpu.memory_space<vmem_shared>>) target_semaphore(%run_scoped3A : memref<!tpu.dma_semaphore, #tpu.memory_space<semaphore_mem>>)
      %dma_wait3A_270 = arith.constant 0 : i32
      %dma_wait3A_271 = tpu.memref_slice %arg32[%add3A_23, %dma_wait3A_270] : memref<10000x128xf32, #tpu.memory_space<vmem_shared>> -> memref<80x128xf32, #tpu.memory_space<vmem_shared>>
      %dma_wait3A_272 = arith.constant 0 : i32
      %dma_wait3A_273 = tpu.memref_slice %arg32[%add3A_23, %dma_wait3A_272] : memref<10000x128xf32, #tpu.memory_space<vmem_shared>> -> memref<80x128xf32, #tpu.memory_space<vmem_shared>>
      tpu.wait_dma2 semaphore(%run_scoped3A : memref<!tpu.dma_semaphore, #tpu.memory_space<semaphore_mem>>) src(%arg24 : memref<80x128xf32, #tpu.memory_space<vmem>>) dst(%dma_wait3A_273 : memref<80x128xf32, #tpu.memory_space<vmem_shared>>)
      tpu.yield
    }) : () -> ()
    %add3A_24 = arith.constant 400 : i32
    %add3A_25 = arith.addi %mul3A_13, %add3A_24 : i32
    "tpu.region"() ({
      %run_scoped3A = tpu.sem_alloc : memref<!tpu.dma_semaphore, #tpu.memory_space<semaphore_mem>>
      %dma_start3A_266 = arith.constant 0 : i32
      %dma_start3A_267 = tpu.memref_slice %arg32[%add3A_25, %dma_start3A_266] : memref<10000x128xf32, #tpu.memory_space<vmem_shared>> -> memref<80x128xf32, #tpu.memory_space<vmem_shared>>
      %dma_start3A_268 = arith.constant 0 : i32
      %dma_start3A_269 = tpu.memref_slice %arg32[%add3A_25, %dma_start3A_268] : memref<10000x128xf32, #tpu.memory_space<vmem_shared>> -> memref<80x128xf32, #tpu.memory_space<vmem_shared>>
      tpu.enqueue_dma source(%arg24 : memref<80x128xf32, #tpu.memory_space<vmem>>) target(%dma_start3A_269 : memref<80x128xf32, #tpu.memory_space<vmem_shared>>) target_semaphore(%run_scoped3A : memref<!tpu.dma_semaphore, #tpu.memory_space<semaphore_mem>>)
      %dma_wait3A_270 = arith.constant 0 : i32
      %dma_wait3A_271 = tpu.memref_slice %arg32[%add3A_25, %dma_wait3A_270] : memref<10000x128xf32, #tpu.memory_space<vmem_shared>> -> memref<80x128xf32, #tpu.memory_space<vmem_shared>>
      %dma_wait3A_272 = arith.constant 0 : i32
      %dma_wait3A_273 = tpu.memref_slice %arg32[%add3A_25, %dma_wait3A_272] : memref<10000x128xf32, #tpu.memory_space<vmem_shared>> -> memref<80x128xf32, #tpu.memory_space<vmem_shared>>
      tpu.wait_dma2 semaphore(%run_scoped3A : memref<!tpu.dma_semaphore, #tpu.memory_space<semaphore_mem>>) src(%arg24 : memref<80x128xf32, #tpu.memory_space<vmem>>) dst(%dma_wait3A_273 : memref<80x128xf32, #tpu.memory_space<vmem_shared>>)
      tpu.yield
    }) : () -> ()
    %add3A_26 = arith.constant 480 : i32
    %add3A_27 = arith.addi %mul3A_13, %add3A_26 : i32
    "tpu.region"() ({
      %run_scoped3A = tpu.sem_alloc : memref<!tpu.dma_semaphore, #tpu.memory_space<semaphore_mem>>
      %dma_start3A_266 = arith.constant 0 : i32
      %dma_start3A_267 = tpu.memref_slice %arg32[%add3A_27, %dma_start3A_266] : memref<10000x128xf32, #tpu.memory_space<vmem_shared>> -> memref<80x128xf32, #tpu.memory_space<vmem_shared>>
      %dma_start3A_268 = arith.constant 0 : i32
      %dma_start3A_269 = tpu.memref_slice %arg32[%add3A_27, %dma_start3A_268] : memref<10000x128xf32, #tpu.memory_space<vmem_shared>> -> memref<80x128xf32, #tpu.memory_space<vmem_shared>>
      tpu.enqueue_dma source(%arg24 : memref<80x128xf32, #tpu.memory_space<vmem>>) target(%dma_start3A_269 : memref<80x128xf32, #tpu.memory_space<vmem_shared>>) target_semaphore(%run_scoped3A : memref<!tpu.dma_semaphore, #tpu.memory_space<semaphore_mem>>)
      %dma_wait3A_270 = arith.constant 0 : i32
      %dma_wait3A_271 = tpu.memref_slice %arg32[%add3A_27, %dma_wait3A_270] : memref<10000x128xf32, #tpu.memory_space<vmem_shared>> -> memref<80x128xf32, #tpu.memory_space<vmem_shared>>
      %dma_wait3A_272 = arith.constant 0 : i32
      %dma_wait3A_273 = tpu.memref_slice %arg32[%add3A_27, %dma_wait3A_272] : memref<10000x128xf32, #tpu.memory_space<vmem_shared>> -> memref<80x128xf32, #tpu.memory_space<vmem_shared>>
      tpu.wait_dma2 semaphore(%run_scoped3A : memref<!tpu.dma_semaphore, #tpu.memory_space<semaphore_mem>>) src(%arg24 : memref<80x128xf32, #tpu.memory_space<vmem>>) dst(%dma_wait3A_273 : memref<80x128xf32, #tpu.memory_space<vmem_shared>>)
      tpu.yield
    }) : () -> ()
    %add3A_28 = arith.constant 560 : i32
    %add3A_29 = arith.addi %mul3A_13, %add3A_28 : i32
    "tpu.region"() ({
      %run_scoped3A = tpu.sem_alloc : memref<!tpu.dma_semaphore, #tpu.memory_space<semaphore_mem>>
      %dma_start3A_266 = arith.constant 0 : i32
      %dma_start3A_267 = arith.constant 0 : i32
      %dma_start3A_268 = tpu.memref_slice %arg24[%dma_start3A_266, %dma_start3A_267] : memref<80x128xf32, #tpu.memory_space<vmem>> -> memref<65x128xf32, #tpu.memory_space<vmem>>
      %dma_start3A_269 = arith.constant 0 : i32
      %dma_start3A_270 = tpu.memref_slice %arg32[%add3A_29, %dma_start3A_269] : memref<10000x128xf32, #tpu.memory_space<vmem_shared>> -> memref<65x128xf32, #tpu.memory_space<vmem_shared>>
      %dma_start3A_271 = arith.constant 0 : i32
      %dma_start3A_272 = tpu.memref_slice %arg32[%add3A_29, %dma_start3A_271] : memref<10000x128xf32, #tpu.memory_space<vmem_shared>> -> memref<65x128xf32, #tpu.memory_space<vmem_shared>>
      %dma_start3A_273 = arith.constant 0 : i32
      %dma_start3A_274 = arith.constant 0 : i32
      %dma_start3A_275 = tpu.memref_slice %arg24[%dma_start3A_273, %dma_start3A_274] : memref<80x128xf32, #tpu.memory_space<vmem>> -> memref<65x128xf32, #tpu.memory_space<vmem>>
      tpu.enqueue_dma source(%dma_start3A_275 : memref<65x128xf32, #tpu.memory_space<vmem>>) target(%dma_start3A_272 : memref<65x128xf32, #tpu.memory_space<vmem_shared>>) target_semaphore(%run_scoped3A : memref<!tpu.dma_semaphore, #tpu.memory_space<semaphore_mem>>)
      %dma_wait3A_276 = arith.constant 0 : i32
      %dma_wait3A_277 = arith.constant 0 : i32
      %dma_wait3A_278 = tpu.memref_slice %arg24[%dma_wait3A_276, %dma_wait3A_277] : memref<80x128xf32, #tpu.memory_space<vmem>> -> memref<65x128xf32, #tpu.memory_space<vmem>>
      %dma_wait3A_279 = arith.constant 0 : i32
      %dma_wait3A_280 = tpu.memref_slice %arg32[%add3A_29, %dma_wait3A_279] : memref<10000x128xf32, #tpu.memory_space<vmem_shared>> -> memref<65x128xf32, #tpu.memory_space<vmem_shared>>
      %dma_wait3A_281 = arith.constant 0 : i32
      %dma_wait3A_282 = tpu.memref_slice %arg32[%add3A_29, %dma_wait3A_281] : memref<10000x128xf32, #tpu.memory_space<vmem_shared>> -> memref<65x128xf32, #tpu.memory_space<vmem_shared>>
      %dma_wait3A_283 = arith.constant 0 : i32
      %dma_wait3A_284 = arith.constant 0 : i32
      %dma_wait3A_285 = tpu.memref_slice %arg24[%dma_wait3A_283, %dma_wait3A_284] : memref<80x128xf32, #tpu.memory_space<vmem>> -> memref<65x128xf32, #tpu.memory_space<vmem>>
      tpu.wait_dma2 semaphore(%run_scoped3A : memref<!tpu.dma_semaphore, #tpu.memory_space<semaphore_mem>>) src(%dma_wait3A_285 : memref<65x128xf32, #tpu.memory_space<vmem>>) dst(%dma_wait3A_282 : memref<65x128xf32, #tpu.memory_space<vmem_shared>>)
      tpu.yield
    }) : () -> ()
    %mul3A_30 = arith.constant 640 : i32
    %mul3A_31 = arith.muli %arg1, %mul3A_30 : i32
    "tpu.region"() ({
      %run_scoped3A = tpu.sem_alloc : memref<!tpu.dma_semaphore, #tpu.memory_space<semaphore_mem>>
      %dma_start3A_266 = tpu.memref_slice %arg33[%mul3A_31] : memref<10240xf32, #tpu.memory_space<vmem_shared>> -> memref<640xf32, #tpu.memory_space<vmem_shared>>
      %dma_start3A_267 = tpu.memref_slice %arg33[%mul3A_31] : memref<10240xf32, #tpu.memory_space<vmem_shared>> -> memref<640xf32, #tpu.memory_space<vmem_shared>>
      tpu.enqueue_dma source(%arg13 : memref<640xf32, #tpu.memory_space<vmem>>) target(%dma_start3A_267 : memref<640xf32, #tpu.memory_space<vmem_shared>>) target_semaphore(%run_scoped3A : memref<!tpu.dma_semaphore, #tpu.memory_space<semaphore_mem>>)
      %dma_wait3A_268 = tpu.memref_slice %arg33[%mul3A_31] : memref<10240xf32, #tpu.memory_space<vmem_shared>> -> memref<640xf32, #tpu.memory_space<vmem_shared>>
      %dma_wait3A_269 = tpu.memref_slice %arg33[%mul3A_31] : memref<10240xf32, #tpu.memory_space<vmem_shared>> -> memref<640xf32, #tpu.memory_space<vmem_shared>>
      tpu.wait_dma2 semaphore(%run_scoped3A : memref<!tpu.dma_semaphore, #tpu.memory_space<semaphore_mem>>) src(%arg13 : memref<640xf32, #tpu.memory_space<vmem>>) dst(%dma_wait3A_269 : memref<640xf32, #tpu.memory_space<vmem_shared>>)
      tpu.yield
    }) : () -> ()
    %barrier3A = arith.constant 0 : index
    tpu.barrier barrier_id(%barrier3A)
    %get3A = arith.constant 0 : index
    %get3A_32 = tpu.vector_load %arg14[%get3A] {strides = array<i32>} : memref<16xf32, #tpu.memory_space<vmem>>, vector<16xf32>,
    %mul3A_33 = arith.constant 10240 : i32
    %mul3A_34 = arith.muli %add3A, %mul3A_33 : i32
    %broadcast_in_dim3A = arith.constant 0.000000e+00 : f32
    %broadcast_in_dim3A_35 = vector.broadcast %broadcast_in_dim3A : f32 to vector<16xf32>
    %add3A_36 = arith.constant 0 : i32
    %add3A_37 = arith.addi %mul3A_34, %add3A_36 : i32
    "tpu.region"() ({
      %run_scoped3A = tpu.sem_alloc : memref<!tpu.dma_semaphore, #tpu.memory_space<semaphore_mem>>
      %dma_start3A_266 = tpu.memref_slice %arg2[%add3A_37] : memref<327680xi32, #tpu.memory_space<hbm>> -> memref<2560xi32, #tpu.memory_space<hbm>>
      %dma_start3A_267 = tpu.memref_slice %arg2[%add3A_37] : memref<327680xi32, #tpu.memory_space<hbm>> -> memref<2560xi32, #tpu.memory_space<hbm>>
      tpu.enqueue_dma source(%dma_start3A_267 : memref<2560xi32, #tpu.memory_space<hbm>>) target(%arg16 : memref<2560xi32, #tpu.memory_space<vmem>>) target_semaphore(%run_scoped3A : memref<!tpu.dma_semaphore, #tpu.memory_space<semaphore_mem>>)
      %dma_wait3A_268 = tpu.memref_slice %arg2[%add3A_37] : memref<327680xi32, #tpu.memory_space<hbm>> -> memref<2560xi32, #tpu.memory_space<hbm>>
      %dma_wait3A_269 = tpu.memref_slice %arg2[%add3A_37] : memref<327680xi32, #tpu.memory_space<hbm>> -> memref<2560xi32, #tpu.memory_space<hbm>>
      tpu.wait_dma2 semaphore(%run_scoped3A : memref<!tpu.dma_semaphore, #tpu.memory_space<semaphore_mem>>) src(%dma_wait3A_269 : memref<2560xi32, #tpu.memory_space<hbm>>) dst(%arg16 : memref<2560xi32, #tpu.memory_space<vmem>>)
      tpu.yield
    }) : () -> ()
    "tpu.region"() ({
      %run_scoped3A = tpu.sem_alloc : memref<!tpu.dma_semaphore, #tpu.memory_space<semaphore_mem>>
      %dma_start3A_266 = tpu.memref_slice %arg3[%add3A_37] : memref<327680xi32, #tpu.memory_space<hbm>> -> memref<2560xi32, #tpu.memory_space<hbm>>
      %dma_start3A_267 = tpu.memref_slice %arg3[%add3A_37] : memref<327680xi32, #tpu.memory_space<hbm>> -> memref<2560xi32, #tpu.memory_space<hbm>>
      tpu.enqueue_dma source(%dma_start3A_267 : memref<2560xi32, #tpu.memory_space<hbm>>) target(%arg17 : memref<2560xi32, #tpu.memory_space<vmem>>) target_semaphore(%run_scoped3A : memref<!tpu.dma_semaphore, #tpu.memory_space<semaphore_mem>>)
      %dma_wait3A_268 = tpu.memref_slice %arg3[%add3A_37] : memref<327680xi32, #tpu.memory_space<hbm>> -> memref<2560xi32, #tpu.memory_space<hbm>>
      %dma_wait3A_269 = tpu.memref_slice %arg3[%add3A_37] : memref<327680xi32, #tpu.memory_space<hbm>> -> memref<2560xi32, #tpu.memory_space<hbm>>
      tpu.wait_dma2 semaphore(%run_scoped3A : memref<!tpu.dma_semaphore, #tpu.memory_space<semaphore_mem>>) src(%dma_wait3A_269 : memref<2560xi32, #tpu.memory_space<hbm>>) dst(%arg17 : memref<2560xi32, #tpu.memory_space<vmem>>)
      tpu.yield
    }) : () -> ()
    %get3A_38 = arith.constant 0 : index
    %get3A_39 = tpu.vector_load %arg16[%get3A_38] {strides = array<i32>} : memref<2560xi32, #tpu.memory_space<vmem>>, vector<16xi32>,
    %swap3A = arith.constant 0 : index
    %swap3A_40 = tpu.vector_load %arg18[%swap3A] {strides = array<i32>} : memref<80xi32, #tpu.memory_space<vmem>>, vector<16xi32>,
    tpu.vector_store %arg18[%swap3A], %get3A_39 {strides = array<i32>} : memref<80xi32, #tpu.memory_space<vmem>>, vector<16xi32>,
    %get3A_41 = arith.constant 0 : index
    %get3A_42 = tpu.vector_load %arg17[%get3A_41] {strides = array<i32>} : memref<2560xi32, #tpu.memory_space<vmem>>, vector<16xi32>,
    %swap3A_43 = arith.constant 0 : index
    %swap3A_44 = tpu.vector_load %arg20[%swap3A_43] {strides = array<i32>} : memref<80xi32, #tpu.memory_space<vmem>>, vector<16xi32>,
    tpu.vector_store %arg20[%swap3A_43], %get3A_42 {strides = array<i32>} : memref<80xi32, #tpu.memory_space<vmem>>, vector<16xi32>,
    %get3A_45 = arith.constant 16 : index
    %get3A_46 = tpu.vector_load %arg16[%get3A_45] {strides = array<i32>} : memref<2560xi32, #tpu.memory_space<vmem>>, vector<16xi32>,
    %swap3A_47 = arith.constant 16 : index
    %swap3A_48 = tpu.vector_load %arg18[%swap3A_47] {strides = array<i32>} : memref<80xi32, #tpu.memory_space<vmem>>, vector<16xi32>,
    tpu.vector_store %arg18[%swap3A_47], %get3A_46 {strides = array<i32>} : memref<80xi32, #tpu.memory_space<vmem>>, vector<16xi32>,
    %get3A_49 = arith.constant 16 : index
    %get3A_50 = tpu.vector_load %arg17[%get3A_49] {strides = array<i32>} : memref<2560xi32, #tpu.memory_space<vmem>>, vector<16xi32>,
    %swap3A_51 = arith.constant 16 : index
    %swap3A_52 = tpu.vector_load %arg20[%swap3A_51] {strides = array<i32>} : memref<80xi32, #tpu.memory_space<vmem>>, vector<16xi32>,
    tpu.vector_store %arg20[%swap3A_51], %get3A_50 {strides = array<i32>} : memref<80xi32, #tpu.memory_space<vmem>>, vector<16xi32>,
    %get3A_53 = arith.constant 32 : index
    %get3A_54 = tpu.vector_load %arg16[%get3A_53] {strides = array<i32>} : memref<2560xi32, #tpu.memory_space<vmem>>, vector<16xi32>,
    %swap3A_55 = arith.constant 32 : index
    %swap3A_56 = tpu.vector_load %arg18[%swap3A_55] {strides = array<i32>} : memref<80xi32, #tpu.memory_space<vmem>>, vector<16xi32>,
    tpu.vector_store %arg18[%swap3A_55], %get3A_54 {strides = array<i32>} : memref<80xi32, #tpu.memory_space<vmem>>, vector<16xi32>,
    %get3A_57 = arith.constant 32 : index
    %get3A_58 = tpu.vector_load %arg17[%get3A_57] {strides = array<i32>} : memref<2560xi32, #tpu.memory_space<vmem>>, vector<16xi32>,
    %swap3A_59 = arith.constant 32 : index
    %swap3A_60 = tpu.vector_load %arg20[%swap3A_59] {strides = array<i32>} : memref<80xi32, #tpu.memory_space<vmem>>, vector<16xi32>,
    tpu.vector_store %arg20[%swap3A_59], %get3A_58 {strides = array<i32>} : memref<80xi32, #tpu.memory_space<vmem>>, vector<16xi32>,
    %get3A_61 = arith.constant 48 : index
    %get3A_62 = tpu.vector_load %arg16[%get3A_61] {strides = array<i32>} : memref<2560xi32, #tpu.memory_space<vmem>>, vector<16xi32>,
    %swap3A_63 = arith.constant 48 : index
    %swap3A_64 = tpu.vector_load %arg18[%swap3A_63] {strides = array<i32>} : memref<80xi32, #tpu.memory_space<vmem>>, vector<16xi32>,
    tpu.vector_store %arg18[%swap3A_63], %get3A_62 {strides = array<i32>} : memref<80xi32, #tpu.memory_space<vmem>>, vector<16xi32>,
    %get3A_65 = arith.constant 48 : index
    %get3A_66 = tpu.vector_load %arg17[%get3A_65] {strides = array<i32>} : memref<2560xi32, #tpu.memory_space<vmem>>, vector<16xi32>,
    %swap3A_67 = arith.constant 48 : index
    %swap3A_68 = tpu.vector_load %arg20[%swap3A_67] {strides = array<i32>} : memref<80xi32, #tpu.memory_space<vmem>>, vector<16xi32>,
    tpu.vector_store %arg20[%swap3A_67], %get3A_66 {strides = array<i32>} : memref<80xi32, #tpu.memory_space<vmem>>, vector<16xi32>,
    %get3A_69 = arith.constant 64 : index
    %get3A_70 = tpu.vector_load %arg16[%get3A_69] {strides = array<i32>} : memref<2560xi32, #tpu.memory_space<vmem>>, vector<16xi32>,
    %swap3A_71 = arith.constant 64 : index
    %swap3A_72 = tpu.vector_load %arg18[%swap3A_71] {strides = array<i32>} : memref<80xi32, #tpu.memory_space<vmem>>, vector<16xi32>,
    tpu.vector_store %arg18[%swap3A_71], %get3A_70 {strides = array<i32>} : memref<80xi32, #tpu.memory_space<vmem>>, vector<16xi32>,
    %get3A_73 = arith.constant 64 : index
    %get3A_74 = tpu.vector_load %arg17[%get3A_73] {strides = array<i32>} : memref<2560xi32, #tpu.memory_space<vmem>>, vector<16xi32>,
    %swap3A_75 = arith.constant 64 : index
    %swap3A_76 = tpu.vector_load %arg20[%swap3A_75] {strides = array<i32>} : memref<80xi32, #tpu.memory_space<vmem>>, vector<16xi32>,
    tpu.vector_store %arg20[%swap3A_75], %get3A_74 {strides = array<i32>} : memref<80xi32, #tpu.memory_space<vmem>>, vector<16xi32>,
    %dma_start3A = arith.constant 0 : i32
    %dma_start3A_77 = arith.constant 0 : i32
    %dma_start3A_78 = tpu.memref_slice %arg7[%dma_start3A, %dma_start3A_77] : memref<10000x128xf32, #tpu.memory_space<hbm>> -> memref<10000x128xf32, #tpu.memory_space<hbm>>
    tpu.enqueue_indirect_dma source(%dma_start3A_78 : memref<10000x128xf32, #tpu.memory_space<hbm>>) target(%arg24 : memref<80x128xf32, #tpu.memory_space<vmem>>) offsets(%arg18 : memref<80xi32, #tpu.memory_space<vmem>>) semaphore(%arg26 : memref<!tpu.dma_semaphore, #tpu.memory_space<semaphore_mem>>)
    %scan3A_79 = arith.constant 0 : i32
    %scan3A_80 = arith.constant 16 : i32
    %scan3A_81 = arith.addi %scan3A_79, %scan3A_80 : i32
    %scan3A_82 = arith.constant 1 : i32
    %scan3A_83 = scf.for %scan3A_266 = %scan3A_79 to %scan3A_81 step %scan3A_82 iter_args(%scan3A_267 = %broadcast_in_dim3A_35) -> (vector<16xf32>)  : i32 {
      %mul3A_268 = arith.constant 2 : i32
      %mul3A_269 = arith.muli %mul3A_268, %scan3A_266 : i32
      %add3A_270 = arith.constant 0 : i32
      %add3A_271 = arith.addi %add3A_270, %mul3A_269 : i32
      %gt3A = arith.constant 0 : i32
      %gt3A_272 = arith.cmpi sgt, %scan3A_266, %gt3A : i32
      %convert_element_type3A = arith.extui %gt3A_272 : i1 to i32
      %cond3A = arith.constant 0 : i32
      %cond3A_273 = arith.cmpi ne, %convert_element_type3A, %cond3A : i32
      scf.if %cond3A_273 {
        %dma_wait3A_405 = arith.constant 0 : i32
        %dma_wait3A_406 = arith.constant 0 : i32
        %dma_wait3A_407 = tpu.memref_slice %arg32[%dma_wait3A_405, %dma_wait3A_406] : memref<10000x128xf32, #tpu.memory_space<vmem_shared>> -> memref<10000x128xf32, #tpu.memory_space<vmem_shared>>
        tpu.wait_indirect_dma semaphore(%arg29 : memref<!tpu.dma_semaphore, #tpu.memory_space<semaphore_mem>>) src(%arg25 : memref<80x128xf32, #tpu.memory_space<vmem>>) dst(%dma_wait3A_407 : memref<10000x128xf32, #tpu.memory_space<vmem_shared>>)
        %dma_wait3A_408 = arith.constant 0 : i32
        %dma_wait3A_409 = tpu.memref_slice %arg33[%dma_wait3A_408] : memref<10240xf32, #tpu.memory_space<vmem_shared>> -> memref<10240xf32, #tpu.memory_space<vmem_shared>>
        tpu.wait_indirect_dma semaphore(%arg31 : memref<!tpu.dma_semaphore, #tpu.memory_space<semaphore_mem>>) src(%arg23 : memref<80xf32, #tpu.memory_space<vmem>>) dst(%dma_wait3A_409 : memref<10240xf32, #tpu.memory_space<vmem_shared>>)
      } else {
      }
      %mul3A_274 = arith.constant 2 : i32
      %mul3A_275 = arith.muli %mul3A_274, %scan3A_266 : i32
      %add3A_276 = arith.constant 1 : i32
      %add3A_277 = arith.addi %mul3A_275, %add3A_276 : i32
      %mul3A_278 = arith.constant 80 : i32
      %mul3A_279 = arith.muli %add3A_277, %mul3A_278 : i32
      %add3A_280 = arith.constant 0 : i32
      %add3A_281 = arith.addi %mul3A_279, %add3A_280 : i32
      %get3A_282 = arith.index_cast %add3A_281 : i32 to index
      %get3A_283 = tpu.vector_load %arg16[%get3A_282] {strides = array<i32>} : memref<2560xi32, #tpu.memory_space<vmem>>, vector<16xi32>,
      %swap3A_284 = arith.constant 0 : index
      %swap3A_285 = tpu.vector_load %arg19[%swap3A_284] {strides = array<i32>} : memref<80xi32, #tpu.memory_space<vmem>>, vector<16xi32>,
      tpu.vector_store %arg19[%swap3A_284], %get3A_283 {strides = array<i32>} : memref<80xi32, #tpu.memory_space<vmem>>, vector<16xi32>,
      %mul3A_286 = arith.constant 80 : i32
      %mul3A_287 = arith.muli %add3A_277, %mul3A_286 : i32
      %add3A_288 = arith.constant 0 : i32
      %add3A_289 = arith.addi %mul3A_287, %add3A_288 : i32
      %get3A_290 = arith.index_cast %add3A_289 : i32 to index
      %get3A_291 = tpu.vector_load %arg17[%get3A_290] {strides = array<i32>} : memref<2560xi32, #tpu.memory_space<vmem>>, vector<16xi32>,
      %swap3A_292 = arith.constant 0 : index
      %swap3A_293 = tpu.vector_load %arg21[%swap3A_292] {strides = array<i32>} : memref<80xi32, #tpu.memory_space<vmem>>, vector<16xi32>,
      tpu.vector_store %arg21[%swap3A_292], %get3A_291 {strides = array<i32>} : memref<80xi32, #tpu.memory_space<vmem>>, vector<16xi32>,
      %mul3A_294 = arith.constant 80 : i32
      %mul3A_295 = arith.muli %add3A_277, %mul3A_294 : i32
      %add3A_296 = arith.constant 16 : i32
      %add3A_297 = arith.addi %mul3A_295, %add3A_296 : i32
      %get3A_298 = arith.index_cast %add3A_297 : i32 to index
      %get3A_299 = tpu.vector_load %arg16[%get3A_298] {strides = array<i32>} : memref<2560xi32, #tpu.memory_space<vmem>>, vector<16xi32>,
      %swap3A_300 = arith.constant 16 : index
      %swap3A_301 = tpu.vector_load %arg19[%swap3A_300] {strides = array<i32>} : memref<80xi32, #tpu.memory_space<vmem>>, vector<16xi32>,
      tpu.vector_store %arg19[%swap3A_300], %get3A_299 {strides = array<i32>} : memref<80xi32, #tpu.memory_space<vmem>>, vector<16xi32>,
      %mul3A_302 = arith.constant 80 : i32
      %mul3A_303 = arith.muli %add3A_277, %mul3A_302 : i32
      %add3A_304 = arith.constant 16 : i32
      %add3A_305 = arith.addi %mul3A_303, %add3A_304 : i32
      %get3A_306 = arith.index_cast %add3A_305 : i32 to index
      %get3A_307 = tpu.vector_load %arg17[%get3A_306] {strides = array<i32>} : memref<2560xi32, #tpu.memory_space<vmem>>, vector<16xi32>,
      %swap3A_308 = arith.constant 16 : index
      %swap3A_309 = tpu.vector_load %arg21[%swap3A_308] {strides = array<i32>} : memref<80xi32, #tpu.memory_space<vmem>>, vector<16xi32>,
      tpu.vector_store %arg21[%swap3A_308], %get3A_307 {strides = array<i32>} : memref<80xi32, #tpu.memory_space<vmem>>, vector<16xi32>,
      %mul3A_310 = arith.constant 80 : i32
      %mul3A_311 = arith.muli %add3A_277, %mul3A_310 : i32
      %add3A_312 = arith.constant 32 : i32
      %add3A_313 = arith.addi %mul3A_311, %add3A_312 : i32
      %get3A_314 = arith.index_cast %add3A_313 : i32 to index
      %get3A_315 = tpu.vector_load %arg16[%get3A_314] {strides = array<i32>} : memref<2560xi32, #tpu.memory_space<vmem>>, vector<16xi32>,
      %swap3A_316 = arith.constant 32 : index
      %swap3A_317 = tpu.vector_load %arg19[%swap3A_316] {strides = array<i32>} : memref<80xi32, #tpu.memory_space<vmem>>, vector<16xi32>,
      tpu.vector_store %arg19[%swap3A_316], %get3A_315 {strides = array<i32>} : memref<80xi32, #tpu.memory_space<vmem>>, vector<16xi32>,
      %mul3A_318 = arith.constant 80 : i32
      %mul3A_319 = arith.muli %add3A_277, %mul3A_318 : i32
      %add3A_320 = arith.constant 32 : i32
      %add3A_321 = arith.addi %mul3A_319, %add3A_320 : i32
      %get3A_322 = arith.index_cast %add3A_321 : i32 to index
      %get3A_323 = tpu.vector_load %arg17[%get3A_322] {strides = array<i32>} : memref<2560xi32, #tpu.memory_space<vmem>>, vector<16xi32>,
      %swap3A_324 = arith.constant 32 : index
      %swap3A_325 = tpu.vector_load %arg21[%swap3A_324] {strides = array<i32>} : memref<80xi32, #tpu.memory_space<vmem>>, vector<16xi32>,
      tpu.vector_store %arg21[%swap3A_324], %get3A_323 {strides = array<i32>} : memref<80xi32, #tpu.memory_space<vmem>>, vector<16xi32>,
      %mul3A_326 = arith.constant 80 : i32
      %mul3A_327 = arith.muli %add3A_277, %mul3A_326 : i32
      %add3A_328 = arith.constant 48 : i32
      %add3A_329 = arith.addi %mul3A_327, %add3A_328 : i32
      %get3A_330 = arith.index_cast %add3A_329 : i32 to index
      %get3A_331 = tpu.vector_load %arg16[%get3A_330] {strides = array<i32>} : memref<2560xi32, #tpu.memory_space<vmem>>, vector<16xi32>,
      %swap3A_332 = arith.constant 48 : index
      %swap3A_333 = tpu.vector_load %arg19[%swap3A_332] {strides = array<i32>} : memref<80xi32, #tpu.memory_space<vmem>>, vector<16xi32>,
      tpu.vector_store %arg19[%swap3A_332], %get3A_331 {strides = array<i32>} : memref<80xi32, #tpu.memory_space<vmem>>, vector<16xi32>,
      %mul3A_334 = arith.constant 80 : i32
      %mul3A_335 = arith.muli %add3A_277, %mul3A_334 : i32
      %add3A_336 = arith.constant 48 : i32
      %add3A_337 = arith.addi %mul3A_335, %add3A_336 : i32
      %get3A_338 = arith.index_cast %add3A_337 : i32 to index
      %get3A_339 = tpu.vector_load %arg17[%get3A_338] {strides = array<i32>} : memref<2560xi32, #tpu.memory_space<vmem>>, vector<16xi32>,
      %swap3A_340 = arith.constant 48 : index
      %swap3A_341 = tpu.vector_load %arg21[%swap3A_340] {strides = array<i32>} : memref<80xi32, #tpu.memory_space<vmem>>, vector<16xi32>,
      tpu.vector_store %arg21[%swap3A_340], %get3A_339 {strides = array<i32>} : memref<80xi32, #tpu.memory_space<vmem>>, vector<16xi32>,
      %mul3A_342 = arith.constant 80 : i32
      %mul3A_343 = arith.muli %add3A_277, %mul3A_342 : i32
      %add3A_344 = arith.constant 64 : i32
      %add3A_345 = arith.addi %mul3A_343, %add3A_344 : i32
      %get3A_346 = arith.index_cast %add3A_345 : i32 to index
      %get3A_347 = tpu.vector_load %arg16[%get3A_346] {strides = array<i32>} : memref<2560xi32, #tpu.memory_space<vmem>>, vector<16xi32>,
      %swap3A_348 = arith.constant 64 : index
      %swap3A_349 = tpu.vector_load %arg19[%swap3A_348] {strides = array<i32>} : memref<80xi32, #tpu.memory_space<vmem>>, vector<16xi32>,
      tpu.vector_store %arg19[%swap3A_348], %get3A_347 {strides = array<i32>} : memref<80xi32, #tpu.memory_space<vmem>>, vector<16xi32>,
      %mul3A_350 = arith.constant 80 : i32
      %mul3A_351 = arith.muli %add3A_277, %mul3A_350 : i32
      %add3A_352 = arith.constant 64 : i32
      %add3A_353 = arith.addi %mul3A_351, %add3A_352 : i32
      %get3A_354 = arith.index_cast %add3A_353 : i32 to index
      %get3A_355 = tpu.vector_load %arg17[%get3A_354] {strides = array<i32>} : memref<2560xi32, #tpu.memory_space<vmem>>, vector<16xi32>,
      %swap3A_356 = arith.constant 64 : index
      %swap3A_357 = tpu.vector_load %arg21[%swap3A_356] {strides = array<i32>} : memref<80xi32, #tpu.memory_space<vmem>>, vector<16xi32>,
      tpu.vector_store %arg21[%swap3A_356], %get3A_355 {strides = array<i32>} : memref<80xi32, #tpu.memory_space<vmem>>, vector<16xi32>,
      %dma_start3A_358 = arith.constant 0 : i32
      %dma_start3A_359 = arith.constant 0 : i32
      %dma_start3A_360 = tpu.memref_slice %arg7[%dma_start3A_358, %dma_start3A_359] : memref<10000x128xf32, #tpu.memory_space<hbm>> -> memref<10000x128xf32, #tpu.memory_space<hbm>>
      tpu.enqueue_indirect_dma source(%dma_start3A_360 : memref<10000x128xf32, #tpu.memory_space<hbm>>) target(%arg25 : memref<80x128xf32, #tpu.memory_space<vmem>>) offsets(%arg19 : memref<80xi32, #tpu.memory_space<vmem>>) semaphore(%arg27 : memref<!tpu.dma_semaphore, #tpu.memory_space<semaphore_mem>>)
      %scan3A_361 = arith.constant 0 : i32
      %scan3A_362 = arith.constant 5 : i32
      %scan3A_363 = arith.addi %scan3A_361, %scan3A_362 : i32
      %scan3A_364 = arith.constant 1 : i32
      %scan3A_365 = scf.for %scan3A_405 = %scan3A_361 to %scan3A_363 step %scan3A_364 iter_args(%scan3A_406 = %scan3A_267) -> (vector<16xf32>)  : i32 {
        %mul3A_407 = arith.constant 16 : i32
        %mul3A_408 = arith.muli %scan3A_405, %mul3A_407 : i32
        %get3A_409 = arith.index_cast %mul3A_408 : i32 to index
        %get3A_410 = tpu.vector_load %arg18[%get3A_409] {strides = array<i32>} : memref<80xi32, #tpu.memory_space<vmem>>, vector<16xi32>,
        %mul3A_411 = arith.constant 16 : i32
        %mul3A_412 = arith.muli %scan3A_405, %mul3A_411 : i32
        %get3A_413 = arith.index_cast %mul3A_412 : i32 to index
        %get3A_414 = tpu.vector_load %arg20[%get3A_413] {strides = array<i32>} : memref<80xi32, #tpu.memory_space<vmem>>, vector<16xi32>,
        %gather3A = tpu.vector_load_idx %arg11[%get3A_410] : memref<10000xf32, #tpu.memory_space<vmem>>[vector<16xi32>], vector<16xf32>,
        %gather3A_415 = tpu.vector_load_idx %arg12[%get3A_414] : memref<10000xf32, #tpu.memory_space<vmem>>[vector<16xi32>], vector<16xf32>,
        %add3A_416 = arith.addf %gather3A, %gather3A_415 : vector<16xf32>
        %gt3A_417 = arith.constant 0.000000e+00 : f32
        %gt3A_418 = vector.broadcast %gt3A_417 : f32 to vector<16xf32>
        %gt3A_419 = arith.cmpf ogt, %add3A_416, %gt3A_418 : vector<16xf32>
        %mul3A_420 = arith.constant 0.00999999977 : f32
        %mul3A_421 = vector.broadcast %mul3A_420 : f32 to vector<16xf32>
        %mul3A_422 = arith.mulf %mul3A_421, %add3A_416 : vector<16xf32>
        %select_n3A = arith.select %gt3A_419, %add3A_416, %mul3A_422 : vector<16xi1>, vector<16xf32>
        %sub3A = arith.subf %select_n3A, %get3A_32 : vector<16xf32>
        %exp3A = math.exp %sub3A : vector<16xf32>
        %mul3A_423 = arith.constant 80 : i32
        %mul3A_424 = arith.muli %add3A_271, %mul3A_423 : i32
        %add3A_425 = arith.addi %mul3A_34, %mul3A_424 : i32
        %mul3A_426 = arith.constant 16 : i32
        %mul3A_427 = arith.muli %scan3A_405, %mul3A_426 : i32
        %add3A_428 = arith.addi %add3A_425, %mul3A_427 : i32
        %iota3A = tpu.iota {dimensions = array<i32: 0>} : vector<16xi32>
        %add3A_429 = vector.broadcast %add3A_428 : i32 to vector<16xi32>
        %add3A_430 = arith.addi %add3A_429, %iota3A : vector<16xi32>
        %lt3A_431 = arith.constant 320000 : i32
        %lt3A_432 = vector.broadcast %lt3A_431 : i32 to vector<16xi32>
        %lt3A_433 = arith.cmpi slt, %add3A_430, %lt3A_432 : vector<16xi32>
        %jit3A = arith.constant 0.000000e+00 : f32
        %broadcast_in_dim3A_434 = vector.broadcast %jit3A : f32 to vector<16xf32>
        %select_n3A_435 = arith.select %lt3A_433, %exp3A, %broadcast_in_dim3A_434 : vector<16xi1>, vector<16xf32>
        %mul3A_436 = arith.constant 16 : i32
        %mul3A_437 = arith.muli %scan3A_405, %mul3A_436 : i32
        %swap3A_438 = arith.index_cast %mul3A_437 : i32 to index
        %swap3A_439 = tpu.vector_load %arg22[%swap3A_438] {strides = array<i32>} : memref<80xf32, #tpu.memory_space<vmem>>, vector<16xf32>,
        tpu.vector_store %arg22[%swap3A_438], %select_n3A_435 {strides = array<i32>} : memref<80xf32, #tpu.memory_space<vmem>>, vector<16xf32>,
        %max3A = arith.maximumf %scan3A_406, %select_n3A_435 : vector<16xf32>
        scf.yield %max3A : vector<16xf32>
      }
      %scan3A_366 = arith.constant 5 : i32
      %dma_wait3A_367 = arith.constant 0 : i32
      %dma_wait3A_368 = arith.constant 0 : i32
      %dma_wait3A_369 = tpu.memref_slice %arg7[%dma_wait3A_367, %dma_wait3A_368] : memref<10000x128xf32, #tpu.memory_space<hbm>> -> memref<10000x128xf32, #tpu.memory_space<hbm>>
      tpu.wait_indirect_dma semaphore(%arg26 : memref<!tpu.dma_semaphore, #tpu.memory_space<semaphore_mem>>) src(%dma_wait3A_369 : memref<10000x128xf32, #tpu.memory_space<hbm>>) dst(%arg24 : memref<80x128xf32, #tpu.memory_space<vmem>>)
      %parallel_loop3A = arith.constant 0 : i32
      %parallel_loop3A_370 = arith.constant 80 : i32
      %parallel_loop3A_371 = arith.constant 1 : i32
      scf.for %parallel_loop3A_405 = %parallel_loop3A to %parallel_loop3A_370 step %parallel_loop3A_371  : i32 {
        %parallel_loop3A_406 = vector.broadcast %parallel_loop3A_405 : i32 to vector<16xi32>
        %parallel_loop3A_407 = tpu.vector_load_idx %arg22[%parallel_loop3A_406] : memref<80xf32, #tpu.memory_space<vmem>>[vector<16xi32>], vector<16xf32>,
        %parallel_loop3A_408 = arith.index_cast %parallel_loop3A_405 : i32 to index
        %parallel_loop3A_409 = arith.constant 0 : index
        %parallel_loop3A_410 = tpu.vector_load %arg24[%parallel_loop3A_408, %parallel_loop3A_409] {strides = array<i32>} : memref<80x128xf32, #tpu.memory_space<vmem>>, vector<16xf32>,
        %parallel_loop3A_411 = arith.mulf %parallel_loop3A_410, %parallel_loop3A_407 : vector<16xf32>
        %parallel_loop3A_412 = arith.index_cast %parallel_loop3A_405 : i32 to index
        %parallel_loop3A_413 = arith.constant 0 : index
        %parallel_loop3A_414 = tpu.vector_load %arg24[%parallel_loop3A_412, %parallel_loop3A_413] {strides = array<i32>} : memref<80x128xf32, #tpu.memory_space<vmem>>, vector<16xf32>,
        tpu.vector_store %arg24[%parallel_loop3A_412, %parallel_loop3A_413], %parallel_loop3A_411 {strides = array<i32>} : memref<80x128xf32, #tpu.memory_space<vmem>>, vector<16xf32>,
        %parallel_loop3A_415 = arith.index_cast %parallel_loop3A_405 : i32 to index
        %parallel_loop3A_416 = arith.constant 16 : index
        %parallel_loop3A_417 = tpu.vector_load %arg24[%parallel_loop3A_415, %parallel_loop3A_416] {strides = array<i32>} : memref<80x128xf32, #tpu.memory_space<vmem>>, vector<16xf32>,
        %parallel_loop3A_418 = arith.mulf %parallel_loop3A_417, %parallel_loop3A_407 : vector<16xf32>
        %parallel_loop3A_419 = arith.index_cast %parallel_loop3A_405 : i32 to index
        %parallel_loop3A_420 = arith.constant 16 : index
        %parallel_loop3A_421 = tpu.vector_load %arg24[%parallel_loop3A_419, %parallel_loop3A_420] {strides = array<i32>} : memref<80x128xf32, #tpu.memory_space<vmem>>, vector<16xf32>,
        tpu.vector_store %arg24[%parallel_loop3A_419, %parallel_loop3A_420], %parallel_loop3A_418 {strides = array<i32>} : memref<80x128xf32, #tpu.memory_space<vmem>>, vector<16xf32>,
        %parallel_loop3A_422 = arith.index_cast %parallel_loop3A_405 : i32 to index
        %parallel_loop3A_423 = arith.constant 32 : index
        %parallel_loop3A_424 = tpu.vector_load %arg24[%parallel_loop3A_422, %parallel_loop3A_423] {strides = array<i32>} : memref<80x128xf32, #tpu.memory_space<vmem>>, vector<16xf32>,
        %parallel_loop3A_425 = arith.mulf %parallel_loop3A_424, %parallel_loop3A_407 : vector<16xf32>
        %parallel_loop3A_426 = arith.index_cast %parallel_loop3A_405 : i32 to index
        %parallel_loop3A_427 = arith.constant 32 : index
        %parallel_loop3A_428 = tpu.vector_load %arg24[%parallel_loop3A_426, %parallel_loop3A_427] {strides = array<i32>} : memref<80x128xf32, #tpu.memory_space<vmem>>, vector<16xf32>,
        tpu.vector_store %arg24[%parallel_loop3A_426, %parallel_loop3A_427], %parallel_loop3A_425 {strides = array<i32>} : memref<80x128xf32, #tpu.memory_space<vmem>>, vector<16xf32>,
        %parallel_loop3A_429 = arith.index_cast %parallel_loop3A_405 : i32 to index
        %parallel_loop3A_430 = arith.constant 48 : index
        %parallel_loop3A_431 = tpu.vector_load %arg24[%parallel_loop3A_429, %parallel_loop3A_430] {strides = array<i32>} : memref<80x128xf32, #tpu.memory_space<vmem>>, vector<16xf32>,
        %parallel_loop3A_432 = arith.mulf %parallel_loop3A_431, %parallel_loop3A_407 : vector<16xf32>
        %parallel_loop3A_433 = arith.index_cast %parallel_loop3A_405 : i32 to index
        %parallel_loop3A_434 = arith.constant 48 : index
        %parallel_loop3A_435 = tpu.vector_load %arg24[%parallel_loop3A_433, %parallel_loop3A_434] {strides = array<i32>} : memref<80x128xf32, #tpu.memory_space<vmem>>, vector<16xf32>,
        tpu.vector_store %arg24[%parallel_loop3A_433, %parallel_loop3A_434], %parallel_loop3A_432 {strides = array<i32>} : memref<80x128xf32, #tpu.memory_space<vmem>>, vector<16xf32>,
        %parallel_loop3A_436 = arith.index_cast %parallel_loop3A_405 : i32 to index
        %parallel_loop3A_437 = arith.constant 64 : index
        %parallel_loop3A_438 = tpu.vector_load %arg24[%parallel_loop3A_436, %parallel_loop3A_437] {strides = array<i32>} : memref<80x128xf32, #tpu.memory_space<vmem>>, vector<16xf32>,
        %parallel_loop3A_439 = arith.mulf %parallel_loop3A_438, %parallel_loop3A_407 : vector<16xf32>
        %parallel_loop3A_440 = arith.index_cast %parallel_loop3A_405 : i32 to index
        %parallel_loop3A_441 = arith.constant 64 : index
        %parallel_loop3A_442 = tpu.vector_load %arg24[%parallel_loop3A_440, %parallel_loop3A_441] {strides = array<i32>} : memref<80x128xf32, #tpu.memory_space<vmem>>, vector<16xf32>,
        tpu.vector_store %arg24[%parallel_loop3A_440, %parallel_loop3A_441], %parallel_loop3A_439 {strides = array<i32>} : memref<80x128xf32, #tpu.memory_space<vmem>>, vector<16xf32>,
        %parallel_loop3A_443 = arith.index_cast %parallel_loop3A_405 : i32 to index
        %parallel_loop3A_444 = arith.constant 80 : index
        %parallel_loop3A_445 = tpu.vector_load %arg24[%parallel_loop3A_443, %parallel_loop3A_444] {strides = array<i32>} : memref<80x128xf32, #tpu.memory_space<vmem>>, vector<16xf32>,
        %parallel_loop3A_446 = arith.mulf %parallel_loop3A_445, %parallel_loop3A_407 : vector<16xf32>
        %parallel_loop3A_447 = arith.index_cast %parallel_loop3A_405 : i32 to index
        %parallel_loop3A_448 = arith.constant 80 : index
        %parallel_loop3A_449 = tpu.vector_load %arg24[%parallel_loop3A_447, %parallel_loop3A_448] {strides = array<i32>} : memref<80x128xf32, #tpu.memory_space<vmem>>, vector<16xf32>,
        tpu.vector_store %arg24[%parallel_loop3A_447, %parallel_loop3A_448], %parallel_loop3A_446 {strides = array<i32>} : memref<80x128xf32, #tpu.memory_space<vmem>>, vector<16xf32>,
        %parallel_loop3A_450 = arith.index_cast %parallel_loop3A_405 : i32 to index
        %parallel_loop3A_451 = arith.constant 96 : index
        %parallel_loop3A_452 = tpu.vector_load %arg24[%parallel_loop3A_450, %parallel_loop3A_451] {strides = array<i32>} : memref<80x128xf32, #tpu.memory_space<vmem>>, vector<16xf32>,
        %parallel_loop3A_453 = arith.mulf %parallel_loop3A_452, %parallel_loop3A_407 : vector<16xf32>
        %parallel_loop3A_454 = arith.index_cast %parallel_loop3A_405 : i32 to index
        %parallel_loop3A_455 = arith.constant 96 : index
        %parallel_loop3A_456 = tpu.vector_load %arg24[%parallel_loop3A_454, %parallel_loop3A_455] {strides = array<i32>} : memref<80x128xf32, #tpu.memory_space<vmem>>, vector<16xf32>,
        tpu.vector_store %arg24[%parallel_loop3A_454, %parallel_loop3A_455], %parallel_loop3A_453 {strides = array<i32>} : memref<80x128xf32, #tpu.memory_space<vmem>>, vector<16xf32>,
        %parallel_loop3A_457 = arith.index_cast %parallel_loop3A_405 : i32 to index
        %parallel_loop3A_458 = arith.constant 112 : index
        %parallel_loop3A_459 = tpu.vector_load %arg24[%parallel_loop3A_457, %parallel_loop3A_458] {strides = array<i32>} : memref<80x128xf32, #tpu.memory_space<vmem>>, vector<16xf32>,
        %parallel_loop3A_460 = arith.mulf %parallel_loop3A_459, %parallel_loop3A_407 : vector<16xf32>
        %parallel_loop3A_461 = arith.index_cast %parallel_loop3A_405 : i32 to index
        %parallel_loop3A_462 = arith.constant 112 : index
        %parallel_loop3A_463 = tpu.vector_load %arg24[%parallel_loop3A_461, %parallel_loop3A_462] {strides = array<i32>} : memref<80x128xf32, #tpu.memory_space<vmem>>, vector<16xf32>,
        tpu.vector_store %arg24[%parallel_loop3A_461, %parallel_loop3A_462], %parallel_loop3A_460 {strides = array<i32>} : memref<80x128xf32, #tpu.memory_space<vmem>>, vector<16xf32>,
      } {sc.loop_unroll_factor = 4 : i64, sc.parallel_access}
      %dma_start3A_372 = arith.constant 0 : i32
      %dma_start3A_373 = arith.constant 0 : i32
      %dma_start3A_374 = tpu.memref_slice %arg32[%dma_start3A_372, %dma_start3A_373] : memref<10000x128xf32, #tpu.memory_space<vmem_shared>> -> memref<10000x128xf32, #tpu.memory_space<vmem_shared>>
      tpu.enqueue_indirect_dma source(%arg24 : memref<80x128xf32, #tpu.memory_space<vmem>>) target(%dma_start3A_374 : memref<10000x128xf32, #tpu.memory_space<vmem_shared>>) offsets(%arg20 : memref<80xi32, #tpu.memory_space<vmem>>) semaphore(%arg28 : memref<!tpu.dma_semaphore, #tpu.memory_space<semaphore_mem>>) {add = true}
      %dma_start3A_375 = arith.constant 0 : i32
      %dma_start3A_376 = tpu.memref_slice %arg33[%dma_start3A_375] : memref<10240xf32, #tpu.memory_space<vmem_shared>> -> memref<10240xf32, #tpu.memory_space<vmem_shared>>
      tpu.enqueue_indirect_dma source(%arg22 : memref<80xf32, #tpu.memory_space<vmem>>) target(%dma_start3A_376 : memref<10240xf32, #tpu.memory_space<vmem_shared>>) offsets(%arg20 : memref<80xi32, #tpu.memory_space<vmem>>) semaphore(%arg30 : memref<!tpu.dma_semaphore, #tpu.memory_space<semaphore_mem>>) {add = true}
      %add3A_377 = arith.constant 1 : i32
      %add3A_378 = arith.addi %add3A_271, %add3A_377 : i32
      %scan3A_379 = arith.constant 0 : i32
      %scan3A_380 = arith.constant 5 : i32
      %scan3A_381 = arith.addi %scan3A_379, %scan3A_380 : i32
      %scan3A_382 = arith.constant 1 : i32
      %scan3A_383 = scf.for %scan3A_405 = %scan3A_379 to %scan3A_381 step %scan3A_382 iter_args(%scan3A_406 = %scan3A_365) -> (vector<16xf32>)  : i32 {
        %mul3A_407 = arith.constant 16 : i32
        %mul3A_408 = arith.muli %scan3A_405, %mul3A_407 : i32
        %get3A_409 = arith.index_cast %mul3A_408 : i32 to index
        %get3A_410 = tpu.vector_load %arg19[%get3A_409] {strides = array<i32>} : memref<80xi32, #tpu.memory_space<vmem>>, vector<16xi32>,
        %mul3A_411 = arith.constant 16 : i32
        %mul3A_412 = arith.muli %scan3A_405, %mul3A_411 : i32
        %get3A_413 = arith.index_cast %mul3A_412 : i32 to index
        %get3A_414 = tpu.vector_load %arg21[%get3A_413] {strides = array<i32>} : memref<80xi32, #tpu.memory_space<vmem>>, vector<16xi32>,
        %gather3A = tpu.vector_load_idx %arg11[%get3A_410] : memref<10000xf32, #tpu.memory_space<vmem>>[vector<16xi32>], vector<16xf32>,
        %gather3A_415 = tpu.vector_load_idx %arg12[%get3A_414] : memref<10000xf32, #tpu.memory_space<vmem>>[vector<16xi32>], vector<16xf32>,
        %add3A_416 = arith.addf %gather3A, %gather3A_415 : vector<16xf32>
        %gt3A_417 = arith.constant 0.000000e+00 : f32
        %gt3A_418 = vector.broadcast %gt3A_417 : f32 to vector<16xf32>
        %gt3A_419 = arith.cmpf ogt, %add3A_416, %gt3A_418 : vector<16xf32>
        %mul3A_420 = arith.constant 0.00999999977 : f32
        %mul3A_421 = vector.broadcast %mul3A_420 : f32 to vector<16xf32>
        %mul3A_422 = arith.mulf %mul3A_421, %add3A_416 : vector<16xf32>
        %select_n3A = arith.select %gt3A_419, %add3A_416, %mul3A_422 : vector<16xi1>, vector<16xf32>
        %sub3A = arith.subf %select_n3A, %get3A_32 : vector<16xf32>
        %exp3A = math.exp %sub3A : vector<16xf32>
        %mul3A_423 = arith.constant 80 : i32
        %mul3A_424 = arith.muli %add3A_378, %mul3A_423 : i32
        %add3A_425 = arith.addi %mul3A_34, %mul3A_424 : i32
        %mul3A_426 = arith.constant 16 : i32
        %mul3A_427 = arith.muli %scan3A_405, %mul3A_426 : i32
        %add3A_428 = arith.addi %add3A_425, %mul3A_427 : i32
        %iota3A = tpu.iota {dimensions = array<i32: 0>} : vector<16xi32>
        %add3A_429 = vector.broadcast %add3A_428 : i32 to vector<16xi32>
        %add3A_430 = arith.addi %add3A_429, %iota3A : vector<16xi32>
        %lt3A_431 = arith.constant 320000 : i32
        %lt3A_432 = vector.broadcast %lt3A_431 : i32 to vector<16xi32>
        %lt3A_433 = arith.cmpi slt, %add3A_430, %lt3A_432 : vector<16xi32>
        %jit3A = arith.constant 0.000000e+00 : f32
        %broadcast_in_dim3A_434 = vector.broadcast %jit3A : f32 to vector<16xf32>
        %select_n3A_435 = arith.select %lt3A_433, %exp3A, %broadcast_in_dim3A_434 : vector<16xi1>, vector<16xf32>
        %mul3A_436 = arith.constant 16 : i32
        %mul3A_437 = arith.muli %scan3A_405, %mul3A_436 : i32
        %swap3A_438 = arith.index_cast %mul3A_437 : i32 to index
        %swap3A_439 = tpu.vector_load %arg23[%swap3A_438] {strides = array<i32>} : memref<80xf32, #tpu.memory_space<vmem>>, vector<16xf32>,
        tpu.vector_store %arg23[%swap3A_438], %select_n3A_435 {strides = array<i32>} : memref<80xf32, #tpu.memory_space<vmem>>, vector<16xf32>,
        %max3A = arith.maximumf %scan3A_406, %select_n3A_435 : vector<16xf32>
        scf.yield %max3A : vector<16xf32>
      }
      %scan3A_384 = arith.constant 5 : i32
      %dma_wait3A_385 = arith.constant 0 : i32
      %dma_wait3A_386 = arith.constant 0 : i32
      %dma_wait3A_387 = tpu.memref_slice %arg7[%dma_wait3A_385, %dma_wait3A_386] : memref<10000x128xf32, #tpu.memory_space<hbm>> -> memref<10000x128xf32, #tpu.memory_space<hbm>>
      tpu.wait_indirect_dma semaphore(%arg27 : memref<!tpu.dma_semaphore, #tpu.memory_space<semaphore_mem>>) src(%dma_wait3A_387 : memref<10000x128xf32, #tpu.memory_space<hbm>>) dst(%arg25 : memref<80x128xf32, #tpu.memory_space<vmem>>)
      %parallel_loop3A_388 = arith.constant 0 : i32
      %parallel_loop3A_389 = arith.constant 80 : i32
      %parallel_loop3A_390 = arith.constant 1 : i32
      scf.for %parallel_loop3A_405 = %parallel_loop3A_388 to %parallel_loop3A_389 step %parallel_loop3A_390  : i32 {
        %parallel_loop3A_406 = vector.broadcast %parallel_loop3A_405 : i32 to vector<16xi32>
        %parallel_loop3A_407 = tpu.vector_load_idx %arg23[%parallel_loop3A_406] : memref<80xf32, #tpu.memory_space<vmem>>[vector<16xi32>], vector<16xf32>,
        %parallel_loop3A_408 = arith.index_cast %parallel_loop3A_405 : i32 to index
        %parallel_loop3A_409 = arith.constant 0 : index
        %parallel_loop3A_410 = tpu.vector_load %arg25[%parallel_loop3A_408, %parallel_loop3A_409] {strides = array<i32>} : memref<80x128xf32, #tpu.memory_space<vmem>>, vector<16xf32>,
        %parallel_loop3A_411 = arith.mulf %parallel_loop3A_410, %parallel_loop3A_407 : vector<16xf32>
        %parallel_loop3A_412 = arith.index_cast %parallel_loop3A_405 : i32 to index
        %parallel_loop3A_413 = arith.constant 0 : index
        %parallel_loop3A_414 = tpu.vector_load %arg25[%parallel_loop3A_412, %parallel_loop3A_413] {strides = array<i32>} : memref<80x128xf32, #tpu.memory_space<vmem>>, vector<16xf32>,
        tpu.vector_store %arg25[%parallel_loop3A_412, %parallel_loop3A_413], %parallel_loop3A_411 {strides = array<i32>} : memref<80x128xf32, #tpu.memory_space<vmem>>, vector<16xf32>,
        %parallel_loop3A_415 = arith.index_cast %parallel_loop3A_405 : i32 to index
        %parallel_loop3A_416 = arith.constant 16 : index
        %parallel_loop3A_417 = tpu.vector_load %arg25[%parallel_loop3A_415, %parallel_loop3A_416] {strides = array<i32>} : memref<80x128xf32, #tpu.memory_space<vmem>>, vector<16xf32>,
        %parallel_loop3A_418 = arith.mulf %parallel_loop3A_417, %parallel_loop3A_407 : vector<16xf32>
        %parallel_loop3A_419 = arith.index_cast %parallel_loop3A_405 : i32 to index
        %parallel_loop3A_420 = arith.constant 16 : index
        %parallel_loop3A_421 = tpu.vector_load %arg25[%parallel_loop3A_419, %parallel_loop3A_420] {strides = array<i32>} : memref<80x128xf32, #tpu.memory_space<vmem>>, vector<16xf32>,
        tpu.vector_store %arg25[%parallel_loop3A_419, %parallel_loop3A_420], %parallel_loop3A_418 {strides = array<i32>} : memref<80x128xf32, #tpu.memory_space<vmem>>, vector<16xf32>,
        %parallel_loop3A_422 = arith.index_cast %parallel_loop3A_405 : i32 to index
        %parallel_loop3A_423 = arith.constant 32 : index
        %parallel_loop3A_424 = tpu.vector_load %arg25[%parallel_loop3A_422, %parallel_loop3A_423] {strides = array<i32>} : memref<80x128xf32, #tpu.memory_space<vmem>>, vector<16xf32>,
        %parallel_loop3A_425 = arith.mulf %parallel_loop3A_424, %parallel_loop3A_407 : vector<16xf32>
        %parallel_loop3A_426 = arith.index_cast %parallel_loop3A_405 : i32 to index
        %parallel_loop3A_427 = arith.constant 32 : index
        %parallel_loop3A_428 = tpu.vector_load %arg25[%parallel_loop3A_426, %parallel_loop3A_427] {strides = array<i32>} : memref<80x128xf32, #tpu.memory_space<vmem>>, vector<16xf32>,
        tpu.vector_store %arg25[%parallel_loop3A_426, %parallel_loop3A_427], %parallel_loop3A_425 {strides = array<i32>} : memref<80x128xf32, #tpu.memory_space<vmem>>, vector<16xf32>,
        %parallel_loop3A_429 = arith.index_cast %parallel_loop3A_405 : i32 to index
        %parallel_loop3A_430 = arith.constant 48 : index
        %parallel_loop3A_431 = tpu.vector_load %arg25[%parallel_loop3A_429, %parallel_loop3A_430] {strides = array<i32>} : memref<80x128xf32, #tpu.memory_space<vmem>>, vector<16xf32>,
        %parallel_loop3A_432 = arith.mulf %parallel_loop3A_431, %parallel_loop3A_407 : vector<16xf32>
        %parallel_loop3A_433 = arith.index_cast %parallel_loop3A_405 : i32 to index
        %parallel_loop3A_434 = arith.constant 48 : index
        %parallel_loop3A_435 = tpu.vector_load %arg25[%parallel_loop3A_433, %parallel_loop3A_434] {strides = array<i32>} : memref<80x128xf32, #tpu.memory_space<vmem>>, vector<16xf32>,
        tpu.vector_store %arg25[%parallel_loop3A_433, %parallel_loop3A_434], %parallel_loop3A_432 {strides = array<i32>} : memref<80x128xf32, #tpu.memory_space<vmem>>, vector<16xf32>,
        %parallel_loop3A_436 = arith.index_cast %parallel_loop3A_405 : i32 to index
        %parallel_loop3A_437 = arith.constant 64 : index
        %parallel_loop3A_438 = tpu.vector_load %arg25[%parallel_loop3A_436, %parallel_loop3A_437] {strides = array<i32>} : memref<80x128xf32, #tpu.memory_space<vmem>>, vector<16xf32>,
        %parallel_loop3A_439 = arith.mulf %parallel_loop3A_438, %parallel_loop3A_407 : vector<16xf32>
        %parallel_loop3A_440 = arith.index_cast %parallel_loop3A_405 : i32 to index
        %parallel_loop3A_441 = arith.constant 64 : index
        %parallel_loop3A_442 = tpu.vector_load %arg25[%parallel_loop3A_440, %parallel_loop3A_441] {strides = array<i32>} : memref<80x128xf32, #tpu.memory_space<vmem>>, vector<16xf32>,
        tpu.vector_store %arg25[%parallel_loop3A_440, %parallel_loop3A_441], %parallel_loop3A_439 {strides = array<i32>} : memref<80x128xf32, #tpu.memory_space<vmem>>, vector<16xf32>,
        %parallel_loop3A_443 = arith.index_cast %parallel_loop3A_405 : i32 to index
        %parallel_loop3A_444 = arith.constant 80 : index
        %parallel_loop3A_445 = tpu.vector_load %arg25[%parallel_loop3A_443, %parallel_loop3A_444] {strides = array<i32>} : memref<80x128xf32, #tpu.memory_space<vmem>>, vector<16xf32>,
        %parallel_loop3A_446 = arith.mulf %parallel_loop3A_445, %parallel_loop3A_407 : vector<16xf32>
        %parallel_loop3A_447 = arith.index_cast %parallel_loop3A_405 : i32 to index
        %parallel_loop3A_448 = arith.constant 80 : index
        %parallel_loop3A_449 = tpu.vector_load %arg25[%parallel_loop3A_447, %parallel_loop3A_448] {strides = array<i32>} : memref<80x128xf32, #tpu.memory_space<vmem>>, vector<16xf32>,
        tpu.vector_store %arg25[%parallel_loop3A_447, %parallel_loop3A_448], %parallel_loop3A_446 {strides = array<i32>} : memref<80x128xf32, #tpu.memory_space<vmem>>, vector<16xf32>,
        %parallel_loop3A_450 = arith.index_cast %parallel_loop3A_405 : i32 to index
        %parallel_loop3A_451 = arith.constant 96 : index
        %parallel_loop3A_452 = tpu.vector_load %arg25[%parallel_loop3A_450, %parallel_loop3A_451] {strides = array<i32>} : memref<80x128xf32, #tpu.memory_space<vmem>>, vector<16xf32>,
        %parallel_loop3A_453 = arith.mulf %parallel_loop3A_452, %parallel_loop3A_407 : vector<16xf32>
        %parallel_loop3A_454 = arith.index_cast %parallel_loop3A_405 : i32 to index
        %parallel_loop3A_455 = arith.constant 96 : index
        %parallel_loop3A_456 = tpu.vector_load %arg25[%parallel_loop3A_454, %parallel_loop3A_455] {strides = array<i32>} : memref<80x128xf32, #tpu.memory_space<vmem>>, vector<16xf32>,
        tpu.vector_store %arg25[%parallel_loop3A_454, %parallel_loop3A_455], %parallel_loop3A_453 {strides = array<i32>} : memref<80x128xf32, #tpu.memory_space<vmem>>, vector<16xf32>,
        %parallel_loop3A_457 = arith.index_cast %parallel_loop3A_405 : i32 to index
        %parallel_loop3A_458 = arith.constant 112 : index
        %parallel_loop3A_459 = tpu.vector_load %arg25[%parallel_loop3A_457, %parallel_loop3A_458] {strides = array<i32>} : memref<80x128xf32, #tpu.memory_space<vmem>>, vector<16xf32>,
        %parallel_loop3A_460 = arith.mulf %parallel_loop3A_459, %parallel_loop3A_407 : vector<16xf32>
        %parallel_loop3A_461 = arith.index_cast %parallel_loop3A_405 : i32 to index
        %parallel_loop3A_462 = arith.constant 112 : index
        %parallel_loop3A_463 = tpu.vector_load %arg25[%parallel_loop3A_461, %parallel_loop3A_462] {strides = array<i32>} : memref<80x128xf32, #tpu.memory_space<vmem>>, vector<16xf32>,
        tpu.vector_store %arg25[%parallel_loop3A_461, %parallel_loop3A_462], %parallel_loop3A_460 {strides = array<i32>} : memref<80x128xf32, #tpu.memory_space<vmem>>, vector<16xf32>,
      } {sc.loop_unroll_factor = 4 : i64, sc.parallel_access}
      %dma_start3A_391 = arith.constant 0 : i32
      %dma_start3A_392 = arith.constant 0 : i32
      %dma_start3A_393 = tpu.memref_slice %arg32[%dma_start3A_391, %dma_start3A_392] : memref<10000x128xf32, #tpu.memory_space<vmem_shared>> -> memref<10000x128xf32, #tpu.memory_space<vmem_shared>>
      tpu.enqueue_indirect_dma source(%arg25 : memref<80x128xf32, #tpu.memory_space<vmem>>) target(%dma_start3A_393 : memref<10000x128xf32, #tpu.memory_space<vmem_shared>>) offsets(%arg21 : memref<80xi32, #tpu.memory_space<vmem>>) semaphore(%arg29 : memref<!tpu.dma_semaphore, #tpu.memory_space<semaphore_mem>>) {add = true}
      %dma_start3A_394 = arith.constant 0 : i32
      %dma_start3A_395 = tpu.memref_slice %arg33[%dma_start3A_394] : memref<10240xf32, #tpu.memory_space<vmem_shared>> -> memref<10240xf32, #tpu.memory_space<vmem_shared>>
      tpu.enqueue_indirect_dma source(%arg23 : memref<80xf32, #tpu.memory_space<vmem>>) target(%dma_start3A_395 : memref<10240xf32, #tpu.memory_space<vmem_shared>>) offsets(%arg21 : memref<80xi32, #tpu.memory_space<vmem>>) semaphore(%arg31 : memref<!tpu.dma_semaphore, #tpu.memory_space<semaphore_mem>>) {add = true}
      %dma_wait3A_396 = arith.constant 0 : i32
      %dma_wait3A_397 = arith.constant 0 : i32
      %dma_wait3A_398 = tpu.memref_slice %arg32[%dma_wait3A_396, %dma_wait3A_397] : memref<10000x128xf32, #tpu.memory_space<vmem_shared>> -> memref<10000x128xf32, #tpu.memory_space<vmem_shared>>
      tpu.wait_indirect_dma semaphore(%arg28 : memref<!tpu.dma_semaphore, #tpu.memory_space<semaphore_mem>>) src(%arg24 : memref<80x128xf32, #tpu.memory_space<vmem>>) dst(%dma_wait3A_398 : memref<10000x128xf32, #tpu.memory_space<vmem_shared>>)
      %dma_wait3A_399 = arith.constant 0 : i32
      %dma_wait3A_400 = tpu.memref_slice %arg33[%dma_wait3A_399] : memref<10240xf32, #tpu.memory_space<vmem_shared>> -> memref<10240xf32, #tpu.memory_space<vmem_shared>>
      tpu.wait_indirect_dma semaphore(%arg30 : memref<!tpu.dma_semaphore, #tpu.memory_space<semaphore_mem>>) src(%arg22 : memref<80xf32, #tpu.memory_space<vmem>>) dst(%dma_wait3A_400 : memref<10240xf32, #tpu.memory_space<vmem_shared>>)
      %lt3A = arith.constant 15 : i32
      %lt3A_401 = arith.cmpi slt, %scan3A_266, %lt3A : i32
      %convert_element_type3A_402 = arith.extui %lt3A_401 : i1 to i32
      %cond3A_403 = arith.constant 0 : i32
      %cond3A_404 = arith.cmpi ne, %convert_element_type3A_402, %cond3A_403 : i32
      scf.if %cond3A_404 {
        %mul3A_405 = arith.constant 2 : i32
        %mul3A_406 = arith.muli %mul3A_405, %scan3A_266 : i32
        %add3A_407 = arith.constant 2 : i32
        %add3A_408 = arith.addi %mul3A_406, %add3A_407 : i32
        %mul3A_409 = arith.constant 80 : i32
        %mul3A_410 = arith.muli %add3A_408, %mul3A_409 : i32
        %add3A_411 = arith.constant 0 : i32
        %add3A_412 = arith.addi %mul3A_410, %add3A_411 : i32
        %get3A_413 = arith.index_cast %add3A_412 : i32 to index
        %get3A_414 = tpu.vector_load %arg16[%get3A_413] {strides = array<i32>} : memref<2560xi32, #tpu.memory_space<vmem>>, vector<16xi32>,
        %swap3A_415 = arith.constant 0 : index
        %swap3A_416 = tpu.vector_load %arg18[%swap3A_415] {strides = array<i32>} : memref<80xi32, #tpu.memory_space<vmem>>, vector<16xi32>,
        tpu.vector_store %arg18[%swap3A_415], %get3A_414 {strides = array<i32>} : memref<80xi32, #tpu.memory_space<vmem>>, vector<16xi32>,
        %mul3A_417 = arith.constant 80 : i32
        %mul3A_418 = arith.muli %add3A_408, %mul3A_417 : i32
        %add3A_419 = arith.constant 0 : i32
        %add3A_420 = arith.addi %mul3A_418, %add3A_419 : i32
        %get3A_421 = arith.index_cast %add3A_420 : i32 to index
        %get3A_422 = tpu.vector_load %arg17[%get3A_421] {strides = array<i32>} : memref<2560xi32, #tpu.memory_space<vmem>>, vector<16xi32>,
        %swap3A_423 = arith.constant 0 : index
        %swap3A_424 = tpu.vector_load %arg20[%swap3A_423] {strides = array<i32>} : memref<80xi32, #tpu.memory_space<vmem>>, vector<16xi32>,
        tpu.vector_store %arg20[%swap3A_423], %get3A_422 {strides = array<i32>} : memref<80xi32, #tpu.memory_space<vmem>>, vector<16xi32>,
        %mul3A_425 = arith.constant 80 : i32
        %mul3A_426 = arith.muli %add3A_408, %mul3A_425 : i32
        %add3A_427 = arith.constant 16 : i32
        %add3A_428 = arith.addi %mul3A_426, %add3A_427 : i32
        %get3A_429 = arith.index_cast %add3A_428 : i32 to index
        %get3A_430 = tpu.vector_load %arg16[%get3A_429] {strides = array<i32>} : memref<2560xi32, #tpu.memory_space<vmem>>, vector<16xi32>,
        %swap3A_431 = arith.constant 16 : index
        %swap3A_432 = tpu.vector_load %arg18[%swap3A_431] {strides = array<i32>} : memref<80xi32, #tpu.memory_space<vmem>>, vector<16xi32>,
        tpu.vector_store %arg18[%swap3A_431], %get3A_430 {strides = array<i32>} : memref<80xi32, #tpu.memory_space<vmem>>, vector<16xi32>,
        %mul3A_433 = arith.constant 80 : i32
        %mul3A_434 = arith.muli %add3A_408, %mul3A_433 : i32
        %add3A_435 = arith.constant 16 : i32
        %add3A_436 = arith.addi %mul3A_434, %add3A_435 : i32
        %get3A_437 = arith.index_cast %add3A_436 : i32 to index
        %get3A_438 = tpu.vector_load %arg17[%get3A_437] {strides = array<i32>} : memref<2560xi32, #tpu.memory_space<vmem>>, vector<16xi32>,
        %swap3A_439 = arith.constant 16 : index
        %swap3A_440 = tpu.vector_load %arg20[%swap3A_439] {strides = array<i32>} : memref<80xi32, #tpu.memory_space<vmem>>, vector<16xi32>,
        tpu.vector_store %arg20[%swap3A_439], %get3A_438 {strides = array<i32>} : memref<80xi32, #tpu.memory_space<vmem>>, vector<16xi32>,
        %mul3A_441 = arith.constant 80 : i32
        %mul3A_442 = arith.muli %add3A_408, %mul3A_441 : i32
        %add3A_443 = arith.constant 32 : i32
        %add3A_444 = arith.addi %mul3A_442, %add3A_443 : i32
        %get3A_445 = arith.index_cast %add3A_444 : i32 to index
        %get3A_446 = tpu.vector_load %arg16[%get3A_445] {strides = array<i32>} : memref<2560xi32, #tpu.memory_space<vmem>>, vector<16xi32>,
        %swap3A_447 = arith.constant 32 : index
        %swap3A_448 = tpu.vector_load %arg18[%swap3A_447] {strides = array<i32>} : memref<80xi32, #tpu.memory_space<vmem>>, vector<16xi32>,
        tpu.vector_store %arg18[%swap3A_447], %get3A_446 {strides = array<i32>} : memref<80xi32, #tpu.memory_space<vmem>>, vector<16xi32>,
        %mul3A_449 = arith.constant 80 : i32
        %mul3A_450 = arith.muli %add3A_408, %mul3A_449 : i32
        %add3A_451 = arith.constant 32 : i32
        %add3A_452 = arith.addi %mul3A_450, %add3A_451 : i32
        %get3A_453 = arith.index_cast %add3A_452 : i32 to index
        %get3A_454 = tpu.vector_load %arg17[%get3A_453] {strides = array<i32>} : memref<2560xi32, #tpu.memory_space<vmem>>, vector<16xi32>,
        %swap3A_455 = arith.constant 32 : index
        %swap3A_456 = tpu.vector_load %arg20[%swap3A_455] {strides = array<i32>} : memref<80xi32, #tpu.memory_space<vmem>>, vector<16xi32>,
        tpu.vector_store %arg20[%swap3A_455], %get3A_454 {strides = array<i32>} : memref<80xi32, #tpu.memory_space<vmem>>, vector<16xi32>,
        %mul3A_457 = arith.constant 80 : i32
        %mul3A_458 = arith.muli %add3A_408, %mul3A_457 : i32
        %add3A_459 = arith.constant 48 : i32
        %add3A_460 = arith.addi %mul3A_458, %add3A_459 : i32
        %get3A_461 = arith.index_cast %add3A_460 : i32 to index
        %get3A_462 = tpu.vector_load %arg16[%get3A_461] {strides = array<i32>} : memref<2560xi32, #tpu.memory_space<vmem>>, vector<16xi32>,
        %swap3A_463 = arith.constant 48 : index
        %swap3A_464 = tpu.vector_load %arg18[%swap3A_463] {strides = array<i32>} : memref<80xi32, #tpu.memory_space<vmem>>, vector<16xi32>,
        tpu.vector_store %arg18[%swap3A_463], %get3A_462 {strides = array<i32>} : memref<80xi32, #tpu.memory_space<vmem>>, vector<16xi32>,
        %mul3A_465 = arith.constant 80 : i32
        %mul3A_466 = arith.muli %add3A_408, %mul3A_465 : i32
        %add3A_467 = arith.constant 48 : i32
        %add3A_468 = arith.addi %mul3A_466, %add3A_467 : i32
        %get3A_469 = arith.index_cast %add3A_468 : i32 to index
        %get3A_470 = tpu.vector_load %arg17[%get3A_469] {strides = array<i32>} : memref<2560xi32, #tpu.memory_space<vmem>>, vector<16xi32>,
        %swap3A_471 = arith.constant 48 : index
        %swap3A_472 = tpu.vector_load %arg20[%swap3A_471] {strides = array<i32>} : memref<80xi32, #tpu.memory_space<vmem>>, vector<16xi32>,
        tpu.vector_store %arg20[%swap3A_471], %get3A_470 {strides = array<i32>} : memref<80xi32, #tpu.memory_space<vmem>>, vector<16xi32>,
        %mul3A_473 = arith.constant 80 : i32
        %mul3A_474 = arith.muli %add3A_408, %mul3A_473 : i32
        %add3A_475 = arith.constant 64 : i32
        %add3A_476 = arith.addi %mul3A_474, %add3A_475 : i32
        %get3A_477 = arith.index_cast %add3A_476 : i32 to index
        %get3A_478 = tpu.vector_load %arg16[%get3A_477] {strides = array<i32>} : memref<2560xi32, #tpu.memory_space<vmem>>, vector<16xi32>,
        %swap3A_479 = arith.constant 64 : index
        %swap3A_480 = tpu.vector_load %arg18[%swap3A_479] {strides = array<i32>} : memref<80xi32, #tpu.memory_space<vmem>>, vector<16xi32>,
        tpu.vector_store %arg18[%swap3A_479], %get3A_478 {strides = array<i32>} : memref<80xi32, #tpu.memory_space<vmem>>, vector<16xi32>,
        %mul3A_481 = arith.constant 80 : i32
        %mul3A_482 = arith.muli %add3A_408, %mul3A_481 : i32
        %add3A_483 = arith.constant 64 : i32
        %add3A_484 = arith.addi %mul3A_482, %add3A_483 : i32
        %get3A_485 = arith.index_cast %add3A_484 : i32 to index
        %get3A_486 = tpu.vector_load %arg17[%get3A_485] {strides = array<i32>} : memref<2560xi32, #tpu.memory_space<vmem>>, vector<16xi32>,
        %swap3A_487 = arith.constant 64 : index
        %swap3A_488 = tpu.vector_load %arg20[%swap3A_487] {strides = array<i32>} : memref<80xi32, #tpu.memory_space<vmem>>, vector<16xi32>,
        tpu.vector_store %arg20[%swap3A_487], %get3A_486 {strides = array<i32>} : memref<80xi32, #tpu.memory_space<vmem>>, vector<16xi32>,
        %dma_start3A_489 = arith.constant 0 : i32
        %dma_start3A_490 = arith.constant 0 : i32
        %dma_start3A_491 = tpu.memref_slice %arg7[%dma_start3A_489, %dma_start3A_490] : memref<10000x128xf32, #tpu.memory_space<hbm>> -> memref<10000x128xf32, #tpu.memory_space<hbm>>
        tpu.enqueue_indirect_dma source(%dma_start3A_491 : memref<10000x128xf32, #tpu.memory_space<hbm>>) target(%arg24 : memref<80x128xf32, #tpu.memory_space<vmem>>) offsets(%arg18 : memref<80xi32, #tpu.memory_space<vmem>>) semaphore(%arg26 : memref<!tpu.dma_semaphore, #tpu.memory_space<semaphore_mem>>)
      } else {
      }
      scf.yield %scan3A_383 : vector<16xf32>
    }
    %scan3A_84 = arith.constant 16 : i32
    %dma_wait3A = arith.constant 0 : i32
    %dma_wait3A_85 = arith.constant 0 : i32
    %dma_wait3A_86 = tpu.memref_slice %arg32[%dma_wait3A, %dma_wait3A_85] : memref<10000x128xf32, #tpu.memory_space<vmem_shared>> -> memref<10000x128xf32, #tpu.memory_space<vmem_shared>>
    tpu.wait_indirect_dma semaphore(%arg29 : memref<!tpu.dma_semaphore, #tpu.memory_space<semaphore_mem>>) src(%arg25 : memref<80x128xf32, #tpu.memory_space<vmem>>) dst(%dma_wait3A_86 : memref<10000x128xf32, #tpu.memory_space<vmem_shared>>)
    %dma_wait3A_87 = arith.constant 0 : i32
    %dma_wait3A_88 = tpu.memref_slice %arg33[%dma_wait3A_87] : memref<10240xf32, #tpu.memory_space<vmem_shared>> -> memref<10240xf32, #tpu.memory_space<vmem_shared>>
    tpu.wait_indirect_dma semaphore(%arg31 : memref<!tpu.dma_semaphore, #tpu.memory_space<semaphore_mem>>) src(%arg23 : memref<80xf32, #tpu.memory_space<vmem>>) dst(%dma_wait3A_88 : memref<10240xf32, #tpu.memory_space<vmem_shared>>)
    %add3A_89 = arith.constant 2560 : i32
    %add3A_90 = arith.addi %mul3A_34, %add3A_89 : i32
    "tpu.region"() ({
      %run_scoped3A = tpu.sem_alloc : memref<!tpu.dma_semaphore, #tpu.memory_space<semaphore_mem>>
      %dma_start3A_266 = tpu.memref_slice %arg2[%add3A_90] : memref<327680xi32, #tpu.memory_space<hbm>> -> memref<2560xi32, #tpu.memory_space<hbm>>
      %dma_start3A_267 = tpu.memref_slice %arg2[%add3A_90] : memref<327680xi32, #tpu.memory_space<hbm>> -> memref<2560xi32, #tpu.memory_space<hbm>>
      tpu.enqueue_dma source(%dma_start3A_267 : memref<2560xi32, #tpu.memory_space<hbm>>) target(%arg16 : memref<2560xi32, #tpu.memory_space<vmem>>) target_semaphore(%run_scoped3A : memref<!tpu.dma_semaphore, #tpu.memory_space<semaphore_mem>>)
      %dma_wait3A_268 = tpu.memref_slice %arg2[%add3A_90] : memref<327680xi32, #tpu.memory_space<hbm>> -> memref<2560xi32, #tpu.memory_space<hbm>>
      %dma_wait3A_269 = tpu.memref_slice %arg2[%add3A_90] : memref<327680xi32, #tpu.memory_space<hbm>> -> memref<2560xi32, #tpu.memory_space<hbm>>
      tpu.wait_dma2 semaphore(%run_scoped3A : memref<!tpu.dma_semaphore, #tpu.memory_space<semaphore_mem>>) src(%dma_wait3A_269 : memref<2560xi32, #tpu.memory_space<hbm>>) dst(%arg16 : memref<2560xi32, #tpu.memory_space<vmem>>)
      tpu.yield
    }) : () -> ()
    "tpu.region"() ({
      %run_scoped3A = tpu.sem_alloc : memref<!tpu.dma_semaphore, #tpu.memory_space<semaphore_mem>>
      %dma_start3A_266 = tpu.memref_slice %arg3[%add3A_90] : memref<327680xi32, #tpu.memory_space<hbm>> -> memref<2560xi32, #tpu.memory_space<hbm>>
      %dma_start3A_267 = tpu.memref_slice %arg3[%add3A_90] : memref<327680xi32, #tpu.memory_space<hbm>> -> memref<2560xi32, #tpu.memory_space<hbm>>
      tpu.enqueue_dma source(%dma_start3A_267 : memref<2560xi32, #tpu.memory_space<hbm>>) target(%arg17 : memref<2560xi32, #tpu.memory_space<vmem>>) target_semaphore(%run_scoped3A : memref<!tpu.dma_semaphore, #tpu.memory_space<semaphore_mem>>)
      %dma_wait3A_268 = tpu.memref_slice %arg3[%add3A_90] : memref<327680xi32, #tpu.memory_space<hbm>> -> memref<2560xi32, #tpu.memory_space<hbm>>
      %dma_wait3A_269 = tpu.memref_slice %arg3[%add3A_90] : memref<327680xi32, #tpu.memory_space<hbm>> -> memref<2560xi32, #tpu.memory_space<hbm>>
      tpu.wait_dma2 semaphore(%run_scoped3A : memref<!tpu.dma_semaphore, #tpu.memory_space<semaphore_mem>>) src(%dma_wait3A_269 : memref<2560xi32, #tpu.memory_space<hbm>>) dst(%arg17 : memref<2560xi32, #tpu.memory_space<vmem>>)
      tpu.yield
    }) : () -> ()
    %get3A_91 = arith.constant 0 : index
    %get3A_92 = tpu.vector_load %arg16[%get3A_91] {strides = array<i32>} : memref<2560xi32, #tpu.memory_space<vmem>>, vector<16xi32>,
    %swap3A_93 = arith.constant 0 : index
    %swap3A_94 = tpu.vector_load %arg18[%swap3A_93] {strides = array<i32>} : memref<80xi32, #tpu.memory_space<vmem>>, vector<16xi32>,
    tpu.vector_store %arg18[%swap3A_93], %get3A_92 {strides = array<i32>} : memref<80xi32, #tpu.memory_space<vmem>>, vector<16xi32>,
    %get3A_95 = arith.constant 0 : index
    %get3A_96 = tpu.vector_load %arg17[%get3A_95] {strides = array<i32>} : memref<2560xi32, #tpu.memory_space<vmem>>, vector<16xi32>,
    %swap3A_97 = arith.constant 0 : index
    %swap3A_98 = tpu.vector_load %arg20[%swap3A_97] {strides = array<i32>} : memref<80xi32, #tpu.memory_space<vmem>>, vector<16xi32>,
    tpu.vector_store %arg20[%swap3A_97], %get3A_96 {strides = array<i32>} : memref<80xi32, #tpu.memory_space<vmem>>, vector<16xi32>,
    %get3A_99 = arith.constant 16 : index
    %get3A_100 = tpu.vector_load %arg16[%get3A_99] {strides = array<i32>} : memref<2560xi32, #tpu.memory_space<vmem>>, vector<16xi32>,
    %swap3A_101 = arith.constant 16 : index
    %swap3A_102 = tpu.vector_load %arg18[%swap3A_101] {strides = array<i32>} : memref<80xi32, #tpu.memory_space<vmem>>, vector<16xi32>,
    tpu.vector_store %arg18[%swap3A_101], %get3A_100 {strides = array<i32>} : memref<80xi32, #tpu.memory_space<vmem>>, vector<16xi32>,
    %get3A_103 = arith.constant 16 : index
    %get3A_104 = tpu.vector_load %arg17[%get3A_103] {strides = array<i32>} : memref<2560xi32, #tpu.memory_space<vmem>>, vector<16xi32>,
    %swap3A_105 = arith.constant 16 : index
    %swap3A_106 = tpu.vector_load %arg20[%swap3A_105] {strides = array<i32>} : memref<80xi32, #tpu.memory_space<vmem>>, vector<16xi32>,
    tpu.vector_store %arg20[%swap3A_105], %get3A_104 {strides = array<i32>} : memref<80xi32, #tpu.memory_space<vmem>>, vector<16xi32>,
    %get3A_107 = arith.constant 32 : index
    %get3A_108 = tpu.vector_load %arg16[%get3A_107] {strides = array<i32>} : memref<2560xi32, #tpu.memory_space<vmem>>, vector<16xi32>,
    %swap3A_109 = arith.constant 32 : index
    %swap3A_110 = tpu.vector_load %arg18[%swap3A_109] {strides = array<i32>} : memref<80xi32, #tpu.memory_space<vmem>>, vector<16xi32>,
    tpu.vector_store %arg18[%swap3A_109], %get3A_108 {strides = array<i32>} : memref<80xi32, #tpu.memory_space<vmem>>, vector<16xi32>,
    %get3A_111 = arith.constant 32 : index
    %get3A_112 = tpu.vector_load %arg17[%get3A_111] {strides = array<i32>} : memref<2560xi32, #tpu.memory_space<vmem>>, vector<16xi32>,
    %swap3A_113 = arith.constant 32 : index
    %swap3A_114 = tpu.vector_load %arg20[%swap3A_113] {strides = array<i32>} : memref<80xi32, #tpu.memory_space<vmem>>, vector<16xi32>,
    tpu.vector_store %arg20[%swap3A_113], %get3A_112 {strides = array<i32>} : memref<80xi32, #tpu.memory_space<vmem>>, vector<16xi32>,
    %get3A_115 = arith.constant 48 : index
    %get3A_116 = tpu.vector_load %arg16[%get3A_115] {strides = array<i32>} : memref<2560xi32, #tpu.memory_space<vmem>>, vector<16xi32>,
    %swap3A_117 = arith.constant 48 : index
    %swap3A_118 = tpu.vector_load %arg18[%swap3A_117] {strides = array<i32>} : memref<80xi32, #tpu.memory_space<vmem>>, vector<16xi32>,
    tpu.vector_store %arg18[%swap3A_117], %get3A_116 {strides = array<i32>} : memref<80xi32, #tpu.memory_space<vmem>>, vector<16xi32>,
    %get3A_119 = arith.constant 48 : index
    %get3A_120 = tpu.vector_load %arg17[%get3A_119] {strides = array<i32>} : memref<2560xi32, #tpu.memory_space<vmem>>, vector<16xi32>,
    %swap3A_121 = arith.constant 48 : index
    %swap3A_122 = tpu.vector_load %arg20[%swap3A_121] {strides = array<i32>} : memref<80xi32, #tpu.memory_space<vmem>>, vector<16xi32>,
    tpu.vector_store %arg20[%swap3A_121], %get3A_120 {strides = array<i32>} : memref<80xi32, #tpu.memory_space<vmem>>, vector<16xi32>,
    %get3A_123 = arith.constant 64 : index
    %get3A_124 = tpu.vector_load %arg16[%get3A_123] {strides = array<i32>} : memref<2560xi32, #tpu.memory_space<vmem>>, vector<16xi32>,
    %swap3A_125 = arith.constant 64 : index
    %swap3A_126 = tpu.vector_load %arg18[%swap3A_125] {strides = array<i32>} : memref<80xi32, #tpu.memory_space<vmem>>, vector<16xi32>,
    tpu.vector_store %arg18[%swap3A_125], %get3A_124 {strides = array<i32>} : memref<80xi32, #tpu.memory_space<vmem>>, vector<16xi32>,
    %get3A_127 = arith.constant 64 : index
    %get3A_128 = tpu.vector_load %arg17[%get3A_127] {strides = array<i32>} : memref<2560xi32, #tpu.memory_space<vmem>>, vector<16xi32>,
    %swap3A_129 = arith.constant 64 : index
    %swap3A_130 = tpu.vector_load %arg20[%swap3A_129] {strides = array<i32>} : memref<80xi32, #tpu.memory_space<vmem>>, vector<16xi32>,
    tpu.vector_store %arg20[%swap3A_129], %get3A_128 {strides = array<i32>} : memref<80xi32, #tpu.memory_space<vmem>>, vector<16xi32>,
    %dma_start3A_131 = arith.constant 0 : i32
    %dma_start3A_132 = arith.constant 0 : i32
    %dma_start3A_133 = tpu.memref_slice %arg7[%dma_start3A_131, %dma_start3A_132] : memref<10000x128xf32, #tpu.memory_space<hbm>> -> memref<10000x128xf32, #tpu.memory_space<hbm>>
    tpu.enqueue_indirect_dma source(%dma_start3A_133 : memref<10000x128xf32, #tpu.memory_space<hbm>>) target(%arg24 : memref<80x128xf32, #tpu.memory_space<vmem>>) offsets(%arg18 : memref<80xi32, #tpu.memory_space<vmem>>) semaphore(%arg26 : memref<!tpu.dma_semaphore, #tpu.memory_space<semaphore_mem>>)
    %scan3A_134 = arith.constant 0 : i32
    %scan3A_135 = arith.constant 16 : i32
    %scan3A_136 = arith.addi %scan3A_134, %scan3A_135 : i32
    %scan3A_137 = arith.constant 1 : i32
    %scan3A_138 = scf.for %scan3A_266 = %scan3A_134 to %scan3A_136 step %scan3A_137 iter_args(%scan3A_267 = %scan3A_83) -> (vector<16xf32>)  : i32 {
      %mul3A_268 = arith.constant 2 : i32
      %mul3A_269 = arith.muli %mul3A_268, %scan3A_266 : i32
      %add3A_270 = arith.constant 32 : i32
      %add3A_271 = arith.addi %add3A_270, %mul3A_269 : i32
      %gt3A = arith.constant 0 : i32
      %gt3A_272 = arith.cmpi sgt, %scan3A_266, %gt3A : i32
      %convert_element_type3A = arith.extui %gt3A_272 : i1 to i32
      %cond3A = arith.constant 0 : i32
      %cond3A_273 = arith.cmpi ne, %convert_element_type3A, %cond3A : i32
      scf.if %cond3A_273 {
        %dma_wait3A_405 = arith.constant 0 : i32
        %dma_wait3A_406 = arith.constant 0 : i32
        %dma_wait3A_407 = tpu.memref_slice %arg32[%dma_wait3A_405, %dma_wait3A_406] : memref<10000x128xf32, #tpu.memory_space<vmem_shared>> -> memref<10000x128xf32, #tpu.memory_space<vmem_shared>>
        tpu.wait_indirect_dma semaphore(%arg29 : memref<!tpu.dma_semaphore, #tpu.memory_space<semaphore_mem>>) src(%arg25 : memref<80x128xf32, #tpu.memory_space<vmem>>) dst(%dma_wait3A_407 : memref<10000x128xf32, #tpu.memory_space<vmem_shared>>)
        %dma_wait3A_408 = arith.constant 0 : i32
        %dma_wait3A_409 = tpu.memref_slice %arg33[%dma_wait3A_408] : memref<10240xf32, #tpu.memory_space<vmem_shared>> -> memref<10240xf32, #tpu.memory_space<vmem_shared>>
        tpu.wait_indirect_dma semaphore(%arg31 : memref<!tpu.dma_semaphore, #tpu.memory_space<semaphore_mem>>) src(%arg23 : memref<80xf32, #tpu.memory_space<vmem>>) dst(%dma_wait3A_409 : memref<10240xf32, #tpu.memory_space<vmem_shared>>)
      } else {
      }
      %mul3A_274 = arith.constant 2 : i32
      %mul3A_275 = arith.muli %mul3A_274, %scan3A_266 : i32
      %add3A_276 = arith.constant 1 : i32
      %add3A_277 = arith.addi %mul3A_275, %add3A_276 : i32
      %mul3A_278 = arith.constant 80 : i32
      %mul3A_279 = arith.muli %add3A_277, %mul3A_278 : i32
      %add3A_280 = arith.constant 0 : i32
      %add3A_281 = arith.addi %mul3A_279, %add3A_280 : i32
      %get3A_282 = arith.index_cast %add3A_281 : i32 to index
      %get3A_283 = tpu.vector_load %arg16[%get3A_282] {strides = array<i32>} : memref<2560xi32, #tpu.memory_space<vmem>>, vector<16xi32>,
      %swap3A_284 = arith.constant 0 : index
      %swap3A_285 = tpu.vector_load %arg19[%swap3A_284] {strides = array<i32>} : memref<80xi32, #tpu.memory_space<vmem>>, vector<16xi32>,
      tpu.vector_store %arg19[%swap3A_284], %get3A_283 {strides = array<i32>} : memref<80xi32, #tpu.memory_space<vmem>>, vector<16xi32>,
      %mul3A_286 = arith.constant 80 : i32
      %mul3A_287 = arith.muli %add3A_277, %mul3A_286 : i32
      %add3A_288 = arith.constant 0 : i32
      %add3A_289 = arith.addi %mul3A_287, %add3A_288 : i32
      %get3A_290 = arith.index_cast %add3A_289 : i32 to index
      %get3A_291 = tpu.vector_load %arg17[%get3A_290] {strides = array<i32>} : memref<2560xi32, #tpu.memory_space<vmem>>, vector<16xi32>,
      %swap3A_292 = arith.constant 0 : index
      %swap3A_293 = tpu.vector_load %arg21[%swap3A_292] {strides = array<i32>} : memref<80xi32, #tpu.memory_space<vmem>>, vector<16xi32>,
      tpu.vector_store %arg21[%swap3A_292], %get3A_291 {strides = array<i32>} : memref<80xi32, #tpu.memory_space<vmem>>, vector<16xi32>,
      %mul3A_294 = arith.constant 80 : i32
      %mul3A_295 = arith.muli %add3A_277, %mul3A_294 : i32
      %add3A_296 = arith.constant 16 : i32
      %add3A_297 = arith.addi %mul3A_295, %add3A_296 : i32
      %get3A_298 = arith.index_cast %add3A_297 : i32 to index
      %get3A_299 = tpu.vector_load %arg16[%get3A_298] {strides = array<i32>} : memref<2560xi32, #tpu.memory_space<vmem>>, vector<16xi32>,
      %swap3A_300 = arith.constant 16 : index
      %swap3A_301 = tpu.vector_load %arg19[%swap3A_300] {strides = array<i32>} : memref<80xi32, #tpu.memory_space<vmem>>, vector<16xi32>,
      tpu.vector_store %arg19[%swap3A_300], %get3A_299 {strides = array<i32>} : memref<80xi32, #tpu.memory_space<vmem>>, vector<16xi32>,
      %mul3A_302 = arith.constant 80 : i32
      %mul3A_303 = arith.muli %add3A_277, %mul3A_302 : i32
      %add3A_304 = arith.constant 16 : i32
      %add3A_305 = arith.addi %mul3A_303, %add3A_304 : i32
      %get3A_306 = arith.index_cast %add3A_305 : i32 to index
      %get3A_307 = tpu.vector_load %arg17[%get3A_306] {strides = array<i32>} : memref<2560xi32, #tpu.memory_space<vmem>>, vector<16xi32>,
      %swap3A_308 = arith.constant 16 : index
      %swap3A_309 = tpu.vector_load %arg21[%swap3A_308] {strides = array<i32>} : memref<80xi32, #tpu.memory_space<vmem>>, vector<16xi32>,
      tpu.vector_store %arg21[%swap3A_308], %get3A_307 {strides = array<i32>} : memref<80xi32, #tpu.memory_space<vmem>>, vector<16xi32>,
      %mul3A_310 = arith.constant 80 : i32
      %mul3A_311 = arith.muli %add3A_277, %mul3A_310 : i32
      %add3A_312 = arith.constant 32 : i32
      %add3A_313 = arith.addi %mul3A_311, %add3A_312 : i32
      %get3A_314 = arith.index_cast %add3A_313 : i32 to index
      %get3A_315 = tpu.vector_load %arg16[%get3A_314] {strides = array<i32>} : memref<2560xi32, #tpu.memory_space<vmem>>, vector<16xi32>,
      %swap3A_316 = arith.constant 32 : index
      %swap3A_317 = tpu.vector_load %arg19[%swap3A_316] {strides = array<i32>} : memref<80xi32, #tpu.memory_space<vmem>>, vector<16xi32>,
      tpu.vector_store %arg19[%swap3A_316], %get3A_315 {strides = array<i32>} : memref<80xi32, #tpu.memory_space<vmem>>, vector<16xi32>,
      %mul3A_318 = arith.constant 80 : i32
      %mul3A_319 = arith.muli %add3A_277, %mul3A_318 : i32
      %add3A_320 = arith.constant 32 : i32
      %add3A_321 = arith.addi %mul3A_319, %add3A_320 : i32
      %get3A_322 = arith.index_cast %add3A_321 : i32 to index
      %get3A_323 = tpu.vector_load %arg17[%get3A_322] {strides = array<i32>} : memref<2560xi32, #tpu.memory_space<vmem>>, vector<16xi32>,
      %swap3A_324 = arith.constant 32 : index
      %swap3A_325 = tpu.vector_load %arg21[%swap3A_324] {strides = array<i32>} : memref<80xi32, #tpu.memory_space<vmem>>, vector<16xi32>,
      tpu.vector_store %arg21[%swap3A_324], %get3A_323 {strides = array<i32>} : memref<80xi32, #tpu.memory_space<vmem>>, vector<16xi32>,
      %mul3A_326 = arith.constant 80 : i32
      %mul3A_327 = arith.muli %add3A_277, %mul3A_326 : i32
      %add3A_328 = arith.constant 48 : i32
      %add3A_329 = arith.addi %mul3A_327, %add3A_328 : i32
      %get3A_330 = arith.index_cast %add3A_329 : i32 to index
      %get3A_331 = tpu.vector_load %arg16[%get3A_330] {strides = array<i32>} : memref<2560xi32, #tpu.memory_space<vmem>>, vector<16xi32>,
      %swap3A_332 = arith.constant 48 : index
      %swap3A_333 = tpu.vector_load %arg19[%swap3A_332] {strides = array<i32>} : memref<80xi32, #tpu.memory_space<vmem>>, vector<16xi32>,
      tpu.vector_store %arg19[%swap3A_332], %get3A_331 {strides = array<i32>} : memref<80xi32, #tpu.memory_space<vmem>>, vector<16xi32>,
      %mul3A_334 = arith.constant 80 : i32
      %mul3A_335 = arith.muli %add3A_277, %mul3A_334 : i32
      %add3A_336 = arith.constant 48 : i32
      %add3A_337 = arith.addi %mul3A_335, %add3A_336 : i32
      %get3A_338 = arith.index_cast %add3A_337 : i32 to index
      %get3A_339 = tpu.vector_load %arg17[%get3A_338] {strides = array<i32>} : memref<2560xi32, #tpu.memory_space<vmem>>, vector<16xi32>,
      %swap3A_340 = arith.constant 48 : index
      %swap3A_341 = tpu.vector_load %arg21[%swap3A_340] {strides = array<i32>} : memref<80xi32, #tpu.memory_space<vmem>>, vector<16xi32>,
      tpu.vector_store %arg21[%swap3A_340], %get3A_339 {strides = array<i32>} : memref<80xi32, #tpu.memory_space<vmem>>, vector<16xi32>,
      %mul3A_342 = arith.constant 80 : i32
      %mul3A_343 = arith.muli %add3A_277, %mul3A_342 : i32
      %add3A_344 = arith.constant 64 : i32
      %add3A_345 = arith.addi %mul3A_343, %add3A_344 : i32
      %get3A_346 = arith.index_cast %add3A_345 : i32 to index
      %get3A_347 = tpu.vector_load %arg16[%get3A_346] {strides = array<i32>} : memref<2560xi32, #tpu.memory_space<vmem>>, vector<16xi32>,
      %swap3A_348 = arith.constant 64 : index
      %swap3A_349 = tpu.vector_load %arg19[%swap3A_348] {strides = array<i32>} : memref<80xi32, #tpu.memory_space<vmem>>, vector<16xi32>,
      tpu.vector_store %arg19[%swap3A_348], %get3A_347 {strides = array<i32>} : memref<80xi32, #tpu.memory_space<vmem>>, vector<16xi32>,
      %mul3A_350 = arith.constant 80 : i32
      %mul3A_351 = arith.muli %add3A_277, %mul3A_350 : i32
      %add3A_352 = arith.constant 64 : i32
      %add3A_353 = arith.addi %mul3A_351, %add3A_352 : i32
      %get3A_354 = arith.index_cast %add3A_353 : i32 to index
      %get3A_355 = tpu.vector_load %arg17[%get3A_354] {strides = array<i32>} : memref<2560xi32, #tpu.memory_space<vmem>>, vector<16xi32>,
      %swap3A_356 = arith.constant 64 : index
      %swap3A_357 = tpu.vector_load %arg21[%swap3A_356] {strides = array<i32>} : memref<80xi32, #tpu.memory_space<vmem>>, vector<16xi32>,
      tpu.vector_store %arg21[%swap3A_356], %get3A_355 {strides = array<i32>} : memref<80xi32, #tpu.memory_space<vmem>>, vector<16xi32>,
      %dma_start3A_358 = arith.constant 0 : i32
      %dma_start3A_359 = arith.constant 0 : i32
      %dma_start3A_360 = tpu.memref_slice %arg7[%dma_start3A_358, %dma_start3A_359] : memref<10000x128xf32, #tpu.memory_space<hbm>> -> memref<10000x128xf32, #tpu.memory_space<hbm>>
      tpu.enqueue_indirect_dma source(%dma_start3A_360 : memref<10000x128xf32, #tpu.memory_space<hbm>>) target(%arg25 : memref<80x128xf32, #tpu.memory_space<vmem>>) offsets(%arg19 : memref<80xi32, #tpu.memory_space<vmem>>) semaphore(%arg27 : memref<!tpu.dma_semaphore, #tpu.memory_space<semaphore_mem>>)
      %scan3A_361 = arith.constant 0 : i32
      %scan3A_362 = arith.constant 5 : i32
      %scan3A_363 = arith.addi %scan3A_361, %scan3A_362 : i32
      %scan3A_364 = arith.constant 1 : i32
      %scan3A_365 = scf.for %scan3A_405 = %scan3A_361 to %scan3A_363 step %scan3A_364 iter_args(%scan3A_406 = %scan3A_267) -> (vector<16xf32>)  : i32 {
        %mul3A_407 = arith.constant 16 : i32
        %mul3A_408 = arith.muli %scan3A_405, %mul3A_407 : i32
        %get3A_409 = arith.index_cast %mul3A_408 : i32 to index
        %get3A_410 = tpu.vector_load %arg18[%get3A_409] {strides = array<i32>} : memref<80xi32, #tpu.memory_space<vmem>>, vector<16xi32>,
        %mul3A_411 = arith.constant 16 : i32
        %mul3A_412 = arith.muli %scan3A_405, %mul3A_411 : i32
        %get3A_413 = arith.index_cast %mul3A_412 : i32 to index
        %get3A_414 = tpu.vector_load %arg20[%get3A_413] {strides = array<i32>} : memref<80xi32, #tpu.memory_space<vmem>>, vector<16xi32>,
        %gather3A = tpu.vector_load_idx %arg11[%get3A_410] : memref<10000xf32, #tpu.memory_space<vmem>>[vector<16xi32>], vector<16xf32>,
        %gather3A_415 = tpu.vector_load_idx %arg12[%get3A_414] : memref<10000xf32, #tpu.memory_space<vmem>>[vector<16xi32>], vector<16xf32>,
        %add3A_416 = arith.addf %gather3A, %gather3A_415 : vector<16xf32>
        %gt3A_417 = arith.constant 0.000000e+00 : f32
        %gt3A_418 = vector.broadcast %gt3A_417 : f32 to vector<16xf32>
        %gt3A_419 = arith.cmpf ogt, %add3A_416, %gt3A_418 : vector<16xf32>
        %mul3A_420 = arith.constant 0.00999999977 : f32
        %mul3A_421 = vector.broadcast %mul3A_420 : f32 to vector<16xf32>
        %mul3A_422 = arith.mulf %mul3A_421, %add3A_416 : vector<16xf32>
        %select_n3A = arith.select %gt3A_419, %add3A_416, %mul3A_422 : vector<16xi1>, vector<16xf32>
        %sub3A = arith.subf %select_n3A, %get3A_32 : vector<16xf32>
        %exp3A = math.exp %sub3A : vector<16xf32>
        %mul3A_423 = arith.constant 80 : i32
        %mul3A_424 = arith.muli %add3A_271, %mul3A_423 : i32
        %add3A_425 = arith.addi %mul3A_34, %mul3A_424 : i32
        %mul3A_426 = arith.constant 16 : i32
        %mul3A_427 = arith.muli %scan3A_405, %mul3A_426 : i32
        %add3A_428 = arith.addi %add3A_425, %mul3A_427 : i32
        %iota3A = tpu.iota {dimensions = array<i32: 0>} : vector<16xi32>
        %add3A_429 = vector.broadcast %add3A_428 : i32 to vector<16xi32>
        %add3A_430 = arith.addi %add3A_429, %iota3A : vector<16xi32>
        %lt3A_431 = arith.constant 320000 : i32
        %lt3A_432 = vector.broadcast %lt3A_431 : i32 to vector<16xi32>
        %lt3A_433 = arith.cmpi slt, %add3A_430, %lt3A_432 : vector<16xi32>
        %jit3A = arith.constant 0.000000e+00 : f32
        %broadcast_in_dim3A_434 = vector.broadcast %jit3A : f32 to vector<16xf32>
        %select_n3A_435 = arith.select %lt3A_433, %exp3A, %broadcast_in_dim3A_434 : vector<16xi1>, vector<16xf32>
        %mul3A_436 = arith.constant 16 : i32
        %mul3A_437 = arith.muli %scan3A_405, %mul3A_436 : i32
        %swap3A_438 = arith.index_cast %mul3A_437 : i32 to index
        %swap3A_439 = tpu.vector_load %arg22[%swap3A_438] {strides = array<i32>} : memref<80xf32, #tpu.memory_space<vmem>>, vector<16xf32>,
        tpu.vector_store %arg22[%swap3A_438], %select_n3A_435 {strides = array<i32>} : memref<80xf32, #tpu.memory_space<vmem>>, vector<16xf32>,
        %max3A = arith.maximumf %scan3A_406, %select_n3A_435 : vector<16xf32>
        scf.yield %max3A : vector<16xf32>
      }
      %scan3A_366 = arith.constant 5 : i32
      %dma_wait3A_367 = arith.constant 0 : i32
      %dma_wait3A_368 = arith.constant 0 : i32
      %dma_wait3A_369 = tpu.memref_slice %arg7[%dma_wait3A_367, %dma_wait3A_368] : memref<10000x128xf32, #tpu.memory_space<hbm>> -> memref<10000x128xf32, #tpu.memory_space<hbm>>
      tpu.wait_indirect_dma semaphore(%arg26 : memref<!tpu.dma_semaphore, #tpu.memory_space<semaphore_mem>>) src(%dma_wait3A_369 : memref<10000x128xf32, #tpu.memory_space<hbm>>) dst(%arg24 : memref<80x128xf32, #tpu.memory_space<vmem>>)
      %parallel_loop3A = arith.constant 0 : i32
      %parallel_loop3A_370 = arith.constant 80 : i32
      %parallel_loop3A_371 = arith.constant 1 : i32
      scf.for %parallel_loop3A_405 = %parallel_loop3A to %parallel_loop3A_370 step %parallel_loop3A_371  : i32 {
        %parallel_loop3A_406 = vector.broadcast %parallel_loop3A_405 : i32 to vector<16xi32>
        %parallel_loop3A_407 = tpu.vector_load_idx %arg22[%parallel_loop3A_406] : memref<80xf32, #tpu.memory_space<vmem>>[vector<16xi32>], vector<16xf32>,
        %parallel_loop3A_408 = arith.index_cast %parallel_loop3A_405 : i32 to index
        %parallel_loop3A_409 = arith.constant 0 : index
        %parallel_loop3A_410 = tpu.vector_load %arg24[%parallel_loop3A_408, %parallel_loop3A_409] {strides = array<i32>} : memref<80x128xf32, #tpu.memory_space<vmem>>, vector<16xf32>,
        %parallel_loop3A_411 = arith.mulf %parallel_loop3A_410, %parallel_loop3A_407 : vector<16xf32>
        %parallel_loop3A_412 = arith.index_cast %parallel_loop3A_405 : i32 to index
        %parallel_loop3A_413 = arith.constant 0 : index
        %parallel_loop3A_414 = tpu.vector_load %arg24[%parallel_loop3A_412, %parallel_loop3A_413] {strides = array<i32>} : memref<80x128xf32, #tpu.memory_space<vmem>>, vector<16xf32>,
        tpu.vector_store %arg24[%parallel_loop3A_412, %parallel_loop3A_413], %parallel_loop3A_411 {strides = array<i32>} : memref<80x128xf32, #tpu.memory_space<vmem>>, vector<16xf32>,
        %parallel_loop3A_415 = arith.index_cast %parallel_loop3A_405 : i32 to index
        %parallel_loop3A_416 = arith.constant 16 : index
        %parallel_loop3A_417 = tpu.vector_load %arg24[%parallel_loop3A_415, %parallel_loop3A_416] {strides = array<i32>} : memref<80x128xf32, #tpu.memory_space<vmem>>, vector<16xf32>,
        %parallel_loop3A_418 = arith.mulf %parallel_loop3A_417, %parallel_loop3A_407 : vector<16xf32>
        %parallel_loop3A_419 = arith.index_cast %parallel_loop3A_405 : i32 to index
        %parallel_loop3A_420 = arith.constant 16 : index
        %parallel_loop3A_421 = tpu.vector_load %arg24[%parallel_loop3A_419, %parallel_loop3A_420] {strides = array<i32>} : memref<80x128xf32, #tpu.memory_space<vmem>>, vector<16xf32>,
        tpu.vector_store %arg24[%parallel_loop3A_419, %parallel_loop3A_420], %parallel_loop3A_418 {strides = array<i32>} : memref<80x128xf32, #tpu.memory_space<vmem>>, vector<16xf32>,
        %parallel_loop3A_422 = arith.index_cast %parallel_loop3A_405 : i32 to index
        %parallel_loop3A_423 = arith.constant 32 : index
        %parallel_loop3A_424 = tpu.vector_load %arg24[%parallel_loop3A_422, %parallel_loop3A_423] {strides = array<i32>} : memref<80x128xf32, #tpu.memory_space<vmem>>, vector<16xf32>,
        %parallel_loop3A_425 = arith.mulf %parallel_loop3A_424, %parallel_loop3A_407 : vector<16xf32>
        %parallel_loop3A_426 = arith.index_cast %parallel_loop3A_405 : i32 to index
        %parallel_loop3A_427 = arith.constant 32 : index
        %parallel_loop3A_428 = tpu.vector_load %arg24[%parallel_loop3A_426, %parallel_loop3A_427] {strides = array<i32>} : memref<80x128xf32, #tpu.memory_space<vmem>>, vector<16xf32>,
        tpu.vector_store %arg24[%parallel_loop3A_426, %parallel_loop3A_427], %parallel_loop3A_425 {strides = array<i32>} : memref<80x128xf32, #tpu.memory_space<vmem>>, vector<16xf32>,
        %parallel_loop3A_429 = arith.index_cast %parallel_loop3A_405 : i32 to index
        %parallel_loop3A_430 = arith.constant 48 : index
        %parallel_loop3A_431 = tpu.vector_load %arg24[%parallel_loop3A_429, %parallel_loop3A_430] {strides = array<i32>} : memref<80x128xf32, #tpu.memory_space<vmem>>, vector<16xf32>,
        %parallel_loop3A_432 = arith.mulf %parallel_loop3A_431, %parallel_loop3A_407 : vector<16xf32>
        %parallel_loop3A_433 = arith.index_cast %parallel_loop3A_405 : i32 to index
        %parallel_loop3A_434 = arith.constant 48 : index
        %parallel_loop3A_435 = tpu.vector_load %arg24[%parallel_loop3A_433, %parallel_loop3A_434] {strides = array<i32>} : memref<80x128xf32, #tpu.memory_space<vmem>>, vector<16xf32>,
        tpu.vector_store %arg24[%parallel_loop3A_433, %parallel_loop3A_434], %parallel_loop3A_432 {strides = array<i32>} : memref<80x128xf32, #tpu.memory_space<vmem>>, vector<16xf32>,
        %parallel_loop3A_436 = arith.index_cast %parallel_loop3A_405 : i32 to index
        %parallel_loop3A_437 = arith.constant 64 : index
        %parallel_loop3A_438 = tpu.vector_load %arg24[%parallel_loop3A_436, %parallel_loop3A_437] {strides = array<i32>} : memref<80x128xf32, #tpu.memory_space<vmem>>, vector<16xf32>,
        %parallel_loop3A_439 = arith.mulf %parallel_loop3A_438, %parallel_loop3A_407 : vector<16xf32>
        %parallel_loop3A_440 = arith.index_cast %parallel_loop3A_405 : i32 to index
        %parallel_loop3A_441 = arith.constant 64 : index
        %parallel_loop3A_442 = tpu.vector_load %arg24[%parallel_loop3A_440, %parallel_loop3A_441] {strides = array<i32>} : memref<80x128xf32, #tpu.memory_space<vmem>>, vector<16xf32>,
        tpu.vector_store %arg24[%parallel_loop3A_440, %parallel_loop3A_441], %parallel_loop3A_439 {strides = array<i32>} : memref<80x128xf32, #tpu.memory_space<vmem>>, vector<16xf32>,
        %parallel_loop3A_443 = arith.index_cast %parallel_loop3A_405 : i32 to index
        %parallel_loop3A_444 = arith.constant 80 : index
        %parallel_loop3A_445 = tpu.vector_load %arg24[%parallel_loop3A_443, %parallel_loop3A_444] {strides = array<i32>} : memref<80x128xf32, #tpu.memory_space<vmem>>, vector<16xf32>,
        %parallel_loop3A_446 = arith.mulf %parallel_loop3A_445, %parallel_loop3A_407 : vector<16xf32>
        %parallel_loop3A_447 = arith.index_cast %parallel_loop3A_405 : i32 to index
        %parallel_loop3A_448 = arith.constant 80 : index
        %parallel_loop3A_449 = tpu.vector_load %arg24[%parallel_loop3A_447, %parallel_loop3A_448] {strides = array<i32>} : memref<80x128xf32, #tpu.memory_space<vmem>>, vector<16xf32>,
        tpu.vector_store %arg24[%parallel_loop3A_447, %parallel_loop3A_448], %parallel_loop3A_446 {strides = array<i32>} : memref<80x128xf32, #tpu.memory_space<vmem>>, vector<16xf32>,
        %parallel_loop3A_450 = arith.index_cast %parallel_loop3A_405 : i32 to index
        %parallel_loop3A_451 = arith.constant 96 : index
        %parallel_loop3A_452 = tpu.vector_load %arg24[%parallel_loop3A_450, %parallel_loop3A_451] {strides = array<i32>} : memref<80x128xf32, #tpu.memory_space<vmem>>, vector<16xf32>,
        %parallel_loop3A_453 = arith.mulf %parallel_loop3A_452, %parallel_loop3A_407 : vector<16xf32>
        %parallel_loop3A_454 = arith.index_cast %parallel_loop3A_405 : i32 to index
        %parallel_loop3A_455 = arith.constant 96 : index
        %parallel_loop3A_456 = tpu.vector_load %arg24[%parallel_loop3A_454, %parallel_loop3A_455] {strides = array<i32>} : memref<80x128xf32, #tpu.memory_space<vmem>>, vector<16xf32>,
        tpu.vector_store %arg24[%parallel_loop3A_454, %parallel_loop3A_455], %parallel_loop3A_453 {strides = array<i32>} : memref<80x128xf32, #tpu.memory_space<vmem>>, vector<16xf32>,
        %parallel_loop3A_457 = arith.index_cast %parallel_loop3A_405 : i32 to index
        %parallel_loop3A_458 = arith.constant 112 : index
        %parallel_loop3A_459 = tpu.vector_load %arg24[%parallel_loop3A_457, %parallel_loop3A_458] {strides = array<i32>} : memref<80x128xf32, #tpu.memory_space<vmem>>, vector<16xf32>,
        %parallel_loop3A_460 = arith.mulf %parallel_loop3A_459, %parallel_loop3A_407 : vector<16xf32>
        %parallel_loop3A_461 = arith.index_cast %parallel_loop3A_405 : i32 to index
        %parallel_loop3A_462 = arith.constant 112 : index
        %parallel_loop3A_463 = tpu.vector_load %arg24[%parallel_loop3A_461, %parallel_loop3A_462] {strides = array<i32>} : memref<80x128xf32, #tpu.memory_space<vmem>>, vector<16xf32>,
        tpu.vector_store %arg24[%parallel_loop3A_461, %parallel_loop3A_462], %parallel_loop3A_460 {strides = array<i32>} : memref<80x128xf32, #tpu.memory_space<vmem>>, vector<16xf32>,
      } {sc.loop_unroll_factor = 4 : i64, sc.parallel_access}
      %dma_start3A_372 = arith.constant 0 : i32
      %dma_start3A_373 = arith.constant 0 : i32
      %dma_start3A_374 = tpu.memref_slice %arg32[%dma_start3A_372, %dma_start3A_373] : memref<10000x128xf32, #tpu.memory_space<vmem_shared>> -> memref<10000x128xf32, #tpu.memory_space<vmem_shared>>
      tpu.enqueue_indirect_dma source(%arg24 : memref<80x128xf32, #tpu.memory_space<vmem>>) target(%dma_start3A_374 : memref<10000x128xf32, #tpu.memory_space<vmem_shared>>) offsets(%arg20 : memref<80xi32, #tpu.memory_space<vmem>>) semaphore(%arg28 : memref<!tpu.dma_semaphore, #tpu.memory_space<semaphore_mem>>) {add = true}
      %dma_start3A_375 = arith.constant 0 : i32
      %dma_start3A_376 = tpu.memref_slice %arg33[%dma_start3A_375] : memref<10240xf32, #tpu.memory_space<vmem_shared>> -> memref<10240xf32, #tpu.memory_space<vmem_shared>>
      tpu.enqueue_indirect_dma source(%arg22 : memref<80xf32, #tpu.memory_space<vmem>>) target(%dma_start3A_376 : memref<10240xf32, #tpu.memory_space<vmem_shared>>) offsets(%arg20 : memref<80xi32, #tpu.memory_space<vmem>>) semaphore(%arg30 : memref<!tpu.dma_semaphore, #tpu.memory_space<semaphore_mem>>) {add = true}
      %add3A_377 = arith.constant 1 : i32
      %add3A_378 = arith.addi %add3A_271, %add3A_377 : i32
      %scan3A_379 = arith.constant 0 : i32
      %scan3A_380 = arith.constant 5 : i32
      %scan3A_381 = arith.addi %scan3A_379, %scan3A_380 : i32
      %scan3A_382 = arith.constant 1 : i32
      %scan3A_383 = scf.for %scan3A_405 = %scan3A_379 to %scan3A_381 step %scan3A_382 iter_args(%scan3A_406 = %scan3A_365) -> (vector<16xf32>)  : i32 {
        %mul3A_407 = arith.constant 16 : i32
        %mul3A_408 = arith.muli %scan3A_405, %mul3A_407 : i32
        %get3A_409 = arith.index_cast %mul3A_408 : i32 to index
        %get3A_410 = tpu.vector_load %arg19[%get3A_409] {strides = array<i32>} : memref<80xi32, #tpu.memory_space<vmem>>, vector<16xi32>,
        %mul3A_411 = arith.constant 16 : i32
        %mul3A_412 = arith.muli %scan3A_405, %mul3A_411 : i32
        %get3A_413 = arith.index_cast %mul3A_412 : i32 to index
        %get3A_414 = tpu.vector_load %arg21[%get3A_413] {strides = array<i32>} : memref<80xi32, #tpu.memory_space<vmem>>, vector<16xi32>,
        %gather3A = tpu.vector_load_idx %arg11[%get3A_410] : memref<10000xf32, #tpu.memory_space<vmem>>[vector<16xi32>], vector<16xf32>,
        %gather3A_415 = tpu.vector_load_idx %arg12[%get3A_414] : memref<10000xf32, #tpu.memory_space<vmem>>[vector<16xi32>], vector<16xf32>,
        %add3A_416 = arith.addf %gather3A, %gather3A_415 : vector<16xf32>
        %gt3A_417 = arith.constant 0.000000e+00 : f32
        %gt3A_418 = vector.broadcast %gt3A_417 : f32 to vector<16xf32>
        %gt3A_419 = arith.cmpf ogt, %add3A_416, %gt3A_418 : vector<16xf32>
        %mul3A_420 = arith.constant 0.00999999977 : f32
        %mul3A_421 = vector.broadcast %mul3A_420 : f32 to vector<16xf32>
        %mul3A_422 = arith.mulf %mul3A_421, %add3A_416 : vector<16xf32>
        %select_n3A = arith.select %gt3A_419, %add3A_416, %mul3A_422 : vector<16xi1>, vector<16xf32>
        %sub3A = arith.subf %select_n3A, %get3A_32 : vector<16xf32>
        %exp3A = math.exp %sub3A : vector<16xf32>
        %mul3A_423 = arith.constant 80 : i32
        %mul3A_424 = arith.muli %add3A_378, %mul3A_423 : i32
        %add3A_425 = arith.addi %mul3A_34, %mul3A_424 : i32
        %mul3A_426 = arith.constant 16 : i32
        %mul3A_427 = arith.muli %scan3A_405, %mul3A_426 : i32
        %add3A_428 = arith.addi %add3A_425, %mul3A_427 : i32
        %iota3A = tpu.iota {dimensions = array<i32: 0>} : vector<16xi32>
        %add3A_429 = vector.broadcast %add3A_428 : i32 to vector<16xi32>
        %add3A_430 = arith.addi %add3A_429, %iota3A : vector<16xi32>
        %lt3A_431 = arith.constant 320000 : i32
        %lt3A_432 = vector.broadcast %lt3A_431 : i32 to vector<16xi32>
        %lt3A_433 = arith.cmpi slt, %add3A_430, %lt3A_432 : vector<16xi32>
        %jit3A = arith.constant 0.000000e+00 : f32
        %broadcast_in_dim3A_434 = vector.broadcast %jit3A : f32 to vector<16xf32>
        %select_n3A_435 = arith.select %lt3A_433, %exp3A, %broadcast_in_dim3A_434 : vector<16xi1>, vector<16xf32>
        %mul3A_436 = arith.constant 16 : i32
        %mul3A_437 = arith.muli %scan3A_405, %mul3A_436 : i32
        %swap3A_438 = arith.index_cast %mul3A_437 : i32 to index
        %swap3A_439 = tpu.vector_load %arg23[%swap3A_438] {strides = array<i32>} : memref<80xf32, #tpu.memory_space<vmem>>, vector<16xf32>,
        tpu.vector_store %arg23[%swap3A_438], %select_n3A_435 {strides = array<i32>} : memref<80xf32, #tpu.memory_space<vmem>>, vector<16xf32>,
        %max3A = arith.maximumf %scan3A_406, %select_n3A_435 : vector<16xf32>
        scf.yield %max3A : vector<16xf32>
      }
      %scan3A_384 = arith.constant 5 : i32
      %dma_wait3A_385 = arith.constant 0 : i32
      %dma_wait3A_386 = arith.constant 0 : i32
      %dma_wait3A_387 = tpu.memref_slice %arg7[%dma_wait3A_385, %dma_wait3A_386] : memref<10000x128xf32, #tpu.memory_space<hbm>> -> memref<10000x128xf32, #tpu.memory_space<hbm>>
      tpu.wait_indirect_dma semaphore(%arg27 : memref<!tpu.dma_semaphore, #tpu.memory_space<semaphore_mem>>) src(%dma_wait3A_387 : memref<10000x128xf32, #tpu.memory_space<hbm>>) dst(%arg25 : memref<80x128xf32, #tpu.memory_space<vmem>>)
      %parallel_loop3A_388 = arith.constant 0 : i32
      %parallel_loop3A_389 = arith.constant 80 : i32
      %parallel_loop3A_390 = arith.constant 1 : i32
      scf.for %parallel_loop3A_405 = %parallel_loop3A_388 to %parallel_loop3A_389 step %parallel_loop3A_390  : i32 {
        %parallel_loop3A_406 = vector.broadcast %parallel_loop3A_405 : i32 to vector<16xi32>
        %parallel_loop3A_407 = tpu.vector_load_idx %arg23[%parallel_loop3A_406] : memref<80xf32, #tpu.memory_space<vmem>>[vector<16xi32>], vector<16xf32>,
        %parallel_loop3A_408 = arith.index_cast %parallel_loop3A_405 : i32 to index
        %parallel_loop3A_409 = arith.constant 0 : index
        %parallel_loop3A_410 = tpu.vector_load %arg25[%parallel_loop3A_408, %parallel_loop3A_409] {strides = array<i32>} : memref<80x128xf32, #tpu.memory_space<vmem>>, vector<16xf32>,
        %parallel_loop3A_411 = arith.mulf %parallel_loop3A_410, %parallel_loop3A_407 : vector<16xf32>
        %parallel_loop3A_412 = arith.index_cast %parallel_loop3A_405 : i32 to index
        %parallel_loop3A_413 = arith.constant 0 : index
        %parallel_loop3A_414 = tpu.vector_load %arg25[%parallel_loop3A_412, %parallel_loop3A_413] {strides = array<i32>} : memref<80x128xf32, #tpu.memory_space<vmem>>, vector<16xf32>,
        tpu.vector_store %arg25[%parallel_loop3A_412, %parallel_loop3A_413], %parallel_loop3A_411 {strides = array<i32>} : memref<80x128xf32, #tpu.memory_space<vmem>>, vector<16xf32>,
        %parallel_loop3A_415 = arith.index_cast %parallel_loop3A_405 : i32 to index
        %parallel_loop3A_416 = arith.constant 16 : index
        %parallel_loop3A_417 = tpu.vector_load %arg25[%parallel_loop3A_415, %parallel_loop3A_416] {strides = array<i32>} : memref<80x128xf32, #tpu.memory_space<vmem>>, vector<16xf32>,
        %parallel_loop3A_418 = arith.mulf %parallel_loop3A_417, %parallel_loop3A_407 : vector<16xf32>
        %parallel_loop3A_419 = arith.index_cast %parallel_loop3A_405 : i32 to index
        %parallel_loop3A_420 = arith.constant 16 : index
        %parallel_loop3A_421 = tpu.vector_load %arg25[%parallel_loop3A_419, %parallel_loop3A_420] {strides = array<i32>} : memref<80x128xf32, #tpu.memory_space<vmem>>, vector<16xf32>,
        tpu.vector_store %arg25[%parallel_loop3A_419, %parallel_loop3A_420], %parallel_loop3A_418 {strides = array<i32>} : memref<80x128xf32, #tpu.memory_space<vmem>>, vector<16xf32>,
        %parallel_loop3A_422 = arith.index_cast %parallel_loop3A_405 : i32 to index
        %parallel_loop3A_423 = arith.constant 32 : index
        %parallel_loop3A_424 = tpu.vector_load %arg25[%parallel_loop3A_422, %parallel_loop3A_423] {strides = array<i32>} : memref<80x128xf32, #tpu.memory_space<vmem>>, vector<16xf32>,
        %parallel_loop3A_425 = arith.mulf %parallel_loop3A_424, %parallel_loop3A_407 : vector<16xf32>
        %parallel_loop3A_426 = arith.index_cast %parallel_loop3A_405 : i32 to index
        %parallel_loop3A_427 = arith.constant 32 : index
        %parallel_loop3A_428 = tpu.vector_load %arg25[%parallel_loop3A_426, %parallel_loop3A_427] {strides = array<i32>} : memref<80x128xf32, #tpu.memory_space<vmem>>, vector<16xf32>,
        tpu.vector_store %arg25[%parallel_loop3A_426, %parallel_loop3A_427], %parallel_loop3A_425 {strides = array<i32>} : memref<80x128xf32, #tpu.memory_space<vmem>>, vector<16xf32>,
        %parallel_loop3A_429 = arith.index_cast %parallel_loop3A_405 : i32 to index
        %parallel_loop3A_430 = arith.constant 48 : index
        %parallel_loop3A_431 = tpu.vector_load %arg25[%parallel_loop3A_429, %parallel_loop3A_430] {strides = array<i32>} : memref<80x128xf32, #tpu.memory_space<vmem>>, vector<16xf32>,
        %parallel_loop3A_432 = arith.mulf %parallel_loop3A_431, %parallel_loop3A_407 : vector<16xf32>
        %parallel_loop3A_433 = arith.index_cast %parallel_loop3A_405 : i32 to index
        %parallel_loop3A_434 = arith.constant 48 : index
        %parallel_loop3A_435 = tpu.vector_load %arg25[%parallel_loop3A_433, %parallel_loop3A_434] {strides = array<i32>} : memref<80x128xf32, #tpu.memory_space<vmem>>, vector<16xf32>,
        tpu.vector_store %arg25[%parallel_loop3A_433, %parallel_loop3A_434], %parallel_loop3A_432 {strides = array<i32>} : memref<80x128xf32, #tpu.memory_space<vmem>>, vector<16xf32>,
        %parallel_loop3A_436 = arith.index_cast %parallel_loop3A_405 : i32 to index
        %parallel_loop3A_437 = arith.constant 64 : index
        %parallel_loop3A_438 = tpu.vector_load %arg25[%parallel_loop3A_436, %parallel_loop3A_437] {strides = array<i32>} : memref<80x128xf32, #tpu.memory_space<vmem>>, vector<16xf32>,
        %parallel_loop3A_439 = arith.mulf %parallel_loop3A_438, %parallel_loop3A_407 : vector<16xf32>
        %parallel_loop3A_440 = arith.index_cast %parallel_loop3A_405 : i32 to index
        %parallel_loop3A_441 = arith.constant 64 : index
        %parallel_loop3A_442 = tpu.vector_load %arg25[%parallel_loop3A_440, %parallel_loop3A_441] {strides = array<i32>} : memref<80x128xf32, #tpu.memory_space<vmem>>, vector<16xf32>,
        tpu.vector_store %arg25[%parallel_loop3A_440, %parallel_loop3A_441], %parallel_loop3A_439 {strides = array<i32>} : memref<80x128xf32, #tpu.memory_space<vmem>>, vector<16xf32>,
        %parallel_loop3A_443 = arith.index_cast %parallel_loop3A_405 : i32 to index
        %parallel_loop3A_444 = arith.constant 80 : index
        %parallel_loop3A_445 = tpu.vector_load %arg25[%parallel_loop3A_443, %parallel_loop3A_444] {strides = array<i32>} : memref<80x128xf32, #tpu.memory_space<vmem>>, vector<16xf32>,
        %parallel_loop3A_446 = arith.mulf %parallel_loop3A_445, %parallel_loop3A_407 : vector<16xf32>
        %parallel_loop3A_447 = arith.index_cast %parallel_loop3A_405 : i32 to index
        %parallel_loop3A_448 = arith.constant 80 : index
        %parallel_loop3A_449 = tpu.vector_load %arg25[%parallel_loop3A_447, %parallel_loop3A_448] {strides = array<i32>} : memref<80x128xf32, #tpu.memory_space<vmem>>, vector<16xf32>,
        tpu.vector_store %arg25[%parallel_loop3A_447, %parallel_loop3A_448], %parallel_loop3A_446 {strides = array<i32>} : memref<80x128xf32, #tpu.memory_space<vmem>>, vector<16xf32>,
        %parallel_loop3A_450 = arith.index_cast %parallel_loop3A_405 : i32 to index
        %parallel_loop3A_451 = arith.constant 96 : index
        %parallel_loop3A_452 = tpu.vector_load %arg25[%parallel_loop3A_450, %parallel_loop3A_451] {strides = array<i32>} : memref<80x128xf32, #tpu.memory_space<vmem>>, vector<16xf32>,
        %parallel_loop3A_453 = arith.mulf %parallel_loop3A_452, %parallel_loop3A_407 : vector<16xf32>
        %parallel_loop3A_454 = arith.index_cast %parallel_loop3A_405 : i32 to index
        %parallel_loop3A_455 = arith.constant 96 : index
        %parallel_loop3A_456 = tpu.vector_load %arg25[%parallel_loop3A_454, %parallel_loop3A_455] {strides = array<i32>} : memref<80x128xf32, #tpu.memory_space<vmem>>, vector<16xf32>,
        tpu.vector_store %arg25[%parallel_loop3A_454, %parallel_loop3A_455], %parallel_loop3A_453 {strides = array<i32>} : memref<80x128xf32, #tpu.memory_space<vmem>>, vector<16xf32>,
        %parallel_loop3A_457 = arith.index_cast %parallel_loop3A_405 : i32 to index
        %parallel_loop3A_458 = arith.constant 112 : index
        %parallel_loop3A_459 = tpu.vector_load %arg25[%parallel_loop3A_457, %parallel_loop3A_458] {strides = array<i32>} : memref<80x128xf32, #tpu.memory_space<vmem>>, vector<16xf32>,
        %parallel_loop3A_460 = arith.mulf %parallel_loop3A_459, %parallel_loop3A_407 : vector<16xf32>
        %parallel_loop3A_461 = arith.index_cast %parallel_loop3A_405 : i32 to index
        %parallel_loop3A_462 = arith.constant 112 : index
        %parallel_loop3A_463 = tpu.vector_load %arg25[%parallel_loop3A_461, %parallel_loop3A_462] {strides = array<i32>} : memref<80x128xf32, #tpu.memory_space<vmem>>, vector<16xf32>,
        tpu.vector_store %arg25[%parallel_loop3A_461, %parallel_loop3A_462], %parallel_loop3A_460 {strides = array<i32>} : memref<80x128xf32, #tpu.memory_space<vmem>>, vector<16xf32>,
      } {sc.loop_unroll_factor = 4 : i64, sc.parallel_access}
      %dma_start3A_391 = arith.constant 0 : i32
      %dma_start3A_392 = arith.constant 0 : i32
      %dma_start3A_393 = tpu.memref_slice %arg32[%dma_start3A_391, %dma_start3A_392] : memref<10000x128xf32, #tpu.memory_space<vmem_shared>> -> memref<10000x128xf32, #tpu.memory_space<vmem_shared>>
      tpu.enqueue_indirect_dma source(%arg25 : memref<80x128xf32, #tpu.memory_space<vmem>>) target(%dma_start3A_393 : memref<10000x128xf32, #tpu.memory_space<vmem_shared>>) offsets(%arg21 : memref<80xi32, #tpu.memory_space<vmem>>) semaphore(%arg29 : memref<!tpu.dma_semaphore, #tpu.memory_space<semaphore_mem>>) {add = true}
      %dma_start3A_394 = arith.constant 0 : i32
      %dma_start3A_395 = tpu.memref_slice %arg33[%dma_start3A_394] : memref<10240xf32, #tpu.memory_space<vmem_shared>> -> memref<10240xf32, #tpu.memory_space<vmem_shared>>
      tpu.enqueue_indirect_dma source(%arg23 : memref<80xf32, #tpu.memory_space<vmem>>) target(%dma_start3A_395 : memref<10240xf32, #tpu.memory_space<vmem_shared>>) offsets(%arg21 : memref<80xi32, #tpu.memory_space<vmem>>) semaphore(%arg31 : memref<!tpu.dma_semaphore, #tpu.memory_space<semaphore_mem>>) {add = true}
      %dma_wait3A_396 = arith.constant 0 : i32
      %dma_wait3A_397 = arith.constant 0 : i32
      %dma_wait3A_398 = tpu.memref_slice %arg32[%dma_wait3A_396, %dma_wait3A_397] : memref<10000x128xf32, #tpu.memory_space<vmem_shared>> -> memref<10000x128xf32, #tpu.memory_space<vmem_shared>>
      tpu.wait_indirect_dma semaphore(%arg28 : memref<!tpu.dma_semaphore, #tpu.memory_space<semaphore_mem>>) src(%arg24 : memref<80x128xf32, #tpu.memory_space<vmem>>) dst(%dma_wait3A_398 : memref<10000x128xf32, #tpu.memory_space<vmem_shared>>)
      %dma_wait3A_399 = arith.constant 0 : i32
      %dma_wait3A_400 = tpu.memref_slice %arg33[%dma_wait3A_399] : memref<10240xf32, #tpu.memory_space<vmem_shared>> -> memref<10240xf32, #tpu.memory_space<vmem_shared>>
      tpu.wait_indirect_dma semaphore(%arg30 : memref<!tpu.dma_semaphore, #tpu.memory_space<semaphore_mem>>) src(%arg22 : memref<80xf32, #tpu.memory_space<vmem>>) dst(%dma_wait3A_400 : memref<10240xf32, #tpu.memory_space<vmem_shared>>)
      %lt3A = arith.constant 15 : i32
      %lt3A_401 = arith.cmpi slt, %scan3A_266, %lt3A : i32
      %convert_element_type3A_402 = arith.extui %lt3A_401 : i1 to i32
      %cond3A_403 = arith.constant 0 : i32
      %cond3A_404 = arith.cmpi ne, %convert_element_type3A_402, %cond3A_403 : i32
      scf.if %cond3A_404 {
        %mul3A_405 = arith.constant 2 : i32
        %mul3A_406 = arith.muli %mul3A_405, %scan3A_266 : i32
        %add3A_407 = arith.constant 2 : i32
        %add3A_408 = arith.addi %mul3A_406, %add3A_407 : i32
        %mul3A_409 = arith.constant 80 : i32
        %mul3A_410 = arith.muli %add3A_408, %mul3A_409 : i32
        %add3A_411 = arith.constant 0 : i32
        %add3A_412 = arith.addi %mul3A_410, %add3A_411 : i32
        %get3A_413 = arith.index_cast %add3A_412 : i32 to index
        %get3A_414 = tpu.vector_load %arg16[%get3A_413] {strides = array<i32>} : memref<2560xi32, #tpu.memory_space<vmem>>, vector<16xi32>,
        %swap3A_415 = arith.constant 0 : index
        %swap3A_416 = tpu.vector_load %arg18[%swap3A_415] {strides = array<i32>} : memref<80xi32, #tpu.memory_space<vmem>>, vector<16xi32>,
        tpu.vector_store %arg18[%swap3A_415], %get3A_414 {strides = array<i32>} : memref<80xi32, #tpu.memory_space<vmem>>, vector<16xi32>,
        %mul3A_417 = arith.constant 80 : i32
        %mul3A_418 = arith.muli %add3A_408, %mul3A_417 : i32
        %add3A_419 = arith.constant 0 : i32
        %add3A_420 = arith.addi %mul3A_418, %add3A_419 : i32
        %get3A_421 = arith.index_cast %add3A_420 : i32 to index
        %get3A_422 = tpu.vector_load %arg17[%get3A_421] {strides = array<i32>} : memref<2560xi32, #tpu.memory_space<vmem>>, vector<16xi32>,
        %swap3A_423 = arith.constant 0 : index
        %swap3A_424 = tpu.vector_load %arg20[%swap3A_423] {strides = array<i32>} : memref<80xi32, #tpu.memory_space<vmem>>, vector<16xi32>,
        tpu.vector_store %arg20[%swap3A_423], %get3A_422 {strides = array<i32>} : memref<80xi32, #tpu.memory_space<vmem>>, vector<16xi32>,
        %mul3A_425 = arith.constant 80 : i32
        %mul3A_426 = arith.muli %add3A_408, %mul3A_425 : i32
        %add3A_427 = arith.constant 16 : i32
        %add3A_428 = arith.addi %mul3A_426, %add3A_427 : i32
        %get3A_429 = arith.index_cast %add3A_428 : i32 to index
        %get3A_430 = tpu.vector_load %arg16[%get3A_429] {strides = array<i32>} : memref<2560xi32, #tpu.memory_space<vmem>>, vector<16xi32>,
        %swap3A_431 = arith.constant 16 : index
        %swap3A_432 = tpu.vector_load %arg18[%swap3A_431] {strides = array<i32>} : memref<80xi32, #tpu.memory_space<vmem>>, vector<16xi32>,
        tpu.vector_store %arg18[%swap3A_431], %get3A_430 {strides = array<i32>} : memref<80xi32, #tpu.memory_space<vmem>>, vector<16xi32>,
        %mul3A_433 = arith.constant 80 : i32
        %mul3A_434 = arith.muli %add3A_408, %mul3A_433 : i32
        %add3A_435 = arith.constant 16 : i32
        %add3A_436 = arith.addi %mul3A_434, %add3A_435 : i32
        %get3A_437 = arith.index_cast %add3A_436 : i32 to index
        %get3A_438 = tpu.vector_load %arg17[%get3A_437] {strides = array<i32>} : memref<2560xi32, #tpu.memory_space<vmem>>, vector<16xi32>,
        %swap3A_439 = arith.constant 16 : index
        %swap3A_440 = tpu.vector_load %arg20[%swap3A_439] {strides = array<i32>} : memref<80xi32, #tpu.memory_space<vmem>>, vector<16xi32>,
        tpu.vector_store %arg20[%swap3A_439], %get3A_438 {strides = array<i32>} : memref<80xi32, #tpu.memory_space<vmem>>, vector<16xi32>,
        %mul3A_441 = arith.constant 80 : i32
        %mul3A_442 = arith.muli %add3A_408, %mul3A_441 : i32
        %add3A_443 = arith.constant 32 : i32
        %add3A_444 = arith.addi %mul3A_442, %add3A_443 : i32
        %get3A_445 = arith.index_cast %add3A_444 : i32 to index
        %get3A_446 = tpu.vector_load %arg16[%get3A_445] {strides = array<i32>} : memref<2560xi32, #tpu.memory_space<vmem>>, vector<16xi32>,
        %swap3A_447 = arith.constant 32 : index
        %swap3A_448 = tpu.vector_load %arg18[%swap3A_447] {strides = array<i32>} : memref<80xi32, #tpu.memory_space<vmem>>, vector<16xi32>,
        tpu.vector_store %arg18[%swap3A_447], %get3A_446 {strides = array<i32>} : memref<80xi32, #tpu.memory_space<vmem>>, vector<16xi32>,
        %mul3A_449 = arith.constant 80 : i32
        %mul3A_450 = arith.muli %add3A_408, %mul3A_449 : i32
        %add3A_451 = arith.constant 32 : i32
        %add3A_452 = arith.addi %mul3A_450, %add3A_451 : i32
        %get3A_453 = arith.index_cast %add3A_452 : i32 to index
        %get3A_454 = tpu.vector_load %arg17[%get3A_453] {strides = array<i32>} : memref<2560xi32, #tpu.memory_space<vmem>>, vector<16xi32>,
        %swap3A_455 = arith.constant 32 : index
        %swap3A_456 = tpu.vector_load %arg20[%swap3A_455] {strides = array<i32>} : memref<80xi32, #tpu.memory_space<vmem>>, vector<16xi32>,
        tpu.vector_store %arg20[%swap3A_455], %get3A_454 {strides = array<i32>} : memref<80xi32, #tpu.memory_space<vmem>>, vector<16xi32>,
        %mul3A_457 = arith.constant 80 : i32
        %mul3A_458 = arith.muli %add3A_408, %mul3A_457 : i32
        %add3A_459 = arith.constant 48 : i32
        %add3A_460 = arith.addi %mul3A_458, %add3A_459 : i32
        %get3A_461 = arith.index_cast %add3A_460 : i32 to index
        %get3A_462 = tpu.vector_load %arg16[%get3A_461] {strides = array<i32>} : memref<2560xi32, #tpu.memory_space<vmem>>, vector<16xi32>,
        %swap3A_463 = arith.constant 48 : index
        %swap3A_464 = tpu.vector_load %arg18[%swap3A_463] {strides = array<i32>} : memref<80xi32, #tpu.memory_space<vmem>>, vector<16xi32>,
        tpu.vector_store %arg18[%swap3A_463], %get3A_462 {strides = array<i32>} : memref<80xi32, #tpu.memory_space<vmem>>, vector<16xi32>,
        %mul3A_465 = arith.constant 80 : i32
        %mul3A_466 = arith.muli %add3A_408, %mul3A_465 : i32
        %add3A_467 = arith.constant 48 : i32
        %add3A_468 = arith.addi %mul3A_466, %add3A_467 : i32
        %get3A_469 = arith.index_cast %add3A_468 : i32 to index
        %get3A_470 = tpu.vector_load %arg17[%get3A_469] {strides = array<i32>} : memref<2560xi32, #tpu.memory_space<vmem>>, vector<16xi32>,
        %swap3A_471 = arith.constant 48 : index
        %swap3A_472 = tpu.vector_load %arg20[%swap3A_471] {strides = array<i32>} : memref<80xi32, #tpu.memory_space<vmem>>, vector<16xi32>,
        tpu.vector_store %arg20[%swap3A_471], %get3A_470 {strides = array<i32>} : memref<80xi32, #tpu.memory_space<vmem>>, vector<16xi32>,
        %mul3A_473 = arith.constant 80 : i32
        %mul3A_474 = arith.muli %add3A_408, %mul3A_473 : i32
        %add3A_475 = arith.constant 64 : i32
        %add3A_476 = arith.addi %mul3A_474, %add3A_475 : i32
        %get3A_477 = arith.index_cast %add3A_476 : i32 to index
        %get3A_478 = tpu.vector_load %arg16[%get3A_477] {strides = array<i32>} : memref<2560xi32, #tpu.memory_space<vmem>>, vector<16xi32>,
        %swap3A_479 = arith.constant 64 : index
        %swap3A_480 = tpu.vector_load %arg18[%swap3A_479] {strides = array<i32>} : memref<80xi32, #tpu.memory_space<vmem>>, vector<16xi32>,
        tpu.vector_store %arg18[%swap3A_479], %get3A_478 {strides = array<i32>} : memref<80xi32, #tpu.memory_space<vmem>>, vector<16xi32>,
        %mul3A_481 = arith.constant 80 : i32
        %mul3A_482 = arith.muli %add3A_408, %mul3A_481 : i32
        %add3A_483 = arith.constant 64 : i32
        %add3A_484 = arith.addi %mul3A_482, %add3A_483 : i32
        %get3A_485 = arith.index_cast %add3A_484 : i32 to index
        %get3A_486 = tpu.vector_load %arg17[%get3A_485] {strides = array<i32>} : memref<2560xi32, #tpu.memory_space<vmem>>, vector<16xi32>,
        %swap3A_487 = arith.constant 64 : index
        %swap3A_488 = tpu.vector_load %arg20[%swap3A_487] {strides = array<i32>} : memref<80xi32, #tpu.memory_space<vmem>>, vector<16xi32>,
        tpu.vector_store %arg20[%swap3A_487], %get3A_486 {strides = array<i32>} : memref<80xi32, #tpu.memory_space<vmem>>, vector<16xi32>,
        %dma_start3A_489 = arith.constant 0 : i32
        %dma_start3A_490 = arith.constant 0 : i32
        %dma_start3A_491 = tpu.memref_slice %arg7[%dma_start3A_489, %dma_start3A_490] : memref<10000x128xf32, #tpu.memory_space<hbm>> -> memref<10000x128xf32, #tpu.memory_space<hbm>>
        tpu.enqueue_indirect_dma source(%dma_start3A_491 : memref<10000x128xf32, #tpu.memory_space<hbm>>) target(%arg24 : memref<80x128xf32, #tpu.memory_space<vmem>>) offsets(%arg18 : memref<80xi32, #tpu.memory_space<vmem>>) semaphore(%arg26 : memref<!tpu.dma_semaphore, #tpu.memory_space<semaphore_mem>>)
      } else {
      }
      scf.yield %scan3A_383 : vector<16xf32>
    }
    %scan3A_139 = arith.constant 16 : i32
    %dma_wait3A_140 = arith.constant 0 : i32
    %dma_wait3A_141 = arith.constant 0 : i32
    %dma_wait3A_142 = tpu.memref_slice %arg32[%dma_wait3A_140, %dma_wait3A_141] : memref<10000x128xf32, #tpu.memory_space<vmem_shared>> -> memref<10000x128xf32, #tpu.memory_space<vmem_shared>>
    tpu.wait_indirect_dma semaphore(%arg29 : memref<!tpu.dma_semaphore, #tpu.memory_space<semaphore_mem>>) src(%arg25 : memref<80x128xf32, #tpu.memory_space<vmem>>) dst(%dma_wait3A_142 : memref<10000x128xf32, #tpu.memory_space<vmem_shared>>)
    %dma_wait3A_143 = arith.constant 0 : i32
    %dma_wait3A_144 = tpu.memref_slice %arg33[%dma_wait3A_143] : memref<10240xf32, #tpu.memory_space<vmem_shared>> -> memref<10240xf32, #tpu.memory_space<vmem_shared>>
    tpu.wait_indirect_dma semaphore(%arg31 : memref<!tpu.dma_semaphore, #tpu.memory_space<semaphore_mem>>) src(%arg23 : memref<80xf32, #tpu.memory_space<vmem>>) dst(%dma_wait3A_144 : memref<10240xf32, #tpu.memory_space<vmem_shared>>)
    %add3A_145 = arith.constant 5120 : i32
    %add3A_146 = arith.addi %mul3A_34, %add3A_145 : i32
    "tpu.region"() ({
      %run_scoped3A = tpu.sem_alloc : memref<!tpu.dma_semaphore, #tpu.memory_space<semaphore_mem>>
      %dma_start3A_266 = tpu.memref_slice %arg2[%add3A_146] : memref<327680xi32, #tpu.memory_space<hbm>> -> memref<2560xi32, #tpu.memory_space<hbm>>
      %dma_start3A_267 = tpu.memref_slice %arg2[%add3A_146] : memref<327680xi32, #tpu.memory_space<hbm>> -> memref<2560xi32, #tpu.memory_space<hbm>>
      tpu.enqueue_dma source(%dma_start3A_267 : memref<2560xi32, #tpu.memory_space<hbm>>) target(%arg16 : memref<2560xi32, #tpu.memory_space<vmem>>) target_semaphore(%run_scoped3A : memref<!tpu.dma_semaphore, #tpu.memory_space<semaphore_mem>>)
      %dma_wait3A_268 = tpu.memref_slice %arg2[%add3A_146] : memref<327680xi32, #tpu.memory_space<hbm>> -> memref<2560xi32, #tpu.memory_space<hbm>>
      %dma_wait3A_269 = tpu.memref_slice %arg2[%add3A_146] : memref<327680xi32, #tpu.memory_space<hbm>> -> memref<2560xi32, #tpu.memory_space<hbm>>
      tpu.wait_dma2 semaphore(%run_scoped3A : memref<!tpu.dma_semaphore, #tpu.memory_space<semaphore_mem>>) src(%dma_wait3A_269 : memref<2560xi32, #tpu.memory_space<hbm>>) dst(%arg16 : memref<2560xi32, #tpu.memory_space<vmem>>)
      tpu.yield
    }) : () -> ()
    "tpu.region"() ({
      %run_scoped3A = tpu.sem_alloc : memref<!tpu.dma_semaphore, #tpu.memory_space<semaphore_mem>>
      %dma_start3A_266 = tpu.memref_slice %arg3[%add3A_146] : memref<327680xi32, #tpu.memory_space<hbm>> -> memref<2560xi32, #tpu.memory_space<hbm>>
      %dma_start3A_267 = tpu.memref_slice %arg3[%add3A_146] : memref<327680xi32, #tpu.memory_space<hbm>> -> memref<2560xi32, #tpu.memory_space<hbm>>
      tpu.enqueue_dma source(%dma_start3A_267 : memref<2560xi32, #tpu.memory_space<hbm>>) target(%arg17 : memref<2560xi32, #tpu.memory_space<vmem>>) target_semaphore(%run_scoped3A : memref<!tpu.dma_semaphore, #tpu.memory_space<semaphore_mem>>)
      %dma_wait3A_268 = tpu.memref_slice %arg3[%add3A_146] : memref<327680xi32, #tpu.memory_space<hbm>> -> memref<2560xi32, #tpu.memory_space<hbm>>
      %dma_wait3A_269 = tpu.memref_slice %arg3[%add3A_146] : memref<327680xi32, #tpu.memory_space<hbm>> -> memref<2560xi32, #tpu.memory_space<hbm>>
      tpu.wait_dma2 semaphore(%run_scoped3A : memref<!tpu.dma_semaphore, #tpu.memory_space<semaphore_mem>>) src(%dma_wait3A_269 : memref<2560xi32, #tpu.memory_space<hbm>>) dst(%arg17 : memref<2560xi32, #tpu.memory_space<vmem>>)
      tpu.yield
    }) : () -> ()
    %get3A_147 = arith.constant 0 : index
    %get3A_148 = tpu.vector_load %arg16[%get3A_147] {strides = array<i32>} : memref<2560xi32, #tpu.memory_space<vmem>>, vector<16xi32>,
    %swap3A_149 = arith.constant 0 : index
    %swap3A_150 = tpu.vector_load %arg18[%swap3A_149] {strides = array<i32>} : memref<80xi32, #tpu.memory_space<vmem>>, vector<16xi32>,
    tpu.vector_store %arg18[%swap3A_149], %get3A_148 {strides = array<i32>} : memref<80xi32, #tpu.memory_space<vmem>>, vector<16xi32>,
    %get3A_151 = arith.constant 0 : index
    %get3A_152 = tpu.vector_load %arg17[%get3A_151] {strides = array<i32>} : memref<2560xi32, #tpu.memory_space<vmem>>, vector<16xi32>,
    %swap3A_153 = arith.constant 0 : index
    %swap3A_154 = tpu.vector_load %arg20[%swap3A_153] {strides = array<i32>} : memref<80xi32, #tpu.memory_space<vmem>>, vector<16xi32>,
    tpu.vector_store %arg20[%swap3A_153], %get3A_152 {strides = array<i32>} : memref<80xi32, #tpu.memory_space<vmem>>, vector<16xi32>,
    %get3A_155 = arith.constant 16 : index
    %get3A_156 = tpu.vector_load %arg16[%get3A_155] {strides = array<i32>} : memref<2560xi32, #tpu.memory_space<vmem>>, vector<16xi32>,
    %swap3A_157 = arith.constant 16 : index
    %swap3A_158 = tpu.vector_load %arg18[%swap3A_157] {strides = array<i32>} : memref<80xi32, #tpu.memory_space<vmem>>, vector<16xi32>,
    tpu.vector_store %arg18[%swap3A_157], %get3A_156 {strides = array<i32>} : memref<80xi32, #tpu.memory_space<vmem>>, vector<16xi32>,
    %get3A_159 = arith.constant 16 : index
    %get3A_160 = tpu.vector_load %arg17[%get3A_159] {strides = array<i32>} : memref<2560xi32, #tpu.memory_space<vmem>>, vector<16xi32>,
    %swap3A_161 = arith.constant 16 : index
    %swap3A_162 = tpu.vector_load %arg20[%swap3A_161] {strides = array<i32>} : memref<80xi32, #tpu.memory_space<vmem>>, vector<16xi32>,
    tpu.vector_store %arg20[%swap3A_161], %get3A_160 {strides = array<i32>} : memref<80xi32, #tpu.memory_space<vmem>>, vector<16xi32>,
    %get3A_163 = arith.constant 32 : index
    %get3A_164 = tpu.vector_load %arg16[%get3A_163] {strides = array<i32>} : memref<2560xi32, #tpu.memory_space<vmem>>, vector<16xi32>,
    %swap3A_165 = arith.constant 32 : index
    %swap3A_166 = tpu.vector_load %arg18[%swap3A_165] {strides = array<i32>} : memref<80xi32, #tpu.memory_space<vmem>>, vector<16xi32>,
    tpu.vector_store %arg18[%swap3A_165], %get3A_164 {strides = array<i32>} : memref<80xi32, #tpu.memory_space<vmem>>, vector<16xi32>,
    %get3A_167 = arith.constant 32 : index
    %get3A_168 = tpu.vector_load %arg17[%get3A_167] {strides = array<i32>} : memref<2560xi32, #tpu.memory_space<vmem>>, vector<16xi32>,
    %swap3A_169 = arith.constant 32 : index
    %swap3A_170 = tpu.vector_load %arg20[%swap3A_169] {strides = array<i32>} : memref<80xi32, #tpu.memory_space<vmem>>, vector<16xi32>,
    tpu.vector_store %arg20[%swap3A_169], %get3A_168 {strides = array<i32>} : memref<80xi32, #tpu.memory_space<vmem>>, vector<16xi32>,
    %get3A_171 = arith.constant 48 : index
    %get3A_172 = tpu.vector_load %arg16[%get3A_171] {strides = array<i32>} : memref<2560xi32, #tpu.memory_space<vmem>>, vector<16xi32>,
    %swap3A_173 = arith.constant 48 : index
    %swap3A_174 = tpu.vector_load %arg18[%swap3A_173] {strides = array<i32>} : memref<80xi32, #tpu.memory_space<vmem>>, vector<16xi32>,
    tpu.vector_store %arg18[%swap3A_173], %get3A_172 {strides = array<i32>} : memref<80xi32, #tpu.memory_space<vmem>>, vector<16xi32>,
    %get3A_175 = arith.constant 48 : index
    %get3A_176 = tpu.vector_load %arg17[%get3A_175] {strides = array<i32>} : memref<2560xi32, #tpu.memory_space<vmem>>, vector<16xi32>,
    %swap3A_177 = arith.constant 48 : index
    %swap3A_178 = tpu.vector_load %arg20[%swap3A_177] {strides = array<i32>} : memref<80xi32, #tpu.memory_space<vmem>>, vector<16xi32>,
    tpu.vector_store %arg20[%swap3A_177], %get3A_176 {strides = array<i32>} : memref<80xi32, #tpu.memory_space<vmem>>, vector<16xi32>,
    %get3A_179 = arith.constant 64 : index
    %get3A_180 = tpu.vector_load %arg16[%get3A_179] {strides = array<i32>} : memref<2560xi32, #tpu.memory_space<vmem>>, vector<16xi32>,
    %swap3A_181 = arith.constant 64 : index
    %swap3A_182 = tpu.vector_load %arg18[%swap3A_181] {strides = array<i32>} : memref<80xi32, #tpu.memory_space<vmem>>, vector<16xi32>,
    tpu.vector_store %arg18[%swap3A_181], %get3A_180 {strides = array<i32>} : memref<80xi32, #tpu.memory_space<vmem>>, vector<16xi32>,
    %get3A_183 = arith.constant 64 : index
    %get3A_184 = tpu.vector_load %arg17[%get3A_183] {strides = array<i32>} : memref<2560xi32, #tpu.memory_space<vmem>>, vector<16xi32>,
    %swap3A_185 = arith.constant 64 : index
    %swap3A_186 = tpu.vector_load %arg20[%swap3A_185] {strides = array<i32>} : memref<80xi32, #tpu.memory_space<vmem>>, vector<16xi32>,
    tpu.vector_store %arg20[%swap3A_185], %get3A_184 {strides = array<i32>} : memref<80xi32, #tpu.memory_space<vmem>>, vector<16xi32>,
    %dma_start3A_187 = arith.constant 0 : i32
    %dma_start3A_188 = arith.constant 0 : i32
    %dma_start3A_189 = tpu.memref_slice %arg7[%dma_start3A_187, %dma_start3A_188] : memref<10000x128xf32, #tpu.memory_space<hbm>> -> memref<10000x128xf32, #tpu.memory_space<hbm>>
    tpu.enqueue_indirect_dma source(%dma_start3A_189 : memref<10000x128xf32, #tpu.memory_space<hbm>>) target(%arg24 : memref<80x128xf32, #tpu.memory_space<vmem>>) offsets(%arg18 : memref<80xi32, #tpu.memory_space<vmem>>) semaphore(%arg26 : memref<!tpu.dma_semaphore, #tpu.memory_space<semaphore_mem>>)
    %scan3A_190 = arith.constant 0 : i32
    %scan3A_191 = arith.constant 16 : i32
    %scan3A_192 = arith.addi %scan3A_190, %scan3A_191 : i32
    %scan3A_193 = arith.constant 1 : i32
    %scan3A_194 = scf.for %scan3A_266 = %scan3A_190 to %scan3A_192 step %scan3A_193 iter_args(%scan3A_267 = %scan3A_138) -> (vector<16xf32>)  : i32 {
      %mul3A_268 = arith.constant 2 : i32
      %mul3A_269 = arith.muli %mul3A_268, %scan3A_266 : i32
      %add3A_270 = arith.constant 64 : i32
      %add3A_271 = arith.addi %add3A_270, %mul3A_269 : i32
      %gt3A = arith.constant 0 : i32
      %gt3A_272 = arith.cmpi sgt, %scan3A_266, %gt3A : i32
      %convert_element_type3A = arith.extui %gt3A_272 : i1 to i32
      %cond3A = arith.constant 0 : i32
      %cond3A_273 = arith.cmpi ne, %convert_element_type3A, %cond3A : i32
      scf.if %cond3A_273 {
        %dma_wait3A_405 = arith.constant 0 : i32
        %dma_wait3A_406 = arith.constant 0 : i32
        %dma_wait3A_407 = tpu.memref_slice %arg32[%dma_wait3A_405, %dma_wait3A_406] : memref<10000x128xf32, #tpu.memory_space<vmem_shared>> -> memref<10000x128xf32, #tpu.memory_space<vmem_shared>>
        tpu.wait_indirect_dma semaphore(%arg29 : memref<!tpu.dma_semaphore, #tpu.memory_space<semaphore_mem>>) src(%arg25 : memref<80x128xf32, #tpu.memory_space<vmem>>) dst(%dma_wait3A_407 : memref<10000x128xf32, #tpu.memory_space<vmem_shared>>)
        %dma_wait3A_408 = arith.constant 0 : i32
        %dma_wait3A_409 = tpu.memref_slice %arg33[%dma_wait3A_408] : memref<10240xf32, #tpu.memory_space<vmem_shared>> -> memref<10240xf32, #tpu.memory_space<vmem_shared>>
        tpu.wait_indirect_dma semaphore(%arg31 : memref<!tpu.dma_semaphore, #tpu.memory_space<semaphore_mem>>) src(%arg23 : memref<80xf32, #tpu.memory_space<vmem>>) dst(%dma_wait3A_409 : memref<10240xf32, #tpu.memory_space<vmem_shared>>)
      } else {
      }
      %mul3A_274 = arith.constant 2 : i32
      %mul3A_275 = arith.muli %mul3A_274, %scan3A_266 : i32
      %add3A_276 = arith.constant 1 : i32
      %add3A_277 = arith.addi %mul3A_275, %add3A_276 : i32
      %mul3A_278 = arith.constant 80 : i32
      %mul3A_279 = arith.muli %add3A_277, %mul3A_278 : i32
      %add3A_280 = arith.constant 0 : i32
      %add3A_281 = arith.addi %mul3A_279, %add3A_280 : i32
      %get3A_282 = arith.index_cast %add3A_281 : i32 to index
      %get3A_283 = tpu.vector_load %arg16[%get3A_282] {strides = array<i32>} : memref<2560xi32, #tpu.memory_space<vmem>>, vector<16xi32>,
      %swap3A_284 = arith.constant 0 : index
      %swap3A_285 = tpu.vector_load %arg19[%swap3A_284] {strides = array<i32>} : memref<80xi32, #tpu.memory_space<vmem>>, vector<16xi32>,
      tpu.vector_store %arg19[%swap3A_284], %get3A_283 {strides = array<i32>} : memref<80xi32, #tpu.memory_space<vmem>>, vector<16xi32>,
      %mul3A_286 = arith.constant 80 : i32
      %mul3A_287 = arith.muli %add3A_277, %mul3A_286 : i32
      %add3A_288 = arith.constant 0 : i32
      %add3A_289 = arith.addi %mul3A_287, %add3A_288 : i32
      %get3A_290 = arith.index_cast %add3A_289 : i32 to index
      %get3A_291 = tpu.vector_load %arg17[%get3A_290] {strides = array<i32>} : memref<2560xi32, #tpu.memory_space<vmem>>, vector<16xi32>,
      %swap3A_292 = arith.constant 0 : index
      %swap3A_293 = tpu.vector_load %arg21[%swap3A_292] {strides = array<i32>} : memref<80xi32, #tpu.memory_space<vmem>>, vector<16xi32>,
      tpu.vector_store %arg21[%swap3A_292], %get3A_291 {strides = array<i32>} : memref<80xi32, #tpu.memory_space<vmem>>, vector<16xi32>,
      %mul3A_294 = arith.constant 80 : i32
      %mul3A_295 = arith.muli %add3A_277, %mul3A_294 : i32
      %add3A_296 = arith.constant 16 : i32
      %add3A_297 = arith.addi %mul3A_295, %add3A_296 : i32
      %get3A_298 = arith.index_cast %add3A_297 : i32 to index
      %get3A_299 = tpu.vector_load %arg16[%get3A_298] {strides = array<i32>} : memref<2560xi32, #tpu.memory_space<vmem>>, vector<16xi32>,
      %swap3A_300 = arith.constant 16 : index
      %swap3A_301 = tpu.vector_load %arg19[%swap3A_300] {strides = array<i32>} : memref<80xi32, #tpu.memory_space<vmem>>, vector<16xi32>,
      tpu.vector_store %arg19[%swap3A_300], %get3A_299 {strides = array<i32>} : memref<80xi32, #tpu.memory_space<vmem>>, vector<16xi32>,
      %mul3A_302 = arith.constant 80 : i32
      %mul3A_303 = arith.muli %add3A_277, %mul3A_302 : i32
      %add3A_304 = arith.constant 16 : i32
      %add3A_305 = arith.addi %mul3A_303, %add3A_304 : i32
      %get3A_306 = arith.index_cast %add3A_305 : i32 to index
      %get3A_307 = tpu.vector_load %arg17[%get3A_306] {strides = array<i32>} : memref<2560xi32, #tpu.memory_space<vmem>>, vector<16xi32>,
      %swap3A_308 = arith.constant 16 : index
      %swap3A_309 = tpu.vector_load %arg21[%swap3A_308] {strides = array<i32>} : memref<80xi32, #tpu.memory_space<vmem>>, vector<16xi32>,
      tpu.vector_store %arg21[%swap3A_308], %get3A_307 {strides = array<i32>} : memref<80xi32, #tpu.memory_space<vmem>>, vector<16xi32>,
      %mul3A_310 = arith.constant 80 : i32
      %mul3A_311 = arith.muli %add3A_277, %mul3A_310 : i32
      %add3A_312 = arith.constant 32 : i32
      %add3A_313 = arith.addi %mul3A_311, %add3A_312 : i32
      %get3A_314 = arith.index_cast %add3A_313 : i32 to index
      %get3A_315 = tpu.vector_load %arg16[%get3A_314] {strides = array<i32>} : memref<2560xi32, #tpu.memory_space<vmem>>, vector<16xi32>,
      %swap3A_316 = arith.constant 32 : index
      %swap3A_317 = tpu.vector_load %arg19[%swap3A_316] {strides = array<i32>} : memref<80xi32, #tpu.memory_space<vmem>>, vector<16xi32>,
      tpu.vector_store %arg19[%swap3A_316], %get3A_315 {strides = array<i32>} : memref<80xi32, #tpu.memory_space<vmem>>, vector<16xi32>,
      %mul3A_318 = arith.constant 80 : i32
      %mul3A_319 = arith.muli %add3A_277, %mul3A_318 : i32
      %add3A_320 = arith.constant 32 : i32
      %add3A_321 = arith.addi %mul3A_319, %add3A_320 : i32
      %get3A_322 = arith.index_cast %add3A_321 : i32 to index
      %get3A_323 = tpu.vector_load %arg17[%get3A_322] {strides = array<i32>} : memref<2560xi32, #tpu.memory_space<vmem>>, vector<16xi32>,
      %swap3A_324 = arith.constant 32 : index
      %swap3A_325 = tpu.vector_load %arg21[%swap3A_324] {strides = array<i32>} : memref<80xi32, #tpu.memory_space<vmem>>, vector<16xi32>,
      tpu.vector_store %arg21[%swap3A_324], %get3A_323 {strides = array<i32>} : memref<80xi32, #tpu.memory_space<vmem>>, vector<16xi32>,
      %mul3A_326 = arith.constant 80 : i32
      %mul3A_327 = arith.muli %add3A_277, %mul3A_326 : i32
      %add3A_328 = arith.constant 48 : i32
      %add3A_329 = arith.addi %mul3A_327, %add3A_328 : i32
      %get3A_330 = arith.index_cast %add3A_329 : i32 to index
      %get3A_331 = tpu.vector_load %arg16[%get3A_330] {strides = array<i32>} : memref<2560xi32, #tpu.memory_space<vmem>>, vector<16xi32>,
      %swap3A_332 = arith.constant 48 : index
      %swap3A_333 = tpu.vector_load %arg19[%swap3A_332] {strides = array<i32>} : memref<80xi32, #tpu.memory_space<vmem>>, vector<16xi32>,
      tpu.vector_store %arg19[%swap3A_332], %get3A_331 {strides = array<i32>} : memref<80xi32, #tpu.memory_space<vmem>>, vector<16xi32>,
      %mul3A_334 = arith.constant 80 : i32
      %mul3A_335 = arith.muli %add3A_277, %mul3A_334 : i32
      %add3A_336 = arith.constant 48 : i32
      %add3A_337 = arith.addi %mul3A_335, %add3A_336 : i32
      %get3A_338 = arith.index_cast %add3A_337 : i32 to index
      %get3A_339 = tpu.vector_load %arg17[%get3A_338] {strides = array<i32>} : memref<2560xi32, #tpu.memory_space<vmem>>, vector<16xi32>,
      %swap3A_340 = arith.constant 48 : index
      %swap3A_341 = tpu.vector_load %arg21[%swap3A_340] {strides = array<i32>} : memref<80xi32, #tpu.memory_space<vmem>>, vector<16xi32>,
      tpu.vector_store %arg21[%swap3A_340], %get3A_339 {strides = array<i32>} : memref<80xi32, #tpu.memory_space<vmem>>, vector<16xi32>,
      %mul3A_342 = arith.constant 80 : i32
      %mul3A_343 = arith.muli %add3A_277, %mul3A_342 : i32
      %add3A_344 = arith.constant 64 : i32
      %add3A_345 = arith.addi %mul3A_343, %add3A_344 : i32
      %get3A_346 = arith.index_cast %add3A_345 : i32 to index
      %get3A_347 = tpu.vector_load %arg16[%get3A_346] {strides = array<i32>} : memref<2560xi32, #tpu.memory_space<vmem>>, vector<16xi32>,
      %swap3A_348 = arith.constant 64 : index
      %swap3A_349 = tpu.vector_load %arg19[%swap3A_348] {strides = array<i32>} : memref<80xi32, #tpu.memory_space<vmem>>, vector<16xi32>,
      tpu.vector_store %arg19[%swap3A_348], %get3A_347 {strides = array<i32>} : memref<80xi32, #tpu.memory_space<vmem>>, vector<16xi32>,
      %mul3A_350 = arith.constant 80 : i32
      %mul3A_351 = arith.muli %add3A_277, %mul3A_350 : i32
      %add3A_352 = arith.constant 64 : i32
      %add3A_353 = arith.addi %mul3A_351, %add3A_352 : i32
      %get3A_354 = arith.index_cast %add3A_353 : i32 to index
      %get3A_355 = tpu.vector_load %arg17[%get3A_354] {strides = array<i32>} : memref<2560xi32, #tpu.memory_space<vmem>>, vector<16xi32>,
      %swap3A_356 = arith.constant 64 : index
      %swap3A_357 = tpu.vector_load %arg21[%swap3A_356] {strides = array<i32>} : memref<80xi32, #tpu.memory_space<vmem>>, vector<16xi32>,
      tpu.vector_store %arg21[%swap3A_356], %get3A_355 {strides = array<i32>} : memref<80xi32, #tpu.memory_space<vmem>>, vector<16xi32>,
      %dma_start3A_358 = arith.constant 0 : i32
      %dma_start3A_359 = arith.constant 0 : i32
      %dma_start3A_360 = tpu.memref_slice %arg7[%dma_start3A_358, %dma_start3A_359] : memref<10000x128xf32, #tpu.memory_space<hbm>> -> memref<10000x128xf32, #tpu.memory_space<hbm>>
      tpu.enqueue_indirect_dma source(%dma_start3A_360 : memref<10000x128xf32, #tpu.memory_space<hbm>>) target(%arg25 : memref<80x128xf32, #tpu.memory_space<vmem>>) offsets(%arg19 : memref<80xi32, #tpu.memory_space<vmem>>) semaphore(%arg27 : memref<!tpu.dma_semaphore, #tpu.memory_space<semaphore_mem>>)
      %scan3A_361 = arith.constant 0 : i32
      %scan3A_362 = arith.constant 5 : i32
      %scan3A_363 = arith.addi %scan3A_361, %scan3A_362 : i32
      %scan3A_364 = arith.constant 1 : i32
      %scan3A_365 = scf.for %scan3A_405 = %scan3A_361 to %scan3A_363 step %scan3A_364 iter_args(%scan3A_406 = %scan3A_267) -> (vector<16xf32>)  : i32 {
        %mul3A_407 = arith.constant 16 : i32
        %mul3A_408 = arith.muli %scan3A_405, %mul3A_407 : i32
        %get3A_409 = arith.index_cast %mul3A_408 : i32 to index
        %get3A_410 = tpu.vector_load %arg18[%get3A_409] {strides = array<i32>} : memref<80xi32, #tpu.memory_space<vmem>>, vector<16xi32>,
        %mul3A_411 = arith.constant 16 : i32
        %mul3A_412 = arith.muli %scan3A_405, %mul3A_411 : i32
        %get3A_413 = arith.index_cast %mul3A_412 : i32 to index
        %get3A_414 = tpu.vector_load %arg20[%get3A_413] {strides = array<i32>} : memref<80xi32, #tpu.memory_space<vmem>>, vector<16xi32>,
        %gather3A = tpu.vector_load_idx %arg11[%get3A_410] : memref<10000xf32, #tpu.memory_space<vmem>>[vector<16xi32>], vector<16xf32>,
        %gather3A_415 = tpu.vector_load_idx %arg12[%get3A_414] : memref<10000xf32, #tpu.memory_space<vmem>>[vector<16xi32>], vector<16xf32>,
        %add3A_416 = arith.addf %gather3A, %gather3A_415 : vector<16xf32>
        %gt3A_417 = arith.constant 0.000000e+00 : f32
        %gt3A_418 = vector.broadcast %gt3A_417 : f32 to vector<16xf32>
        %gt3A_419 = arith.cmpf ogt, %add3A_416, %gt3A_418 : vector<16xf32>
        %mul3A_420 = arith.constant 0.00999999977 : f32
        %mul3A_421 = vector.broadcast %mul3A_420 : f32 to vector<16xf32>
        %mul3A_422 = arith.mulf %mul3A_421, %add3A_416 : vector<16xf32>
        %select_n3A = arith.select %gt3A_419, %add3A_416, %mul3A_422 : vector<16xi1>, vector<16xf32>
        %sub3A = arith.subf %select_n3A, %get3A_32 : vector<16xf32>
        %exp3A = math.exp %sub3A : vector<16xf32>
        %mul3A_423 = arith.constant 80 : i32
        %mul3A_424 = arith.muli %add3A_271, %mul3A_423 : i32
        %add3A_425 = arith.addi %mul3A_34, %mul3A_424 : i32
        %mul3A_426 = arith.constant 16 : i32
        %mul3A_427 = arith.muli %scan3A_405, %mul3A_426 : i32
        %add3A_428 = arith.addi %add3A_425, %mul3A_427 : i32
        %iota3A = tpu.iota {dimensions = array<i32: 0>} : vector<16xi32>
        %add3A_429 = vector.broadcast %add3A_428 : i32 to vector<16xi32>
        %add3A_430 = arith.addi %add3A_429, %iota3A : vector<16xi32>
        %lt3A_431 = arith.constant 320000 : i32
        %lt3A_432 = vector.broadcast %lt3A_431 : i32 to vector<16xi32>
        %lt3A_433 = arith.cmpi slt, %add3A_430, %lt3A_432 : vector<16xi32>
        %jit3A = arith.constant 0.000000e+00 : f32
        %broadcast_in_dim3A_434 = vector.broadcast %jit3A : f32 to vector<16xf32>
        %select_n3A_435 = arith.select %lt3A_433, %exp3A, %broadcast_in_dim3A_434 : vector<16xi1>, vector<16xf32>
        %mul3A_436 = arith.constant 16 : i32
        %mul3A_437 = arith.muli %scan3A_405, %mul3A_436 : i32
        %swap3A_438 = arith.index_cast %mul3A_437 : i32 to index
        %swap3A_439 = tpu.vector_load %arg22[%swap3A_438] {strides = array<i32>} : memref<80xf32, #tpu.memory_space<vmem>>, vector<16xf32>,
        tpu.vector_store %arg22[%swap3A_438], %select_n3A_435 {strides = array<i32>} : memref<80xf32, #tpu.memory_space<vmem>>, vector<16xf32>,
        %max3A = arith.maximumf %scan3A_406, %select_n3A_435 : vector<16xf32>
        scf.yield %max3A : vector<16xf32>
      }
      %scan3A_366 = arith.constant 5 : i32
      %dma_wait3A_367 = arith.constant 0 : i32
      %dma_wait3A_368 = arith.constant 0 : i32
      %dma_wait3A_369 = tpu.memref_slice %arg7[%dma_wait3A_367, %dma_wait3A_368] : memref<10000x128xf32, #tpu.memory_space<hbm>> -> memref<10000x128xf32, #tpu.memory_space<hbm>>
      tpu.wait_indirect_dma semaphore(%arg26 : memref<!tpu.dma_semaphore, #tpu.memory_space<semaphore_mem>>) src(%dma_wait3A_369 : memref<10000x128xf32, #tpu.memory_space<hbm>>) dst(%arg24 : memref<80x128xf32, #tpu.memory_space<vmem>>)
      %parallel_loop3A = arith.constant 0 : i32
      %parallel_loop3A_370 = arith.constant 80 : i32
      %parallel_loop3A_371 = arith.constant 1 : i32
      scf.for %parallel_loop3A_405 = %parallel_loop3A to %parallel_loop3A_370 step %parallel_loop3A_371  : i32 {
        %parallel_loop3A_406 = vector.broadcast %parallel_loop3A_405 : i32 to vector<16xi32>
        %parallel_loop3A_407 = tpu.vector_load_idx %arg22[%parallel_loop3A_406] : memref<80xf32, #tpu.memory_space<vmem>>[vector<16xi32>], vector<16xf32>,
        %parallel_loop3A_408 = arith.index_cast %parallel_loop3A_405 : i32 to index
        %parallel_loop3A_409 = arith.constant 0 : index
        %parallel_loop3A_410 = tpu.vector_load %arg24[%parallel_loop3A_408, %parallel_loop3A_409] {strides = array<i32>} : memref<80x128xf32, #tpu.memory_space<vmem>>, vector<16xf32>,
        %parallel_loop3A_411 = arith.mulf %parallel_loop3A_410, %parallel_loop3A_407 : vector<16xf32>
        %parallel_loop3A_412 = arith.index_cast %parallel_loop3A_405 : i32 to index
        %parallel_loop3A_413 = arith.constant 0 : index
        %parallel_loop3A_414 = tpu.vector_load %arg24[%parallel_loop3A_412, %parallel_loop3A_413] {strides = array<i32>} : memref<80x128xf32, #tpu.memory_space<vmem>>, vector<16xf32>,
        tpu.vector_store %arg24[%parallel_loop3A_412, %parallel_loop3A_413], %parallel_loop3A_411 {strides = array<i32>} : memref<80x128xf32, #tpu.memory_space<vmem>>, vector<16xf32>,
        %parallel_loop3A_415 = arith.index_cast %parallel_loop3A_405 : i32 to index
        %parallel_loop3A_416 = arith.constant 16 : index
        %parallel_loop3A_417 = tpu.vector_load %arg24[%parallel_loop3A_415, %parallel_loop3A_416] {strides = array<i32>} : memref<80x128xf32, #tpu.memory_space<vmem>>, vector<16xf32>,
        %parallel_loop3A_418 = arith.mulf %parallel_loop3A_417, %parallel_loop3A_407 : vector<16xf32>
        %parallel_loop3A_419 = arith.index_cast %parallel_loop3A_405 : i32 to index
        %parallel_loop3A_420 = arith.constant 16 : index
        %parallel_loop3A_421 = tpu.vector_load %arg24[%parallel_loop3A_419, %parallel_loop3A_420] {strides = array<i32>} : memref<80x128xf32, #tpu.memory_space<vmem>>, vector<16xf32>,
        tpu.vector_store %arg24[%parallel_loop3A_419, %parallel_loop3A_420], %parallel_loop3A_418 {strides = array<i32>} : memref<80x128xf32, #tpu.memory_space<vmem>>, vector<16xf32>,
        %parallel_loop3A_422 = arith.index_cast %parallel_loop3A_405 : i32 to index
        %parallel_loop3A_423 = arith.constant 32 : index
        %parallel_loop3A_424 = tpu.vector_load %arg24[%parallel_loop3A_422, %parallel_loop3A_423] {strides = array<i32>} : memref<80x128xf32, #tpu.memory_space<vmem>>, vector<16xf32>,
        %parallel_loop3A_425 = arith.mulf %parallel_loop3A_424, %parallel_loop3A_407 : vector<16xf32>
        %parallel_loop3A_426 = arith.index_cast %parallel_loop3A_405 : i32 to index
        %parallel_loop3A_427 = arith.constant 32 : index
        %parallel_loop3A_428 = tpu.vector_load %arg24[%parallel_loop3A_426, %parallel_loop3A_427] {strides = array<i32>} : memref<80x128xf32, #tpu.memory_space<vmem>>, vector<16xf32>,
        tpu.vector_store %arg24[%parallel_loop3A_426, %parallel_loop3A_427], %parallel_loop3A_425 {strides = array<i32>} : memref<80x128xf32, #tpu.memory_space<vmem>>, vector<16xf32>,
        %parallel_loop3A_429 = arith.index_cast %parallel_loop3A_405 : i32 to index
        %parallel_loop3A_430 = arith.constant 48 : index
        %parallel_loop3A_431 = tpu.vector_load %arg24[%parallel_loop3A_429, %parallel_loop3A_430] {strides = array<i32>} : memref<80x128xf32, #tpu.memory_space<vmem>>, vector<16xf32>,
        %parallel_loop3A_432 = arith.mulf %parallel_loop3A_431, %parallel_loop3A_407 : vector<16xf32>
        %parallel_loop3A_433 = arith.index_cast %parallel_loop3A_405 : i32 to index
        %parallel_loop3A_434 = arith.constant 48 : index
        %parallel_loop3A_435 = tpu.vector_load %arg24[%parallel_loop3A_433, %parallel_loop3A_434] {strides = array<i32>} : memref<80x128xf32, #tpu.memory_space<vmem>>, vector<16xf32>,
        tpu.vector_store %arg24[%parallel_loop3A_433, %parallel_loop3A_434], %parallel_loop3A_432 {strides = array<i32>} : memref<80x128xf32, #tpu.memory_space<vmem>>, vector<16xf32>,
        %parallel_loop3A_436 = arith.index_cast %parallel_loop3A_405 : i32 to index
        %parallel_loop3A_437 = arith.constant 64 : index
        %parallel_loop3A_438 = tpu.vector_load %arg24[%parallel_loop3A_436, %parallel_loop3A_437] {strides = array<i32>} : memref<80x128xf32, #tpu.memory_space<vmem>>, vector<16xf32>,
        %parallel_loop3A_439 = arith.mulf %parallel_loop3A_438, %parallel_loop3A_407 : vector<16xf32>
        %parallel_loop3A_440 = arith.index_cast %parallel_loop3A_405 : i32 to index
        %parallel_loop3A_441 = arith.constant 64 : index
        %parallel_loop3A_442 = tpu.vector_load %arg24[%parallel_loop3A_440, %parallel_loop3A_441] {strides = array<i32>} : memref<80x128xf32, #tpu.memory_space<vmem>>, vector<16xf32>,
        tpu.vector_store %arg24[%parallel_loop3A_440, %parallel_loop3A_441], %parallel_loop3A_439 {strides = array<i32>} : memref<80x128xf32, #tpu.memory_space<vmem>>, vector<16xf32>,
        %parallel_loop3A_443 = arith.index_cast %parallel_loop3A_405 : i32 to index
        %parallel_loop3A_444 = arith.constant 80 : index
        %parallel_loop3A_445 = tpu.vector_load %arg24[%parallel_loop3A_443, %parallel_loop3A_444] {strides = array<i32>} : memref<80x128xf32, #tpu.memory_space<vmem>>, vector<16xf32>,
        %parallel_loop3A_446 = arith.mulf %parallel_loop3A_445, %parallel_loop3A_407 : vector<16xf32>
        %parallel_loop3A_447 = arith.index_cast %parallel_loop3A_405 : i32 to index
        %parallel_loop3A_448 = arith.constant 80 : index
        %parallel_loop3A_449 = tpu.vector_load %arg24[%parallel_loop3A_447, %parallel_loop3A_448] {strides = array<i32>} : memref<80x128xf32, #tpu.memory_space<vmem>>, vector<16xf32>,
        tpu.vector_store %arg24[%parallel_loop3A_447, %parallel_loop3A_448], %parallel_loop3A_446 {strides = array<i32>} : memref<80x128xf32, #tpu.memory_space<vmem>>, vector<16xf32>,
        %parallel_loop3A_450 = arith.index_cast %parallel_loop3A_405 : i32 to index
        %parallel_loop3A_451 = arith.constant 96 : index
        %parallel_loop3A_452 = tpu.vector_load %arg24[%parallel_loop3A_450, %parallel_loop3A_451] {strides = array<i32>} : memref<80x128xf32, #tpu.memory_space<vmem>>, vector<16xf32>,
        %parallel_loop3A_453 = arith.mulf %parallel_loop3A_452, %parallel_loop3A_407 : vector<16xf32>
        %parallel_loop3A_454 = arith.index_cast %parallel_loop3A_405 : i32 to index
        %parallel_loop3A_455 = arith.constant 96 : index
        %parallel_loop3A_456 = tpu.vector_load %arg24[%parallel_loop3A_454, %parallel_loop3A_455] {strides = array<i32>} : memref<80x128xf32, #tpu.memory_space<vmem>>, vector<16xf32>,
        tpu.vector_store %arg24[%parallel_loop3A_454, %parallel_loop3A_455], %parallel_loop3A_453 {strides = array<i32>} : memref<80x128xf32, #tpu.memory_space<vmem>>, vector<16xf32>,
        %parallel_loop3A_457 = arith.index_cast %parallel_loop3A_405 : i32 to index
        %parallel_loop3A_458 = arith.constant 112 : index
        %parallel_loop3A_459 = tpu.vector_load %arg24[%parallel_loop3A_457, %parallel_loop3A_458] {strides = array<i32>} : memref<80x128xf32, #tpu.memory_space<vmem>>, vector<16xf32>,
        %parallel_loop3A_460 = arith.mulf %parallel_loop3A_459, %parallel_loop3A_407 : vector<16xf32>
        %parallel_loop3A_461 = arith.index_cast %parallel_loop3A_405 : i32 to index
        %parallel_loop3A_462 = arith.constant 112 : index
        %parallel_loop3A_463 = tpu.vector_load %arg24[%parallel_loop3A_461, %parallel_loop3A_462] {strides = array<i32>} : memref<80x128xf32, #tpu.memory_space<vmem>>, vector<16xf32>,
        tpu.vector_store %arg24[%parallel_loop3A_461, %parallel_loop3A_462], %parallel_loop3A_460 {strides = array<i32>} : memref<80x128xf32, #tpu.memory_space<vmem>>, vector<16xf32>,
      } {sc.loop_unroll_factor = 4 : i64, sc.parallel_access}
      %dma_start3A_372 = arith.constant 0 : i32
      %dma_start3A_373 = arith.constant 0 : i32
      %dma_start3A_374 = tpu.memref_slice %arg32[%dma_start3A_372, %dma_start3A_373] : memref<10000x128xf32, #tpu.memory_space<vmem_shared>> -> memref<10000x128xf32, #tpu.memory_space<vmem_shared>>
      tpu.enqueue_indirect_dma source(%arg24 : memref<80x128xf32, #tpu.memory_space<vmem>>) target(%dma_start3A_374 : memref<10000x128xf32, #tpu.memory_space<vmem_shared>>) offsets(%arg20 : memref<80xi32, #tpu.memory_space<vmem>>) semaphore(%arg28 : memref<!tpu.dma_semaphore, #tpu.memory_space<semaphore_mem>>) {add = true}
      %dma_start3A_375 = arith.constant 0 : i32
      %dma_start3A_376 = tpu.memref_slice %arg33[%dma_start3A_375] : memref<10240xf32, #tpu.memory_space<vmem_shared>> -> memref<10240xf32, #tpu.memory_space<vmem_shared>>
      tpu.enqueue_indirect_dma source(%arg22 : memref<80xf32, #tpu.memory_space<vmem>>) target(%dma_start3A_376 : memref<10240xf32, #tpu.memory_space<vmem_shared>>) offsets(%arg20 : memref<80xi32, #tpu.memory_space<vmem>>) semaphore(%arg30 : memref<!tpu.dma_semaphore, #tpu.memory_space<semaphore_mem>>) {add = true}
      %add3A_377 = arith.constant 1 : i32
      %add3A_378 = arith.addi %add3A_271, %add3A_377 : i32
      %scan3A_379 = arith.constant 0 : i32
      %scan3A_380 = arith.constant 5 : i32
      %scan3A_381 = arith.addi %scan3A_379, %scan3A_380 : i32
      %scan3A_382 = arith.constant 1 : i32
      %scan3A_383 = scf.for %scan3A_405 = %scan3A_379 to %scan3A_381 step %scan3A_382 iter_args(%scan3A_406 = %scan3A_365) -> (vector<16xf32>)  : i32 {
        %mul3A_407 = arith.constant 16 : i32
        %mul3A_408 = arith.muli %scan3A_405, %mul3A_407 : i32
        %get3A_409 = arith.index_cast %mul3A_408 : i32 to index
        %get3A_410 = tpu.vector_load %arg19[%get3A_409] {strides = array<i32>} : memref<80xi32, #tpu.memory_space<vmem>>, vector<16xi32>,
        %mul3A_411 = arith.constant 16 : i32
        %mul3A_412 = arith.muli %scan3A_405, %mul3A_411 : i32
        %get3A_413 = arith.index_cast %mul3A_412 : i32 to index
        %get3A_414 = tpu.vector_load %arg21[%get3A_413] {strides = array<i32>} : memref<80xi32, #tpu.memory_space<vmem>>, vector<16xi32>,
        %gather3A = tpu.vector_load_idx %arg11[%get3A_410] : memref<10000xf32, #tpu.memory_space<vmem>>[vector<16xi32>], vector<16xf32>,
        %gather3A_415 = tpu.vector_load_idx %arg12[%get3A_414] : memref<10000xf32, #tpu.memory_space<vmem>>[vector<16xi32>], vector<16xf32>,
        %add3A_416 = arith.addf %gather3A, %gather3A_415 : vector<16xf32>
        %gt3A_417 = arith.constant 0.000000e+00 : f32
        %gt3A_418 = vector.broadcast %gt3A_417 : f32 to vector<16xf32>
        %gt3A_419 = arith.cmpf ogt, %add3A_416, %gt3A_418 : vector<16xf32>
        %mul3A_420 = arith.constant 0.00999999977 : f32
        %mul3A_421 = vector.broadcast %mul3A_420 : f32 to vector<16xf32>
        %mul3A_422 = arith.mulf %mul3A_421, %add3A_416 : vector<16xf32>
        %select_n3A = arith.select %gt3A_419, %add3A_416, %mul3A_422 : vector<16xi1>, vector<16xf32>
        %sub3A = arith.subf %select_n3A, %get3A_32 : vector<16xf32>
        %exp3A = math.exp %sub3A : vector<16xf32>
        %mul3A_423 = arith.constant 80 : i32
        %mul3A_424 = arith.muli %add3A_378, %mul3A_423 : i32
        %add3A_425 = arith.addi %mul3A_34, %mul3A_424 : i32
        %mul3A_426 = arith.constant 16 : i32
        %mul3A_427 = arith.muli %scan3A_405, %mul3A_426 : i32
        %add3A_428 = arith.addi %add3A_425, %mul3A_427 : i32
        %iota3A = tpu.iota {dimensions = array<i32: 0>} : vector<16xi32>
        %add3A_429 = vector.broadcast %add3A_428 : i32 to vector<16xi32>
        %add3A_430 = arith.addi %add3A_429, %iota3A : vector<16xi32>
        %lt3A_431 = arith.constant 320000 : i32
        %lt3A_432 = vector.broadcast %lt3A_431 : i32 to vector<16xi32>
        %lt3A_433 = arith.cmpi slt, %add3A_430, %lt3A_432 : vector<16xi32>
        %jit3A = arith.constant 0.000000e+00 : f32
        %broadcast_in_dim3A_434 = vector.broadcast %jit3A : f32 to vector<16xf32>
        %select_n3A_435 = arith.select %lt3A_433, %exp3A, %broadcast_in_dim3A_434 : vector<16xi1>, vector<16xf32>
        %mul3A_436 = arith.constant 16 : i32
        %mul3A_437 = arith.muli %scan3A_405, %mul3A_436 : i32
        %swap3A_438 = arith.index_cast %mul3A_437 : i32 to index
        %swap3A_439 = tpu.vector_load %arg23[%swap3A_438] {strides = array<i32>} : memref<80xf32, #tpu.memory_space<vmem>>, vector<16xf32>,
        tpu.vector_store %arg23[%swap3A_438], %select_n3A_435 {strides = array<i32>} : memref<80xf32, #tpu.memory_space<vmem>>, vector<16xf32>,
        %max3A = arith.maximumf %scan3A_406, %select_n3A_435 : vector<16xf32>
        scf.yield %max3A : vector<16xf32>
      }
      %scan3A_384 = arith.constant 5 : i32
      %dma_wait3A_385 = arith.constant 0 : i32
      %dma_wait3A_386 = arith.constant 0 : i32
      %dma_wait3A_387 = tpu.memref_slice %arg7[%dma_wait3A_385, %dma_wait3A_386] : memref<10000x128xf32, #tpu.memory_space<hbm>> -> memref<10000x128xf32, #tpu.memory_space<hbm>>
      tpu.wait_indirect_dma semaphore(%arg27 : memref<!tpu.dma_semaphore, #tpu.memory_space<semaphore_mem>>) src(%dma_wait3A_387 : memref<10000x128xf32, #tpu.memory_space<hbm>>) dst(%arg25 : memref<80x128xf32, #tpu.memory_space<vmem>>)
      %parallel_loop3A_388 = arith.constant 0 : i32
      %parallel_loop3A_389 = arith.constant 80 : i32
      %parallel_loop3A_390 = arith.constant 1 : i32
      scf.for %parallel_loop3A_405 = %parallel_loop3A_388 to %parallel_loop3A_389 step %parallel_loop3A_390  : i32 {
        %parallel_loop3A_406 = vector.broadcast %parallel_loop3A_405 : i32 to vector<16xi32>
        %parallel_loop3A_407 = tpu.vector_load_idx %arg23[%parallel_loop3A_406] : memref<80xf32, #tpu.memory_space<vmem>>[vector<16xi32>], vector<16xf32>,
        %parallel_loop3A_408 = arith.index_cast %parallel_loop3A_405 : i32 to index
        %parallel_loop3A_409 = arith.constant 0 : index
        %parallel_loop3A_410 = tpu.vector_load %arg25[%parallel_loop3A_408, %parallel_loop3A_409] {strides = array<i32>} : memref<80x128xf32, #tpu.memory_space<vmem>>, vector<16xf32>,
        %parallel_loop3A_411 = arith.mulf %parallel_loop3A_410, %parallel_loop3A_407 : vector<16xf32>
        %parallel_loop3A_412 = arith.index_cast %parallel_loop3A_405 : i32 to index
        %parallel_loop3A_413 = arith.constant 0 : index
        %parallel_loop3A_414 = tpu.vector_load %arg25[%parallel_loop3A_412, %parallel_loop3A_413] {strides = array<i32>} : memref<80x128xf32, #tpu.memory_space<vmem>>, vector<16xf32>,
        tpu.vector_store %arg25[%parallel_loop3A_412, %parallel_loop3A_413], %parallel_loop3A_411 {strides = array<i32>} : memref<80x128xf32, #tpu.memory_space<vmem>>, vector<16xf32>,
        %parallel_loop3A_415 = arith.index_cast %parallel_loop3A_405 : i32 to index
        %parallel_loop3A_416 = arith.constant 16 : index
        %parallel_loop3A_417 = tpu.vector_load %arg25[%parallel_loop3A_415, %parallel_loop3A_416] {strides = array<i32>} : memref<80x128xf32, #tpu.memory_space<vmem>>, vector<16xf32>,
        %parallel_loop3A_418 = arith.mulf %parallel_loop3A_417, %parallel_loop3A_407 : vector<16xf32>
        %parallel_loop3A_419 = arith.index_cast %parallel_loop3A_405 : i32 to index
        %parallel_loop3A_420 = arith.constant 16 : index
        %parallel_loop3A_421 = tpu.vector_load %arg25[%parallel_loop3A_419, %parallel_loop3A_420] {strides = array<i32>} : memref<80x128xf32, #tpu.memory_space<vmem>>, vector<16xf32>,
        tpu.vector_store %arg25[%parallel_loop3A_419, %parallel_loop3A_420], %parallel_loop3A_418 {strides = array<i32>} : memref<80x128xf32, #tpu.memory_space<vmem>>, vector<16xf32>,
        %parallel_loop3A_422 = arith.index_cast %parallel_loop3A_405 : i32 to index
        %parallel_loop3A_423 = arith.constant 32 : index
        %parallel_loop3A_424 = tpu.vector_load %arg25[%parallel_loop3A_422, %parallel_loop3A_423] {strides = array<i32>} : memref<80x128xf32, #tpu.memory_space<vmem>>, vector<16xf32>,
        %parallel_loop3A_425 = arith.mulf %parallel_loop3A_424, %parallel_loop3A_407 : vector<16xf32>
        %parallel_loop3A_426 = arith.index_cast %parallel_loop3A_405 : i32 to index
        %parallel_loop3A_427 = arith.constant 32 : index
        %parallel_loop3A_428 = tpu.vector_load %arg25[%parallel_loop3A_426, %parallel_loop3A_427] {strides = array<i32>} : memref<80x128xf32, #tpu.memory_space<vmem>>, vector<16xf32>,
        tpu.vector_store %arg25[%parallel_loop3A_426, %parallel_loop3A_427], %parallel_loop3A_425 {strides = array<i32>} : memref<80x128xf32, #tpu.memory_space<vmem>>, vector<16xf32>,
        %parallel_loop3A_429 = arith.index_cast %parallel_loop3A_405 : i32 to index
        %parallel_loop3A_430 = arith.constant 48 : index
        %parallel_loop3A_431 = tpu.vector_load %arg25[%parallel_loop3A_429, %parallel_loop3A_430] {strides = array<i32>} : memref<80x128xf32, #tpu.memory_space<vmem>>, vector<16xf32>,
        %parallel_loop3A_432 = arith.mulf %parallel_loop3A_431, %parallel_loop3A_407 : vector<16xf32>
        %parallel_loop3A_433 = arith.index_cast %parallel_loop3A_405 : i32 to index
        %parallel_loop3A_434 = arith.constant 48 : index
        %parallel_loop3A_435 = tpu.vector_load %arg25[%parallel_loop3A_433, %parallel_loop3A_434] {strides = array<i32>} : memref<80x128xf32, #tpu.memory_space<vmem>>, vector<16xf32>,
        tpu.vector_store %arg25[%parallel_loop3A_433, %parallel_loop3A_434], %parallel_loop3A_432 {strides = array<i32>} : memref<80x128xf32, #tpu.memory_space<vmem>>, vector<16xf32>,
        %parallel_loop3A_436 = arith.index_cast %parallel_loop3A_405 : i32 to index
        %parallel_loop3A_437 = arith.constant 64 : index
        %parallel_loop3A_438 = tpu.vector_load %arg25[%parallel_loop3A_436, %parallel_loop3A_437] {strides = array<i32>} : memref<80x128xf32, #tpu.memory_space<vmem>>, vector<16xf32>,
        %parallel_loop3A_439 = arith.mulf %parallel_loop3A_438, %parallel_loop3A_407 : vector<16xf32>
        %parallel_loop3A_440 = arith.index_cast %parallel_loop3A_405 : i32 to index
        %parallel_loop3A_441 = arith.constant 64 : index
        %parallel_loop3A_442 = tpu.vector_load %arg25[%parallel_loop3A_440, %parallel_loop3A_441] {strides = array<i32>} : memref<80x128xf32, #tpu.memory_space<vmem>>, vector<16xf32>,
        tpu.vector_store %arg25[%parallel_loop3A_440, %parallel_loop3A_441], %parallel_loop3A_439 {strides = array<i32>} : memref<80x128xf32, #tpu.memory_space<vmem>>, vector<16xf32>,
        %parallel_loop3A_443 = arith.index_cast %parallel_loop3A_405 : i32 to index
        %parallel_loop3A_444 = arith.constant 80 : index
        %parallel_loop3A_445 = tpu.vector_load %arg25[%parallel_loop3A_443, %parallel_loop3A_444] {strides = array<i32>} : memref<80x128xf32, #tpu.memory_space<vmem>>, vector<16xf32>,
        %parallel_loop3A_446 = arith.mulf %parallel_loop3A_445, %parallel_loop3A_407 : vector<16xf32>
        %parallel_loop3A_447 = arith.index_cast %parallel_loop3A_405 : i32 to index
        %parallel_loop3A_448 = arith.constant 80 : index
        %parallel_loop3A_449 = tpu.vector_load %arg25[%parallel_loop3A_447, %parallel_loop3A_448] {strides = array<i32>} : memref<80x128xf32, #tpu.memory_space<vmem>>, vector<16xf32>,
        tpu.vector_store %arg25[%parallel_loop3A_447, %parallel_loop3A_448], %parallel_loop3A_446 {strides = array<i32>} : memref<80x128xf32, #tpu.memory_space<vmem>>, vector<16xf32>,
        %parallel_loop3A_450 = arith.index_cast %parallel_loop3A_405 : i32 to index
        %parallel_loop3A_451 = arith.constant 96 : index
        %parallel_loop3A_452 = tpu.vector_load %arg25[%parallel_loop3A_450, %parallel_loop3A_451] {strides = array<i32>} : memref<80x128xf32, #tpu.memory_space<vmem>>, vector<16xf32>,
        %parallel_loop3A_453 = arith.mulf %parallel_loop3A_452, %parallel_loop3A_407 : vector<16xf32>
        %parallel_loop3A_454 = arith.index_cast %parallel_loop3A_405 : i32 to index
        %parallel_loop3A_455 = arith.constant 96 : index
        %parallel_loop3A_456 = tpu.vector_load %arg25[%parallel_loop3A_454, %parallel_loop3A_455] {strides = array<i32>} : memref<80x128xf32, #tpu.memory_space<vmem>>, vector<16xf32>,
        tpu.vector_store %arg25[%parallel_loop3A_454, %parallel_loop3A_455], %parallel_loop3A_453 {strides = array<i32>} : memref<80x128xf32, #tpu.memory_space<vmem>>, vector<16xf32>,
        %parallel_loop3A_457 = arith.index_cast %parallel_loop3A_405 : i32 to index
        %parallel_loop3A_458 = arith.constant 112 : index
        %parallel_loop3A_459 = tpu.vector_load %arg25[%parallel_loop3A_457, %parallel_loop3A_458] {strides = array<i32>} : memref<80x128xf32, #tpu.memory_space<vmem>>, vector<16xf32>,
        %parallel_loop3A_460 = arith.mulf %parallel_loop3A_459, %parallel_loop3A_407 : vector<16xf32>
        %parallel_loop3A_461 = arith.index_cast %parallel_loop3A_405 : i32 to index
        %parallel_loop3A_462 = arith.constant 112 : index
        %parallel_loop3A_463 = tpu.vector_load %arg25[%parallel_loop3A_461, %parallel_loop3A_462] {strides = array<i32>} : memref<80x128xf32, #tpu.memory_space<vmem>>, vector<16xf32>,
        tpu.vector_store %arg25[%parallel_loop3A_461, %parallel_loop3A_462], %parallel_loop3A_460 {strides = array<i32>} : memref<80x128xf32, #tpu.memory_space<vmem>>, vector<16xf32>,
      } {sc.loop_unroll_factor = 4 : i64, sc.parallel_access}
      %dma_start3A_391 = arith.constant 0 : i32
      %dma_start3A_392 = arith.constant 0 : i32
      %dma_start3A_393 = tpu.memref_slice %arg32[%dma_start3A_391, %dma_start3A_392] : memref<10000x128xf32, #tpu.memory_space<vmem_shared>> -> memref<10000x128xf32, #tpu.memory_space<vmem_shared>>
      tpu.enqueue_indirect_dma source(%arg25 : memref<80x128xf32, #tpu.memory_space<vmem>>) target(%dma_start3A_393 : memref<10000x128xf32, #tpu.memory_space<vmem_shared>>) offsets(%arg21 : memref<80xi32, #tpu.memory_space<vmem>>) semaphore(%arg29 : memref<!tpu.dma_semaphore, #tpu.memory_space<semaphore_mem>>) {add = true}
      %dma_start3A_394 = arith.constant 0 : i32
      %dma_start3A_395 = tpu.memref_slice %arg33[%dma_start3A_394] : memref<10240xf32, #tpu.memory_space<vmem_shared>> -> memref<10240xf32, #tpu.memory_space<vmem_shared>>
      tpu.enqueue_indirect_dma source(%arg23 : memref<80xf32, #tpu.memory_space<vmem>>) target(%dma_start3A_395 : memref<10240xf32, #tpu.memory_space<vmem_shared>>) offsets(%arg21 : memref<80xi32, #tpu.memory_space<vmem>>) semaphore(%arg31 : memref<!tpu.dma_semaphore, #tpu.memory_space<semaphore_mem>>) {add = true}
      %dma_wait3A_396 = arith.constant 0 : i32
      %dma_wait3A_397 = arith.constant 0 : i32
      %dma_wait3A_398 = tpu.memref_slice %arg32[%dma_wait3A_396, %dma_wait3A_397] : memref<10000x128xf32, #tpu.memory_space<vmem_shared>> -> memref<10000x128xf32, #tpu.memory_space<vmem_shared>>
      tpu.wait_indirect_dma semaphore(%arg28 : memref<!tpu.dma_semaphore, #tpu.memory_space<semaphore_mem>>) src(%arg24 : memref<80x128xf32, #tpu.memory_space<vmem>>) dst(%dma_wait3A_398 : memref<10000x128xf32, #tpu.memory_space<vmem_shared>>)
      %dma_wait3A_399 = arith.constant 0 : i32
      %dma_wait3A_400 = tpu.memref_slice %arg33[%dma_wait3A_399] : memref<10240xf32, #tpu.memory_space<vmem_shared>> -> memref<10240xf32, #tpu.memory_space<vmem_shared>>
      tpu.wait_indirect_dma semaphore(%arg30 : memref<!tpu.dma_semaphore, #tpu.memory_space<semaphore_mem>>) src(%arg22 : memref<80xf32, #tpu.memory_space<vmem>>) dst(%dma_wait3A_400 : memref<10240xf32, #tpu.memory_space<vmem_shared>>)
      %lt3A = arith.constant 15 : i32
      %lt3A_401 = arith.cmpi slt, %scan3A_266, %lt3A : i32
      %convert_element_type3A_402 = arith.extui %lt3A_401 : i1 to i32
      %cond3A_403 = arith.constant 0 : i32
      %cond3A_404 = arith.cmpi ne, %convert_element_type3A_402, %cond3A_403 : i32
      scf.if %cond3A_404 {
        %mul3A_405 = arith.constant 2 : i32
        %mul3A_406 = arith.muli %mul3A_405, %scan3A_266 : i32
        %add3A_407 = arith.constant 2 : i32
        %add3A_408 = arith.addi %mul3A_406, %add3A_407 : i32
        %mul3A_409 = arith.constant 80 : i32
        %mul3A_410 = arith.muli %add3A_408, %mul3A_409 : i32
        %add3A_411 = arith.constant 0 : i32
        %add3A_412 = arith.addi %mul3A_410, %add3A_411 : i32
        %get3A_413 = arith.index_cast %add3A_412 : i32 to index
        %get3A_414 = tpu.vector_load %arg16[%get3A_413] {strides = array<i32>} : memref<2560xi32, #tpu.memory_space<vmem>>, vector<16xi32>,
        %swap3A_415 = arith.constant 0 : index
        %swap3A_416 = tpu.vector_load %arg18[%swap3A_415] {strides = array<i32>} : memref<80xi32, #tpu.memory_space<vmem>>, vector<16xi32>,
        tpu.vector_store %arg18[%swap3A_415], %get3A_414 {strides = array<i32>} : memref<80xi32, #tpu.memory_space<vmem>>, vector<16xi32>,
        %mul3A_417 = arith.constant 80 : i32
        %mul3A_418 = arith.muli %add3A_408, %mul3A_417 : i32
        %add3A_419 = arith.constant 0 : i32
        %add3A_420 = arith.addi %mul3A_418, %add3A_419 : i32
        %get3A_421 = arith.index_cast %add3A_420 : i32 to index
        %get3A_422 = tpu.vector_load %arg17[%get3A_421] {strides = array<i32>} : memref<2560xi32, #tpu.memory_space<vmem>>, vector<16xi32>,
        %swap3A_423 = arith.constant 0 : index
        %swap3A_424 = tpu.vector_load %arg20[%swap3A_423] {strides = array<i32>} : memref<80xi32, #tpu.memory_space<vmem>>, vector<16xi32>,
        tpu.vector_store %arg20[%swap3A_423], %get3A_422 {strides = array<i32>} : memref<80xi32, #tpu.memory_space<vmem>>, vector<16xi32>,
        %mul3A_425 = arith.constant 80 : i32
        %mul3A_426 = arith.muli %add3A_408, %mul3A_425 : i32
        %add3A_427 = arith.constant 16 : i32
        %add3A_428 = arith.addi %mul3A_426, %add3A_427 : i32
        %get3A_429 = arith.index_cast %add3A_428 : i32 to index
        %get3A_430 = tpu.vector_load %arg16[%get3A_429] {strides = array<i32>} : memref<2560xi32, #tpu.memory_space<vmem>>, vector<16xi32>,
        %swap3A_431 = arith.constant 16 : index
        %swap3A_432 = tpu.vector_load %arg18[%swap3A_431] {strides = array<i32>} : memref<80xi32, #tpu.memory_space<vmem>>, vector<16xi32>,
        tpu.vector_store %arg18[%swap3A_431], %get3A_430 {strides = array<i32>} : memref<80xi32, #tpu.memory_space<vmem>>, vector<16xi32>,
        %mul3A_433 = arith.constant 80 : i32
        %mul3A_434 = arith.muli %add3A_408, %mul3A_433 : i32
        %add3A_435 = arith.constant 16 : i32
        %add3A_436 = arith.addi %mul3A_434, %add3A_435 : i32
        %get3A_437 = arith.index_cast %add3A_436 : i32 to index
        %get3A_438 = tpu.vector_load %arg17[%get3A_437] {strides = array<i32>} : memref<2560xi32, #tpu.memory_space<vmem>>, vector<16xi32>,
        %swap3A_439 = arith.constant 16 : index
        %swap3A_440 = tpu.vector_load %arg20[%swap3A_439] {strides = array<i32>} : memref<80xi32, #tpu.memory_space<vmem>>, vector<16xi32>,
        tpu.vector_store %arg20[%swap3A_439], %get3A_438 {strides = array<i32>} : memref<80xi32, #tpu.memory_space<vmem>>, vector<16xi32>,
        %mul3A_441 = arith.constant 80 : i32
        %mul3A_442 = arith.muli %add3A_408, %mul3A_441 : i32
        %add3A_443 = arith.constant 32 : i32
        %add3A_444 = arith.addi %mul3A_442, %add3A_443 : i32
        %get3A_445 = arith.index_cast %add3A_444 : i32 to index
        %get3A_446 = tpu.vector_load %arg16[%get3A_445] {strides = array<i32>} : memref<2560xi32, #tpu.memory_space<vmem>>, vector<16xi32>,
        %swap3A_447 = arith.constant 32 : index
        %swap3A_448 = tpu.vector_load %arg18[%swap3A_447] {strides = array<i32>} : memref<80xi32, #tpu.memory_space<vmem>>, vector<16xi32>,
        tpu.vector_store %arg18[%swap3A_447], %get3A_446 {strides = array<i32>} : memref<80xi32, #tpu.memory_space<vmem>>, vector<16xi32>,
        %mul3A_449 = arith.constant 80 : i32
        %mul3A_450 = arith.muli %add3A_408, %mul3A_449 : i32
        %add3A_451 = arith.constant 32 : i32
        %add3A_452 = arith.addi %mul3A_450, %add3A_451 : i32
        %get3A_453 = arith.index_cast %add3A_452 : i32 to index
        %get3A_454 = tpu.vector_load %arg17[%get3A_453] {strides = array<i32>} : memref<2560xi32, #tpu.memory_space<vmem>>, vector<16xi32>,
        %swap3A_455 = arith.constant 32 : index
        %swap3A_456 = tpu.vector_load %arg20[%swap3A_455] {strides = array<i32>} : memref<80xi32, #tpu.memory_space<vmem>>, vector<16xi32>,
        tpu.vector_store %arg20[%swap3A_455], %get3A_454 {strides = array<i32>} : memref<80xi32, #tpu.memory_space<vmem>>, vector<16xi32>,
        %mul3A_457 = arith.constant 80 : i32
        %mul3A_458 = arith.muli %add3A_408, %mul3A_457 : i32
        %add3A_459 = arith.constant 48 : i32
        %add3A_460 = arith.addi %mul3A_458, %add3A_459 : i32
        %get3A_461 = arith.index_cast %add3A_460 : i32 to index
        %get3A_462 = tpu.vector_load %arg16[%get3A_461] {strides = array<i32>} : memref<2560xi32, #tpu.memory_space<vmem>>, vector<16xi32>,
        %swap3A_463 = arith.constant 48 : index
        %swap3A_464 = tpu.vector_load %arg18[%swap3A_463] {strides = array<i32>} : memref<80xi32, #tpu.memory_space<vmem>>, vector<16xi32>,
        tpu.vector_store %arg18[%swap3A_463], %get3A_462 {strides = array<i32>} : memref<80xi32, #tpu.memory_space<vmem>>, vector<16xi32>,
        %mul3A_465 = arith.constant 80 : i32
        %mul3A_466 = arith.muli %add3A_408, %mul3A_465 : i32
        %add3A_467 = arith.constant 48 : i32
        %add3A_468 = arith.addi %mul3A_466, %add3A_467 : i32
        %get3A_469 = arith.index_cast %add3A_468 : i32 to index
        %get3A_470 = tpu.vector_load %arg17[%get3A_469] {strides = array<i32>} : memref<2560xi32, #tpu.memory_space<vmem>>, vector<16xi32>,
        %swap3A_471 = arith.constant 48 : index
        %swap3A_472 = tpu.vector_load %arg20[%swap3A_471] {strides = array<i32>} : memref<80xi32, #tpu.memory_space<vmem>>, vector<16xi32>,
        tpu.vector_store %arg20[%swap3A_471], %get3A_470 {strides = array<i32>} : memref<80xi32, #tpu.memory_space<vmem>>, vector<16xi32>,
        %mul3A_473 = arith.constant 80 : i32
        %mul3A_474 = arith.muli %add3A_408, %mul3A_473 : i32
        %add3A_475 = arith.constant 64 : i32
        %add3A_476 = arith.addi %mul3A_474, %add3A_475 : i32
        %get3A_477 = arith.index_cast %add3A_476 : i32 to index
        %get3A_478 = tpu.vector_load %arg16[%get3A_477] {strides = array<i32>} : memref<2560xi32, #tpu.memory_space<vmem>>, vector<16xi32>,
        %swap3A_479 = arith.constant 64 : index
        %swap3A_480 = tpu.vector_load %arg18[%swap3A_479] {strides = array<i32>} : memref<80xi32, #tpu.memory_space<vmem>>, vector<16xi32>,
        tpu.vector_store %arg18[%swap3A_479], %get3A_478 {strides = array<i32>} : memref<80xi32, #tpu.memory_space<vmem>>, vector<16xi32>,
        %mul3A_481 = arith.constant 80 : i32
        %mul3A_482 = arith.muli %add3A_408, %mul3A_481 : i32
        %add3A_483 = arith.constant 64 : i32
        %add3A_484 = arith.addi %mul3A_482, %add3A_483 : i32
        %get3A_485 = arith.index_cast %add3A_484 : i32 to index
        %get3A_486 = tpu.vector_load %arg17[%get3A_485] {strides = array<i32>} : memref<2560xi32, #tpu.memory_space<vmem>>, vector<16xi32>,
        %swap3A_487 = arith.constant 64 : index
        %swap3A_488 = tpu.vector_load %arg20[%swap3A_487] {strides = array<i32>} : memref<80xi32, #tpu.memory_space<vmem>>, vector<16xi32>,
        tpu.vector_store %arg20[%swap3A_487], %get3A_486 {strides = array<i32>} : memref<80xi32, #tpu.memory_space<vmem>>, vector<16xi32>,
        %dma_start3A_489 = arith.constant 0 : i32
        %dma_start3A_490 = arith.constant 0 : i32
        %dma_start3A_491 = tpu.memref_slice %arg7[%dma_start3A_489, %dma_start3A_490] : memref<10000x128xf32, #tpu.memory_space<hbm>> -> memref<10000x128xf32, #tpu.memory_space<hbm>>
        tpu.enqueue_indirect_dma source(%dma_start3A_491 : memref<10000x128xf32, #tpu.memory_space<hbm>>) target(%arg24 : memref<80x128xf32, #tpu.memory_space<vmem>>) offsets(%arg18 : memref<80xi32, #tpu.memory_space<vmem>>) semaphore(%arg26 : memref<!tpu.dma_semaphore, #tpu.memory_space<semaphore_mem>>)
      } else {
      }
      scf.yield %scan3A_383 : vector<16xf32>
    }
    %scan3A_195 = arith.constant 16 : i32
    %dma_wait3A_196 = arith.constant 0 : i32
    %dma_wait3A_197 = arith.constant 0 : i32
    %dma_wait3A_198 = tpu.memref_slice %arg32[%dma_wait3A_196, %dma_wait3A_197] : memref<10000x128xf32, #tpu.memory_space<vmem_shared>> -> memref<10000x128xf32, #tpu.memory_space<vmem_shared>>
    tpu.wait_indirect_dma semaphore(%arg29 : memref<!tpu.dma_semaphore, #tpu.memory_space<semaphore_mem>>) src(%arg25 : memref<80x128xf32, #tpu.memory_space<vmem>>) dst(%dma_wait3A_198 : memref<10000x128xf32, #tpu.memory_space<vmem_shared>>)
    %dma_wait3A_199 = arith.constant 0 : i32
    %dma_wait3A_200 = tpu.memref_slice %arg33[%dma_wait3A_199] : memref<10240xf32, #tpu.memory_space<vmem_shared>> -> memref<10240xf32, #tpu.memory_space<vmem_shared>>
    tpu.wait_indirect_dma semaphore(%arg31 : memref<!tpu.dma_semaphore, #tpu.memory_space<semaphore_mem>>) src(%arg23 : memref<80xf32, #tpu.memory_space<vmem>>) dst(%dma_wait3A_200 : memref<10240xf32, #tpu.memory_space<vmem_shared>>)
    %add3A_201 = arith.constant 7680 : i32
    %add3A_202 = arith.addi %mul3A_34, %add3A_201 : i32
    "tpu.region"() ({
      %run_scoped3A = tpu.sem_alloc : memref<!tpu.dma_semaphore, #tpu.memory_space<semaphore_mem>>
      %dma_start3A_266 = tpu.memref_slice %arg2[%add3A_202] : memref<327680xi32, #tpu.memory_space<hbm>> -> memref<2560xi32, #tpu.memory_space<hbm>>
      %dma_start3A_267 = tpu.memref_slice %arg2[%add3A_202] : memref<327680xi32, #tpu.memory_space<hbm>> -> memref<2560xi32, #tpu.memory_space<hbm>>
      tpu.enqueue_dma source(%dma_start3A_267 : memref<2560xi32, #tpu.memory_space<hbm>>) target(%arg16 : memref<2560xi32, #tpu.memory_space<vmem>>) target_semaphore(%run_scoped3A : memref<!tpu.dma_semaphore, #tpu.memory_space<semaphore_mem>>)
      %dma_wait3A_268 = tpu.memref_slice %arg2[%add3A_202] : memref<327680xi32, #tpu.memory_space<hbm>> -> memref<2560xi32, #tpu.memory_space<hbm>>
      %dma_wait3A_269 = tpu.memref_slice %arg2[%add3A_202] : memref<327680xi32, #tpu.memory_space<hbm>> -> memref<2560xi32, #tpu.memory_space<hbm>>
      tpu.wait_dma2 semaphore(%run_scoped3A : memref<!tpu.dma_semaphore, #tpu.memory_space<semaphore_mem>>) src(%dma_wait3A_269 : memref<2560xi32, #tpu.memory_space<hbm>>) dst(%arg16 : memref<2560xi32, #tpu.memory_space<vmem>>)
      tpu.yield
    }) : () -> ()
    "tpu.region"() ({
      %run_scoped3A = tpu.sem_alloc : memref<!tpu.dma_semaphore, #tpu.memory_space<semaphore_mem>>
      %dma_start3A_266 = tpu.memref_slice %arg3[%add3A_202] : memref<327680xi32, #tpu.memory_space<hbm>> -> memref<2560xi32, #tpu.memory_space<hbm>>
      %dma_start3A_267 = tpu.memref_slice %arg3[%add3A_202] : memref<327680xi32, #tpu.memory_space<hbm>> -> memref<2560xi32, #tpu.memory_space<hbm>>
      tpu.enqueue_dma source(%dma_start3A_267 : memref<2560xi32, #tpu.memory_space<hbm>>) target(%arg17 : memref<2560xi32, #tpu.memory_space<vmem>>) target_semaphore(%run_scoped3A : memref<!tpu.dma_semaphore, #tpu.memory_space<semaphore_mem>>)
      %dma_wait3A_268 = tpu.memref_slice %arg3[%add3A_202] : memref<327680xi32, #tpu.memory_space<hbm>> -> memref<2560xi32, #tpu.memory_space<hbm>>
      %dma_wait3A_269 = tpu.memref_slice %arg3[%add3A_202] : memref<327680xi32, #tpu.memory_space<hbm>> -> memref<2560xi32, #tpu.memory_space<hbm>>
      tpu.wait_dma2 semaphore(%run_scoped3A : memref<!tpu.dma_semaphore, #tpu.memory_space<semaphore_mem>>) src(%dma_wait3A_269 : memref<2560xi32, #tpu.memory_space<hbm>>) dst(%arg17 : memref<2560xi32, #tpu.memory_space<vmem>>)
      tpu.yield
    }) : () -> ()
    %get3A_203 = arith.constant 0 : index
    %get3A_204 = tpu.vector_load %arg16[%get3A_203] {strides = array<i32>} : memref<2560xi32, #tpu.memory_space<vmem>>, vector<16xi32>,
    %swap3A_205 = arith.constant 0 : index
    %swap3A_206 = tpu.vector_load %arg18[%swap3A_205] {strides = array<i32>} : memref<80xi32, #tpu.memory_space<vmem>>, vector<16xi32>,
    tpu.vector_store %arg18[%swap3A_205], %get3A_204 {strides = array<i32>} : memref<80xi32, #tpu.memory_space<vmem>>, vector<16xi32>,
    %get3A_207 = arith.constant 0 : index
    %get3A_208 = tpu.vector_load %arg17[%get3A_207] {strides = array<i32>} : memref<2560xi32, #tpu.memory_space<vmem>>, vector<16xi32>,
    %swap3A_209 = arith.constant 0 : index
    %swap3A_210 = tpu.vector_load %arg20[%swap3A_209] {strides = array<i32>} : memref<80xi32, #tpu.memory_space<vmem>>, vector<16xi32>,
    tpu.vector_store %arg20[%swap3A_209], %get3A_208 {strides = array<i32>} : memref<80xi32, #tpu.memory_space<vmem>>, vector<16xi32>,
    %get3A_211 = arith.constant 16 : index
    %get3A_212 = tpu.vector_load %arg16[%get3A_211] {strides = array<i32>} : memref<2560xi32, #tpu.memory_space<vmem>>, vector<16xi32>,
    %swap3A_213 = arith.constant 16 : index
    %swap3A_214 = tpu.vector_load %arg18[%swap3A_213] {strides = array<i32>} : memref<80xi32, #tpu.memory_space<vmem>>, vector<16xi32>,
    tpu.vector_store %arg18[%swap3A_213], %get3A_212 {strides = array<i32>} : memref<80xi32, #tpu.memory_space<vmem>>, vector<16xi32>,
    %get3A_215 = arith.constant 16 : index
    %get3A_216 = tpu.vector_load %arg17[%get3A_215] {strides = array<i32>} : memref<2560xi32, #tpu.memory_space<vmem>>, vector<16xi32>,
    %swap3A_217 = arith.constant 16 : index
    %swap3A_218 = tpu.vector_load %arg20[%swap3A_217] {strides = array<i32>} : memref<80xi32, #tpu.memory_space<vmem>>, vector<16xi32>,
    tpu.vector_store %arg20[%swap3A_217], %get3A_216 {strides = array<i32>} : memref<80xi32, #tpu.memory_space<vmem>>, vector<16xi32>,
    %get3A_219 = arith.constant 32 : index
    %get3A_220 = tpu.vector_load %arg16[%get3A_219] {strides = array<i32>} : memref<2560xi32, #tpu.memory_space<vmem>>, vector<16xi32>,
    %swap3A_221 = arith.constant 32 : index
    %swap3A_222 = tpu.vector_load %arg18[%swap3A_221] {strides = array<i32>} : memref<80xi32, #tpu.memory_space<vmem>>, vector<16xi32>,
    tpu.vector_store %arg18[%swap3A_221], %get3A_220 {strides = array<i32>} : memref<80xi32, #tpu.memory_space<vmem>>, vector<16xi32>,
    %get3A_223 = arith.constant 32 : index
    %get3A_224 = tpu.vector_load %arg17[%get3A_223] {strides = array<i32>} : memref<2560xi32, #tpu.memory_space<vmem>>, vector<16xi32>,
    %swap3A_225 = arith.constant 32 : index
    %swap3A_226 = tpu.vector_load %arg20[%swap3A_225] {strides = array<i32>} : memref<80xi32, #tpu.memory_space<vmem>>, vector<16xi32>,
    tpu.vector_store %arg20[%swap3A_225], %get3A_224 {strides = array<i32>} : memref<80xi32, #tpu.memory_space<vmem>>, vector<16xi32>,
    %get3A_227 = arith.constant 48 : index
    %get3A_228 = tpu.vector_load %arg16[%get3A_227] {strides = array<i32>} : memref<2560xi32, #tpu.memory_space<vmem>>, vector<16xi32>,
    %swap3A_229 = arith.constant 48 : index
    %swap3A_230 = tpu.vector_load %arg18[%swap3A_229] {strides = array<i32>} : memref<80xi32, #tpu.memory_space<vmem>>, vector<16xi32>,
    tpu.vector_store %arg18[%swap3A_229], %get3A_228 {strides = array<i32>} : memref<80xi32, #tpu.memory_space<vmem>>, vector<16xi32>,
    %get3A_231 = arith.constant 48 : index
    %get3A_232 = tpu.vector_load %arg17[%get3A_231] {strides = array<i32>} : memref<2560xi32, #tpu.memory_space<vmem>>, vector<16xi32>,
    %swap3A_233 = arith.constant 48 : index
    %swap3A_234 = tpu.vector_load %arg20[%swap3A_233] {strides = array<i32>} : memref<80xi32, #tpu.memory_space<vmem>>, vector<16xi32>,
    tpu.vector_store %arg20[%swap3A_233], %get3A_232 {strides = array<i32>} : memref<80xi32, #tpu.memory_space<vmem>>, vector<16xi32>,
    %get3A_235 = arith.constant 64 : index
    %get3A_236 = tpu.vector_load %arg16[%get3A_235] {strides = array<i32>} : memref<2560xi32, #tpu.memory_space<vmem>>, vector<16xi32>,
    %swap3A_237 = arith.constant 64 : index
    %swap3A_238 = tpu.vector_load %arg18[%swap3A_237] {strides = array<i32>} : memref<80xi32, #tpu.memory_space<vmem>>, vector<16xi32>,
    tpu.vector_store %arg18[%swap3A_237], %get3A_236 {strides = array<i32>} : memref<80xi32, #tpu.memory_space<vmem>>, vector<16xi32>,
    %get3A_239 = arith.constant 64 : index
    %get3A_240 = tpu.vector_load %arg17[%get3A_239] {strides = array<i32>} : memref<2560xi32, #tpu.memory_space<vmem>>, vector<16xi32>,
    %swap3A_241 = arith.constant 64 : index
    %swap3A_242 = tpu.vector_load %arg20[%swap3A_241] {strides = array<i32>} : memref<80xi32, #tpu.memory_space<vmem>>, vector<16xi32>,
    tpu.vector_store %arg20[%swap3A_241], %get3A_240 {strides = array<i32>} : memref<80xi32, #tpu.memory_space<vmem>>, vector<16xi32>,
    %dma_start3A_243 = arith.constant 0 : i32
    %dma_start3A_244 = arith.constant 0 : i32
    %dma_start3A_245 = tpu.memref_slice %arg7[%dma_start3A_243, %dma_start3A_244] : memref<10000x128xf32, #tpu.memory_space<hbm>> -> memref<10000x128xf32, #tpu.memory_space<hbm>>
    tpu.enqueue_indirect_dma source(%dma_start3A_245 : memref<10000x128xf32, #tpu.memory_space<hbm>>) target(%arg24 : memref<80x128xf32, #tpu.memory_space<vmem>>) offsets(%arg18 : memref<80xi32, #tpu.memory_space<vmem>>) semaphore(%arg26 : memref<!tpu.dma_semaphore, #tpu.memory_space<semaphore_mem>>)
    %scan3A_246 = arith.constant 0 : i32
    %scan3A_247 = arith.constant 16 : i32
    %scan3A_248 = arith.addi %scan3A_246, %scan3A_247 : i32
    %scan3A_249 = arith.constant 1 : i32
    %scan3A_250 = scf.for %scan3A_266 = %scan3A_246 to %scan3A_248 step %scan3A_249 iter_args(%scan3A_267 = %scan3A_194) -> (vector<16xf32>)  : i32 {
      %mul3A_268 = arith.constant 2 : i32
      %mul3A_269 = arith.muli %mul3A_268, %scan3A_266 : i32
      %add3A_270 = arith.constant 96 : i32
      %add3A_271 = arith.addi %add3A_270, %mul3A_269 : i32
      %gt3A = arith.constant 0 : i32
      %gt3A_272 = arith.cmpi sgt, %scan3A_266, %gt3A : i32
      %convert_element_type3A = arith.extui %gt3A_272 : i1 to i32
      %cond3A = arith.constant 0 : i32
      %cond3A_273 = arith.cmpi ne, %convert_element_type3A, %cond3A : i32
      scf.if %cond3A_273 {
        %dma_wait3A_405 = arith.constant 0 : i32
        %dma_wait3A_406 = arith.constant 0 : i32
        %dma_wait3A_407 = tpu.memref_slice %arg32[%dma_wait3A_405, %dma_wait3A_406] : memref<10000x128xf32, #tpu.memory_space<vmem_shared>> -> memref<10000x128xf32, #tpu.memory_space<vmem_shared>>
        tpu.wait_indirect_dma semaphore(%arg29 : memref<!tpu.dma_semaphore, #tpu.memory_space<semaphore_mem>>) src(%arg25 : memref<80x128xf32, #tpu.memory_space<vmem>>) dst(%dma_wait3A_407 : memref<10000x128xf32, #tpu.memory_space<vmem_shared>>)
        %dma_wait3A_408 = arith.constant 0 : i32
        %dma_wait3A_409 = tpu.memref_slice %arg33[%dma_wait3A_408] : memref<10240xf32, #tpu.memory_space<vmem_shared>> -> memref<10240xf32, #tpu.memory_space<vmem_shared>>
        tpu.wait_indirect_dma semaphore(%arg31 : memref<!tpu.dma_semaphore, #tpu.memory_space<semaphore_mem>>) src(%arg23 : memref<80xf32, #tpu.memory_space<vmem>>) dst(%dma_wait3A_409 : memref<10240xf32, #tpu.memory_space<vmem_shared>>)
      } else {
      }
      %mul3A_274 = arith.constant 2 : i32
      %mul3A_275 = arith.muli %mul3A_274, %scan3A_266 : i32
      %add3A_276 = arith.constant 1 : i32
      %add3A_277 = arith.addi %mul3A_275, %add3A_276 : i32
      %mul3A_278 = arith.constant 80 : i32
      %mul3A_279 = arith.muli %add3A_277, %mul3A_278 : i32
      %add3A_280 = arith.constant 0 : i32
      %add3A_281 = arith.addi %mul3A_279, %add3A_280 : i32
      %get3A_282 = arith.index_cast %add3A_281 : i32 to index
      %get3A_283 = tpu.vector_load %arg16[%get3A_282] {strides = array<i32>} : memref<2560xi32, #tpu.memory_space<vmem>>, vector<16xi32>,
      %swap3A_284 = arith.constant 0 : index
      %swap3A_285 = tpu.vector_load %arg19[%swap3A_284] {strides = array<i32>} : memref<80xi32, #tpu.memory_space<vmem>>, vector<16xi32>,
      tpu.vector_store %arg19[%swap3A_284], %get3A_283 {strides = array<i32>} : memref<80xi32, #tpu.memory_space<vmem>>, vector<16xi32>,
      %mul3A_286 = arith.constant 80 : i32
      %mul3A_287 = arith.muli %add3A_277, %mul3A_286 : i32
      %add3A_288 = arith.constant 0 : i32
      %add3A_289 = arith.addi %mul3A_287, %add3A_288 : i32
      %get3A_290 = arith.index_cast %add3A_289 : i32 to index
      %get3A_291 = tpu.vector_load %arg17[%get3A_290] {strides = array<i32>} : memref<2560xi32, #tpu.memory_space<vmem>>, vector<16xi32>,
      %swap3A_292 = arith.constant 0 : index
      %swap3A_293 = tpu.vector_load %arg21[%swap3A_292] {strides = array<i32>} : memref<80xi32, #tpu.memory_space<vmem>>, vector<16xi32>,
      tpu.vector_store %arg21[%swap3A_292], %get3A_291 {strides = array<i32>} : memref<80xi32, #tpu.memory_space<vmem>>, vector<16xi32>,
      %mul3A_294 = arith.constant 80 : i32
      %mul3A_295 = arith.muli %add3A_277, %mul3A_294 : i32
      %add3A_296 = arith.constant 16 : i32
      %add3A_297 = arith.addi %mul3A_295, %add3A_296 : i32
      %get3A_298 = arith.index_cast %add3A_297 : i32 to index
      %get3A_299 = tpu.vector_load %arg16[%get3A_298] {strides = array<i32>} : memref<2560xi32, #tpu.memory_space<vmem>>, vector<16xi32>,
      %swap3A_300 = arith.constant 16 : index
      %swap3A_301 = tpu.vector_load %arg19[%swap3A_300] {strides = array<i32>} : memref<80xi32, #tpu.memory_space<vmem>>, vector<16xi32>,
      tpu.vector_store %arg19[%swap3A_300], %get3A_299 {strides = array<i32>} : memref<80xi32, #tpu.memory_space<vmem>>, vector<16xi32>,
      %mul3A_302 = arith.constant 80 : i32
      %mul3A_303 = arith.muli %add3A_277, %mul3A_302 : i32
      %add3A_304 = arith.constant 16 : i32
      %add3A_305 = arith.addi %mul3A_303, %add3A_304 : i32
      %get3A_306 = arith.index_cast %add3A_305 : i32 to index
      %get3A_307 = tpu.vector_load %arg17[%get3A_306] {strides = array<i32>} : memref<2560xi32, #tpu.memory_space<vmem>>, vector<16xi32>,
      %swap3A_308 = arith.constant 16 : index
      %swap3A_309 = tpu.vector_load %arg21[%swap3A_308] {strides = array<i32>} : memref<80xi32, #tpu.memory_space<vmem>>, vector<16xi32>,
      tpu.vector_store %arg21[%swap3A_308], %get3A_307 {strides = array<i32>} : memref<80xi32, #tpu.memory_space<vmem>>, vector<16xi32>,
      %mul3A_310 = arith.constant 80 : i32
      %mul3A_311 = arith.muli %add3A_277, %mul3A_310 : i32
      %add3A_312 = arith.constant 32 : i32
      %add3A_313 = arith.addi %mul3A_311, %add3A_312 : i32
      %get3A_314 = arith.index_cast %add3A_313 : i32 to index
      %get3A_315 = tpu.vector_load %arg16[%get3A_314] {strides = array<i32>} : memref<2560xi32, #tpu.memory_space<vmem>>, vector<16xi32>,
      %swap3A_316 = arith.constant 32 : index
      %swap3A_317 = tpu.vector_load %arg19[%swap3A_316] {strides = array<i32>} : memref<80xi32, #tpu.memory_space<vmem>>, vector<16xi32>,
      tpu.vector_store %arg19[%swap3A_316], %get3A_315 {strides = array<i32>} : memref<80xi32, #tpu.memory_space<vmem>>, vector<16xi32>,
      %mul3A_318 = arith.constant 80 : i32
      %mul3A_319 = arith.muli %add3A_277, %mul3A_318 : i32
      %add3A_320 = arith.constant 32 : i32
      %add3A_321 = arith.addi %mul3A_319, %add3A_320 : i32
      %get3A_322 = arith.index_cast %add3A_321 : i32 to index
      %get3A_323 = tpu.vector_load %arg17[%get3A_322] {strides = array<i32>} : memref<2560xi32, #tpu.memory_space<vmem>>, vector<16xi32>,
      %swap3A_324 = arith.constant 32 : index
      %swap3A_325 = tpu.vector_load %arg21[%swap3A_324] {strides = array<i32>} : memref<80xi32, #tpu.memory_space<vmem>>, vector<16xi32>,
      tpu.vector_store %arg21[%swap3A_324], %get3A_323 {strides = array<i32>} : memref<80xi32, #tpu.memory_space<vmem>>, vector<16xi32>,
      %mul3A_326 = arith.constant 80 : i32
      %mul3A_327 = arith.muli %add3A_277, %mul3A_326 : i32
      %add3A_328 = arith.constant 48 : i32
      %add3A_329 = arith.addi %mul3A_327, %add3A_328 : i32
      %get3A_330 = arith.index_cast %add3A_329 : i32 to index
      %get3A_331 = tpu.vector_load %arg16[%get3A_330] {strides = array<i32>} : memref<2560xi32, #tpu.memory_space<vmem>>, vector<16xi32>,
      %swap3A_332 = arith.constant 48 : index
      %swap3A_333 = tpu.vector_load %arg19[%swap3A_332] {strides = array<i32>} : memref<80xi32, #tpu.memory_space<vmem>>, vector<16xi32>,
      tpu.vector_store %arg19[%swap3A_332], %get3A_331 {strides = array<i32>} : memref<80xi32, #tpu.memory_space<vmem>>, vector<16xi32>,
      %mul3A_334 = arith.constant 80 : i32
      %mul3A_335 = arith.muli %add3A_277, %mul3A_334 : i32
      %add3A_336 = arith.constant 48 : i32
      %add3A_337 = arith.addi %mul3A_335, %add3A_336 : i32
      %get3A_338 = arith.index_cast %add3A_337 : i32 to index
      %get3A_339 = tpu.vector_load %arg17[%get3A_338] {strides = array<i32>} : memref<2560xi32, #tpu.memory_space<vmem>>, vector<16xi32>,
      %swap3A_340 = arith.constant 48 : index
      %swap3A_341 = tpu.vector_load %arg21[%swap3A_340] {strides = array<i32>} : memref<80xi32, #tpu.memory_space<vmem>>, vector<16xi32>,
      tpu.vector_store %arg21[%swap3A_340], %get3A_339 {strides = array<i32>} : memref<80xi32, #tpu.memory_space<vmem>>, vector<16xi32>,
      %mul3A_342 = arith.constant 80 : i32
      %mul3A_343 = arith.muli %add3A_277, %mul3A_342 : i32
      %add3A_344 = arith.constant 64 : i32
      %add3A_345 = arith.addi %mul3A_343, %add3A_344 : i32
      %get3A_346 = arith.index_cast %add3A_345 : i32 to index
      %get3A_347 = tpu.vector_load %arg16[%get3A_346] {strides = array<i32>} : memref<2560xi32, #tpu.memory_space<vmem>>, vector<16xi32>,
      %swap3A_348 = arith.constant 64 : index
      %swap3A_349 = tpu.vector_load %arg19[%swap3A_348] {strides = array<i32>} : memref<80xi32, #tpu.memory_space<vmem>>, vector<16xi32>,
      tpu.vector_store %arg19[%swap3A_348], %get3A_347 {strides = array<i32>} : memref<80xi32, #tpu.memory_space<vmem>>, vector<16xi32>,
      %mul3A_350 = arith.constant 80 : i32
      %mul3A_351 = arith.muli %add3A_277, %mul3A_350 : i32
      %add3A_352 = arith.constant 64 : i32
      %add3A_353 = arith.addi %mul3A_351, %add3A_352 : i32
      %get3A_354 = arith.index_cast %add3A_353 : i32 to index
      %get3A_355 = tpu.vector_load %arg17[%get3A_354] {strides = array<i32>} : memref<2560xi32, #tpu.memory_space<vmem>>, vector<16xi32>,
      %swap3A_356 = arith.constant 64 : index
      %swap3A_357 = tpu.vector_load %arg21[%swap3A_356] {strides = array<i32>} : memref<80xi32, #tpu.memory_space<vmem>>, vector<16xi32>,
      tpu.vector_store %arg21[%swap3A_356], %get3A_355 {strides = array<i32>} : memref<80xi32, #tpu.memory_space<vmem>>, vector<16xi32>,
      %dma_start3A_358 = arith.constant 0 : i32
      %dma_start3A_359 = arith.constant 0 : i32
      %dma_start3A_360 = tpu.memref_slice %arg7[%dma_start3A_358, %dma_start3A_359] : memref<10000x128xf32, #tpu.memory_space<hbm>> -> memref<10000x128xf32, #tpu.memory_space<hbm>>
      tpu.enqueue_indirect_dma source(%dma_start3A_360 : memref<10000x128xf32, #tpu.memory_space<hbm>>) target(%arg25 : memref<80x128xf32, #tpu.memory_space<vmem>>) offsets(%arg19 : memref<80xi32, #tpu.memory_space<vmem>>) semaphore(%arg27 : memref<!tpu.dma_semaphore, #tpu.memory_space<semaphore_mem>>)
      %scan3A_361 = arith.constant 0 : i32
      %scan3A_362 = arith.constant 5 : i32
      %scan3A_363 = arith.addi %scan3A_361, %scan3A_362 : i32
      %scan3A_364 = arith.constant 1 : i32
      %scan3A_365 = scf.for %scan3A_405 = %scan3A_361 to %scan3A_363 step %scan3A_364 iter_args(%scan3A_406 = %scan3A_267) -> (vector<16xf32>)  : i32 {
        %mul3A_407 = arith.constant 16 : i32
        %mul3A_408 = arith.muli %scan3A_405, %mul3A_407 : i32
        %get3A_409 = arith.index_cast %mul3A_408 : i32 to index
        %get3A_410 = tpu.vector_load %arg18[%get3A_409] {strides = array<i32>} : memref<80xi32, #tpu.memory_space<vmem>>, vector<16xi32>,
        %mul3A_411 = arith.constant 16 : i32
        %mul3A_412 = arith.muli %scan3A_405, %mul3A_411 : i32
        %get3A_413 = arith.index_cast %mul3A_412 : i32 to index
        %get3A_414 = tpu.vector_load %arg20[%get3A_413] {strides = array<i32>} : memref<80xi32, #tpu.memory_space<vmem>>, vector<16xi32>,
        %gather3A = tpu.vector_load_idx %arg11[%get3A_410] : memref<10000xf32, #tpu.memory_space<vmem>>[vector<16xi32>], vector<16xf32>,
        %gather3A_415 = tpu.vector_load_idx %arg12[%get3A_414] : memref<10000xf32, #tpu.memory_space<vmem>>[vector<16xi32>], vector<16xf32>,
        %add3A_416 = arith.addf %gather3A, %gather3A_415 : vector<16xf32>
        %gt3A_417 = arith.constant 0.000000e+00 : f32
        %gt3A_418 = vector.broadcast %gt3A_417 : f32 to vector<16xf32>
        %gt3A_419 = arith.cmpf ogt, %add3A_416, %gt3A_418 : vector<16xf32>
        %mul3A_420 = arith.constant 0.00999999977 : f32
        %mul3A_421 = vector.broadcast %mul3A_420 : f32 to vector<16xf32>
        %mul3A_422 = arith.mulf %mul3A_421, %add3A_416 : vector<16xf32>
        %select_n3A = arith.select %gt3A_419, %add3A_416, %mul3A_422 : vector<16xi1>, vector<16xf32>
        %sub3A = arith.subf %select_n3A, %get3A_32 : vector<16xf32>
        %exp3A = math.exp %sub3A : vector<16xf32>
        %mul3A_423 = arith.constant 80 : i32
        %mul3A_424 = arith.muli %add3A_271, %mul3A_423 : i32
        %add3A_425 = arith.addi %mul3A_34, %mul3A_424 : i32
        %mul3A_426 = arith.constant 16 : i32
        %mul3A_427 = arith.muli %scan3A_405, %mul3A_426 : i32
        %add3A_428 = arith.addi %add3A_425, %mul3A_427 : i32
        %iota3A = tpu.iota {dimensions = array<i32: 0>} : vector<16xi32>
        %add3A_429 = vector.broadcast %add3A_428 : i32 to vector<16xi32>
        %add3A_430 = arith.addi %add3A_429, %iota3A : vector<16xi32>
        %lt3A_431 = arith.constant 320000 : i32
        %lt3A_432 = vector.broadcast %lt3A_431 : i32 to vector<16xi32>
        %lt3A_433 = arith.cmpi slt, %add3A_430, %lt3A_432 : vector<16xi32>
        %jit3A = arith.constant 0.000000e+00 : f32
        %broadcast_in_dim3A_434 = vector.broadcast %jit3A : f32 to vector<16xf32>
        %select_n3A_435 = arith.select %lt3A_433, %exp3A, %broadcast_in_dim3A_434 : vector<16xi1>, vector<16xf32>
        %mul3A_436 = arith.constant 16 : i32
        %mul3A_437 = arith.muli %scan3A_405, %mul3A_436 : i32
        %swap3A_438 = arith.index_cast %mul3A_437 : i32 to index
        %swap3A_439 = tpu.vector_load %arg22[%swap3A_438] {strides = array<i32>} : memref<80xf32, #tpu.memory_space<vmem>>, vector<16xf32>,
        tpu.vector_store %arg22[%swap3A_438], %select_n3A_435 {strides = array<i32>} : memref<80xf32, #tpu.memory_space<vmem>>, vector<16xf32>,
        %max3A = arith.maximumf %scan3A_406, %select_n3A_435 : vector<16xf32>
        scf.yield %max3A : vector<16xf32>
      }
      %scan3A_366 = arith.constant 5 : i32
      %dma_wait3A_367 = arith.constant 0 : i32
      %dma_wait3A_368 = arith.constant 0 : i32
      %dma_wait3A_369 = tpu.memref_slice %arg7[%dma_wait3A_367, %dma_wait3A_368] : memref<10000x128xf32, #tpu.memory_space<hbm>> -> memref<10000x128xf32, #tpu.memory_space<hbm>>
      tpu.wait_indirect_dma semaphore(%arg26 : memref<!tpu.dma_semaphore, #tpu.memory_space<semaphore_mem>>) src(%dma_wait3A_369 : memref<10000x128xf32, #tpu.memory_space<hbm>>) dst(%arg24 : memref<80x128xf32, #tpu.memory_space<vmem>>)
      %parallel_loop3A = arith.constant 0 : i32
      %parallel_loop3A_370 = arith.constant 80 : i32
      %parallel_loop3A_371 = arith.constant 1 : i32
      scf.for %parallel_loop3A_405 = %parallel_loop3A to %parallel_loop3A_370 step %parallel_loop3A_371  : i32 {
        %parallel_loop3A_406 = vector.broadcast %parallel_loop3A_405 : i32 to vector<16xi32>
        %parallel_loop3A_407 = tpu.vector_load_idx %arg22[%parallel_loop3A_406] : memref<80xf32, #tpu.memory_space<vmem>>[vector<16xi32>], vector<16xf32>,
        %parallel_loop3A_408 = arith.index_cast %parallel_loop3A_405 : i32 to index
        %parallel_loop3A_409 = arith.constant 0 : index
        %parallel_loop3A_410 = tpu.vector_load %arg24[%parallel_loop3A_408, %parallel_loop3A_409] {strides = array<i32>} : memref<80x128xf32, #tpu.memory_space<vmem>>, vector<16xf32>,
        %parallel_loop3A_411 = arith.mulf %parallel_loop3A_410, %parallel_loop3A_407 : vector<16xf32>
        %parallel_loop3A_412 = arith.index_cast %parallel_loop3A_405 : i32 to index
        %parallel_loop3A_413 = arith.constant 0 : index
        %parallel_loop3A_414 = tpu.vector_load %arg24[%parallel_loop3A_412, %parallel_loop3A_413] {strides = array<i32>} : memref<80x128xf32, #tpu.memory_space<vmem>>, vector<16xf32>,
        tpu.vector_store %arg24[%parallel_loop3A_412, %parallel_loop3A_413], %parallel_loop3A_411 {strides = array<i32>} : memref<80x128xf32, #tpu.memory_space<vmem>>, vector<16xf32>,
        %parallel_loop3A_415 = arith.index_cast %parallel_loop3A_405 : i32 to index
        %parallel_loop3A_416 = arith.constant 16 : index
        %parallel_loop3A_417 = tpu.vector_load %arg24[%parallel_loop3A_415, %parallel_loop3A_416] {strides = array<i32>} : memref<80x128xf32, #tpu.memory_space<vmem>>, vector<16xf32>,
        %parallel_loop3A_418 = arith.mulf %parallel_loop3A_417, %parallel_loop3A_407 : vector<16xf32>
        %parallel_loop3A_419 = arith.index_cast %parallel_loop3A_405 : i32 to index
        %parallel_loop3A_420 = arith.constant 16 : index
        %parallel_loop3A_421 = tpu.vector_load %arg24[%parallel_loop3A_419, %parallel_loop3A_420] {strides = array<i32>} : memref<80x128xf32, #tpu.memory_space<vmem>>, vector<16xf32>,
        tpu.vector_store %arg24[%parallel_loop3A_419, %parallel_loop3A_420], %parallel_loop3A_418 {strides = array<i32>} : memref<80x128xf32, #tpu.memory_space<vmem>>, vector<16xf32>,
        %parallel_loop3A_422 = arith.index_cast %parallel_loop3A_405 : i32 to index
        %parallel_loop3A_423 = arith.constant 32 : index
        %parallel_loop3A_424 = tpu.vector_load %arg24[%parallel_loop3A_422, %parallel_loop3A_423] {strides = array<i32>} : memref<80x128xf32, #tpu.memory_space<vmem>>, vector<16xf32>,
        %parallel_loop3A_425 = arith.mulf %parallel_loop3A_424, %parallel_loop3A_407 : vector<16xf32>
        %parallel_loop3A_426 = arith.index_cast %parallel_loop3A_405 : i32 to index
        %parallel_loop3A_427 = arith.constant 32 : index
        %parallel_loop3A_428 = tpu.vector_load %arg24[%parallel_loop3A_426, %parallel_loop3A_427] {strides = array<i32>} : memref<80x128xf32, #tpu.memory_space<vmem>>, vector<16xf32>,
        tpu.vector_store %arg24[%parallel_loop3A_426, %parallel_loop3A_427], %parallel_loop3A_425 {strides = array<i32>} : memref<80x128xf32, #tpu.memory_space<vmem>>, vector<16xf32>,
        %parallel_loop3A_429 = arith.index_cast %parallel_loop3A_405 : i32 to index
        %parallel_loop3A_430 = arith.constant 48 : index
        %parallel_loop3A_431 = tpu.vector_load %arg24[%parallel_loop3A_429, %parallel_loop3A_430] {strides = array<i32>} : memref<80x128xf32, #tpu.memory_space<vmem>>, vector<16xf32>,
        %parallel_loop3A_432 = arith.mulf %parallel_loop3A_431, %parallel_loop3A_407 : vector<16xf32>
        %parallel_loop3A_433 = arith.index_cast %parallel_loop3A_405 : i32 to index
        %parallel_loop3A_434 = arith.constant 48 : index
        %parallel_loop3A_435 = tpu.vector_load %arg24[%parallel_loop3A_433, %parallel_loop3A_434] {strides = array<i32>} : memref<80x128xf32, #tpu.memory_space<vmem>>, vector<16xf32>,
        tpu.vector_store %arg24[%parallel_loop3A_433, %parallel_loop3A_434], %parallel_loop3A_432 {strides = array<i32>} : memref<80x128xf32, #tpu.memory_space<vmem>>, vector<16xf32>,
        %parallel_loop3A_436 = arith.index_cast %parallel_loop3A_405 : i32 to index
        %parallel_loop3A_437 = arith.constant 64 : index
        %parallel_loop3A_438 = tpu.vector_load %arg24[%parallel_loop3A_436, %parallel_loop3A_437] {strides = array<i32>} : memref<80x128xf32, #tpu.memory_space<vmem>>, vector<16xf32>,
        %parallel_loop3A_439 = arith.mulf %parallel_loop3A_438, %parallel_loop3A_407 : vector<16xf32>
        %parallel_loop3A_440 = arith.index_cast %parallel_loop3A_405 : i32 to index
        %parallel_loop3A_441 = arith.constant 64 : index
        %parallel_loop3A_442 = tpu.vector_load %arg24[%parallel_loop3A_440, %parallel_loop3A_441] {strides = array<i32>} : memref<80x128xf32, #tpu.memory_space<vmem>>, vector<16xf32>,
        tpu.vector_store %arg24[%parallel_loop3A_440, %parallel_loop3A_441], %parallel_loop3A_439 {strides = array<i32>} : memref<80x128xf32, #tpu.memory_space<vmem>>, vector<16xf32>,
        %parallel_loop3A_443 = arith.index_cast %parallel_loop3A_405 : i32 to index
        %parallel_loop3A_444 = arith.constant 80 : index
        %parallel_loop3A_445 = tpu.vector_load %arg24[%parallel_loop3A_443, %parallel_loop3A_444] {strides = array<i32>} : memref<80x128xf32, #tpu.memory_space<vmem>>, vector<16xf32>,
        %parallel_loop3A_446 = arith.mulf %parallel_loop3A_445, %parallel_loop3A_407 : vector<16xf32>
        %parallel_loop3A_447 = arith.index_cast %parallel_loop3A_405 : i32 to index
        %parallel_loop3A_448 = arith.constant 80 : index
        %parallel_loop3A_449 = tpu.vector_load %arg24[%parallel_loop3A_447, %parallel_loop3A_448] {strides = array<i32>} : memref<80x128xf32, #tpu.memory_space<vmem>>, vector<16xf32>,
        tpu.vector_store %arg24[%parallel_loop3A_447, %parallel_loop3A_448], %parallel_loop3A_446 {strides = array<i32>} : memref<80x128xf32, #tpu.memory_space<vmem>>, vector<16xf32>,
        %parallel_loop3A_450 = arith.index_cast %parallel_loop3A_405 : i32 to index
        %parallel_loop3A_451 = arith.constant 96 : index
        %parallel_loop3A_452 = tpu.vector_load %arg24[%parallel_loop3A_450, %parallel_loop3A_451] {strides = array<i32>} : memref<80x128xf32, #tpu.memory_space<vmem>>, vector<16xf32>,
        %parallel_loop3A_453 = arith.mulf %parallel_loop3A_452, %parallel_loop3A_407 : vector<16xf32>
        %parallel_loop3A_454 = arith.index_cast %parallel_loop3A_405 : i32 to index
        %parallel_loop3A_455 = arith.constant 96 : index
        %parallel_loop3A_456 = tpu.vector_load %arg24[%parallel_loop3A_454, %parallel_loop3A_455] {strides = array<i32>} : memref<80x128xf32, #tpu.memory_space<vmem>>, vector<16xf32>,
        tpu.vector_store %arg24[%parallel_loop3A_454, %parallel_loop3A_455], %parallel_loop3A_453 {strides = array<i32>} : memref<80x128xf32, #tpu.memory_space<vmem>>, vector<16xf32>,
        %parallel_loop3A_457 = arith.index_cast %parallel_loop3A_405 : i32 to index
        %parallel_loop3A_458 = arith.constant 112 : index
        %parallel_loop3A_459 = tpu.vector_load %arg24[%parallel_loop3A_457, %parallel_loop3A_458] {strides = array<i32>} : memref<80x128xf32, #tpu.memory_space<vmem>>, vector<16xf32>,
        %parallel_loop3A_460 = arith.mulf %parallel_loop3A_459, %parallel_loop3A_407 : vector<16xf32>
        %parallel_loop3A_461 = arith.index_cast %parallel_loop3A_405 : i32 to index
        %parallel_loop3A_462 = arith.constant 112 : index
        %parallel_loop3A_463 = tpu.vector_load %arg24[%parallel_loop3A_461, %parallel_loop3A_462] {strides = array<i32>} : memref<80x128xf32, #tpu.memory_space<vmem>>, vector<16xf32>,
        tpu.vector_store %arg24[%parallel_loop3A_461, %parallel_loop3A_462], %parallel_loop3A_460 {strides = array<i32>} : memref<80x128xf32, #tpu.memory_space<vmem>>, vector<16xf32>,
      } {sc.loop_unroll_factor = 4 : i64, sc.parallel_access}
      %dma_start3A_372 = arith.constant 0 : i32
      %dma_start3A_373 = arith.constant 0 : i32
      %dma_start3A_374 = tpu.memref_slice %arg32[%dma_start3A_372, %dma_start3A_373] : memref<10000x128xf32, #tpu.memory_space<vmem_shared>> -> memref<10000x128xf32, #tpu.memory_space<vmem_shared>>
      tpu.enqueue_indirect_dma source(%arg24 : memref<80x128xf32, #tpu.memory_space<vmem>>) target(%dma_start3A_374 : memref<10000x128xf32, #tpu.memory_space<vmem_shared>>) offsets(%arg20 : memref<80xi32, #tpu.memory_space<vmem>>) semaphore(%arg28 : memref<!tpu.dma_semaphore, #tpu.memory_space<semaphore_mem>>) {add = true}
      %dma_start3A_375 = arith.constant 0 : i32
      %dma_start3A_376 = tpu.memref_slice %arg33[%dma_start3A_375] : memref<10240xf32, #tpu.memory_space<vmem_shared>> -> memref<10240xf32, #tpu.memory_space<vmem_shared>>
      tpu.enqueue_indirect_dma source(%arg22 : memref<80xf32, #tpu.memory_space<vmem>>) target(%dma_start3A_376 : memref<10240xf32, #tpu.memory_space<vmem_shared>>) offsets(%arg20 : memref<80xi32, #tpu.memory_space<vmem>>) semaphore(%arg30 : memref<!tpu.dma_semaphore, #tpu.memory_space<semaphore_mem>>) {add = true}
      %add3A_377 = arith.constant 1 : i32
      %add3A_378 = arith.addi %add3A_271, %add3A_377 : i32
      %scan3A_379 = arith.constant 0 : i32
      %scan3A_380 = arith.constant 5 : i32
      %scan3A_381 = arith.addi %scan3A_379, %scan3A_380 : i32
      %scan3A_382 = arith.constant 1 : i32
      %scan3A_383 = scf.for %scan3A_405 = %scan3A_379 to %scan3A_381 step %scan3A_382 iter_args(%scan3A_406 = %scan3A_365) -> (vector<16xf32>)  : i32 {
        %mul3A_407 = arith.constant 16 : i32
        %mul3A_408 = arith.muli %scan3A_405, %mul3A_407 : i32
        %get3A_409 = arith.index_cast %mul3A_408 : i32 to index
        %get3A_410 = tpu.vector_load %arg19[%get3A_409] {strides = array<i32>} : memref<80xi32, #tpu.memory_space<vmem>>, vector<16xi32>,
        %mul3A_411 = arith.constant 16 : i32
        %mul3A_412 = arith.muli %scan3A_405, %mul3A_411 : i32
        %get3A_413 = arith.index_cast %mul3A_412 : i32 to index
        %get3A_414 = tpu.vector_load %arg21[%get3A_413] {strides = array<i32>} : memref<80xi32, #tpu.memory_space<vmem>>, vector<16xi32>,
        %gather3A = tpu.vector_load_idx %arg11[%get3A_410] : memref<10000xf32, #tpu.memory_space<vmem>>[vector<16xi32>], vector<16xf32>,
        %gather3A_415 = tpu.vector_load_idx %arg12[%get3A_414] : memref<10000xf32, #tpu.memory_space<vmem>>[vector<16xi32>], vector<16xf32>,
        %add3A_416 = arith.addf %gather3A, %gather3A_415 : vector<16xf32>
        %gt3A_417 = arith.constant 0.000000e+00 : f32
        %gt3A_418 = vector.broadcast %gt3A_417 : f32 to vector<16xf32>
        %gt3A_419 = arith.cmpf ogt, %add3A_416, %gt3A_418 : vector<16xf32>
        %mul3A_420 = arith.constant 0.00999999977 : f32
        %mul3A_421 = vector.broadcast %mul3A_420 : f32 to vector<16xf32>
        %mul3A_422 = arith.mulf %mul3A_421, %add3A_416 : vector<16xf32>
        %select_n3A = arith.select %gt3A_419, %add3A_416, %mul3A_422 : vector<16xi1>, vector<16xf32>
        %sub3A = arith.subf %select_n3A, %get3A_32 : vector<16xf32>
        %exp3A = math.exp %sub3A : vector<16xf32>
        %mul3A_423 = arith.constant 80 : i32
        %mul3A_424 = arith.muli %add3A_378, %mul3A_423 : i32
        %add3A_425 = arith.addi %mul3A_34, %mul3A_424 : i32
        %mul3A_426 = arith.constant 16 : i32
        %mul3A_427 = arith.muli %scan3A_405, %mul3A_426 : i32
        %add3A_428 = arith.addi %add3A_425, %mul3A_427 : i32
        %iota3A = tpu.iota {dimensions = array<i32: 0>} : vector<16xi32>
        %add3A_429 = vector.broadcast %add3A_428 : i32 to vector<16xi32>
        %add3A_430 = arith.addi %add3A_429, %iota3A : vector<16xi32>
        %lt3A_431 = arith.constant 320000 : i32
        %lt3A_432 = vector.broadcast %lt3A_431 : i32 to vector<16xi32>
        %lt3A_433 = arith.cmpi slt, %add3A_430, %lt3A_432 : vector<16xi32>
        %jit3A = arith.constant 0.000000e+00 : f32
        %broadcast_in_dim3A_434 = vector.broadcast %jit3A : f32 to vector<16xf32>
        %select_n3A_435 = arith.select %lt3A_433, %exp3A, %broadcast_in_dim3A_434 : vector<16xi1>, vector<16xf32>
        %mul3A_436 = arith.constant 16 : i32
        %mul3A_437 = arith.muli %scan3A_405, %mul3A_436 : i32
        %swap3A_438 = arith.index_cast %mul3A_437 : i32 to index
        %swap3A_439 = tpu.vector_load %arg23[%swap3A_438] {strides = array<i32>} : memref<80xf32, #tpu.memory_space<vmem>>, vector<16xf32>,
        tpu.vector_store %arg23[%swap3A_438], %select_n3A_435 {strides = array<i32>} : memref<80xf32, #tpu.memory_space<vmem>>, vector<16xf32>,
        %max3A = arith.maximumf %scan3A_406, %select_n3A_435 : vector<16xf32>
        scf.yield %max3A : vector<16xf32>
      }
      %scan3A_384 = arith.constant 5 : i32
      %dma_wait3A_385 = arith.constant 0 : i32
      %dma_wait3A_386 = arith.constant 0 : i32
      %dma_wait3A_387 = tpu.memref_slice %arg7[%dma_wait3A_385, %dma_wait3A_386] : memref<10000x128xf32, #tpu.memory_space<hbm>> -> memref<10000x128xf32, #tpu.memory_space<hbm>>
      tpu.wait_indirect_dma semaphore(%arg27 : memref<!tpu.dma_semaphore, #tpu.memory_space<semaphore_mem>>) src(%dma_wait3A_387 : memref<10000x128xf32, #tpu.memory_space<hbm>>) dst(%arg25 : memref<80x128xf32, #tpu.memory_space<vmem>>)
      %parallel_loop3A_388 = arith.constant 0 : i32
      %parallel_loop3A_389 = arith.constant 80 : i32
      %parallel_loop3A_390 = arith.constant 1 : i32
      scf.for %parallel_loop3A_405 = %parallel_loop3A_388 to %parallel_loop3A_389 step %parallel_loop3A_390  : i32 {
        %parallel_loop3A_406 = vector.broadcast %parallel_loop3A_405 : i32 to vector<16xi32>
        %parallel_loop3A_407 = tpu.vector_load_idx %arg23[%parallel_loop3A_406] : memref<80xf32, #tpu.memory_space<vmem>>[vector<16xi32>], vector<16xf32>,
        %parallel_loop3A_408 = arith.index_cast %parallel_loop3A_405 : i32 to index
        %parallel_loop3A_409 = arith.constant 0 : index
        %parallel_loop3A_410 = tpu.vector_load %arg25[%parallel_loop3A_408, %parallel_loop3A_409] {strides = array<i32>} : memref<80x128xf32, #tpu.memory_space<vmem>>, vector<16xf32>,
        %parallel_loop3A_411 = arith.mulf %parallel_loop3A_410, %parallel_loop3A_407 : vector<16xf32>
        %parallel_loop3A_412 = arith.index_cast %parallel_loop3A_405 : i32 to index
        %parallel_loop3A_413 = arith.constant 0 : index
        %parallel_loop3A_414 = tpu.vector_load %arg25[%parallel_loop3A_412, %parallel_loop3A_413] {strides = array<i32>} : memref<80x128xf32, #tpu.memory_space<vmem>>, vector<16xf32>,
        tpu.vector_store %arg25[%parallel_loop3A_412, %parallel_loop3A_413], %parallel_loop3A_411 {strides = array<i32>} : memref<80x128xf32, #tpu.memory_space<vmem>>, vector<16xf32>,
        %parallel_loop3A_415 = arith.index_cast %parallel_loop3A_405 : i32 to index
        %parallel_loop3A_416 = arith.constant 16 : index
        %parallel_loop3A_417 = tpu.vector_load %arg25[%parallel_loop3A_415, %parallel_loop3A_416] {strides = array<i32>} : memref<80x128xf32, #tpu.memory_space<vmem>>, vector<16xf32>,
        %parallel_loop3A_418 = arith.mulf %parallel_loop3A_417, %parallel_loop3A_407 : vector<16xf32>
        %parallel_loop3A_419 = arith.index_cast %parallel_loop3A_405 : i32 to index
        %parallel_loop3A_420 = arith.constant 16 : index
        %parallel_loop3A_421 = tpu.vector_load %arg25[%parallel_loop3A_419, %parallel_loop3A_420] {strides = array<i32>} : memref<80x128xf32, #tpu.memory_space<vmem>>, vector<16xf32>,
        tpu.vector_store %arg25[%parallel_loop3A_419, %parallel_loop3A_420], %parallel_loop3A_418 {strides = array<i32>} : memref<80x128xf32, #tpu.memory_space<vmem>>, vector<16xf32>,
        %parallel_loop3A_422 = arith.index_cast %parallel_loop3A_405 : i32 to index
        %parallel_loop3A_423 = arith.constant 32 : index
        %parallel_loop3A_424 = tpu.vector_load %arg25[%parallel_loop3A_422, %parallel_loop3A_423] {strides = array<i32>} : memref<80x128xf32, #tpu.memory_space<vmem>>, vector<16xf32>,
        %parallel_loop3A_425 = arith.mulf %parallel_loop3A_424, %parallel_loop3A_407 : vector<16xf32>
        %parallel_loop3A_426 = arith.index_cast %parallel_loop3A_405 : i32 to index
        %parallel_loop3A_427 = arith.constant 32 : index
        %parallel_loop3A_428 = tpu.vector_load %arg25[%parallel_loop3A_426, %parallel_loop3A_427] {strides = array<i32>} : memref<80x128xf32, #tpu.memory_space<vmem>>, vector<16xf32>,
        tpu.vector_store %arg25[%parallel_loop3A_426, %parallel_loop3A_427], %parallel_loop3A_425 {strides = array<i32>} : memref<80x128xf32, #tpu.memory_space<vmem>>, vector<16xf32>,
        %parallel_loop3A_429 = arith.index_cast %parallel_loop3A_405 : i32 to index
        %parallel_loop3A_430 = arith.constant 48 : index
        %parallel_loop3A_431 = tpu.vector_load %arg25[%parallel_loop3A_429, %parallel_loop3A_430] {strides = array<i32>} : memref<80x128xf32, #tpu.memory_space<vmem>>, vector<16xf32>,
        %parallel_loop3A_432 = arith.mulf %parallel_loop3A_431, %parallel_loop3A_407 : vector<16xf32>
        %parallel_loop3A_433 = arith.index_cast %parallel_loop3A_405 : i32 to index
        %parallel_loop3A_434 = arith.constant 48 : index
        %parallel_loop3A_435 = tpu.vector_load %arg25[%parallel_loop3A_433, %parallel_loop3A_434] {strides = array<i32>} : memref<80x128xf32, #tpu.memory_space<vmem>>, vector<16xf32>,
        tpu.vector_store %arg25[%parallel_loop3A_433, %parallel_loop3A_434], %parallel_loop3A_432 {strides = array<i32>} : memref<80x128xf32, #tpu.memory_space<vmem>>, vector<16xf32>,
        %parallel_loop3A_436 = arith.index_cast %parallel_loop3A_405 : i32 to index
        %parallel_loop3A_437 = arith.constant 64 : index
        %parallel_loop3A_438 = tpu.vector_load %arg25[%parallel_loop3A_436, %parallel_loop3A_437] {strides = array<i32>} : memref<80x128xf32, #tpu.memory_space<vmem>>, vector<16xf32>,
        %parallel_loop3A_439 = arith.mulf %parallel_loop3A_438, %parallel_loop3A_407 : vector<16xf32>
        %parallel_loop3A_440 = arith.index_cast %parallel_loop3A_405 : i32 to index
        %parallel_loop3A_441 = arith.constant 64 : index
        %parallel_loop3A_442 = tpu.vector_load %arg25[%parallel_loop3A_440, %parallel_loop3A_441] {strides = array<i32>} : memref<80x128xf32, #tpu.memory_space<vmem>>, vector<16xf32>,
        tpu.vector_store %arg25[%parallel_loop3A_440, %parallel_loop3A_441], %parallel_loop3A_439 {strides = array<i32>} : memref<80x128xf32, #tpu.memory_space<vmem>>, vector<16xf32>,
        %parallel_loop3A_443 = arith.index_cast %parallel_loop3A_405 : i32 to index
        %parallel_loop3A_444 = arith.constant 80 : index
        %parallel_loop3A_445 = tpu.vector_load %arg25[%parallel_loop3A_443, %parallel_loop3A_444] {strides = array<i32>} : memref<80x128xf32, #tpu.memory_space<vmem>>, vector<16xf32>,
        %parallel_loop3A_446 = arith.mulf %parallel_loop3A_445, %parallel_loop3A_407 : vector<16xf32>
        %parallel_loop3A_447 = arith.index_cast %parallel_loop3A_405 : i32 to index
        %parallel_loop3A_448 = arith.constant 80 : index
        %parallel_loop3A_449 = tpu.vector_load %arg25[%parallel_loop3A_447, %parallel_loop3A_448] {strides = array<i32>} : memref<80x128xf32, #tpu.memory_space<vmem>>, vector<16xf32>,
        tpu.vector_store %arg25[%parallel_loop3A_447, %parallel_loop3A_448], %parallel_loop3A_446 {strides = array<i32>} : memref<80x128xf32, #tpu.memory_space<vmem>>, vector<16xf32>,
        %parallel_loop3A_450 = arith.index_cast %parallel_loop3A_405 : i32 to index
        %parallel_loop3A_451 = arith.constant 96 : index
        %parallel_loop3A_452 = tpu.vector_load %arg25[%parallel_loop3A_450, %parallel_loop3A_451] {strides = array<i32>} : memref<80x128xf32, #tpu.memory_space<vmem>>, vector<16xf32>,
        %parallel_loop3A_453 = arith.mulf %parallel_loop3A_452, %parallel_loop3A_407 : vector<16xf32>
        %parallel_loop3A_454 = arith.index_cast %parallel_loop3A_405 : i32 to index
        %parallel_loop3A_455 = arith.constant 96 : index
        %parallel_loop3A_456 = tpu.vector_load %arg25[%parallel_loop3A_454, %parallel_loop3A_455] {strides = array<i32>} : memref<80x128xf32, #tpu.memory_space<vmem>>, vector<16xf32>,
        tpu.vector_store %arg25[%parallel_loop3A_454, %parallel_loop3A_455], %parallel_loop3A_453 {strides = array<i32>} : memref<80x128xf32, #tpu.memory_space<vmem>>, vector<16xf32>,
        %parallel_loop3A_457 = arith.index_cast %parallel_loop3A_405 : i32 to index
        %parallel_loop3A_458 = arith.constant 112 : index
        %parallel_loop3A_459 = tpu.vector_load %arg25[%parallel_loop3A_457, %parallel_loop3A_458] {strides = array<i32>} : memref<80x128xf32, #tpu.memory_space<vmem>>, vector<16xf32>,
        %parallel_loop3A_460 = arith.mulf %parallel_loop3A_459, %parallel_loop3A_407 : vector<16xf32>
        %parallel_loop3A_461 = arith.index_cast %parallel_loop3A_405 : i32 to index
        %parallel_loop3A_462 = arith.constant 112 : index
        %parallel_loop3A_463 = tpu.vector_load %arg25[%parallel_loop3A_461, %parallel_loop3A_462] {strides = array<i32>} : memref<80x128xf32, #tpu.memory_space<vmem>>, vector<16xf32>,
        tpu.vector_store %arg25[%parallel_loop3A_461, %parallel_loop3A_462], %parallel_loop3A_460 {strides = array<i32>} : memref<80x128xf32, #tpu.memory_space<vmem>>, vector<16xf32>,
      } {sc.loop_unroll_factor = 4 : i64, sc.parallel_access}
      %dma_start3A_391 = arith.constant 0 : i32
      %dma_start3A_392 = arith.constant 0 : i32
      %dma_start3A_393 = tpu.memref_slice %arg32[%dma_start3A_391, %dma_start3A_392] : memref<10000x128xf32, #tpu.memory_space<vmem_shared>> -> memref<10000x128xf32, #tpu.memory_space<vmem_shared>>
      tpu.enqueue_indirect_dma source(%arg25 : memref<80x128xf32, #tpu.memory_space<vmem>>) target(%dma_start3A_393 : memref<10000x128xf32, #tpu.memory_space<vmem_shared>>) offsets(%arg21 : memref<80xi32, #tpu.memory_space<vmem>>) semaphore(%arg29 : memref<!tpu.dma_semaphore, #tpu.memory_space<semaphore_mem>>) {add = true}
      %dma_start3A_394 = arith.constant 0 : i32
      %dma_start3A_395 = tpu.memref_slice %arg33[%dma_start3A_394] : memref<10240xf32, #tpu.memory_space<vmem_shared>> -> memref<10240xf32, #tpu.memory_space<vmem_shared>>
      tpu.enqueue_indirect_dma source(%arg23 : memref<80xf32, #tpu.memory_space<vmem>>) target(%dma_start3A_395 : memref<10240xf32, #tpu.memory_space<vmem_shared>>) offsets(%arg21 : memref<80xi32, #tpu.memory_space<vmem>>) semaphore(%arg31 : memref<!tpu.dma_semaphore, #tpu.memory_space<semaphore_mem>>) {add = true}
      %dma_wait3A_396 = arith.constant 0 : i32
      %dma_wait3A_397 = arith.constant 0 : i32
      %dma_wait3A_398 = tpu.memref_slice %arg32[%dma_wait3A_396, %dma_wait3A_397] : memref<10000x128xf32, #tpu.memory_space<vmem_shared>> -> memref<10000x128xf32, #tpu.memory_space<vmem_shared>>
      tpu.wait_indirect_dma semaphore(%arg28 : memref<!tpu.dma_semaphore, #tpu.memory_space<semaphore_mem>>) src(%arg24 : memref<80x128xf32, #tpu.memory_space<vmem>>) dst(%dma_wait3A_398 : memref<10000x128xf32, #tpu.memory_space<vmem_shared>>)
      %dma_wait3A_399 = arith.constant 0 : i32
      %dma_wait3A_400 = tpu.memref_slice %arg33[%dma_wait3A_399] : memref<10240xf32, #tpu.memory_space<vmem_shared>> -> memref<10240xf32, #tpu.memory_space<vmem_shared>>
      tpu.wait_indirect_dma semaphore(%arg30 : memref<!tpu.dma_semaphore, #tpu.memory_space<semaphore_mem>>) src(%arg22 : memref<80xf32, #tpu.memory_space<vmem>>) dst(%dma_wait3A_400 : memref<10240xf32, #tpu.memory_space<vmem_shared>>)
      %lt3A = arith.constant 15 : i32
      %lt3A_401 = arith.cmpi slt, %scan3A_266, %lt3A : i32
      %convert_element_type3A_402 = arith.extui %lt3A_401 : i1 to i32
      %cond3A_403 = arith.constant 0 : i32
      %cond3A_404 = arith.cmpi ne, %convert_element_type3A_402, %cond3A_403 : i32
      scf.if %cond3A_404 {
        %mul3A_405 = arith.constant 2 : i32
        %mul3A_406 = arith.muli %mul3A_405, %scan3A_266 : i32
        %add3A_407 = arith.constant 2 : i32
        %add3A_408 = arith.addi %mul3A_406, %add3A_407 : i32
        %mul3A_409 = arith.constant 80 : i32
        %mul3A_410 = arith.muli %add3A_408, %mul3A_409 : i32
        %add3A_411 = arith.constant 0 : i32
        %add3A_412 = arith.addi %mul3A_410, %add3A_411 : i32
        %get3A_413 = arith.index_cast %add3A_412 : i32 to index
        %get3A_414 = tpu.vector_load %arg16[%get3A_413] {strides = array<i32>} : memref<2560xi32, #tpu.memory_space<vmem>>, vector<16xi32>,
        %swap3A_415 = arith.constant 0 : index
        %swap3A_416 = tpu.vector_load %arg18[%swap3A_415] {strides = array<i32>} : memref<80xi32, #tpu.memory_space<vmem>>, vector<16xi32>,
        tpu.vector_store %arg18[%swap3A_415], %get3A_414 {strides = array<i32>} : memref<80xi32, #tpu.memory_space<vmem>>, vector<16xi32>,
        %mul3A_417 = arith.constant 80 : i32
        %mul3A_418 = arith.muli %add3A_408, %mul3A_417 : i32
        %add3A_419 = arith.constant 0 : i32
        %add3A_420 = arith.addi %mul3A_418, %add3A_419 : i32
        %get3A_421 = arith.index_cast %add3A_420 : i32 to index
        %get3A_422 = tpu.vector_load %arg17[%get3A_421] {strides = array<i32>} : memref<2560xi32, #tpu.memory_space<vmem>>, vector<16xi32>,
        %swap3A_423 = arith.constant 0 : index
        %swap3A_424 = tpu.vector_load %arg20[%swap3A_423] {strides = array<i32>} : memref<80xi32, #tpu.memory_space<vmem>>, vector<16xi32>,
        tpu.vector_store %arg20[%swap3A_423], %get3A_422 {strides = array<i32>} : memref<80xi32, #tpu.memory_space<vmem>>, vector<16xi32>,
        %mul3A_425 = arith.constant 80 : i32
        %mul3A_426 = arith.muli %add3A_408, %mul3A_425 : i32
        %add3A_427 = arith.constant 16 : i32
        %add3A_428 = arith.addi %mul3A_426, %add3A_427 : i32
        %get3A_429 = arith.index_cast %add3A_428 : i32 to index
        %get3A_430 = tpu.vector_load %arg16[%get3A_429] {strides = array<i32>} : memref<2560xi32, #tpu.memory_space<vmem>>, vector<16xi32>,
        %swap3A_431 = arith.constant 16 : index
        %swap3A_432 = tpu.vector_load %arg18[%swap3A_431] {strides = array<i32>} : memref<80xi32, #tpu.memory_space<vmem>>, vector<16xi32>,
        tpu.vector_store %arg18[%swap3A_431], %get3A_430 {strides = array<i32>} : memref<80xi32, #tpu.memory_space<vmem>>, vector<16xi32>,
        %mul3A_433 = arith.constant 80 : i32
        %mul3A_434 = arith.muli %add3A_408, %mul3A_433 : i32
        %add3A_435 = arith.constant 16 : i32
        %add3A_436 = arith.addi %mul3A_434, %add3A_435 : i32
        %get3A_437 = arith.index_cast %add3A_436 : i32 to index
        %get3A_438 = tpu.vector_load %arg17[%get3A_437] {strides = array<i32>} : memref<2560xi32, #tpu.memory_space<vmem>>, vector<16xi32>,
        %swap3A_439 = arith.constant 16 : index
        %swap3A_440 = tpu.vector_load %arg20[%swap3A_439] {strides = array<i32>} : memref<80xi32, #tpu.memory_space<vmem>>, vector<16xi32>,
        tpu.vector_store %arg20[%swap3A_439], %get3A_438 {strides = array<i32>} : memref<80xi32, #tpu.memory_space<vmem>>, vector<16xi32>,
        %mul3A_441 = arith.constant 80 : i32
        %mul3A_442 = arith.muli %add3A_408, %mul3A_441 : i32
        %add3A_443 = arith.constant 32 : i32
        %add3A_444 = arith.addi %mul3A_442, %add3A_443 : i32
        %get3A_445 = arith.index_cast %add3A_444 : i32 to index
        %get3A_446 = tpu.vector_load %arg16[%get3A_445] {strides = array<i32>} : memref<2560xi32, #tpu.memory_space<vmem>>, vector<16xi32>,
        %swap3A_447 = arith.constant 32 : index
        %swap3A_448 = tpu.vector_load %arg18[%swap3A_447] {strides = array<i32>} : memref<80xi32, #tpu.memory_space<vmem>>, vector<16xi32>,
        tpu.vector_store %arg18[%swap3A_447], %get3A_446 {strides = array<i32>} : memref<80xi32, #tpu.memory_space<vmem>>, vector<16xi32>,
        %mul3A_449 = arith.constant 80 : i32
        %mul3A_450 = arith.muli %add3A_408, %mul3A_449 : i32
        %add3A_451 = arith.constant 32 : i32
        %add3A_452 = arith.addi %mul3A_450, %add3A_451 : i32
        %get3A_453 = arith.index_cast %add3A_452 : i32 to index
        %get3A_454 = tpu.vector_load %arg17[%get3A_453] {strides = array<i32>} : memref<2560xi32, #tpu.memory_space<vmem>>, vector<16xi32>,
        %swap3A_455 = arith.constant 32 : index
        %swap3A_456 = tpu.vector_load %arg20[%swap3A_455] {strides = array<i32>} : memref<80xi32, #tpu.memory_space<vmem>>, vector<16xi32>,
        tpu.vector_store %arg20[%swap3A_455], %get3A_454 {strides = array<i32>} : memref<80xi32, #tpu.memory_space<vmem>>, vector<16xi32>,
        %mul3A_457 = arith.constant 80 : i32
        %mul3A_458 = arith.muli %add3A_408, %mul3A_457 : i32
        %add3A_459 = arith.constant 48 : i32
        %add3A_460 = arith.addi %mul3A_458, %add3A_459 : i32
        %get3A_461 = arith.index_cast %add3A_460 : i32 to index
        %get3A_462 = tpu.vector_load %arg16[%get3A_461] {strides = array<i32>} : memref<2560xi32, #tpu.memory_space<vmem>>, vector<16xi32>,
        %swap3A_463 = arith.constant 48 : index
        %swap3A_464 = tpu.vector_load %arg18[%swap3A_463] {strides = array<i32>} : memref<80xi32, #tpu.memory_space<vmem>>, vector<16xi32>,
        tpu.vector_store %arg18[%swap3A_463], %get3A_462 {strides = array<i32>} : memref<80xi32, #tpu.memory_space<vmem>>, vector<16xi32>,
        %mul3A_465 = arith.constant 80 : i32
        %mul3A_466 = arith.muli %add3A_408, %mul3A_465 : i32
        %add3A_467 = arith.constant 48 : i32
        %add3A_468 = arith.addi %mul3A_466, %add3A_467 : i32
        %get3A_469 = arith.index_cast %add3A_468 : i32 to index
        %get3A_470 = tpu.vector_load %arg17[%get3A_469] {strides = array<i32>} : memref<2560xi32, #tpu.memory_space<vmem>>, vector<16xi32>,
        %swap3A_471 = arith.constant 48 : index
        %swap3A_472 = tpu.vector_load %arg20[%swap3A_471] {strides = array<i32>} : memref<80xi32, #tpu.memory_space<vmem>>, vector<16xi32>,
        tpu.vector_store %arg20[%swap3A_471], %get3A_470 {strides = array<i32>} : memref<80xi32, #tpu.memory_space<vmem>>, vector<16xi32>,
        %mul3A_473 = arith.constant 80 : i32
        %mul3A_474 = arith.muli %add3A_408, %mul3A_473 : i32
        %add3A_475 = arith.constant 64 : i32
        %add3A_476 = arith.addi %mul3A_474, %add3A_475 : i32
        %get3A_477 = arith.index_cast %add3A_476 : i32 to index
        %get3A_478 = tpu.vector_load %arg16[%get3A_477] {strides = array<i32>} : memref<2560xi32, #tpu.memory_space<vmem>>, vector<16xi32>,
        %swap3A_479 = arith.constant 64 : index
        %swap3A_480 = tpu.vector_load %arg18[%swap3A_479] {strides = array<i32>} : memref<80xi32, #tpu.memory_space<vmem>>, vector<16xi32>,
        tpu.vector_store %arg18[%swap3A_479], %get3A_478 {strides = array<i32>} : memref<80xi32, #tpu.memory_space<vmem>>, vector<16xi32>,
        %mul3A_481 = arith.constant 80 : i32
        %mul3A_482 = arith.muli %add3A_408, %mul3A_481 : i32
        %add3A_483 = arith.constant 64 : i32
        %add3A_484 = arith.addi %mul3A_482, %add3A_483 : i32
        %get3A_485 = arith.index_cast %add3A_484 : i32 to index
        %get3A_486 = tpu.vector_load %arg17[%get3A_485] {strides = array<i32>} : memref<2560xi32, #tpu.memory_space<vmem>>, vector<16xi32>,
        %swap3A_487 = arith.constant 64 : index
        %swap3A_488 = tpu.vector_load %arg20[%swap3A_487] {strides = array<i32>} : memref<80xi32, #tpu.memory_space<vmem>>, vector<16xi32>,
        tpu.vector_store %arg20[%swap3A_487], %get3A_486 {strides = array<i32>} : memref<80xi32, #tpu.memory_space<vmem>>, vector<16xi32>,
        %dma_start3A_489 = arith.constant 0 : i32
        %dma_start3A_490 = arith.constant 0 : i32
        %dma_start3A_491 = tpu.memref_slice %arg7[%dma_start3A_489, %dma_start3A_490] : memref<10000x128xf32, #tpu.memory_space<hbm>> -> memref<10000x128xf32, #tpu.memory_space<hbm>>
        tpu.enqueue_indirect_dma source(%dma_start3A_491 : memref<10000x128xf32, #tpu.memory_space<hbm>>) target(%arg24 : memref<80x128xf32, #tpu.memory_space<vmem>>) offsets(%arg18 : memref<80xi32, #tpu.memory_space<vmem>>) semaphore(%arg26 : memref<!tpu.dma_semaphore, #tpu.memory_space<semaphore_mem>>)
      } else {
      }
      scf.yield %scan3A_383 : vector<16xf32>
    }
    %scan3A_251 = arith.constant 16 : i32
    %dma_wait3A_252 = arith.constant 0 : i32
    %dma_wait3A_253 = arith.constant 0 : i32
    %dma_wait3A_254 = tpu.memref_slice %arg32[%dma_wait3A_252, %dma_wait3A_253] : memref<10000x128xf32, #tpu.memory_space<vmem_shared>> -> memref<10000x128xf32, #tpu.memory_space<vmem_shared>>
    tpu.wait_indirect_dma semaphore(%arg29 : memref<!tpu.dma_semaphore, #tpu.memory_space<semaphore_mem>>) src(%arg25 : memref<80x128xf32, #tpu.memory_space<vmem>>) dst(%dma_wait3A_254 : memref<10000x128xf32, #tpu.memory_space<vmem_shared>>)
    %dma_wait3A_255 = arith.constant 0 : i32
    %dma_wait3A_256 = tpu.memref_slice %arg33[%dma_wait3A_255] : memref<10240xf32, #tpu.memory_space<vmem_shared>> -> memref<10240xf32, #tpu.memory_space<vmem_shared>>
    tpu.wait_indirect_dma semaphore(%arg31 : memref<!tpu.dma_semaphore, #tpu.memory_space<semaphore_mem>>) src(%arg23 : memref<80xf32, #tpu.memory_space<vmem>>) dst(%dma_wait3A_256 : memref<10240xf32, #tpu.memory_space<vmem_shared>>)
    %barrier3A_257 = arith.constant 0 : index
    tpu.barrier barrier_id(%barrier3A_257)
    "tpu.region"() ({
      %run_scoped3A = tpu.sem_alloc : memref<!tpu.dma_semaphore, #tpu.memory_space<semaphore_mem>>
      %dma_start3A_266 = arith.constant 0 : i32
      %dma_start3A_267 = tpu.memref_slice %arg8[%arg0, %mul3A_13, %dma_start3A_266] : memref<2x10000x128xf32, #tpu.memory_space<hbm>> -> memref<1x625x128xf32, #tpu.memory_space<hbm>>
      %dma_start3A_268 = tpu.memref_squeeze %dma_start3A_267 : memref<1x625x128xf32, #tpu.memory_space<hbm>> -> memref<625x128xf32, #tpu.memory_space<hbm>>
      %dma_start3A_269 = arith.constant 0 : i32
      %dma_start3A_270 = tpu.memref_slice %arg32[%mul3A_13, %dma_start3A_269] : memref<10000x128xf32, #tpu.memory_space<vmem_shared>> -> memref<625x128xf32, #tpu.memory_space<vmem_shared>>
      tpu.enqueue_dma source(%dma_start3A_270 : memref<625x128xf32, #tpu.memory_space<vmem_shared>>) target(%dma_start3A_268 : memref<625x128xf32, #tpu.memory_space<hbm>>) target_semaphore(%run_scoped3A : memref<!tpu.dma_semaphore, #tpu.memory_space<semaphore_mem>>)
      %dma_wait3A_271 = arith.constant 0 : i32
      %dma_wait3A_272 = tpu.memref_slice %arg8[%arg0, %mul3A_13, %dma_wait3A_271] : memref<2x10000x128xf32, #tpu.memory_space<hbm>> -> memref<1x625x128xf32, #tpu.memory_space<hbm>>
      %dma_wait3A_273 = tpu.memref_squeeze %dma_wait3A_272 : memref<1x625x128xf32, #tpu.memory_space<hbm>> -> memref<625x128xf32, #tpu.memory_space<hbm>>
      %dma_wait3A_274 = arith.constant 0 : i32
      %dma_wait3A_275 = tpu.memref_slice %arg32[%mul3A_13, %dma_wait3A_274] : memref<10000x128xf32, #tpu.memory_space<vmem_shared>> -> memref<625x128xf32, #tpu.memory_space<vmem_shared>>
      tpu.wait_dma2 semaphore(%run_scoped3A : memref<!tpu.dma_semaphore, #tpu.memory_space<semaphore_mem>>) src(%dma_wait3A_275 : memref<625x128xf32, #tpu.memory_space<vmem_shared>>) dst(%dma_wait3A_273 : memref<625x128xf32, #tpu.memory_space<hbm>>)
      tpu.yield
    }) : () -> ()
    %mul3A_258 = arith.constant 640 : i32
    %mul3A_259 = arith.muli %arg1, %mul3A_258 : i32
    %mul3A_260 = arith.constant 640 : i32
    %mul3A_261 = arith.muli %arg1, %mul3A_260 : i32
    "tpu.region"() ({
      %run_scoped3A = tpu.sem_alloc : memref<!tpu.dma_semaphore, #tpu.memory_space<semaphore_mem>>
      %dma_start3A_266 = tpu.memref_slice %arg9[%arg0, %mul3A_261] : memref<2x10240xf32, #tpu.memory_space<hbm>> -> memref<1x640xf32, #tpu.memory_space<hbm>>
      %dma_start3A_267 = tpu.memref_squeeze %dma_start3A_266 : memref<1x640xf32, #tpu.memory_space<hbm>> -> memref<640xf32, #tpu.memory_space<hbm>>
      %dma_start3A_268 = tpu.memref_slice %arg33[%mul3A_259] : memref<10240xf32, #tpu.memory_space<vmem_shared>> -> memref<640xf32, #tpu.memory_space<vmem_shared>>
      tpu.enqueue_dma source(%dma_start3A_268 : memref<640xf32, #tpu.memory_space<vmem_shared>>) target(%dma_start3A_267 : memref<640xf32, #tpu.memory_space<hbm>>) target_semaphore(%run_scoped3A : memref<!tpu.dma_semaphore, #tpu.memory_space<semaphore_mem>>)
      %dma_wait3A_269 = tpu.memref_slice %arg9[%arg0, %mul3A_261] : memref<2x10240xf32, #tpu.memory_space<hbm>> -> memref<1x640xf32, #tpu.memory_space<hbm>>
      %dma_wait3A_270 = tpu.memref_squeeze %dma_wait3A_269 : memref<1x640xf32, #tpu.memory_space<hbm>> -> memref<640xf32, #tpu.memory_space<hbm>>
      %dma_wait3A_271 = tpu.memref_slice %arg33[%mul3A_259] : memref<10240xf32, #tpu.memory_space<vmem_shared>> -> memref<640xf32, #tpu.memory_space<vmem_shared>>
      tpu.wait_dma2 semaphore(%run_scoped3A : memref<!tpu.dma_semaphore, #tpu.memory_space<semaphore_mem>>) src(%dma_wait3A_271 : memref<640xf32, #tpu.memory_space<vmem_shared>>) dst(%dma_wait3A_270 : memref<640xf32, #tpu.memory_space<hbm>>)
      tpu.yield
    }) : () -> ()
    %swap3A_262 = arith.constant 0 : i32
    %swap3A_263 = arith.index_cast %swap3A_262 : i32 to index
    %swap3A_264 = arith.constant 0 : index
    %swap3A_265 = tpu.vector_load %arg15[%swap3A_263, %swap3A_264] {strides = array<i32>} : memref<1x16xf32, #tpu.memory_space<vmem>>, vector<16xf32>,
    tpu.vector_store %arg15[%swap3A_263, %swap3A_264], %scan3A_250 {strides = array<i32>} : memref<1x16xf32, #tpu.memory_space<vmem>>, vector<16xf32>,
    "tpu.region"() ({
      %run_scoped3A = tpu.sem_alloc : memref<!tpu.dma_semaphore, #tpu.memory_space<semaphore_mem>>
      %dma_start3A_266 = arith.constant 0 : i32
      %dma_start3A_267 = tpu.memref_slice %arg10[%add3A, %dma_start3A_266] : memref<32x16xf32, #tpu.memory_space<hbm>> -> memref<1x16xf32, #tpu.memory_space<hbm>>
      %dma_start3A_268 = arith.constant 0 : i32
      %dma_start3A_269 = tpu.memref_slice %arg10[%add3A, %dma_start3A_268] : memref<32x16xf32, #tpu.memory_space<hbm>> -> memref<1x16xf32, #tpu.memory_space<hbm>>
      tpu.enqueue_dma source(%arg15 : memref<1x16xf32, #tpu.memory_space<vmem>>) target(%dma_start3A_269 : memref<1x16xf32, #tpu.memory_space<hbm>>) target_semaphore(%run_scoped3A : memref<!tpu.dma_semaphore, #tpu.memory_space<semaphore_mem>>)
      %dma_wait3A_270 = arith.constant 0 : i32
      %dma_wait3A_271 = tpu.memref_slice %arg10[%add3A, %dma_wait3A_270] : memref<32x16xf32, #tpu.memory_space<hbm>> -> memref<1x16xf32, #tpu.memory_space<hbm>>
      %dma_wait3A_272 = arith.constant 0 : i32
      %dma_wait3A_273 = tpu.memref_slice %arg10[%add3A, %dma_wait3A_272] : memref<32x16xf32, #tpu.memory_space<hbm>> -> memref<1x16xf32, #tpu.memory_space<hbm>>
      tpu.wait_dma2 semaphore(%run_scoped3A : memref<!tpu.dma_semaphore, #tpu.memory_space<semaphore_mem>>) src(%arg15 : memref<1x16xf32, #tpu.memory_space<vmem>>) dst(%dma_wait3A_273 : memref<1x16xf32, #tpu.memory_space<hbm>>)
      tpu.yield
    }) : () -> ()
    return
  }
}

module attributes {stable_mosaic.version = 14 : i64} {
  func.func @_prep_body(%arg0: memref<10000x128xf32, #tpu.memory_space<vmem>>, %arg1: memref<128x128xf32, #tpu.memory_space<vmem>>, %arg2: memref<128x1xf32, #tpu.memory_space<vmem>>, %arg3: memref<128x1xf32, #tpu.memory_space<vmem>>, %arg4: memref<10000x128xf32, #tpu.memory_space<vmem>>, %arg5: memref<10000x1xf32, #tpu.memory_space<vmem>>, %arg6: memref<10000x1xf32, #tpu.memory_space<vmem>>, %arg7: memref<8x128xf32, #tpu.memory_space<vmem>>) attributes {dimension_semantics = [], scalar_prefetch = 0 : i64, scratch_operands = 0 : i64, tpu.core_type = #tpu.core_type<tc>} {
    %get3A = arith.constant 0 : index
    %get3A_0 = arith.constant 0 : index
    %get3A_1 = vector.load %arg0[%get3A, %get3A_0] : memref<10000x128xf32, #tpu.memory_space<vmem>>, vector<10000x128xf32>
    %get3A_2 = arith.constant 0 : index
    %get3A_3 = arith.constant 0 : index
    %get3A_4 = vector.load %arg1[%get3A_2, %get3A_3] : memref<128x128xf32, #tpu.memory_space<vmem>>, vector<128x128xf32>
    %dot_general3A = arith.constant dense<0.000000e+00> : vector<10000x128xf32>
    %dot_general3A_5 = tpu.matmul %get3A_1, %get3A_4, %dot_general3A {dimension_numbers = #tpu.dot_dimension_numbers<[1], [0], [0], [1], [0, 0, 1, 1], [], []>, transpose_lhs_hint = false} : vector<10000x128xf32>, vector<128x128xf32>, vector<10000x128xf32> -> vector<10000x128xf32>
    %get3A_6 = arith.constant 0 : index
    %get3A_7 = arith.constant 0 : index
    %get3A_8 = vector.load %arg2[%get3A_6, %get3A_7] : memref<128x1xf32, #tpu.memory_space<vmem>>, vector<128x1xf32>
    %dot_general3A_9 = arith.constant dense<0.000000e+00> : vector<10000x1xf32>
    %dot_general3A_10 = tpu.matmul %dot_general3A_5, %get3A_8, %dot_general3A_9 {dimension_numbers = #tpu.dot_dimension_numbers<[1], [0], [0], [1], [0, 0, 1, 1], [], []>, transpose_lhs_hint = false} : vector<10000x128xf32>, vector<128x1xf32>, vector<10000x1xf32> -> vector<10000x1xf32>
    %get3A_11 = arith.constant 0 : index
    %get3A_12 = arith.constant 0 : index
    %get3A_13 = vector.load %arg3[%get3A_11, %get3A_12] : memref<128x1xf32, #tpu.memory_space<vmem>>, vector<128x1xf32>
    %dot_general3A_14 = arith.constant dense<0.000000e+00> : vector<10000x1xf32>
    %dot_general3A_15 = tpu.matmul %dot_general3A_5, %get3A_13, %dot_general3A_14 {dimension_numbers = #tpu.dot_dimension_numbers<[1], [0], [0], [1], [0, 0, 1, 1], [], []>, transpose_lhs_hint = false} : vector<10000x128xf32>, vector<128x1xf32>, vector<10000x1xf32> -> vector<10000x1xf32>
    %swap3A = arith.constant 0 : index
    %swap3A_16 = arith.constant 0 : index
    %swap3A_17 = vector.load %arg4[%swap3A, %swap3A_16] : memref<10000x128xf32, #tpu.memory_space<vmem>>, vector<10000x128xf32>
    tpu.vector_store %arg4[%swap3A, %swap3A_16], %dot_general3A_5 {strides = array<i32>} : memref<10000x128xf32, #tpu.memory_space<vmem>>, vector<10000x128xf32>,
    %swap3A_18 = arith.constant 0 : index
    %swap3A_19 = arith.constant 0 : index
    %swap3A_20 = vector.load %arg5[%swap3A_18, %swap3A_19] : memref<10000x1xf32, #tpu.memory_space<vmem>>, vector<10000x1xf32>
    tpu.vector_store %arg5[%swap3A_18, %swap3A_19], %dot_general3A_10 {strides = array<i32>} : memref<10000x1xf32, #tpu.memory_space<vmem>>, vector<10000x1xf32>,
    %swap3A_21 = arith.constant 0 : index
    %swap3A_22 = arith.constant 0 : index
    %swap3A_23 = vector.load %arg6[%swap3A_21, %swap3A_22] : memref<10000x1xf32, #tpu.memory_space<vmem>>, vector<10000x1xf32>
    tpu.vector_store %arg6[%swap3A_21, %swap3A_22], %dot_general3A_15 {strides = array<i32>} : memref<10000x1xf32, #tpu.memory_space<vmem>>, vector<10000x1xf32>,
    %reduce_max3A = vector.shape_cast %dot_general3A_10 : vector<10000x1xf32> to vector<1x10000x1xf32>
    %reduce_max3A_24 = arith.constant dense<0xFF800000> : vector<1xf32>
    %reduce_max3A_25 = vector.multi_reduction <maximumf>, %reduce_max3A, %reduce_max3A_24 [1, 2] : vector<1x10000x1xf32> to vector<1xf32>
    %reduce_max3A_26 = vector.shape_cast %reduce_max3A_25 : vector<1xf32> to vector<1x1x1xf32>
    %reduce_max3A_27 = vector.extract %reduce_max3A_26[0, 0, 0] : f32 from vector<1x1x1xf32>
    %reduce_max3A_28 = vector.shape_cast %dot_general3A_15 : vector<10000x1xf32> to vector<1x10000x1xf32>
    %reduce_max3A_29 = arith.constant dense<0xFF800000> : vector<1xf32>
    %reduce_max3A_30 = vector.multi_reduction <maximumf>, %reduce_max3A_28, %reduce_max3A_29 [1, 2] : vector<1x10000x1xf32> to vector<1xf32>
    %reduce_max3A_31 = vector.shape_cast %reduce_max3A_30 : vector<1xf32> to vector<1x1x1xf32>
    %reduce_max3A_32 = vector.extract %reduce_max3A_31[0, 0, 0] : f32 from vector<1x1x1xf32>
    %add3A = arith.addf %reduce_max3A_27, %reduce_max3A_32 : f32
    %gt3A = arith.constant 0.000000e+00 : f32
    %gt3A_33 = arith.cmpf ogt, %add3A, %gt3A : f32
    %mul3A = arith.constant 0.00999999977 : f32
    %mul3A_34 = arith.mulf %mul3A, %add3A : f32
    %select_n3A = arith.select %gt3A_33, %add3A, %mul3A_34 : f32
    %broadcast_in_dim3A = vector.broadcast %select_n3A : f32 to vector<8x128xf32>
    %swap3A_35 = arith.constant 0 : index
    %swap3A_36 = arith.constant 0 : index
    %swap3A_37 = vector.load %arg7[%swap3A_35, %swap3A_36] : memref<8x128xf32, #tpu.memory_space<vmem>>, vector<8x128xf32>
    tpu.vector_store %arg7[%swap3A_35, %swap3A_36], %broadcast_in_dim3A {strides = array<i32>} : memref<8x128xf32, #tpu.memory_space<vmem>>, vector<8x128xf32>,
    return
  }
}

module attributes {stable_mosaic.version = 14 : i64} {
  func.func @_fin_body(%arg0: memref<2x10000x128xf32, #tpu.memory_space<vmem>>, %arg1: memref<2x10240xf32, #tpu.memory_space<vmem>>, %arg2: memref<32x16xf32, #tpu.memory_space<vmem>>, %arg3: memref<10000x128xf32, #tpu.memory_space<vmem>>) attributes {dimension_semantics = [], scalar_prefetch = 0 : i64, scratch_operands = 0 : i64, tpu.core_type = #tpu.core_type<tc>} {
    %get3A = arith.constant 0 : index
    %get3A_0 = arith.constant 0 : index
    %get3A_1 = arith.constant 0 : index
    %get3A_2 = vector.load %arg0[%get3A, %get3A_0, %get3A_1] : memref<2x10000x128xf32, #tpu.memory_space<vmem>>, vector<1x10000x128xf32>
    %get3A_3 = vector.shape_cast %get3A_2 : vector<1x10000x128xf32> to vector<10000x128xf32>
    %get3A_4 = arith.constant 1 : index
    %get3A_5 = arith.constant 0 : index
    %get3A_6 = arith.constant 0 : index
    %get3A_7 = vector.load %arg0[%get3A_4, %get3A_5, %get3A_6] : memref<2x10000x128xf32, #tpu.memory_space<vmem>>, vector<1x10000x128xf32>
    %get3A_8 = vector.shape_cast %get3A_7 : vector<1x10000x128xf32> to vector<10000x128xf32>
    %add3A = arith.addf %get3A_3, %get3A_8 : vector<10000x128xf32>
    %get3A_9 = arith.constant 0 : index
    %get3A_10 = arith.constant 0 : index
    %get3A_11 = vector.load %arg1[%get3A_9, %get3A_10] : memref<2x10240xf32, #tpu.memory_space<vmem>>, vector<1x10000xf32>
    %get3A_12 = vector.shape_cast %get3A_11 : vector<1x10000xf32> to vector<10000xf32>
    %get3A_13 = arith.constant 1 : index
    %get3A_14 = arith.constant 0 : index
    %get3A_15 = vector.load %arg1[%get3A_13, %get3A_14] : memref<2x10240xf32, #tpu.memory_space<vmem>>, vector<1x10000xf32>
    %get3A_16 = vector.shape_cast %get3A_15 : vector<1x10000xf32> to vector<10000xf32>
    %add3A_17 = arith.addf %get3A_12, %get3A_16 : vector<10000xf32>
    %get3A_18 = arith.constant 0 : index
    %get3A_19 = arith.constant 0 : index
    %get3A_20 = vector.load %arg2[%get3A_18, %get3A_19] : memref<32x16xf32, #tpu.memory_space<vmem>>, vector<32x16xf32>
    %reduce_max3A = vector.shape_cast %get3A_20 : vector<32x16xf32> to vector<1x32x16xf32>
    %reduce_max3A_21 = arith.constant dense<0xFF800000> : vector<1xf32>
    %reduce_max3A_22 = vector.multi_reduction <maximumf>, %reduce_max3A, %reduce_max3A_21 [1, 2] : vector<1x32x16xf32> to vector<1xf32>
    %reduce_max3A_23 = vector.shape_cast %reduce_max3A_22 : vector<1xf32> to vector<1x1x1xf32>
    %reduce_max3A_24 = vector.extract %reduce_max3A_23[0, 0, 0] : f32 from vector<1x1x1xf32>
    %reshape3A = vector.shape_cast %add3A_17 : vector<10000xf32> to vector<10000x1xf32>
    %mul3A = arith.constant 9.99999971E-10 : f32
    %mul3A_25 = arith.mulf %mul3A, %reduce_max3A_24 : f32
    %add3A_26 = vector.broadcast %mul3A_25 : f32 to vector<10000x1xf32>
    %add3A_27 = arith.addf %reshape3A, %add3A_26 : vector<10000x1xf32>
    %div3A = vector.broadcast %add3A_27 : vector<10000x1xf32> to vector<10000x128xf32>
    %div3A_28 = arith.divf %add3A, %div3A : vector<10000x128xf32>
    %gt3A = arith.constant 0.000000e+00 : f32
    %gt3A_29 = vector.broadcast %gt3A : f32 to vector<10000x128xf32>
    %gt3A_30 = arith.cmpf ogt, %div3A_28, %gt3A_29 : vector<10000x128xf32>
    %exp3A = math.exp %div3A_28 : vector<10000x128xf32>
    %sub3A = arith.constant 1.000000e+00 : f32
    %sub3A_31 = vector.broadcast %sub3A : f32 to vector<10000x128xf32>
    %sub3A_32 = arith.subf %exp3A, %sub3A_31 : vector<10000x128xf32>
    %select_n3A = arith.select %gt3A_30, %div3A_28, %sub3A_32 : vector<10000x128xi1>, vector<10000x128xf32>
    %swap3A = arith.constant 0 : index
    %swap3A_33 = arith.constant 0 : index
    %swap3A_34 = vector.load %arg3[%swap3A, %swap3A_33] : memref<10000x128xf32, #tpu.memory_space<vmem>>, vector<10000x128xf32>
    tpu.vector_store %arg3[%swap3A, %swap3A_33], %select_n3A {strides = array<i32>} : memref<10000x128xf32, #tpu.memory_space<vmem>>, vector<10000x128xf32>,
    return
  }
}

</mosaic_0001>

<sc_bundles>
// kernel: kernel.5.cloned.1.call-start
scs
__scs_entry_jumppad:
0x0: {  	(pc) =	sbr.rel $0x88, $3  }
0x1: {  	(tag) =	ssettag $0x0;
	lr =	simm.s32 $0x1  }
0x2: {  	[smem:$0x3F9C] =	sst lr;
	_ =	strace $0xD0000000  }
0x3: {  	_ = 	snop  }
0x4: {  	_ = 	snop  }
0x5: {  	_ = 	snop  }
0x6: {  	_ = 	snop  }
0x7: {  	_ = 	snop  }
__scs_overlays_trampoline_lowered:
0x8: {  	[smem:$0x3FAB] =	sst s0  }
0x9: {  	[smem:$0x3FAC] =	sst s1  }
0xa: {  	[smem:$0x3FAD] =	sst s2  }
0xb: {  	[smem:$0x3FAE] =	sst s3  }
0xc: {  	[smem:$0x3FAF] =	sst s4  }
0xd: {  	[smem:$0x3FB0] =	sst s5  }
0xe: {  	[smem:$0x3FB1] =	sst s6  }
0xf: {  	[smem:$0x3FB2] =	sst s7  }
0x10: {  	[smem:$0x3FB3] =	sst s8  }
0x11: {  	[smem:$0x3FB4] =	sst s9;
	s0 =	simm.s32 @!p0 $0x0  }
0x12: {  	s1 =	sld [smem:$0x3F9A];
	s0 =	simm.s32 @p0 $0x1  }
0x13: {  	[smem:$0x3FB5] =	sst s0;
	s0 =	simm.s32 @!p1 $0x0  }
0x14: {  	s2 =	sld [smem:$0x3F99];
	s0 =	simm.s32 @p1 $0x1  }
0x15: {  	[smem:$0x3FB6] =	sst s0;
	s0 =	simm.s32 @!p2 $0x0  }
0x16: {  	s3 =	sld [smem:$0x3FDB];
	s0 =	simm.s32 @p2 $0x1  }
0x17: {  	s4 =	simm.s32 $0x1BF5;
	[smem:$0x3FB8] =	sst s0  }
0x18: {  	s0 =	sld [smem:$0x3F9B];
	_ =	swait.ge [sflag:s4], $0x0  }
0x19: {  	s7 =	sld [smem:$0x3F9C]  }
0x1a: {  	s8 =	sadd.s32 $0xFFFFE003, lr  }
0x1b: {  	s9 =	sadd.s32 $0xFFFFFEF7, lr;
	s5 =	simm.s32 $0xFFFFFFFF;
	p2 =	slt.u32 s8, $0xFFFFF086  }
0x1c: {  	p1 =	slt.u32 s9, $0xF7A;
	s5 =	simm.s32 @!p2 $0x0  }
0x1d: {  	s5 =	simm.s32 @p1 $0x1;
	p0 =	seq.s32 s7, s2  }
0x1e: {  	s7 =	smul.u32 @!p0 $0xF7A, s2;
	p2 =	seq.s32 @!p0 s5, $0x0  }
0x1f: {  	s9 =	smul.u32 $0xF7A, s1;
	s8 =	simm.s32 @!p0 $0x1BF5;
	p2 =	por !p2, p0  }
0x20: {  	[sflag:s8] =	ssyncset.s32 @!p0 $0xFFFFF086;
	s6 =	sadd.s32 @!p0 s3, s7;
	s7 =	simm.s32 @!p0 $0x108  }
0x21: {  	s3 =	sadd.s32 s3, s9;
	s6 =	sadd.s32 @!p0 $0x88, s6;
	s7 =	simm.s32 @p2 $0x1082  }
0x22: {  	[simem:s7], [sflag:s8] =	dma.local @!p0 [hbm:s6], $0xF7A  }
0x23: {  	s9 =	sor.u32 $0xD0000000, s2;
	s6 =	simm.s32 $0x108;
	_ =	swait.ge @!p0 [sflag:s8], $0x0  }
0x24: {  	s3 =	sadd.s32 $0x88, s3;
	s6 =	simm.s32 @!p1 $0x1082;
	[sflag:s4] =	ssyncset.s32 $0xFFFFF086  }
0x25: {  	[simem:s6], [sflag:s4] =	dma.local [hbm:s3], $0xF7A  }
0x26: {  	[smem:$0x3F9C] =	sst s1;
	(tag) =	ssettag s2;
	_ =	strace s9  }
0x27: {  	s1 =	sld [smem:$0x3FAC]  }
0x28: {  	s2 =	sld [smem:$0x3FAD]  }
0x29: {  	s4 =	sld [smem:$0x3FAF]  }
0x2a: {  	p0 =	seq.s32 s5, $0x0;
	s5 =	sld [smem:$0x3FB0]  }
0x2b: {  	s6 =	sld [smem:$0x3FB1]  }
0x2c: {  	s7 =	sld [smem:$0x3FB2]  }
0x2d: {  	s3 =	simm.s32 $0x108;
	s8 =	sld [smem:$0x3FB3]  }
0x2e: {  	s3 =	simm.s32 @!p0 $0x1082;
	s9 =	sld [smem:$0x3FB4]  }
0x2f: {  	lr =	sadd.s32 s0, s3;
	s0 =	sld [smem:$0x3FAB]  }
0x30: {  	s3 =	sld [smem:$0x3FAE]  }
0x31: {  	[smem:$0x3FB7] =	sst s10  }
0x32: {  	s10 =	sld [smem:$0x3FB5];
	_ =	sdelay $0x3  }
0x33: {  	p0 =	seq.s32 s10, $0x1;
	s10 =	sld [smem:$0x3FB7];
	_ =	sdelay $0x3  }
0x34: {  	[smem:$0x3FB7] =	sst s10  }
0x35: {  	s10 =	sld [smem:$0x3FB6];
	_ =	sdelay $0x3  }
0x36: {  	p1 =	seq.s32 s10, $0x1;
	s10 =	sld [smem:$0x3FB7];
	_ =	sdelay $0x3  }
0x37: {  	[smem:$0x3FB7] =	sst s10  }
0x38: {  	s10 =	sld [smem:$0x3FB8]  }
0x39: {  	_ = 	snop;
	(pc) =	sbr.ind lr, $3  }
0x3a: {  	_ = 	snop  }
0x3b: {  	_ = 	snop  }
0x3c: {  	p2 =	seq.s32 s10, $0x1;
	s10 =	sld [smem:$0x3FB7]  }
0x3d: {  	_ =	shalt  }
0x3e: {  	_ =	shalt  }
0x3f: {  	_ =	shalt  }
0x40: {  	_ =	shalt  }
0x41: {  	_ =	shalt  }
0x42: {  	_ =	shalt  }
0x43: {  	_ =	shalt  }
0x44: {  	_ =	shalt  }
0x45: {  	_ =	shalt  }
0x46: {  	_ =	shalt  }
0x47: {  	_ =	shalt  }
0x48: {  	_ =	shalt  }
0x49: {  	_ =	shalt  }
0x4a: {  	_ =	shalt  }
0x4b: {  	_ =	shalt  }
0x4c: {  	_ =	shalt  }
0x4d: {  	_ =	shalt  }
0x4e: {  	_ =	shalt  }
0x4f: {  	_ =	shalt  }
0x50: {  	_ =	shalt  }
0x51: {  	_ =	shalt  }
0x52: {  	_ =	shalt  }
0x53: {  	_ =	shalt  }
0x54: {  	_ =	shalt  }
0x55: {  	_ =	shalt  }
0x56: {  	_ =	shalt  }
0x57: {  	_ =	shalt  }
0x58: {  	_ =	shalt  }
0x59: {  	_ =	shalt  }
0x5a: {  	_ =	shalt  }
0x5b: {  	_ =	shalt  }
0x5c: {  	_ =	shalt  }
0x5d: {  	_ =	shalt  }
0x5e: {  	_ =	shalt  }
0x5f: {  	_ =	shalt  }
0x60: {  	_ =	shalt  }
0x61: {  	_ =	shalt  }
0x62: {  	_ =	shalt  }
0x63: {  	_ =	shalt  }
0x64: {  	_ =	shalt  }
0x65: {  	_ =	shalt  }
0x66: {  	_ =	shalt  }
0x67: {  	_ =	shalt  }
0x68: {  	_ =	shalt  }
0x69: {  	_ =	shalt  }
0x6a: {  	_ =	shalt  }
0x6b: {  	_ =	shalt  }
0x6c: {  	_ =	shalt  }
0x6d: {  	_ =	shalt  }
0x6e: {  	_ =	shalt  }
0x6f: {  	_ =	shalt  }
0x70: {  	_ =	shalt  }
0x71: {  	_ =	shalt  }
0x72: {  	_ =	shalt  }
0x73: {  	_ =	shalt  }
0x74: {  	_ =	shalt  }
0x75: {  	_ =	shalt  }
0x76: {  	_ =	shalt  }
0x77: {  	_ =	shalt  }
0x78: {  	_ =	shalt  }
0x79: {  	_ =	shalt  }
0x7a: {  	_ =	shalt  }
0x7b: {  	_ =	shalt  }
0x7c: {  	_ =	shalt  }
0x7d: {  	_ =	shalt  }
0x7e: {  	_ =	shalt  }
0x7f: {  	_ =	shalt  }
0x80: {  	_ =	shalt  }
0x81: {  	_ =	shalt  }
0x82: {  	_ =	shalt  }
0x83: {  	_ =	shalt  }
0x84: {  	_ =	shalt  }
0x85: {  	_ =	shalt  }
0x86: {  	_ =	shalt  }
0x87: {  	_ =	shalt  }
.Lfunc_end0:
.L_simem_size_0:
called_computation_lowered:
.L_overlay_start_0:
0x88: {  	s2 =	sld [smem:$0x3FD9]  }
0x89: {  	s3 =	sld [smem:$0x3FFE];
	_ =	sdelay $0x1  }
0x8a: {  	s1 =	srdreg.scid  }
0x8b: {  	s0 =	sand.u32 $0x1, s1  }
0x8c: {  	s17 =	sshll.u32 s0, $0xA;
	s2 =	sadd.s32 s3, s2  }
0x8d: {  	s2 =	sadd.s32 s2, s17  }
0x8e: {  	[smem:$0x3FC3] =	sst s2  }
0x8f: {  	_ = 	snop  }
0x90: {  	s2 =	sld [smem:$0x3FD0];
	(tm) =	ssettm $0x1  }
0x91: {  	s18 =	sld [smem:$0x3FFB];
	_ =	sdelay $0x3  }
0x92: {  	_ =	strace s18  }
0x93: {  	s3 =	sld [smem:$0x3FFC];
	_ =	sdelay $0x3  }
0x94: {  	_ =	strace s3  }
0x95: {  	s3 =	sld [smem:$0x3FFD];
	_ =	sdelay $0x3  }
0x96: {  	_ =	strace s3  }
0x97: {  	_ =	strace $0x8FFFFFFF  }
0x98: {  	s19 =	sld [smem:$0x3FDB];
	_ =	sdelay $0x1  }
0x99: {  	s4 =	simm.s32 $_scs_section_size  }
0x9a: {  	s5 =	simm.s32 $_size__tile_overlayer_lowered;
	s6 =	simm.s32 $_tile_overlayer_lowered  }
0x9b: {  	s22 =	simm.s32 $0x1BFF;
	s21 =	sshll.u32 s6, $0x1;
	s3 =	sadd.s32 s4, s19  }
0x9c: {  	s7 =	simm.s32 $0x0;
	s20 =	sshll.u32 s5, $0x1;
	s5 =	sadd.s32 s21, s3  }
0x9d: {  	[timem:s7], [sflag:s22] =	dma.local [hbm:s5], s20  }
0x9e: {  	_ =	swait.ge [sflag:s22], s20  }
0x9f: {  	s4 =	ssub.s32 $0x0, s20;
	[sflag:s22] =	ssyncset.done $0x0  }
0xa0: {  	[sflag:s22] =	ssyncadd.s32 s4;
	_ =	sdelay $0x1  }
0xa1: {  	s23 =	simm.s32 $0x1B8B  }
0xa2: {  	_ =	swait.ge [sflag:s23], $0x1  }
0xa3: {  	[sflag:s23] =	ssyncset.done $0x0  }
0xa4: {  	s25 =	simm.s32 $0x1B8E;
	s24 =	sld [smem:$0x3FFE];
	[sflag:s23] =	ssyncadd.s32 $0xFFFFFFFF  }
0xa5: {  	s26 =	simm.s32 $execute0_lowered;
	[smem:$0x3FD2] =	sst s25  }
0xa6: {  	s5 =	sshll.u32 s26, $0x1;
	_ =	strace $0x80000046;
	[dreg:$0x1] =	wrdreg $0xFFFFFFFF  }
0xa7: {  	s28 =	simm.s32 $_size_execute0_lowered;
	s3 =	sadd.s32 s3, s5;
	[dreg:$0x0] =	wrdreg $0x0  }
0xa8: {  	s5 =	sshll.u32 s28, $0x1;
	[dreg:$0x2] =	wrdreg s3  }
0xa9: {  	[dreg:$0x3] =	wrdreg s5  }
0xaa: {  	[dreg:$0x4] =	wrdreg $0xC0  }
0xab: {  	_ =	task [dreg:s7], $0x5FFFF  }
0xac: {  	[dreg:$0x1] =	wrdreg $0xFFFFFFFF  }
0xad: {  	[dreg:$0x0] =	wrdreg $0x60  }
0xae: {  	[dreg:$0x2] =	wrdreg s24  }
0xaf: {  	[dreg:$0x3] =	wrdreg s2  }
0xb0: {  	[dreg:$0x4] =	wrdreg $0xB6A00  }
0xb1: {  	[dreg:$0x5] =	wrdreg $0x1EF200  }
0xb2: {  	[dreg:$0x6] =	wrdreg $0x9  }
0xb3: {  	_ =	task.clear_ibuf [dreg:s7], $0x7FFFF;
	_ =	strace $0x90000046  }
0xb4: {  	s29 =	simm.s32 $0x9;
	_ =	strace $0x80000048  }
0xb5: {  	_ =	swait.ge [sflag:s29], $0x1  }
0xb6: {  	[sflag:s29] =	ssyncadd.s32 $0xFFFFFFFF  }
0xb7: {  	_ =	strace $0x90000048  }
0xb8: {  	_ =	sfence  }
0xb9: {  	s30 =	sld [smem:$0x0];
	_ =	sdelay $0x2  }
0xba: {  	s31 =	sshll.u32 s1, $0xD;
	s1 =	sshrl.u32 s1, $0x2  }
0xbb: {  	s3 =	sand.u32 $0x4000, s31;
	s1 =	sadd.s32 s1, s30  }
0xbc: {  	s0 =	sor.u32 s3, s0;
	s1 =	sshll.u32 s1, $0x11  }
0xbd: {  	s0 =	sor.u32 s1, s0  }
0xbe: {  	s0 =	sadd.s32 $0x8F2B, s0  }
0xbf: {  	[sflag:s0] =	ssyncadd.remote.s32 $0x1  }
0xc0: {  	_ =	sfence.sel $0xFFFF  }
0xc1: {  	[dreg:$0x0] =	wrdreg $0xFFFFFFFF;
	(pc) =	sbr.abs _section_cstart, $3  }
0xc2: {  	[dreg:$0x1] =	wrdreg $0xFFFFFFFF  }
0xc3: {  	_ =	task.clear_ibuf [dreg:s7], $0x2FFFF;
	_ =	strace $0x9FFFFFFF  }
0xc4: {  	(tm) =	ssettm $0x7FFFFFFF  }
0xc5: {  	_ =	shalt  }
tec
execute0_lowered:
.L_overlay_start_1:
0x0: {  	(tag) =	ssettag $0x1  }
0x1: {  	s0 =	rddreg [dreg:$0x0]  }
0x2: {  	s1 =	rddreg [dreg:$0x1]  }
0x3: {  	s3 =	rddreg [dreg:$0x2]  }
0x4: {  	s2 =	srdreg.scid;
	s15 =	stileid.u32  }
0x5: {  	s4 =	rddreg [dreg:$0x3];
	s17 =	simm.s32 $0x0;
	s5 =	smul.u32 $0x13880, s15  }
0x6: {  	s2 =	sand.u32 $0x1, s2;
	[smem:$0x7FF] =	sst s17;
	s7 =	smul.u32 $0x280, s15  }
0x7: {  	s16 =	sadd.s32 $0xB000, s0;
	s11 =	sadd.s32 $0x1000, s0;
	s24 =	smul.u32 $0x4E200, s15  }
0x8: {  	s6 =	smul.u32 $0x138800, s2;
	_ =	strace $0x80000047;
	s9 =	sshll.u32 s2, $0x4  }
0x9: {  	s8 =	smul.u32 $0x2800, s2;
	s2 =	ssub.s32 $0x2, s2;
	s9 =	sor.u32 s15, s9  }
0xa: {  	s13 =	sshrl.u32 s2, $0x1;
	s12 =	sadd.s32 s5, s6;
	s6 =	smul.u32 $0x2800, s9  }
0xb: {  	s8 =	sadd.s32 s7, s8;
	s2 =	ssub.s32 s2, s13;
	s9 =	sshll.u32 s9, $0x1  }
0xc: {  	s19 =	sshrl.u32 s12, $0x3;
	s14 =	sshrl.u32 s6, $0x3;
	s18 =	sadd.s32 $0xA00, s6  }
0xd: {  	s8 =	sshrl.u32 s8, $0x3;
	s10 =	sadd.s32 s16, s14;
	[dreg:$0x9] =	wrdreg s18  }
0xe: {  	s26 =	sshrl.u32 s18, $0x3;
	s14 =	sadd.s32 s11, s14;
	[dreg:$0x5] =	wrdreg s10  }
0xf: {  	s20 =	sadd.s32 $0x1E00, s6;
	[dreg:$0x6] =	wrdreg s14;
	s30 =	sadd.s32 s16, s26  }
0x10: {  	s23 =	sshrl.u32 s20, $0x3;
	s18 =	sadd.s32 s11, s26;
	[dreg:$0x7] =	wrdreg s30  }
0x11: {  	s9 =	sadd.s32 s9, s0;
	s13 =	sadd.s32 s16, s23;
	[dreg:$0x8] =	wrdreg s18  }
0x12: {  	s25 =	sadd.s32 s19, s0;
	s26 =	sadd.s32 $0x15000, s0;
	[dreg:$0xc] =	wrdreg s13  }
0x13: {  	s8 =	sadd.s32 s8, s0;
	[dreg:$0xe] =	wrdreg s26;
	s30 =	sadd.s32 $0x15600, s0  }
0x14: {  	s10 =	sadd.s32 $0x1400, s6;
	s0 =	sadd.s32 $0x15C00, s0;
	[dreg:$0xf] =	wrdreg s30  }
0x15: {  	s13 =	sshrl.u32 s24, $0x2;
	s24 =	sadd.s32 $0x16800, s9;
	[dreg:$0x10] =	wrdreg s0  }
0x16: {  	s14 =	sshrl.u32 s10, $0x3;
	s26 =	sadd.s32 $0xA50, s6;
	[dreg:$0x1c] =	wrdreg s24  }
0x17: {  	s21 =	sadd.s32 s16, s14;
	[dreg:$0x1e] =	wrdreg s26  }
0x18: {  	s22 =	sadd.s32 s11, s14;
	[dreg:$0xa] =	wrdreg s21  }
0x19: {  	s11 =	sadd.s32 s11, s23;
	[dreg:$0xb] =	wrdreg s22  }
0x1a: {  	s28 =	simm.s32 $0x2;
	s23 =	sadd.s32 $0x15E00, s8;
	[dreg:$0xd] =	wrdreg s11  }
0x1b: {  	s29 =	simm.s32 $0x6650;
	s30 =	sadd.s32 $0x1450, s6;
	[dreg:$0x1b] =	wrdreg s23  }
0x1c: {  	s14 =	sadd.s32 s13, s3;
	s13 =	sadd.s32 s5, s3;
	[dreg:$0x1f] =	wrdreg s30  }
0x1d: {  	s31 =	simm.s32 $0x65B0;
	s15 =	sadd.s32 $0x2800, s14;
	[dreg:$0x11] =	wrdreg s13  }
0x1e: {  	s12 =	smov.u32 s10;
	s16 =	sadd.s32 $0x5000, s14;
	[dreg:$0x12] =	wrdreg s15  }
0x1f: {  	s10 =	smov.u32 s20;
	s18 =	sadd.s32 $0x7800, s14;
	[dreg:$0x13] =	wrdreg s16  }
0x20: {  	s9 =	sadd.s32 $0x1E50, s6;
	s19 =	sadd.s32 $0xA000, s14;
	[dreg:$0x14] =	wrdreg s18  }
0x21: {  	s24 =	simm.s32 $0x1;
	s20 =	sadd.s32 $0xC800, s14;
	[dreg:$0x15] =	wrdreg s19  }
0x22: {  	s26 =	simm.s32 $0x6560;
	s21 =	sadd.s32 $0xF000, s14;
	[dreg:$0x16] =	wrdreg s20  }
0x23: {  	s0 =	sadd.s32 $0x11800, s14;
	s22 =	sadd.s32 $0x16A00, s25;
	[dreg:$0x17] =	wrdreg s21  }
0x24: {  	s25 =	smax.u32 s2, $0x1;
	s14 =	simm.s32 $0x7;
	[dreg:$0x18] =	wrdreg s0  }
.Ltmp0:
0x25: {  	s23 =	simm.s32 $0x8EA0;
	[dreg:$0x1a] =	wrdreg s22;
	(pc) =	sbr.rel .LBB2_1-.Ltmp0, $4  }
0x26: {  	s2 =	simm.s32 $0x3;
	s18 =	sadd.s32 s7, s4;
	[dreg:$0x1d] =	wrdreg s25  }
0x27: {  	s15 =	simm.s32 $0x2710;
	s16 =	simm.s32 $0x66A0;
	s19 =	simm.s32 $0x50  }
0x28: {  	s20 =	simm.s32 $0x64C0;
	s22 =	simm.s32 $0x6510;
	s25 =	simm.s32 $0x6600  }
0x29: {  	v0 =	vimm.f32 $0.0e+00;
	s0 =	simm.s32 $0x5;
	s7 =	simm.s32 $0x0;
	[dreg:$0x19] =	wrdreg s18  }
.LBB2_31:
0x2a: {  	s5 =	simm.s32 $0x4  }
0x2b: {  	_ =	swait.ge [sflag:s5], $0x2800  }
0x2c: {  	[sflag:s5] =	ssyncset.done $0x0  }
0x2d: {  	s17 =	simm.s32 $0x6;
	[sflag:s5] =	ssyncadd.s32 $0xFFFFD800  }
0x2e: {  	_ =	swait.ge [sflag:s17], $0x50  }
0x2f: {  	[sflag:s17] =	ssyncset.done $0x0  }
0x30: {  	[sflag:s17] =	ssyncadd.s32 $0xFFFFFFB0  }
0x31: {  	s18 =	stileid.u32;
	[bflag:$0x0] =	sbarrier.arrive $0xFFFF  }
0x32: {  	s5 =	sshll.u32 s18, $0x6;
	s13 =	rddreg [dreg:$0x11]  }
0x33: {  	s5 =	sor.u32 $0x1C07, s5;
	s8 =	rddreg [dreg:$0x1a];
	s7 =	sshrl.u32 s13, $0x3  }
0x34: {  	[hbm:s8], [sflag:s5] =	dma.local [spmem:s7], $0x2710  }
0x35: {  	_ =	swait.ge [sflag:s14], $0x2710  }
0x36: {  	[sflag:s14] =	ssyncset.done $0x0;
	s18 =	rddreg [dreg:$0x19]  }
0x37: {  	s30 =	rddreg [dreg:$0x1b];
	[sflag:s14] =	ssyncadd.s32 $0xFFFFD8F0;
	s21 =	sshrl.u32 s18, $0x3  }
0x38: {  	[hbm:s30], [sflag:s5] =	dma.local [spmem:s21], $0x50  }
0x39: {  	_ =	swait.ge [sflag:s14], $0x50  }
0x3a: {  	[sflag:s14] =	ssyncset.done $0x0  }
0x3b: {  	[sflag:s14] =	ssyncadd.s32 $0xFFFFFFB0  }
0x3c: {  	s11 =	simm.s32 $0x50B0;
	s17 =	simm.s32 $0x0;
	s8 =	rddreg [dreg:$0x1c];
	[tilespmem:$0x50B0] =	vst v2  }
0x3d: {  	[hbm4b:s8+s17] =	stream.linear.scatter [tilespmem:s11], [sflag:$0x7], $0x10, $0x38;
	[tilespmem:$0x1F1A0] =	vst v63  }
0x3e: {  	_ =	swait.ge [sflag:s14], $0x10  }
0x3f: {  	s21 =	sld [smem:$0x7FD];
	_ =	sdelay $0x2  }
0x40: {  	s30 =	rddreg [dreg:$0x1d];
	s7 =	sadd.s32 $0x1, s21  }
0x41: {  	p0 =	sne.s32 s7, s30  }
.Ltmp1:
0x42: {  	_ = 	snop;
	(pc) =	sbr.rel @!p0 .LBB2_32-.Ltmp1, $3  }
0x43: {  	_ =	sdelay $0x1  }
0x44: {  	[sflag:s14] =	ssyncset.done $0x0  }
0x45: {  	[sflag:s14] =	ssyncadd.s32 $0xFFFFFFF0  }
.LBB2_1:
0x46: {  	[smem:$0x7FD] =	sst s7  }
0x47: {  	s5 =	rddreg [dreg:$0xe]  }
0x48: {  	[tilespmem:s17], [sflag:$0x7] =	stream.linear.gather [hbm4b:s5+s17], $0x2710, $0x38;
	[tilespmem:$0x1F1A0] =	vst v63  }
0x49: {  	_ =	swait.ge [sflag:s14], $0x2710  }
0x4a: {  	[sflag:s14] =	ssyncset.done $0x0  }
0x4b: {  	s11 =	rddreg [dreg:$0xf];
	[sflag:s14] =	ssyncadd.s32 $0xFFFFD8F0  }
0x4c: {  	[tilespmem:s15], [sflag:$0x7] =	stream.linear.gather [hbm4b:s11+s17], $0x2710, $0x38;
	[tilespmem:$0x1F1A0] =	vst v63  }
0x4d: {  	_ =	swait.ge [sflag:s14], $0x2710  }
0x4e: {  	[sflag:s14] =	ssyncset.done $0x0  }
0x4f: {  	s30 =	simm.s32 $0x50A0;
	s21 =	rddreg [dreg:$0x10];
	[sflag:s14] =	ssyncadd.s32 $0xFFFFD8F0  }
0x50: {  	[tilespmem:s30], [sflag:$0x7] =	stream.linear.gather [hbm4b:s21+s17], $0x10, $0x38;
	[tilespmem:$0x1F1A0] =	vst v63  }
0x51: {  	_ =	swait.ge [sflag:s14], $0x10  }
0x52: {  	[sflag:s14] =	ssyncset.done $0x0  }
0x53: {  	s7 =	simm.s32 $0x200;
	s5 =	simm.s32 $0x0;
	[sflag:s14] =	ssyncadd.s32 $0xFFFFFFF0  }
.LBB2_2:
0x54: {  	p0 =	sne.s32 s7, $0x9E00;
	[tilespmem:s5+$0x6710] =	vst v0  }
0x55: {  	[tilespmem:s5+$0x66A0] =	vst v0  }
0x56: {  	[tilespmem:s5+$0x66B0] =	vst v0  }
.Ltmp2:
0x57: {  	[tilespmem:s5+$0x66C0] =	vst v0;
	(pc) =	sbr.rel @p0 .LBB2_2-.Ltmp2, $4  }
0x58: {  	[tilespmem:s5+$0x66D0] =	vst v0  }
0x59: {  	[tilespmem:s5+$0x66E0] =	vst v0  }
0x5a: {  	[tilespmem:s5+$0x66F0] =	vst v0  }
0x5b: {  	[tilespmem:s5+$0x6700] =	vst v0;
	s5 =	sshra.s32 s7, $0x2;
	s7 =	sadd.s32 $0x200, s7  }
0x5c: {  	[tilespmem:s5+$0x6710] =	vst v0  }
0x5d: {  	[tilespmem:s5+$0x66A0] =	vst v0  }
0x5e: {  	[tilespmem:s5+$0x66B0] =	vst v0  }
0x5f: {  	[tilespmem:s5+$0x66C0] =	vst v0  }
0x60: {  	[tilespmem:s5+$0x66D0] =	vst v0  }
0x61: {  	[tilespmem:s5+$0x66E0] =	vst v0  }
0x62: {  	[tilespmem:s5+$0x66F0] =	vst v0  }
0x63: {  	[tilespmem:s5+$0x6700] =	vst v0;
	v2 =	vimm.f32 $0.0e+00  }
0x64: {  	[tilespmem:$0x4E20] =	vst v2  }
0x65: {  	[tilespmem:$0x4E30] =	vst v2  }
0x66: {  	[tilespmem:$0x4E40] =	vst v2  }
0x67: {  	[tilespmem:$0x4E50] =	vst v2  }
0x68: {  	[tilespmem:$0x4E60] =	vst v2  }
0x69: {  	[tilespmem:$0x4E70] =	vst v2  }
0x6a: {  	[tilespmem:$0x4E80] =	vst v2  }
0x6b: {  	[tilespmem:$0x4E90] =	vst v2  }
0x6c: {  	[tilespmem:$0x4EA0] =	vst v2  }
0x6d: {  	[tilespmem:$0x4EB0] =	vst v2  }
0x6e: {  	[tilespmem:$0x4EC0] =	vst v2  }
0x6f: {  	[tilespmem:$0x4ED0] =	vst v2  }
0x70: {  	[tilespmem:$0x4EE0] =	vst v2  }
0x71: {  	[tilespmem:$0x4EF0] =	vst v2  }
0x72: {  	[tilespmem:$0x4F00] =	vst v2  }
0x73: {  	[tilespmem:$0x4F10] =	vst v2  }
0x74: {  	[tilespmem:$0x4F20] =	vst v2  }
0x75: {  	[tilespmem:$0x4F30] =	vst v2  }
0x76: {  	[tilespmem:$0x4F40] =	vst v2  }
0x77: {  	[tilespmem:$0x4F50] =	vst v2  }
0x78: {  	[tilespmem:$0x4F60] =	vst v2  }
0x79: {  	[tilespmem:$0x4F70] =	vst v2  }
0x7a: {  	[tilespmem:$0x4F80] =	vst v2  }
0x7b: {  	[tilespmem:$0x4F90] =	vst v2  }
0x7c: {  	[tilespmem:$0x4FA0] =	vst v2  }
0x7d: {  	[tilespmem:$0x4FB0] =	vst v2  }
0x7e: {  	[tilespmem:$0x4FC0] =	vst v2  }
0x7f: {  	[tilespmem:$0x4FD0] =	vst v2  }
0x80: {  	[tilespmem:$0x4FE0] =	vst v2  }
0x81: {  	[tilespmem:$0x4FF0] =	vst v2  }
0x82: {  	[tilespmem:$0x5000] =	vst v2  }
0x83: {  	[tilespmem:$0x5010] =	vst v2  }
0x84: {  	[tilespmem:$0x5020] =	vst v2  }
0x85: {  	[tilespmem:$0x5030] =	vst v2  }
0x86: {  	[tilespmem:$0x5040] =	vst v2  }
0x87: {  	[tilespmem:$0x5050] =	vst v2  }
0x88: {  	[tilespmem:$0x5060] =	vst v2  }
0x89: {  	[tilespmem:$0x5070] =	vst v2  }
0x8a: {  	[tilespmem:$0x5080] =	vst v2  }
0x8b: {  	[tilespmem:$0x5090] =	vst v2  }
0x8c: {  	[spmem:s13] =	stream.linear.scatter [tilespmem:s16], [sflag:$0x7], $0x2800, $0x38;
	[tilespmem:$0x1F1A0] =	vst v63  }
0x8d: {  	_ =	swait.ge [sflag:s14], $0x2800  }
0x8e: {  	[sflag:s14] =	ssyncset.done $0x0  }
0x8f: {  	s13 =	rddreg [dreg:$0x12];
	[sflag:s14] =	ssyncadd.s32 $0xFFFFD800  }
0x90: {  	[spmem:s13] =	stream.linear.scatter [tilespmem:s16], [sflag:$0x7], $0x2800, $0x38;
	[tilespmem:$0x1F1A0] =	vst v63  }
0x91: {  	_ =	swait.ge [sflag:s14], $0x2800  }
0x92: {  	[sflag:s14] =	ssyncset.done $0x0  }
0x93: {  	s17 =	rddreg [dreg:$0x13];
	[sflag:s14] =	ssyncadd.s32 $0xFFFFD800  }
0x94: {  	[spmem:s17] =	stream.linear.scatter [tilespmem:s16], [sflag:$0x7], $0x2800, $0x38;
	[tilespmem:$0x1F1A0] =	vst v63  }
0x95: {  	_ =	swait.ge [sflag:s14], $0x2800  }
0x96: {  	[sflag:s14] =	ssyncset.done $0x0  }
0x97: {  	s21 =	rddreg [dreg:$0x14];
	[sflag:s14] =	ssyncadd.s32 $0xFFFFD800  }
0x98: {  	[spmem:s21] =	stream.linear.scatter [tilespmem:s16], [sflag:$0x7], $0x2800, $0x38;
	[tilespmem:$0x1F1A0] =	vst v63  }
0x99: {  	_ =	swait.ge [sflag:s14], $0x2800  }
0x9a: {  	[sflag:s14] =	ssyncset.done $0x0  }
0x9b: {  	s30 =	rddreg [dreg:$0x15];
	[sflag:s14] =	ssyncadd.s32 $0xFFFFD800  }
0x9c: {  	[spmem:s30] =	stream.linear.scatter [tilespmem:s16], [sflag:$0x7], $0x2800, $0x38;
	[tilespmem:$0x1F1A0] =	vst v63  }
0x9d: {  	_ =	swait.ge [sflag:s14], $0x2800  }
0x9e: {  	[sflag:s14] =	ssyncset.done $0x0  }
0x9f: {  	s7 =	rddreg [dreg:$0x16];
	[sflag:s14] =	ssyncadd.s32 $0xFFFFD800  }
0xa0: {  	[spmem:s7] =	stream.linear.scatter [tilespmem:s16], [sflag:$0x7], $0x2800, $0x38;
	[tilespmem:$0x1F1A0] =	vst v63  }
0xa1: {  	_ =	swait.ge [sflag:s14], $0x2800  }
0xa2: {  	[sflag:s14] =	ssyncset.done $0x0  }
0xa3: {  	s8 =	rddreg [dreg:$0x17];
	[sflag:s14] =	ssyncadd.s32 $0xFFFFD800  }
0xa4: {  	[spmem:s8] =	stream.linear.scatter [tilespmem:s16], [sflag:$0x7], $0x2800, $0x38;
	[tilespmem:$0x1F1A0] =	vst v63  }
0xa5: {  	_ =	swait.ge [sflag:s14], $0x2800  }
0xa6: {  	[sflag:s14] =	ssyncset.done $0x0  }
0xa7: {  	s11 =	rddreg [dreg:$0x18];
	[sflag:s14] =	ssyncadd.s32 $0xFFFFD800  }
0xa8: {  	[spmem:s11] =	stream.linear.scatter [tilespmem:s16], [sflag:$0x7], $0x2080, $0x38;
	[tilespmem:$0x1F1A0] =	vst v63  }
0xa9: {  	_ =	swait.ge [sflag:s14], $0x2080  }
0xaa: {  	[sflag:s14] =	ssyncset.done $0x0  }
0xab: {  	s13 =	simm.s32 $0x4E20;
	[sflag:s14] =	ssyncadd.s32 $0xFFFFDF80  }
0xac: {  	[spmem:s18] =	stream.linear.scatter [tilespmem:s13], [sflag:$0x7], $0x280, $0x38;
	[tilespmem:$0x1F1A0] =	vst v63  }
0xad: {  	_ =	swait.ge [sflag:s14], $0x280  }
0xae: {  	[sflag:s14] =	ssyncset.done $0x0  }
0xaf: {  	[sflag:s14] =	ssyncadd.s32 $0xFFFFFD80  }
0xb0: {  	[bflag:$0x0] =	sbarrier.arrive $0xFFFF  }
0xb1: {  	s7 =	simm.s32 $0x50C0;
	s18 =	simm.s32 $0x0;
	s17 =	rddreg [dreg:$0x5]  }
0xb2: {  	v1 =	vld [tilespmem:$0x50A0];
	[tilespmem:s7], [sflag:$0x7] =	stream.linear.gather [hbm4b:s17+s18], $0xA00, $0x38  }
0xb3: {  	_ =	swait.ge [sflag:s14], $0xA00  }
0xb4: {  	[sflag:s14] =	ssyncset.done $0x0  }
0xb5: {  	s30 =	simm.s32 $0x5AC0;
	s21 =	rddreg [dreg:$0x6];
	[sflag:s14] =	ssyncadd.s32 $0xFFFFF600  }
0xb6: {  	[tilespmem:s30], [sflag:$0x7] =	stream.linear.gather [hbm4b:s21+s18], $0xA00, $0x38;
	[tilespmem:$0x1F1A0] =	vst v63  }
0xb7: {  	_ =	swait.ge [sflag:s14], $0xA00  }
0xb8: {  	[sflag:s14] =	ssyncset.done $0x0  }
0xb9: {  	[sflag:s14] =	ssyncadd.s32 $0xFFFFF600  }
0xba: {  	v3 =	vld [tilespmem:$0x50C0]  }
0xbb: {  	v4 =	vld [tilespmem:$0x5AC0]  }
0xbc: {  	v5 =	vld [tilespmem:$0x50D0]  }
0xbd: {  	v6 =	vld [tilespmem:$0x5AD0]  }
0xbe: {  	v7 =	vld [tilespmem:$0x50E0]  }
0xbf: {  	v60 =	vld [tilespmem:$0x50F0];
	[tilespmem:$0x64C0] =	vst v3  }
0xc0: {  	v61 =	vld [tilespmem:$0x5AF0];
	[tilespmem:$0x6560] =	vst v4  }
0xc1: {  	v62 =	vld [tilespmem:$0x5100];
	[tilespmem:$0x64D0] =	vst v5  }
0xc2: {  	v63 =	vld [tilespmem:$0x5B00];
	[tilespmem:$0x6570] =	vst v6  }
0xc3: {  	v3 =	vld [tilespmem:$0x5AE0];
	[tilespmem:$0x64E0] =	vst v7  }
0xc4: {  	[tilespmem:$0x64F0] =	vst v60  }
0xc5: {  	[tilespmem:$0x6590] =	vst v61  }
0xc6: {  	[tilespmem:$0x6500] =	vst v62  }
0xc7: {  	[tilespmem:$0x65A0] =	vst v63  }
0xc8: {  	s21 =	simm.s32 $0x0;
	[tilespmem:$0x6580] =	vst v3  }
0xc9: {  	[tilespmem:s16], [sflag:$0x1] =	stream.indirect.gather [hbm4b:s1+s19], $0x80, s20, s19, $0xb8;
	[tilespmem:$0x1F1A0] =	vst v63  }
.LBB2_4:
0xca: {  	p0 =	seq.s32 s21, $0x0  }
0xcb: {  	s5 =	simm.s32 @!p0 $0x4  }
0xcc: {  	_ =	swait.ge @!p0 [sflag:s5], $0x2800  }
0xcd: {  	[sflag:s5] =	ssyncset.done @!p0 $0x0  }
0xce: {  	[sflag:s5] =	ssyncadd.s32 @!p0 $0xFFFFD800;
	s5 =	simm.s32 @!p0 $0x6  }
0xcf: {  	_ =	swait.ge @!p0 [sflag:s5], $0x50  }
0xd0: {  	s30 =	smul.u32 $0xA0, s21;
	[sflag:s5] =	ssyncset.done @!p0 $0x0  }
0xd1: {  	[sflag:s5] =	ssyncadd.s32 @!p0 $0xFFFFFFB0  }
0xd2: {  	v3 =	vld [tilespmem:s30+$0x5110];
	_ =	sdelay $0x4  }
0xd3: {  	[tilespmem:$0x6510] =	vst v3  }
0xd4: {  	v3 =	vld [tilespmem:s30+$0x5B10];
	_ =	sdelay $0x4  }
0xd5: {  	[tilespmem:$0x65B0] =	vst v3  }
0xd6: {  	v3 =	vld [tilespmem:s30+$0x5120];
	_ =	sdelay $0x4  }
0xd7: {  	[tilespmem:$0x6520] =	vst v3  }
0xd8: {  	v3 =	vld [tilespmem:s30+$0x5B20];
	_ =	sdelay $0x4  }
0xd9: {  	[tilespmem:$0x65C0] =	vst v3  }
0xda: {  	v3 =	vld [tilespmem:s30+$0x5130];
	_ =	sdelay $0x4  }
0xdb: {  	[tilespmem:$0x6530] =	vst v3  }
0xdc: {  	v3 =	vld [tilespmem:s30+$0x5B30];
	_ =	sdelay $0x4  }
0xdd: {  	[tilespmem:$0x65D0] =	vst v3  }
0xde: {  	v3 =	vld [tilespmem:s30+$0x5140];
	_ =	sdelay $0x4  }
0xdf: {  	[tilespmem:$0x6540] =	vst v3  }
0xe0: {  	v3 =	vld [tilespmem:s30+$0x5B40];
	_ =	sdelay $0x4  }
0xe1: {  	[tilespmem:$0x65E0] =	vst v3  }
0xe2: {  	v3 =	vld [tilespmem:s30+$0x5150];
	_ =	sdelay $0x4  }
0xe3: {  	[tilespmem:$0x6550] =	vst v3  }
0xe4: {  	v3 =	vld [tilespmem:s30+$0x5B50];
	_ =	sdelay $0x4  }
0xe5: {  	[tilespmem:$0x65F0] =	vst v3  }
0xe6: {  	[tilespmem:s23], [sflag:$0x2] =	stream.indirect.gather [hbm4b:s1+s19], $0x80, s22, s19, $0xb8;
	[tilespmem:$0x1F1A0] =	vst v63  }
0xe7: {  	v3 =	vld [tilespmem:$0x64C0]  }
0xe8: {  	v4 =	vld [tilespmem:$0x6560];
	_ =	sdelay $0x6  }
0xe9: {  	v3 =	vld.idx.msk [tilespmem:v3+s18+$0x0], $0xffff  }
0xea: {  	v4 =	vld.idx.msk [tilespmem:v4+s15+$0x0], $0xffff;
	_ =	sdelay $0x4  }
0xeb: {  	v3 =	vadd.f32 v4, v3;
	_ =	sdelay $0x1  }
0xec: {  	v4 =	vmul.f32 $9.999999770e-03, v3  }
0xed: {  	vm0 =	vgt.f32 v3, $0.0e+00  }
0xee: {  	v3 =	vsel vm0, v3, v4  }
0xef: {  	v3 =	vsub.f32 v3, v1;
	_ =	sdelay $0x1  }
0xf0: {  	v3 =	vmul.f32 $1.442695020e+00, v3;
	_ =	sdelay $0x1  }
0xf1: {  	(erf) = vpow2.f32 v3;
	_ =	sdelay $0x3  }
0xf2: {  	v4 =	vld [tilespmem:$0x64D0]  }
0xf3: {  	v5 =	vld [tilespmem:$0x6570];
	_ =	sdelay $0x2  }
0xf4: {  	s8 =	sadd.s32 s6, s30  }
0xf5: {  	p2 =	slt.u32 s8, $0x4E200;
	v3 =	vpop (erf)  }
0xf6: {  	v3 =	vpsel !p2, $0x0, v3  }
0xf7: {  	[tilespmem:$0x6600] =	vst v3  }
0xf8: {  	v4 =	vld.idx.msk [tilespmem:v4+s18+$0x0], $0xffff  }
0xf9: {  	v5 =	vld.idx.msk [tilespmem:v5+s15+$0x0], $0xffff;
	_ =	sdelay $0x4  }
0xfa: {  	v4 =	vadd.f32 v5, v4;
	_ =	sdelay $0x1  }
0xfb: {  	v5 =	vmul.f32 $9.999999770e-03, v4  }
0xfc: {  	vm12 =	vgt.f32 v4, $0.0e+00  }
0xfd: {  	v4 =	vsel vm12, v4, v5  }
0xfe: {  	v4 =	vsub.f32 v4, v1;
	_ =	sdelay $0x1  }
0xff: {  	v4 =	vmul.f32 $1.442695020e+00, v4;
	_ =	sdelay $0x1  }
0x100: {  	(erf) = vpow2.f32 v4;
	_ =	sdelay $0x3  }
0x101: {  	v5 =	vld [tilespmem:$0x64E0]  }
0x102: {  	v6 =	vld [tilespmem:$0x6580];
	_ =	sdelay $0x2  }
0x103: {  	s7 =	sor.u32 $0x10, s8  }
0x104: {  	p3 =	slt.u32 s7, $0x4E200;
	v4 =	vpop (erf)  }
0x105: {  	v4 =	vpsel !p3, $0x0, v4  }
0x106: {  	[tilespmem:$0x6610] =	vst v4  }
0x107: {  	v5 =	vld.idx.msk [tilespmem:v5+s18+$0x0], $0xffff  }
0x108: {  	v6 =	vld.idx.msk [tilespmem:v6+s15+$0x0], $0xffff;
	_ =	sdelay $0x4  }
0x109: {  	v5 =	vadd.f32 v6, v5;
	_ =	sdelay $0x1  }
0x10a: {  	v6 =	vmul.f32 $9.999999770e-03, v5  }
0x10b: {  	vm13 =	vgt.f32 v5, $0.0e+00  }
0x10c: {  	v5 =	vsel vm13, v5, v6  }
0x10d: {  	v5 =	vsub.f32 v5, v1;
	_ =	sdelay $0x1  }
0x10e: {  	v5 =	vmul.f32 $1.442695020e+00, v5;
	_ =	sdelay $0x1  }
0x10f: {  	(erf) = vpow2.f32 v5;
	_ =	sdelay $0x3  }
0x110: {  	v6 =	vld [tilespmem:$0x64F0]  }
0x111: {  	v7 =	vld [tilespmem:$0x6590];
	_ =	sdelay $0x2  }
0x112: {  	s11 =	sadd.s32 $0x20, s8  }
0x113: {  	p4 =	slt.u32 s11, $0x4E200;
	v5 =	vpop (erf)  }
0x114: {  	v5 =	vpsel !p4, $0x0, v5  }
0x115: {  	[tilespmem:$0x6620] =	vst v5  }
0x116: {  	v6 =	vld.idx.msk [tilespmem:v6+s18+$0x0], $0xffff  }
0x117: {  	v7 =	vld.idx.msk [tilespmem:v7+s15+$0x0], $0xffff;
	_ =	sdelay $0x4  }
0x118: {  	v6 =	vadd.f32 v7, v6;
	_ =	sdelay $0x1  }
0x119: {  	v7 =	vmul.f32 $9.999999770e-03, v6  }
0x11a: {  	vm14 =	vgt.f32 v6, $0.0e+00  }
0x11b: {  	v6 =	vsel vm14, v6, v7  }
0x11c: {  	v6 =	vsub.f32 v6, v1;
	_ =	sdelay $0x1  }
0x11d: {  	v6 =	vmul.f32 $1.442695020e+00, v6;
	_ =	sdelay $0x1  }
0x11e: {  	(erf) = vpow2.f32 v6;
	_ =	sdelay $0x3  }
0x11f: {  	v7 =	vld [tilespmem:$0x6500]  }
0x120: {  	v8 =	vld [tilespmem:$0x65A0];
	_ =	sdelay $0x2  }
0x121: {  	s13 =	sadd.s32 $0x30, s8  }
0x122: {  	p5 =	slt.u32 s13, $0x4E200;
	v6 =	vpop (erf)  }
0x123: {  	v6 =	vpsel !p5, $0x0, v6  }
0x124: {  	[tilespmem:$0x6630] =	vst v6  }
0x125: {  	v7 =	vld.idx.msk [tilespmem:v7+s18+$0x0], $0xffff  }
0x126: {  	v8 =	vld.idx.msk [tilespmem:v8+s15+$0x0], $0xffff;
	_ =	sdelay $0x4  }
0x127: {  	v7 =	vadd.f32 v8, v7;
	_ =	sdelay $0x1  }
0x128: {  	v8 =	vmul.f32 $9.999999770e-03, v7  }
0x129: {  	vm15 =	vgt.f32 v7, $0.0e+00  }
0x12a: {  	v7 =	vsel vm15, v7, v8  }
0x12b: {  	v7 =	vsub.f32 v7, v1;
	_ =	sdelay $0x1  }
0x12c: {  	v7 =	vmul.f32 $1.442695020e+00, v7;
	_ =	sdelay $0x1  }
0x12d: {  	(erf) = vpow2.f32 v7;
	_ =	sdelay $0x6  }
0x12e: {  	s17 =	simm.s32 $0x2;
	v7 =	vmov s18  }
0x12f: {  	s5 =	sadd.s32 $0x40, s8;
	v8 =	vmov s17;
	v7 =	vand.u32 $0xFFFFFFFC, v7  }
0x130: {  	p6 =	slt.u32 s5, $0x4E200;
	v8 =	vand.u32 $0xFFFFFFFE, v8;
	v10 =	vbroadcast v7, $0x0;
	v9 =	vpop (erf)  }
0x131: {  	v8 =	vbroadcast v8, $0x0;
	v7 =	vpsel !p6, $0x0, v9  }
0x132: {  	[tilespmem:$0x6640] =	vst v7  }
0x133: {  	_ =	swait.ge [sflag:s24], $0x2800  }
0x134: {  	[sflag:s24] =	ssyncset.done $0x0  }
0x135: {  	[sflag:s24] =	ssyncadd.s32 $0xFFFFD800  }
0x136: {  	v10 =	vld.idx.msk [tilespmem:v10+s25+$0x0], $0xffff  }
0x137: {  	s8 =	simm.s32 $0x1;
	s5 =	simm.s32 $0x67A0;
	v9 =	vld.idx.msk [tilespmem:v8+s25+$0x0], $0xffff  }
0x138: {  	v8 =	vmov s8;
	v11 =	vld [tilespmem:s5+$0x70]  }
0x139: {  	v12 =	vld [tilespmem:s5+$0xFFFFFF00];
	v8 =	vand.u32 $0xFFFFFFFD, v8  }
0x13a: {  	v13 =	vld [tilespmem:s5+$0xFFFFFF10];
	v8 =	vbroadcast v8, $0x0  }
0x13b: {  	v14 =	vld [tilespmem:s5+$0xFFFFFF20]  }
0x13c: {  	v15 =	vld [tilespmem:s5+$0xFFFFFF30]  }
0x13d: {  	v16 =	vld [tilespmem:s5+$0xFFFFFF40]  }
0x13e: {  	v17 =	vld [tilespmem:s5+$0xFFFFFF50]  }
0x13f: {  	v18 =	vld [tilespmem:s5+$0xFFFFFF60];
	v12 =	vmul.f32 v12, v10  }
0x140: {  	v19 =	vld.idx.msk [tilespmem:v8+s25+$0x0], $0xffff;
	v8 =	vmul.f32 v11, v9  }
0x141: {  	[tilespmem:s5+$0xFFFFFF00] =	vst v12;
	v12 =	vld [tilespmem:s5+$0xFFFFFF70];
	v11 =	vmul.f32 v13, v10  }
0x142: {  	v13 =	vld [tilespmem:s5+$0xFFFFFF80];
	[tilespmem:s5+$0x70] =	vst v8;
	v8 =	vmul.f32 v14, v10  }
0x143: {  	s11 =	simm.s32 $0x3;
	[tilespmem:s5+$0xFFFFFF10] =	vst v11;
	v11 =	vmul.f32 v15, v10;
	v14 =	vld [tilespmem:s5+$0xFFFFFF90]  }
0x144: {  	v15 =	vmov s11;
	[tilespmem:s5+$0xFFFFFF20] =	vst v8;
	v8 =	vmul.f32 v16, v10;
	v16 =	vld [tilespmem:s5+$0xFFFFFFA0]  }
0x145: {  	[tilespmem:s5+$0xFFFFFF30] =	vst v11;
	v11 =	vmul.f32 v17, v10;
	v17 =	vld [tilespmem:s5+$0xFFFFFFB0]  }
0x146: {  	[tilespmem:s5+$0xFFFFFF40] =	vst v8;
	v8 =	vmul.f32 v18, v10;
	v18 =	vld [tilespmem:s5+$0xFFFFFFC0]  }
0x147: {  	[tilespmem:s5+$0xFFFFFF50] =	vst v11;
	v11 =	vmul.f32 v13, v19;
	v13 =	vld [tilespmem:s5+$0xFFFFFFD0]  }
0x148: {  	v10 =	vmul.f32 v12, v10;
	v12 =	vld [tilespmem:s5+$0xFFFFFFE0];
	[tilespmem:s5+$0xFFFFFF60] =	vst v8  }
0x149: {  	v14 =	vmul.f32 v14, v19;
	v8 =	vld.idx.msk [tilespmem:v15+s25+$0x0], $0xffff;
	[tilespmem:s5+$0xFFFFFF80] =	vst v11  }
0x14a: {  	[tilespmem:s5+$0xFFFFFF70] =	vst v10;
	v11 =	vld [tilespmem:s5+$0xFFFFFFF0];
	v10 =	vmul.f32 v16, v19  }
0x14b: {  	v15 =	vld [tilespmem:s5+$0x0];
	[tilespmem:s5+$0xFFFFFF90] =	vst v14;
	v14 =	vmul.f32 v17, v19  }
0x14c: {  	v16 =	vld [tilespmem:s5+$0x10];
	[tilespmem:s5+$0xFFFFFFA0] =	vst v10;
	v10 =	vmul.f32 v18, v19  }
0x14d: {  	[tilespmem:s5+$0xFFFFFFB0] =	vst v14;
	v13 =	vmul.f32 v13, v19;
	v14 =	vld [tilespmem:s5+$0x20]  }
0x14e: {  	v17 =	vld [tilespmem:s5+$0x30];
	[tilespmem:s5+$0xFFFFFFC0] =	vst v10;
	v10 =	vmul.f32 v12, v19  }
0x14f: {  	v18 =	vld [tilespmem:s5+$0x40];
	[tilespmem:s5+$0xFFFFFFD0] =	vst v13;
	v12 =	vmul.f32 v11, v19  }
0x150: {  	v13 =	vmul.f32 v15, v9;
	v11 =	vld [tilespmem:s5+$0x50];
	[tilespmem:s5+$0xFFFFFFE0] =	vst v10  }
0x151: {  	s13 =	simm.s32 $0x4;
	v16 =	vmul.f32 v16, v9;
	[tilespmem:s5+$0xFFFFFFF0] =	vst v12;
	v10 =	vld [tilespmem:s5+$0x60]  }
0x152: {  	s11 =	simm.s32 $0x5;
	v15 =	vld [tilespmem:s5+$0x80];
	v12 =	vmov s13;
	[tilespmem:s5+$0x0] =	vst v13;
	v20 =	vmul.f32 v14, v9  }
0x153: {  	s7 =	simm.s32 $0x8;
	s17 =	simm.s32 $0x7;
	v19 =	vmov s11;
	v17 =	vmul.f32 v17, v9;
	v13 =	vand.u32 $0xFFFFFFFC, v12;
	[tilespmem:s5+$0x10] =	vst v16;
	v14 =	vld [tilespmem:s5+$0x90]  }
0x154: {  	s8 =	sadd.s32 $0x50, s30;
	s11 =	simm.s32 $0x6;
	v12 =	vmov s17;
	v18 =	vmul.f32 v18, v9;
	v16 =	vld [tilespmem:s5+$0xA0];
	s17 =	simm.s32 $0x67A0;
	v13 =	vbroadcast v13, $0x0;
	[tilespmem:s5+$0x20] =	vst v20  }
.LBB2_5:
0x155: {  	p0 =	slt.u32 s7, $0x4C;
	v19 =	vand.u32 $0xFFFFFFFD, v19;
	v20 =	vmov s11;
	[tilespmem:s5+$0x30] =	vst v17;
	v11 =	vmul.f32 v11, v9;
	v17 =	vld [tilespmem:s5+$0xB0]  }
0x156: {  	v19 =	vbroadcast v19, $0x0;
	v20 =	vand.u32 $0xFFFFFFFE, v20;
	[tilespmem:s5+$0x40] =	vst v18;
	v9 =	vmul.f32 v10, v9;
	v10 =	vld [tilespmem:s5+$0xC0]  }
0x157: {  	v18 =	vbroadcast v20, $0x0;
	[tilespmem:s5+$0x50] =	vst v11;
	v11 =	vmul.f32 v15, v8;
	v15 =	vld [tilespmem:s5+$0xD0]  }
0x158: {  	[tilespmem:s5+$0x60] =	vst v9;
	v9 =	vmul.f32 v14, v8;
	v14 =	vld [tilespmem:s5+$0xE0]  }
0x159: {  	[tilespmem:s5+$0x80] =	vst v11;
	v11 =	vmul.f32 v16, v8;
	v16 =	vld [tilespmem:s5+$0xF0]  }
0x15a: {  	v12 =	vld.idx.msk [tilespmem:v12+s25+$0x0], $0xffff;
	[tilespmem:s5+$0x90] =	vst v9;
	v9 =	vmul.f32 v17, v8  }
0x15b: {  	v13 =	vld.idx.msk [tilespmem:v13+s25+$0x0], $0xffff;
	[tilespmem:s5+$0xA0] =	vst v11;
	v10 =	vmul.f32 v10, v8  }
0x15c: {  	v11 =	vld.idx.msk [tilespmem:v19+s25+$0x0], $0xffff;
	[tilespmem:s5+$0xB0] =	vst v9;
	v15 =	vmul.f32 v15, v8  }
0x15d: {  	s5 =	sadd.s32 $0x200, s5;
	v9 =	vld.idx.msk [tilespmem:v18+s25+$0x0], $0xffff;
	[tilespmem:s17+$0xC0] =	vst v10;
	v10 =	vmul.f32 v14, v8  }
0x15e: {  	v14 =	vld [tilespmem:s5+$0x70];
	[tilespmem:s17+$0xD0] =	vst v15;
	v16 =	vmul.f32 v16, v8  }
0x15f: {  	v15 =	vld [tilespmem:s5+$0xFFFFFF00];
	[tilespmem:s17+$0xE0] =	vst v10  }
0x160: {  	v8 =	vmov v12;
	v10 =	vld [tilespmem:s5+$0xFFFFFF10];
	[tilespmem:s17+$0xF0] =	vst v16;
	s17 =	smov.u32 s5  }
0x161: {  	v12 =	vld [tilespmem:s5+$0xFFFFFF20]  }
0x162: {  	v16 =	vld [tilespmem:s5+$0xFFFFFF30]  }
0x163: {  	v17 =	vld [tilespmem:s5+$0xFFFFFF40];
	v14 =	vmul.f32 v14, v9  }
0x164: {  	v15 =	vmul.f32 v15, v13;
	v18 =	vld [tilespmem:s5+$0xFFFFFF50]  }
0x165: {  	v10 =	vmul.f32 v10, v13;
	v19 =	vld [tilespmem:s5+$0xFFFFFF60];
	[tilespmem:s5+$0x70] =	vst v14  }
0x166: {  	[tilespmem:s5+$0xFFFFFF00] =	vst v15;
	v12 =	vmul.f32 v12, v13;
	v14 =	vld [tilespmem:s5+$0xFFFFFF70]  }
0x167: {  	[tilespmem:s5+$0xFFFFFF10] =	vst v10;
	v10 =	vmul.f32 v16, v13;
	v15 =	vld [tilespmem:s5+$0xFFFFFF80]  }
0x168: {  	[tilespmem:s5+$0xFFFFFF20] =	vst v12;
	v12 =	vmul.f32 v17, v13;
	v16 =	vld [tilespmem:s5+$0xFFFFFF90]  }
0x169: {  	[tilespmem:s5+$0xFFFFFF30] =	vst v10;
	v10 =	vmul.f32 v18, v13;
	v17 =	vld [tilespmem:s5+$0xFFFFFFA0]  }
0x16a: {  	[tilespmem:s5+$0xFFFFFF40] =	vst v12;
	v12 =	vmul.f32 v19, v13;
	v18 =	vld [tilespmem:s5+$0xFFFFFFB0]  }
0x16b: {  	[tilespmem:s5+$0xFFFFFF50] =	vst v10;
	v10 =	vmul.f32 v14, v13;
	v13 =	vld [tilespmem:s5+$0xFFFFFFC0]  }
0x16c: {  	[tilespmem:s5+$0xFFFFFF60] =	vst v12;
	v12 =	vmul.f32 v15, v11;
	v14 =	vld [tilespmem:s5+$0xFFFFFFD0]  }
0x16d: {  	[tilespmem:s5+$0xFFFFFF70] =	vst v10;
	v10 =	vmul.f32 v16, v11;
	v15 =	vld [tilespmem:s5+$0xFFFFFFE0]  }
0x16e: {  	[tilespmem:s5+$0xFFFFFF80] =	vst v12;
	v12 =	vmul.f32 v17, v11;
	v16 =	vld [tilespmem:s5+$0xFFFFFFF0]  }
0x16f: {  	[tilespmem:s5+$0xFFFFFF90] =	vst v10;
	v10 =	vmul.f32 v18, v11;
	v17 =	vld [tilespmem:s5+$0x0]  }
0x170: {  	[tilespmem:s5+$0xFFFFFFA0] =	vst v12;
	v12 =	vmul.f32 v13, v11;
	v13 =	vld [tilespmem:s5+$0x10]  }
0x171: {  	[tilespmem:s5+$0xFFFFFFB0] =	vst v10;
	v10 =	vmul.f32 v14, v11;
	v14 =	vld [tilespmem:s5+$0x20]  }
0x172: {  	[tilespmem:s5+$0xFFFFFFC0] =	vst v12;
	v12 =	vmul.f32 v15, v11;
	v18 =	vld [tilespmem:s5+$0x30]  }
0x173: {  	[tilespmem:s5+$0xFFFFFFD0] =	vst v10;
	v10 =	vmul.f32 v16, v11;
	v16 =	vld [tilespmem:s5+$0x40]  }
.Ltmp3:
0x174: {  	[tilespmem:s5+$0xFFFFFFE0] =	vst v12;
	v12 =	vmul.f32 v17, v9;
	v11 =	vld [tilespmem:s5+$0x50];
	(pc) =	sbr.rel @p0 .LBB2_5-.Ltmp3, $4  }
0x175: {  	[tilespmem:s5+$0xFFFFFFF0] =	vst v10;
	v13 =	vmul.f32 v13, v9;
	v10 =	vld [tilespmem:s5+$0x60]  }
0x176: {  	s11 =	sadd.s32 $0x3, s7;
	v17 =	vmov s7;
	[tilespmem:s5+$0x0] =	vst v12;
	v20 =	vmul.f32 v14, v9;
	v15 =	vld [tilespmem:s5+$0x80]  }
0x177: {  	s13 =	sadd.s32 $0x1, s7;
	v19 =	vand.u32 $0xFFFFFFFC, v17;
	v12 =	vmov s11;
	[tilespmem:s5+$0x10] =	vst v13;
	v17 =	vmul.f32 v18, v9;
	v14 =	vld [tilespmem:s5+$0x90]  }
0x178: {  	s11 =	sadd.s32 $0x2, s7;
	s7 =	sadd.s32 $0x4, s7;
	v13 =	vbroadcast v19, $0x0;
	v19 =	vmov s13;
	[tilespmem:s5+$0x20] =	vst v20;
	v18 =	vmul.f32 v16, v9;
	v16 =	vld [tilespmem:s5+$0xA0]  }
0x179: {  	v20 =	vld [tilespmem:s5+$0xB0]  }
0x17a: {  	v22 =	vld [tilespmem:s5+$0xC0]  }
0x17b: {  	v21 =	vmov s11;
	v23 =	vld [tilespmem:s5+$0xD0]  }
0x17c: {  	v24 =	vld [tilespmem:s5+$0xE0];
	[tilespmem:s5+$0x30] =	vst v17;
	v11 =	vmul.f32 v11, v9;
	v21 =	vand.u32 $0xFFFFFFFE, v21  }
0x17d: {  	v19 =	vand.u32 $0xFFFFFFFD, v19;
	v12 =	vld.idx.msk [tilespmem:v12+s25+$0x0], $0xffff;
	[tilespmem:s5+$0x40] =	vst v18;
	v9 =	vmul.f32 v10, v9;
	v21 =	vbroadcast v21, $0x0  }
0x17e: {  	s7 =	sadd.s32 $0x200, s5;
	v19 =	vbroadcast v19, $0x0;
	v10 =	vld.idx.msk [tilespmem:v13+s25+$0x0], $0xffff;
	v15 =	vmul.f32 v15, v8;
	[tilespmem:s5+$0x50] =	vst v11  }
0x17f: {  	v17 =	vld [tilespmem:s7+$0xFFFFFF00];
	v11 =	vmul.f32 v14, v8;
	[tilespmem:s5+$0x60] =	vst v9  }
0x180: {  	[tilespmem:s5+$0x80] =	vst v15;
	v15 =	vld [tilespmem:s5+$0xF0];
	v9 =	vmul.f32 v16, v8  }
0x181: {  	v18 =	vld [tilespmem:s7+$0xFFFFFF10];
	[tilespmem:s5+$0x90] =	vst v11;
	v11 =	vmul.f32 v20, v8  }
0x182: {  	v16 =	vld [tilespmem:s7+$0x70];
	[tilespmem:s5+$0xA0] =	vst v9;
	v9 =	vmul.f32 v22, v8  }
0x183: {  	[tilespmem:s5+$0xB0] =	vst v11;
	v11 =	vmul.f32 v23, v8;
	v14 =	vld.idx.msk [tilespmem:v21+s25+$0x0], $0xffff  }
0x184: {  	v13 =	vld.idx.msk [tilespmem:v19+s25+$0x0], $0xffff;
	[tilespmem:s17+$0xC0] =	vst v9;
	v9 =	vmul.f32 v24, v8  }
0x185: {  	v19 =	vld [tilespmem:s7+$0xFFFFFF20];
	[tilespmem:s17+$0xD0] =	vst v11;
	v8 =	vmul.f32 v15, v8  }
0x186: {  	v11 =	vld [tilespmem:s7+$0xFFFFFF30];
	[tilespmem:s17+$0xE0] =	vst v9  }
0x187: {  	v9 =	vld [tilespmem:s7+$0xFFFFFF40];
	[tilespmem:s17+$0xF0] =	vst v8;
	v8 =	vmul.f32 v17, v10  }
0x188: {  	v15 =	vmul.f32 v16, v14;
	v16 =	vld [tilespmem:s7+$0xFFFFFF50]  }
0x189: {  	v17 =	vmul.f32 v18, v10;
	v18 =	vld [tilespmem:s7+$0xFFFFFF60];
	[tilespmem:s7+$0xFFFFFF00] =	vst v8  }
0x18a: {  	v8 =	vmul.f32 v19, v10;
	[tilespmem:s7+$0x70] =	vst v15;
	v15 =	vld [tilespmem:s7+$0xFFFFFF70]  }
0x18b: {  	[tilespmem:s7+$0xFFFFFF10] =	vst v17;
	v17 =	vld [tilespmem:s7+$0xFFFFFF80];
	v11 =	vmul.f32 v11, v10  }
0x18c: {  	[tilespmem:s7+$0xFFFFFF20] =	vst v8;
	v8 =	vmul.f32 v9, v10;
	v9 =	vld [tilespmem:s7+$0xFFFFFF90]  }
0x18d: {  	[tilespmem:s7+$0xFFFFFF30] =	vst v11;
	v11 =	vmul.f32 v16, v10;
	v16 =	vld [tilespmem:s7+$0xFFFFFFA0]  }
0x18e: {  	[tilespmem:s7+$0xFFFFFF40] =	vst v8;
	v8 =	vmul.f32 v18, v10;
	v18 =	vld [tilespmem:s7+$0xFFFFFFB0]  }
0x18f: {  	[tilespmem:s7+$0xFFFFFF50] =	vst v11;
	v10 =	vmul.f32 v15, v10;
	v11 =	vld [tilespmem:s7+$0xFFFFFFC0]  }
0x190: {  	[tilespmem:s7+$0xFFFFFF60] =	vst v8;
	v8 =	vmul.f32 v17, v13;
	v15 =	vld [tilespmem:s7+$0xFFFFFFD0]  }
0x191: {  	v9 =	vmul.f32 v9, v13;
	[tilespmem:s7+$0xFFFFFF70] =	vst v10;
	v10 =	vld [tilespmem:s7+$0xFFFFFFE0]  }
0x192: {  	[tilespmem:s7+$0xFFFFFF80] =	vst v8;
	v8 =	vmul.f32 v16, v13;
	v16 =	vld [tilespmem:s7+$0xFFFFFFF0]  }
0x193: {  	v17 =	vld [tilespmem:s7+$0x0];
	[tilespmem:s7+$0xFFFFFF90] =	vst v9;
	v9 =	vmul.f32 v18, v13  }
0x194: {  	[tilespmem:s7+$0xFFFFFFA0] =	vst v8;
	v8 =	vmul.f32 v11, v13;
	v11 =	vld [tilespmem:s7+$0x10]  }
0x195: {  	[tilespmem:s7+$0xFFFFFFB0] =	vst v9;
	v9 =	vmul.f32 v15, v13;
	v15 =	vld [tilespmem:s7+$0x20]  }
0x196: {  	[tilespmem:s7+$0xFFFFFFC0] =	vst v8;
	v8 =	vmul.f32 v10, v13;
	v10 =	vld [tilespmem:s7+$0x30]  }
0x197: {  	[tilespmem:s7+$0xFFFFFFD0] =	vst v9;
	v9 =	vmul.f32 v16, v13;
	v13 =	vld [tilespmem:s7+$0x40]  }
0x198: {  	v16 =	vld [tilespmem:s7+$0x50];
	[tilespmem:s7+$0xFFFFFFE0] =	vst v8;
	v8 =	vmul.f32 v17, v14  }
0x199: {  	[tilespmem:s7+$0xFFFFFFF0] =	vst v9;
	v9 =	vmul.f32 v11, v14;
	v11 =	vld [tilespmem:s7+$0x60]  }
0x19a: {  	[tilespmem:s7+$0x0] =	vst v8;
	v8 =	vmul.f32 v15, v14;
	v15 =	vld [tilespmem:s7+$0x80]  }
0x19b: {  	[tilespmem:s7+$0x10] =	vst v9;
	v9 =	vmul.f32 v10, v14;
	v10 =	vld [tilespmem:s7+$0x90]  }
0x19c: {  	[tilespmem:s7+$0x20] =	vst v8;
	v8 =	vmul.f32 v13, v14;
	v13 =	vld [tilespmem:s7+$0xA0]  }
0x19d: {  	[tilespmem:s7+$0x30] =	vst v9;
	v9 =	vmul.f32 v16, v14;
	v16 =	vld [tilespmem:s7+$0xB0]  }
0x19e: {  	[tilespmem:s7+$0x40] =	vst v8;
	v8 =	vmul.f32 v11, v14;
	v11 =	vld [tilespmem:s7+$0xC0]  }
0x19f: {  	v14 =	vld [tilespmem:s7+$0xD0];
	[tilespmem:s7+$0x50] =	vst v9;
	v9 =	vmul.f32 v15, v12  }
0x1a0: {  	[tilespmem:s7+$0x60] =	vst v8;
	v8 =	vmul.f32 v10, v12;
	v10 =	vld [tilespmem:s7+$0xE0]  }
0x1a1: {  	[tilespmem:s7+$0x80] =	vst v9;
	v9 =	vmul.f32 v13, v12;
	v13 =	vld [tilespmem:s7+$0xF0]  }
0x1a2: {  	[tilespmem:s7+$0x90] =	vst v8;
	v8 =	vmul.f32 v16, v12  }
0x1a3: {  	[tilespmem:s7+$0xA0] =	vst v9;
	v9 =	vmul.f32 v11, v12  }
0x1a4: {  	[tilespmem:s7+$0xB0] =	vst v8;
	v8 =	vmul.f32 v14, v12  }
0x1a5: {  	[tilespmem:s7+$0xC0] =	vst v9;
	v9 =	vmul.f32 v10, v12  }
0x1a6: {  	[tilespmem:s7+$0xD0] =	vst v8;
	v8 =	vmul.f32 v13, v12  }
0x1a7: {  	[tilespmem:s7+$0xE0] =	vst v9  }
0x1a8: {  	[tilespmem:s7+$0xF0] =	vst v8  }
0x1a9: {  	[spmem:s3] =	stream.indirect.scatter.add.f32 [tilespmem:s16], [sflag:$0x3], $0x80, s26, s19, $0xb8;
	[tilespmem:$0x1F1A0] =	vst v63  }
0x1aa: {  	_ = 	snop  }
0x1ab: {  	[spmem:s4] =	stream.indirect.scatter.add.f32 [tilespmem:s25], [sflag:$0x5], $0x1, s26, s19, $0xb8;
	[tilespmem:$0x1F1A0] =	vst v63  }
0x1ac: {  	v8 =	vld [tilespmem:$0x6510]  }
0x1ad: {  	v9 =	vld [tilespmem:$0x65B0];
	_ =	sdelay $0x5  }
0x1ae: {  	s13 =	simm.s32 $0x0  }
0x1af: {  	v8 =	vld.idx.msk [tilespmem:v8+s13+$0x0], $0xffff  }
0x1b0: {  	v9 =	vld.idx.msk [tilespmem:v9+s15+$0x0], $0xffff;
	_ =	sdelay $0x4  }
0x1b1: {  	v8 =	vadd.f32 v9, v8;
	_ =	sdelay $0x1  }
0x1b2: {  	v9 =	vmul.f32 $9.999999770e-03, v8  }
0x1b3: {  	vm0 =	vgt.f32 v8, $0.0e+00  }
0x1b4: {  	v8 =	vsel vm0, v8, v9  }
0x1b5: {  	v8 =	vsub.f32 v8, v1;
	_ =	sdelay $0x1  }
0x1b6: {  	v8 =	vmul.f32 $1.442695020e+00, v8;
	_ =	sdelay $0x1  }
0x1b7: {  	(erf) = vpow2.f32 v8;
	_ =	sdelay $0x3  }
0x1b8: {  	v9 =	vld [tilespmem:$0x6520]  }
0x1b9: {  	v10 =	vld [tilespmem:$0x65C0];
	_ =	sdelay $0x2  }
0x1ba: {  	s7 =	sadd.s32 s6, s8  }
0x1bb: {  	p0 =	slt.u32 s7, $0x4E200;
	v8 =	vpop (erf)  }
0x1bc: {  	v8 =	vpsel !p0, $0x0, v8  }
0x1bd: {  	[tilespmem:$0x6650] =	vst v8  }
0x1be: {  	v9 =	vld.idx.msk [tilespmem:v9+s13+$0x0], $0xffff  }
0x1bf: {  	v10 =	vld.idx.msk [tilespmem:v10+s15+$0x0], $0xffff;
	_ =	sdelay $0x4  }
0x1c0: {  	v9 =	vadd.f32 v10, v9;
	_ =	sdelay $0x1  }
0x1c1: {  	v10 =	vmul.f32 $9.999999770e-03, v9  }
0x1c2: {  	vm12 =	vgt.f32 v9, $0.0e+00  }
0x1c3: {  	v9 =	vsel vm12, v9, v10  }
0x1c4: {  	v9 =	vsub.f32 v9, v1;
	_ =	sdelay $0x1  }
0x1c5: {  	v9 =	vmul.f32 $1.442695020e+00, v9;
	_ =	sdelay $0x1  }
0x1c6: {  	(erf) = vpow2.f32 v9;
	_ =	sdelay $0x3  }
0x1c7: {  	v10 =	vld [tilespmem:$0x6530]  }
0x1c8: {  	v11 =	vld [tilespmem:$0x65D0];
	_ =	sdelay $0x2  }
0x1c9: {  	s8 =	sadd.s32 $0x10, s7  }
0x1ca: {  	p3 =	slt.u32 s8, $0x4E200;
	v9 =	vpop (erf)  }
0x1cb: {  	v9 =	vpsel !p3, $0x0, v9  }
0x1cc: {  	[tilespmem:$0x6660] =	vst v9  }
0x1cd: {  	v10 =	vld.idx.msk [tilespmem:v10+s13+$0x0], $0xffff  }
0x1ce: {  	v11 =	vld.idx.msk [tilespmem:v11+s15+$0x0], $0xffff;
	_ =	sdelay $0x4  }
0x1cf: {  	v10 =	vadd.f32 v11, v10;
	_ =	sdelay $0x1  }
0x1d0: {  	v11 =	vmul.f32 $9.999999770e-03, v10  }
0x1d1: {  	vm13 =	vgt.f32 v10, $0.0e+00  }
0x1d2: {  	v10 =	vsel vm13, v10, v11  }
0x1d3: {  	v10 =	vsub.f32 v10, v1;
	_ =	sdelay $0x1  }
0x1d4: {  	v10 =	vmul.f32 $1.442695020e+00, v10;
	_ =	sdelay $0x1  }
0x1d5: {  	(erf) = vpow2.f32 v10;
	_ =	sdelay $0x3  }
0x1d6: {  	v11 =	vld [tilespmem:$0x6540]  }
0x1d7: {  	v12 =	vld [tilespmem:$0x65E0];
	_ =	sdelay $0x2  }
0x1d8: {  	s17 =	sadd.s32 $0x20, s7  }
0x1d9: {  	p4 =	slt.u32 s17, $0x4E200;
	v10 =	vpop (erf)  }
0x1da: {  	v10 =	vpsel !p4, $0x0, v10  }
0x1db: {  	[tilespmem:$0x6670] =	vst v10  }
0x1dc: {  	v11 =	vld.idx.msk [tilespmem:v11+s13+$0x0], $0xffff  }
0x1dd: {  	v12 =	vld.idx.msk [tilespmem:v12+s15+$0x0], $0xffff;
	_ =	sdelay $0x4  }
0x1de: {  	v11 =	vadd.f32 v12, v11;
	_ =	sdelay $0x1  }
0x1df: {  	v12 =	vmul.f32 $9.999999770e-03, v11  }
0x1e0: {  	vm14 =	vgt.f32 v11, $0.0e+00  }
0x1e1: {  	v11 =	vsel vm14, v11, v12  }
0x1e2: {  	v11 =	vsub.f32 v11, v1;
	_ =	sdelay $0x1  }
0x1e3: {  	v11 =	vmul.f32 $1.442695020e+00, v11;
	_ =	sdelay $0x1  }
0x1e4: {  	(erf) = vpow2.f32 v11;
	_ =	sdelay $0x3  }
0x1e5: {  	v12 =	vld [tilespmem:$0x6550]  }
0x1e6: {  	v13 =	vld [tilespmem:$0x65F0];
	_ =	sdelay $0x2  }
0x1e7: {  	s11 =	sadd.s32 $0x30, s7  }
0x1e8: {  	p5 =	slt.u32 s11, $0x4E200;
	v11 =	vpop (erf)  }
0x1e9: {  	v11 =	vpsel !p5, $0x0, v11  }
0x1ea: {  	[tilespmem:$0x6680] =	vst v11  }
0x1eb: {  	v12 =	vld.idx.msk [tilespmem:v12+s13+$0x0], $0xffff  }
0x1ec: {  	v13 =	vld.idx.msk [tilespmem:v13+s15+$0x0], $0xffff;
	_ =	sdelay $0x4  }
0x1ed: {  	v12 =	vadd.f32 v13, v12;
	_ =	sdelay $0x1  }
0x1ee: {  	v13 =	vmul.f32 $9.999999770e-03, v12  }
0x1ef: {  	vm15 =	vgt.f32 v12, $0.0e+00  }
0x1f0: {  	v12 =	vsel vm15, v12, v13  }
0x1f1: {  	v12 =	vsub.f32 v12, v1;
	_ =	sdelay $0x1  }
0x1f2: {  	v12 =	vmul.f32 $1.442695020e+00, v12;
	_ =	sdelay $0x1  }
0x1f3: {  	(erf) = vpow2.f32 v12;
	_ =	sdelay $0x6  }
0x1f4: {  	v12 =	vmov s13;
	s13 =	simm.s32 $0x2  }
0x1f5: {  	s7 =	sadd.s32 $0x40, s7;
	v12 =	vand.u32 $0xFFFFFFFC, v12;
	v13 =	vmov s13  }
0x1f6: {  	p6 =	slt.u32 s7, $0x4E200;
	v15 =	vbroadcast v12, $0x0;
	v13 =	vand.u32 $0xFFFFFFFE, v13;
	v14 =	vpop (erf)  }
0x1f7: {  	v13 =	vbroadcast v13, $0x0;
	v12 =	vpsel !p6, $0x0, v14  }
0x1f8: {  	[tilespmem:$0x6690] =	vst v12  }
0x1f9: {  	_ =	swait.ge [sflag:s28], $0x2800  }
0x1fa: {  	[sflag:s28] =	ssyncset.done $0x0  }
0x1fb: {  	[sflag:s28] =	ssyncadd.s32 $0xFFFFD800  }
0x1fc: {  	v15 =	vld.idx.msk [tilespmem:v15+s29+$0x0], $0xffff  }
0x1fd: {  	s8 =	simm.s32 $0x8FA0;
	v14 =	vld.idx.msk [tilespmem:v13+s29+$0x0], $0xffff  }
0x1fe: {  	s17 =	simm.s32 $0x1;
	v16 =	vld [tilespmem:s8+$0x70]  }
0x1ff: {  	v13 =	vmov s17;
	v17 =	vld [tilespmem:s8+$0xFFFFFF00]  }
0x200: {  	v18 =	vld [tilespmem:s8+$0xFFFFFF10];
	v13 =	vand.u32 $0xFFFFFFFD, v13  }
0x201: {  	v63 =	vld [tilespmem:s8+$0x10];
	v13 =	vbroadcast v13, $0x0  }
0x202: {  	v19 =	vld [tilespmem:s8+$0xFFFFFF20]  }
0x203: {  	v2 =	vmax.f32 v2, v3;
	v20 =	vld [tilespmem:s8+$0xFFFFFF30]  }
0x204: {  	v2 =	vmax.f32 v2, v4;
	v56 =	vld [tilespmem:s8+$0xFFFFFF40]  }
0x205: {  	v2 =	vmax.f32 v2, v5;
	v57 =	vld [tilespmem:s8+$0xFFFFFF50];
	v17 =	vmul.f32 v17, v15  }
0x206: {  	v2 =	vmax.f32 v2, v6;
	v58 =	vld [tilespmem:s8+$0xFFFFFF60];
	v6 =	vmul.f32 v63, v14  }
0x207: {  	[tilespmem:s8+$0xFFFFFF00] =	vst v17;
	v59 =	vld.idx.msk [tilespmem:v13+s29+$0x0], $0xffff;
	v13 =	vmul.f32 v16, v14;
	v16 =	vmul.f32 v18, v15  }
0x208: {  	[tilespmem:s8+$0x10] =	vst v6;
	v18 =	vld [tilespmem:s8+$0xFFFFFF80]  }
0x209: {  	v17 =	vld [tilespmem:s8+$0xFFFFFF70];
	[tilespmem:s8+$0xFFFFFF10] =	vst v16;
	v16 =	vmul.f32 v20, v15  }
0x20a: {  	[tilespmem:s8+$0x70] =	vst v13;
	v13 =	vmul.f32 v19, v15;
	v19 =	vld [tilespmem:s8+$0xFFFFFF90]  }
0x20b: {  	s7 =	simm.s32 $0x3;
	v60 =	vld [tilespmem:s8+$0xFFFFFFA0];
	[tilespmem:s8+$0xFFFFFF30] =	vst v16;
	v16 =	vmul.f32 v57, v15  }
0x20c: {  	v61 =	vld [tilespmem:s8+$0xFFFFFFB0];
	v20 =	vmov s7;
	[tilespmem:s8+$0xFFFFFF20] =	vst v13;
	v13 =	vmul.f32 v56, v15  }
0x20d: {  	v62 =	vld [tilespmem:s8+$0xFFFFFFC0];
	[tilespmem:s8+$0xFFFFFF50] =	vst v16;
	v16 =	vmul.f32 v18, v59  }
0x20e: {  	[tilespmem:s8+$0xFFFFFF40] =	vst v13;
	v13 =	vmul.f32 v58, v15;
	v18 =	vld [tilespmem:s8+$0xFFFFFFD0]  }
0x20f: {  	v15 =	vmul.f32 v17, v15;
	v17 =	vld [tilespmem:s8+$0xFFFFFFE0];
	[tilespmem:s8+$0xFFFFFF80] =	vst v16;
	v16 =	vmul.f32 v19, v59  }
0x210: {  	[tilespmem:s8+$0xFFFFFF60] =	vst v13;
	v19 =	vld [tilespmem:s8+$0xFFFFFFF0]  }
0x211: {  	v13 =	vld.idx.msk [tilespmem:v20+s29+$0x0], $0xffff;
	[tilespmem:s8+$0xFFFFFF90] =	vst v16;
	v16 =	vmul.f32 v61, v59  }
0x212: {  	[tilespmem:s8+$0xFFFFFF70] =	vst v15;
	v15 =	vmul.f32 v60, v59;
	v20 =	vld [tilespmem:s8+$0x0]  }
0x213: {  	[tilespmem:s8+$0xFFFFFFB0] =	vst v16;
	v16 =	vmul.f32 v18, v59;
	v18 =	vld [tilespmem:s8+$0x20]  }
0x214: {  	[tilespmem:s8+$0xFFFFFFA0] =	vst v15;
	v3 =	vmul.f32 v17, v59;
	v17 =	vld [tilespmem:s8+$0x30]  }
0x215: {  	v4 =	vmul.f32 v19, v59;
	[tilespmem:s8+$0xFFFFFFD0] =	vst v16;
	v16 =	vld [tilespmem:s8+$0x40]  }
0x216: {  	s11 =	simm.s32 $0x4;
	v15 =	vmul.f32 v62, v59;
	[tilespmem:s8+$0xFFFFFFE0] =	vst v3;
	v3 =	vld [tilespmem:s8+$0x50]  }
0x217: {  	v2 =	vmax.f32 v2, v7;
	v7 =	vmov s11;
	v5 =	vmul.f32 v20, v14;
	[tilespmem:s8+$0xFFFFFFF0] =	vst v4;
	v4 =	vld [tilespmem:s8+$0x60]  }
0x218: {  	[tilespmem:s8+$0xFFFFFFC0] =	vst v15;
	v15 =	vld [tilespmem:s8+$0x80];
	v19 =	vand.u32 $0xFFFFFFFC, v7;
	v18 =	vmul.f32 v18, v14  }
0x219: {  	s13 =	simm.s32 $0x7;
	s17 =	simm.s32 $0x5;
	v7 =	vld [tilespmem:s8+$0x90];
	v6 =	vbroadcast v19, $0x0;
	[tilespmem:s8+$0x0] =	vst v5;
	v17 =	vmul.f32 v17, v14  }
0x21a: {  	s5 =	simm.s32 $0x8FA0;
	s11 =	simm.s32 $0x6;
	s7 =	simm.s32 $0x8;
	v19 =	vmov s17;
	v5 =	vmov s13;
	[tilespmem:s8+$0x20] =	vst v18;
	v18 =	vmul.f32 v16, v14;
	v16 =	vld [tilespmem:s8+$0xA0]  }
.LBB2_7:
0x21b: {  	p0 =	slt.u32 s7, $0x4C;
	v19 =	vand.u32 $0xFFFFFFFD, v19;
	v20 =	vmov s11;
	[tilespmem:s8+$0x30] =	vst v17;
	v3 =	vmul.f32 v3, v14;
	v17 =	vld [tilespmem:s8+$0xB0]  }
0x21c: {  	v19 =	vbroadcast v19, $0x0;
	v20 =	vand.u32 $0xFFFFFFFE, v20;
	[tilespmem:s8+$0x40] =	vst v18;
	v4 =	vmul.f32 v4, v14;
	v14 =	vld [tilespmem:s8+$0xC0]  }
0x21d: {  	v18 =	vbroadcast v20, $0x0;
	[tilespmem:s8+$0x50] =	vst v3;
	v3 =	vmul.f32 v15, v13;
	v15 =	vld [tilespmem:s8+$0xD0]  }
0x21e: {  	[tilespmem:s8+$0x60] =	vst v4;
	v4 =	vmul.f32 v7, v13;
	v7 =	vld [tilespmem:s8+$0xE0]  }
0x21f: {  	[tilespmem:s8+$0x80] =	vst v3;
	v3 =	vmul.f32 v16, v13;
	v16 =	vld [tilespmem:s8+$0xF0]  }
0x220: {  	v5 =	vld.idx.msk [tilespmem:v5+s29+$0x0], $0xffff;
	[tilespmem:s8+$0x90] =	vst v4;
	v4 =	vmul.f32 v17, v13  }
0x221: {  	v6 =	vld.idx.msk [tilespmem:v6+s29+$0x0], $0xffff;
	[tilespmem:s8+$0xA0] =	vst v3;
	v3 =	vmul.f32 v14, v13  }
0x222: {  	v17 =	vld.idx.msk [tilespmem:v19+s29+$0x0], $0xffff;
	[tilespmem:s8+$0xB0] =	vst v4;
	v4 =	vmul.f32 v15, v13  }
0x223: {  	s8 =	sadd.s32 $0x200, s8;
	v14 =	vld.idx.msk [tilespmem:v18+s29+$0x0], $0xffff;
	[tilespmem:s5+$0xC0] =	vst v3;
	v3 =	vmul.f32 v7, v13  }
0x224: {  	v7 =	vld [tilespmem:s8+$0x70];
	[tilespmem:s5+$0xD0] =	vst v4;
	v4 =	vmul.f32 v16, v13  }
0x225: {  	v15 =	vld [tilespmem:s8+$0xFFFFFF00];
	[tilespmem:s5+$0xE0] =	vst v3  }
0x226: {  	v13 =	vmov v5;
	v3 =	vld [tilespmem:s8+$0xFFFFFF10];
	[tilespmem:s5+$0xF0] =	vst v4;
	s5 =	smov.u32 s8  }
0x227: {  	v4 =	vld [tilespmem:s8+$0xFFFFFF20]  }
0x228: {  	v5 =	vld [tilespmem:s8+$0xFFFFFF30]  }
0x229: {  	v16 =	vld [tilespmem:s8+$0xFFFFFF40];
	v7 =	vmul.f32 v7, v14  }
0x22a: {  	v15 =	vmul.f32 v15, v6;
	v18 =	vld [tilespmem:s8+$0xFFFFFF50]  }
0x22b: {  	v3 =	vmul.f32 v3, v6;
	v19 =	vld [tilespmem:s8+$0xFFFFFF60];
	[tilespmem:s8+$0x70] =	vst v7  }
0x22c: {  	[tilespmem:s8+$0xFFFFFF00] =	vst v15;
	v4 =	vmul.f32 v4, v6;
	v7 =	vld [tilespmem:s8+$0xFFFFFF70]  }
0x22d: {  	[tilespmem:s8+$0xFFFFFF10] =	vst v3;
	v3 =	vmul.f32 v5, v6;
	v5 =	vld [tilespmem:s8+$0xFFFFFF80]  }
0x22e: {  	[tilespmem:s8+$0xFFFFFF20] =	vst v4;
	v4 =	vmul.f32 v16, v6;
	v15 =	vld [tilespmem:s8+$0xFFFFFF90]  }
0x22f: {  	[tilespmem:s8+$0xFFFFFF30] =	vst v3;
	v3 =	vmul.f32 v18, v6;
	v16 =	vld [tilespmem:s8+$0xFFFFFFA0]  }
0x230: {  	[tilespmem:s8+$0xFFFFFF40] =	vst v4;
	v4 =	vmul.f32 v19, v6;
	v18 =	vld [tilespmem:s8+$0xFFFFFFB0]  }
0x231: {  	[tilespmem:s8+$0xFFFFFF50] =	vst v3;
	v3 =	vmul.f32 v7, v6;
	v6 =	vld [tilespmem:s8+$0xFFFFFFC0]  }
0x232: {  	[tilespmem:s8+$0xFFFFFF60] =	vst v4;
	v4 =	vmul.f32 v5, v17;
	v5 =	vld [tilespmem:s8+$0xFFFFFFD0]  }
0x233: {  	[tilespmem:s8+$0xFFFFFF70] =	vst v3;
	v3 =	vmul.f32 v15, v17;
	v7 =	vld [tilespmem:s8+$0xFFFFFFE0]  }
0x234: {  	[tilespmem:s8+$0xFFFFFF80] =	vst v4;
	v4 =	vmul.f32 v16, v17;
	v15 =	vld [tilespmem:s8+$0xFFFFFFF0]  }
0x235: {  	[tilespmem:s8+$0xFFFFFF90] =	vst v3;
	v3 =	vmul.f32 v18, v17;
	v16 =	vld [tilespmem:s8+$0x0]  }
0x236: {  	[tilespmem:s8+$0xFFFFFFA0] =	vst v4;
	v4 =	vmul.f32 v6, v17;
	v6 =	vld [tilespmem:s8+$0x10]  }
0x237: {  	[tilespmem:s8+$0xFFFFFFB0] =	vst v3;
	v3 =	vmul.f32 v5, v17;
	v5 =	vld [tilespmem:s8+$0x20]  }
0x238: {  	[tilespmem:s8+$0xFFFFFFC0] =	vst v4;
	v4 =	vmul.f32 v7, v17;
	v7 =	vld [tilespmem:s8+$0x30]  }
0x239: {  	[tilespmem:s8+$0xFFFFFFD0] =	vst v3;
	v15 =	vmul.f32 v15, v17;
	v18 =	vld [tilespmem:s8+$0x40]  }
.Ltmp4:
0x23a: {  	[tilespmem:s8+$0xFFFFFFE0] =	vst v4;
	v16 =	vmul.f32 v16, v14;
	v3 =	vld [tilespmem:s8+$0x50];
	(pc) =	sbr.rel @p0 .LBB2_7-.Ltmp4, $4  }
0x23b: {  	[tilespmem:s8+$0xFFFFFFF0] =	vst v15;
	v6 =	vmul.f32 v6, v14;
	v4 =	vld [tilespmem:s8+$0x60]  }
0x23c: {  	s11 =	sadd.s32 $0x3, s7;
	v17 =	vmov s7;
	[tilespmem:s8+$0x0] =	vst v16;
	v16 =	vmul.f32 v5, v14;
	v15 =	vld [tilespmem:s8+$0x80]  }
0x23d: {  	s13 =	sadd.s32 $0x1, s7;
	v19 =	vand.u32 $0xFFFFFFFC, v17;
	v5 =	vmov s11;
	[tilespmem:s8+$0x10] =	vst v6;
	v17 =	vmul.f32 v7, v14;
	v7 =	vld [tilespmem:s8+$0x90]  }
0x23e: {  	s11 =	sadd.s32 $0x2, s7;
	s7 =	sadd.s32 $0x4, s7;
	v6 =	vbroadcast v19, $0x0;
	v19 =	vmov s13;
	[tilespmem:s8+$0x20] =	vst v16;
	v18 =	vmul.f32 v18, v14;
	v16 =	vld [tilespmem:s8+$0xA0]  }
0x23f: {  	v20 =	vld [tilespmem:s8+$0xB0]  }
0x240: {  	v22 =	vld [tilespmem:s8+$0xC0]  }
0x241: {  	v23 =	vld [tilespmem:s8+$0xD0]  }
0x242: {  	v24 =	vld [tilespmem:s8+$0xE0]  }
0x243: {  	v56 =	vld [tilespmem:s8+$0xF0];
	[tilespmem:s8+$0x30] =	vst v17;
	v3 =	vmul.f32 v3, v14  }
0x244: {  	v21 =	vmov s11;
	v5 =	vld.idx.msk [tilespmem:v5+s29+$0x0], $0xffff;
	[tilespmem:s8+$0x40] =	vst v18;
	v4 =	vmul.f32 v4, v14  }
0x245: {  	s7 =	sadd.s32 $0x200, s8;
	v21 =	vand.u32 $0xFFFFFFFE, v21;
	v6 =	vld.idx.msk [tilespmem:v6+s29+$0x0], $0xffff;
	v15 =	vmul.f32 v15, v13;
	[tilespmem:s8+$0x50] =	vst v3  }
0x246: {  	v63 =	vld [tilespmem:s7+$0xFFFFFF10];
	v21 =	vbroadcast v21, $0x0;
	v3 =	vmul.f32 v7, v13;
	[tilespmem:s8+$0x60] =	vst v4  }
0x247: {  	v19 =	vand.u32 $0xFFFFFFFD, v19;
	v62 =	vld [tilespmem:s7+$0xFFFFFF00];
	[tilespmem:s8+$0x80] =	vst v15;
	v58 =	vmul.f32 v16, v13  }
0x248: {  	v19 =	vbroadcast v19, $0x0;
	v26 =	vld [tilespmem:s7+$0xFFFFFF50];
	[tilespmem:s8+$0x90] =	vst v3;
	v3 =	vmul.f32 v20, v13  }
0x249: {  	v31 =	vld [tilespmem:s7+$0xFFFFFF90];
	v61 =	vmul.f32 v22, v13;
	[tilespmem:s8+$0xA0] =	vst v58  }
0x24a: {  	v22 =	vld [tilespmem:s7+$0xFFFFFF20];
	[tilespmem:s8+$0xB0] =	vst v3;
	v3 =	vmul.f32 v23, v13  }
0x24b: {  	v27 =	vmul.f32 v63, v6;
	v23 =	vld [tilespmem:s7+$0xFFFFFF30];
	[tilespmem:s5+$0xC0] =	vst v61  }
0x24c: {  	v59 =	vld.idx.msk [tilespmem:v21+s29+$0x0], $0xffff;
	[tilespmem:s5+$0xD0] =	vst v3;
	v3 =	vmul.f32 v56, v13  }
0x24d: {  	v32 =	vmul.f32 v26, v6;
	v21 =	vmul.f32 v24, v13;
	v24 =	vld [tilespmem:s7+$0xFFFFFF40];
	[tilespmem:s7+$0xFFFFFF10] =	vst v27  }
0x24e: {  	v57 =	vld.idx.msk [tilespmem:v19+s29+$0x0], $0xffff;
	[tilespmem:s5+$0xF0] =	vst v3;
	v3 =	vmul.f32 v62, v6  }
0x24f: {  	v28 =	vld [tilespmem:s7+$0xFFFFFF60];
	[tilespmem:s7+$0xFFFFFF50] =	vst v32  }
0x250: {  	v34 =	vld [tilespmem:s7+$0xFFFFFFB0];
	[tilespmem:s7+$0xFFFFFF00] =	vst v3;
	v3 =	vmul.f32 v22, v6  }
0x251: {  	v30 =	vld [tilespmem:s7+$0xFFFFFF80];
	[tilespmem:s5+$0xE0] =	vst v21;
	v13 =	vmul.f32 v23, v6  }
0x252: {  	v36 =	vld [tilespmem:s7+$0xFFFFFFD0];
	[tilespmem:s7+$0xFFFFFF20] =	vst v3;
	v3 =	vmul.f32 v24, v6  }
0x253: {  	v33 =	vld [tilespmem:s7+$0xFFFFFFA0];
	v4 =	vmul.f32 v31, v57;
	[tilespmem:s7+$0xFFFFFF30] =	vst v13  }
0x254: {  	v38 =	vld [tilespmem:s7+$0xFFFFFFF0];
	[tilespmem:s7+$0xFFFFFF40] =	vst v3;
	v3 =	vmul.f32 v28, v6  }
0x255: {  	v35 =	vld [tilespmem:s7+$0xFFFFFFC0];
	v39 =	vmul.f32 v34, v57;
	[tilespmem:s7+$0xFFFFFF90] =	vst v4  }
0x256: {  	v60 =	vld [tilespmem:s7+$0x70];
	[tilespmem:s7+$0xFFFFFF60] =	vst v3;
	v3 =	vmul.f32 v30, v57  }
0x257: {  	v37 =	vld [tilespmem:s7+$0xFFFFFFE0];
	v42 =	vmul.f32 v36, v57;
	[tilespmem:s7+$0xFFFFFFB0] =	vst v39  }
0x258: {  	v41 =	vld [tilespmem:s7+$0x10];
	[tilespmem:s7+$0xFFFFFF80] =	vst v3;
	v3 =	vmul.f32 v33, v57  }
0x259: {  	v40 =	vld [tilespmem:s7+$0x0];
	v45 =	vmul.f32 v38, v57;
	[tilespmem:s7+$0xFFFFFFD0] =	vst v42  }
0x25a: {  	v44 =	vld [tilespmem:s7+$0x30];
	[tilespmem:s7+$0xFFFFFFA0] =	vst v3;
	v3 =	vmul.f32 v35, v57  }
0x25b: {  	v43 =	vld [tilespmem:s7+$0x20];
	v25 =	vmul.f32 v60, v59;
	[tilespmem:s7+$0xFFFFFFF0] =	vst v45  }
0x25c: {  	v47 =	vld [tilespmem:s7+$0x50];
	[tilespmem:s7+$0xFFFFFFC0] =	vst v3;
	v3 =	vmul.f32 v37, v57  }
0x25d: {  	v46 =	vld [tilespmem:s7+$0x40];
	v48 =	vmul.f32 v41, v59;
	[tilespmem:s7+$0x70] =	vst v25  }
0x25e: {  	v53 =	vld [tilespmem:s7+$0xA0];
	[tilespmem:s7+$0xFFFFFFE0] =	vst v3;
	v3 =	vmul.f32 v40, v59  }
0x25f: {  	v49 =	vld [tilespmem:s7+$0x60];
	v51 =	vmul.f32 v44, v59;
	[tilespmem:s7+$0x10] =	vst v48  }
0x260: {  	v56 =	vld [tilespmem:s7+$0xC0];
	[tilespmem:s7+$0x0] =	vst v3;
	v3 =	vmul.f32 v43, v59  }
0x261: {  	v52 =	vld [tilespmem:s7+$0x90];
	v54 =	vmul.f32 v47, v59;
	[tilespmem:s7+$0x30] =	vst v51  }
0x262: {  	v29 =	vld [tilespmem:s7+$0xFFFFFF70];
	[tilespmem:s7+$0x20] =	vst v3;
	v3 =	vmul.f32 v46, v59  }
0x263: {  	v55 =	vld [tilespmem:s7+$0xB0];
	v60 =	vmul.f32 v53, v5;
	[tilespmem:s7+$0x50] =	vst v54  }
0x264: {  	v50 =	vld [tilespmem:s7+$0x80];
	[tilespmem:s7+$0x40] =	vst v3;
	v3 =	vmul.f32 v49, v59  }
0x265: {  	v58 =	vld [tilespmem:s7+$0xD0];
	v62 =	vmul.f32 v56, v5;
	[tilespmem:s7+$0xA0] =	vst v60  }
0x266: {  	v59 =	vld [tilespmem:s7+$0xE0];
	[tilespmem:s7+$0x60] =	vst v3;
	v3 =	vmul.f32 v52, v5  }
0x267: {  	v61 =	vld [tilespmem:s7+$0xF0];
	[tilespmem:s7+$0xC0] =	vst v62;
	v6 =	vmul.f32 v29, v6  }
0x268: {  	[tilespmem:s7+$0x90] =	vst v3;
	v3 =	vmul.f32 v55, v5  }
0x269: {  	[tilespmem:s7+$0xFFFFFF70] =	vst v6;
	v57 =	vmul.f32 v50, v5  }
0x26a: {  	[tilespmem:s7+$0xB0] =	vst v3;
	v3 =	vmul.f32 v58, v5  }
0x26b: {  	[tilespmem:s7+$0x80] =	vst v57;
	v63 =	vmul.f32 v59, v5  }
0x26c: {  	[tilespmem:s7+$0xD0] =	vst v3;
	v3 =	vmul.f32 v61, v5  }
0x26d: {  	[tilespmem:s7+$0xE0] =	vst v63  }
0x26e: {  	[tilespmem:s7+$0xF0] =	vst v3  }
0x26f: {  	[spmem:s3] =	stream.indirect.scatter.add.f32 [tilespmem:s23], [sflag:$0x4], $0x80, s31, s19, $0xb8;
	[tilespmem:$0x1F1A0] =	vst v63  }
0x270: {  	_ = 	snop  }
0x271: {  	[spmem:s4] =	stream.indirect.scatter.add.f32 [tilespmem:s29], [sflag:$0x6], $0x1, s31, s19, $0xb8;
	[tilespmem:$0x1F1A0] =	vst v63  }
0x272: {  	p0 =	seq.s32 s21, $0xF;
	_ =	swait.ge [sflag:s2], $0x2800  }
.Ltmp5:
0x273: {  	v2 =	vmax.f32 v2, v8;
	[sflag:s2] =	ssyncset.done $0x0;
	(pc) =	sbr.rel @p0 .LBB2_10-.Ltmp5, $4  }
0x274: {  	v2 =	vmax.f32 v2, v9;
	[sflag:s2] =	ssyncadd.s32 $0xFFFFD800  }
0x275: {  	v2 =	vmax.f32 v2, v10;
	_ =	swait.ge [sflag:s0], $0x50  }
0x276: {  	v2 =	vmax.f32 v2, v11;
	[sflag:s0] =	ssyncset.done $0x0  }
0x277: {  	v2 =	vmax.f32 v2, v12;
	[sflag:s0] =	ssyncadd.s32 $0xFFFFFFB0  }
0x278: {  	v3 =	vld [tilespmem:s30+$0x5160];
	_ =	sdelay $0x4  }
0x279: {  	[tilespmem:$0x64C0] =	vst v3  }
0x27a: {  	v3 =	vld [tilespmem:s30+$0x5B60];
	_ =	sdelay $0x4  }
0x27b: {  	[tilespmem:$0x6560] =	vst v3  }
0x27c: {  	v3 =	vld [tilespmem:s30+$0x5170];
	_ =	sdelay $0x4  }
0x27d: {  	[tilespmem:$0x64D0] =	vst v3  }
0x27e: {  	v3 =	vld [tilespmem:s30+$0x5B70];
	_ =	sdelay $0x4  }
0x27f: {  	[tilespmem:$0x6570] =	vst v3  }
0x280: {  	v3 =	vld [tilespmem:s30+$0x5180];
	_ =	sdelay $0x4  }
0x281: {  	[tilespmem:$0x64E0] =	vst v3  }
0x282: {  	v3 =	vld [tilespmem:s30+$0x5B80];
	_ =	sdelay $0x4  }
0x283: {  	[tilespmem:$0x6580] =	vst v3  }
0x284: {  	v3 =	vld [tilespmem:s30+$0x5190];
	_ =	sdelay $0x4  }
0x285: {  	[tilespmem:$0x64F0] =	vst v3  }
0x286: {  	v3 =	vld [tilespmem:s30+$0x5B90];
	_ =	sdelay $0x4  }
0x287: {  	[tilespmem:$0x6590] =	vst v3  }
0x288: {  	v3 =	vld [tilespmem:s30+$0x51A0];
	_ =	sdelay $0x4  }
0x289: {  	[tilespmem:$0x6500] =	vst v3  }
0x28a: {  	v3 =	vld [tilespmem:s30+$0x5BA0];
	_ =	sdelay $0x1  }
.Ltmp6:
0x28b: {  	_ = 	snop;
	(pc) =	sbr.rel .LBB2_4-.Ltmp6, $3  }
0x28c: {  	_ =	sdelay $0x1  }
0x28d: {  	s21 =	sadd.s32 $0x1, s21;
	[tilespmem:$0x65A0] =	vst v3  }
0x28e: {  	[tilespmem:s16], [sflag:$0x1] =	stream.indirect.gather [hbm4b:s1+s19], $0x80, s20, s19, $0xb8;
	[tilespmem:$0x1F1A0] =	vst v63  }
.LBB2_10:
0x28f: {  	s5 =	simm.s32 $0x4  }
0x290: {  	_ =	swait.ge [sflag:s5], $0x2800  }
0x291: {  	[sflag:s5] =	ssyncset.done $0x0  }
0x292: {  	s13 =	simm.s32 $0x6;
	[sflag:s5] =	ssyncadd.s32 $0xFFFFD800  }
0x293: {  	_ =	swait.ge [sflag:s13], $0x50  }
0x294: {  	s18 =	simm.s32 $0x0;
	[sflag:s13] =	ssyncset.done $0x0  }
0x295: {  	s7 =	simm.s32 $0x50C0;
	s17 =	rddreg [dreg:$0x7];
	[sflag:s13] =	ssyncadd.s32 $0xFFFFFFB0  }
0x296: {  	[tilespmem:s7], [sflag:$0x7] =	stream.linear.gather [hbm4b:s17+s18], $0xA00, $0x38;
	[tilespmem:$0x1F1A0] =	vst v63  }
0x297: {  	_ =	swait.ge [sflag:s14], $0xA00  }
0x298: {  	[sflag:s14] =	ssyncset.done $0x0  }
0x299: {  	s30 =	simm.s32 $0x5AC0;
	s21 =	rddreg [dreg:$0x8];
	[sflag:s14] =	ssyncadd.s32 $0xFFFFF600  }
0x29a: {  	[tilespmem:s30], [sflag:$0x7] =	stream.linear.gather [hbm4b:s21+s18], $0xA00, $0x38;
	[tilespmem:$0x1F1A0] =	vst v63  }
0x29b: {  	_ =	swait.ge [sflag:s14], $0xA00  }
0x29c: {  	[sflag:s14] =	ssyncset.done $0x0  }
0x29d: {  	[sflag:s14] =	ssyncadd.s32 $0xFFFFF600  }
0x29e: {  	v3 =	vld [tilespmem:$0x50C0]  }
0x29f: {  	v4 =	vld [tilespmem:$0x5AC0]  }
0x2a0: {  	v5 =	vld [tilespmem:$0x50D0]  }
0x2a1: {  	v6 =	vld [tilespmem:$0x5AD0]  }
0x2a2: {  	v7 =	vld [tilespmem:$0x50E0]  }
0x2a3: {  	v60 =	vld [tilespmem:$0x50F0];
	[tilespmem:$0x64C0] =	vst v3  }
0x2a4: {  	v61 =	vld [tilespmem:$0x5AF0];
	[tilespmem:$0x6560] =	vst v4  }
0x2a5: {  	v62 =	vld [tilespmem:$0x5100];
	[tilespmem:$0x64D0] =	vst v5  }
0x2a6: {  	v63 =	vld [tilespmem:$0x5B00];
	[tilespmem:$0x6570] =	vst v6  }
0x2a7: {  	v3 =	vld [tilespmem:$0x5AE0];
	[tilespmem:$0x64E0] =	vst v7  }
0x2a8: {  	[tilespmem:$0x64F0] =	vst v60  }
0x2a9: {  	[tilespmem:$0x6590] =	vst v61  }
0x2aa: {  	[tilespmem:$0x6500] =	vst v62  }
0x2ab: {  	[tilespmem:$0x65A0] =	vst v63  }
0x2ac: {  	s21 =	simm.s32 $0x0;
	[tilespmem:$0x6580] =	vst v3  }
0x2ad: {  	[tilespmem:s16], [sflag:$0x1] =	stream.indirect.gather [hbm4b:s1+s19], $0x80, s20, s19, $0xb8;
	[tilespmem:$0x1F1A0] =	vst v63  }
.LBB2_11:
0x2ae: {  	p0 =	seq.s32 s21, $0x0  }
0x2af: {  	s5 =	simm.s32 @!p0 $0x4  }
0x2b0: {  	_ =	swait.ge @!p0 [sflag:s5], $0x2800  }
0x2b1: {  	[sflag:s5] =	ssyncset.done @!p0 $0x0  }
0x2b2: {  	[sflag:s5] =	ssyncadd.s32 @!p0 $0xFFFFD800;
	s5 =	simm.s32 @!p0 $0x6  }
0x2b3: {  	_ =	swait.ge @!p0 [sflag:s5], $0x50  }
0x2b4: {  	s30 =	smul.u32 $0xA0, s21;
	[sflag:s5] =	ssyncset.done @!p0 $0x0  }
0x2b5: {  	[sflag:s5] =	ssyncadd.s32 @!p0 $0xFFFFFFB0  }
0x2b6: {  	v3 =	vld [tilespmem:s30+$0x5110];
	_ =	sdelay $0x4  }
0x2b7: {  	[tilespmem:$0x6510] =	vst v3  }
0x2b8: {  	v3 =	vld [tilespmem:s30+$0x5B10];
	_ =	sdelay $0x4  }
0x2b9: {  	[tilespmem:$0x65B0] =	vst v3  }
0x2ba: {  	v3 =	vld [tilespmem:s30+$0x5120];
	_ =	sdelay $0x4  }
0x2bb: {  	[tilespmem:$0x6520] =	vst v3  }
0x2bc: {  	v3 =	vld [tilespmem:s30+$0x5B20];
	_ =	sdelay $0x4  }
0x2bd: {  	[tilespmem:$0x65C0] =	vst v3  }
0x2be: {  	v3 =	vld [tilespmem:s30+$0x5130];
	_ =	sdelay $0x4  }
0x2bf: {  	[tilespmem:$0x6530] =	vst v3  }
0x2c0: {  	v3 =	vld [tilespmem:s30+$0x5B30];
	_ =	sdelay $0x4  }
0x2c1: {  	[tilespmem:$0x65D0] =	vst v3  }
0x2c2: {  	v3 =	vld [tilespmem:s30+$0x5140];
	_ =	sdelay $0x4  }
0x2c3: {  	[tilespmem:$0x6540] =	vst v3  }
0x2c4: {  	v3 =	vld [tilespmem:s30+$0x5B40];
	_ =	sdelay $0x4  }
0x2c5: {  	[tilespmem:$0x65E0] =	vst v3  }
0x2c6: {  	v3 =	vld [tilespmem:s30+$0x5150];
	_ =	sdelay $0x4  }
0x2c7: {  	[tilespmem:$0x6550] =	vst v3  }
0x2c8: {  	v3 =	vld [tilespmem:s30+$0x5B50];
	_ =	sdelay $0x4  }
0x2c9: {  	[tilespmem:$0x65F0] =	vst v3  }
0x2ca: {  	[tilespmem:s23], [sflag:$0x2] =	stream.indirect.gather [hbm4b:s1+s19], $0x80, s22, s19, $0xb8;
	[tilespmem:$0x1F1A0] =	vst v63  }
0x2cb: {  	v3 =	vld [tilespmem:$0x64C0]  }
0x2cc: {  	v4 =	vld [tilespmem:$0x6560];
	_ =	sdelay $0x6  }
0x2cd: {  	v3 =	vld.idx.msk [tilespmem:v3+s18+$0x0], $0xffff  }
0x2ce: {  	v4 =	vld.idx.msk [tilespmem:v4+s15+$0x0], $0xffff;
	_ =	sdelay $0x4  }
0x2cf: {  	v3 =	vadd.f32 v4, v3;
	_ =	sdelay $0x1  }
0x2d0: {  	v4 =	vmul.f32 $9.999999770e-03, v3  }
0x2d1: {  	vm0 =	vgt.f32 v3, $0.0e+00  }
0x2d2: {  	v3 =	vsel vm0, v3, v4  }
0x2d3: {  	v3 =	vsub.f32 v3, v1;
	_ =	sdelay $0x1  }
0x2d4: {  	v3 =	vmul.f32 $1.442695020e+00, v3;
	_ =	sdelay $0x1  }
0x2d5: {  	(erf) = vpow2.f32 v3;
	_ =	sdelay $0x3  }
0x2d6: {  	v4 =	vld [tilespmem:$0x64D0]  }
0x2d7: {  	v5 =	vld [tilespmem:$0x6570];
	_ =	sdelay $0x1  }
0x2d8: {  	s8 =	rddreg [dreg:$0x9]  }
0x2d9: {  	s5 =	sadd.s32 s30, s8  }
0x2da: {  	p2 =	slt.u32 s5, $0x4E200;
	v3 =	vpop (erf)  }
0x2db: {  	v3 =	vpsel !p2, $0x0, v3  }
0x2dc: {  	[tilespmem:$0x6600] =	vst v3  }
0x2dd: {  	v4 =	vld.idx.msk [tilespmem:v4+s18+$0x0], $0xffff  }
0x2de: {  	v5 =	vld.idx.msk [tilespmem:v5+s15+$0x0], $0xffff;
	_ =	sdelay $0x4  }
0x2df: {  	v4 =	vadd.f32 v5, v4;
	_ =	sdelay $0x1  }
0x2e0: {  	v5 =	vmul.f32 $9.999999770e-03, v4  }
0x2e1: {  	vm12 =	vgt.f32 v4, $0.0e+00  }
0x2e2: {  	v4 =	vsel vm12, v4, v5  }
0x2e3: {  	v4 =	vsub.f32 v4, v1;
	_ =	sdelay $0x1  }
0x2e4: {  	v4 =	vmul.f32 $1.442695020e+00, v4;
	_ =	sdelay $0x1  }
0x2e5: {  	(erf) = vpow2.f32 v4;
	_ =	sdelay $0x3  }
0x2e6: {  	v5 =	vld [tilespmem:$0x64E0]  }
0x2e7: {  	v6 =	vld [tilespmem:$0x6580];
	_ =	sdelay $0x2  }
0x2e8: {  	s7 =	sor.u32 $0x10, s5  }
0x2e9: {  	p3 =	slt.u32 s7, $0x4E200;
	v4 =	vpop (erf)  }
0x2ea: {  	v4 =	vpsel !p3, $0x0, v4  }
0x2eb: {  	[tilespmem:$0x6610] =	vst v4  }
0x2ec: {  	v5 =	vld.idx.msk [tilespmem:v5+s18+$0x0], $0xffff  }
0x2ed: {  	v6 =	vld.idx.msk [tilespmem:v6+s15+$0x0], $0xffff;
	_ =	sdelay $0x4  }
0x2ee: {  	v5 =	vadd.f32 v6, v5;
	_ =	sdelay $0x1  }
0x2ef: {  	v6 =	vmul.f32 $9.999999770e-03, v5  }
0x2f0: {  	vm13 =	vgt.f32 v5, $0.0e+00  }
0x2f1: {  	v5 =	vsel vm13, v5, v6  }
0x2f2: {  	v5 =	vsub.f32 v5, v1;
	_ =	sdelay $0x1  }
0x2f3: {  	v5 =	vmul.f32 $1.442695020e+00, v5;
	_ =	sdelay $0x1  }
0x2f4: {  	(erf) = vpow2.f32 v5;
	_ =	sdelay $0x3  }
0x2f5: {  	v6 =	vld [tilespmem:$0x64F0]  }
0x2f6: {  	v7 =	vld [tilespmem:$0x6590];
	_ =	sdelay $0x2  }
0x2f7: {  	s11 =	sadd.s32 $0x20, s5  }
0x2f8: {  	p4 =	slt.u32 s11, $0x4E200;
	v5 =	vpop (erf)  }
0x2f9: {  	v5 =	vpsel !p4, $0x0, v5  }
0x2fa: {  	[tilespmem:$0x6620] =	vst v5  }
0x2fb: {  	v6 =	vld.idx.msk [tilespmem:v6+s18+$0x0], $0xffff  }
0x2fc: {  	v7 =	vld.idx.msk [tilespmem:v7+s15+$0x0], $0xffff;
	_ =	sdelay $0x4  }
0x2fd: {  	v6 =	vadd.f32 v7, v6;
	_ =	sdelay $0x1  }
0x2fe: {  	v7 =	vmul.f32 $9.999999770e-03, v6  }
0x2ff: {  	vm14 =	vgt.f32 v6, $0.0e+00  }
0x300: {  	v6 =	vsel vm14, v6, v7  }
0x301: {  	v6 =	vsub.f32 v6, v1;
	_ =	sdelay $0x1  }
0x302: {  	v6 =	vmul.f32 $1.442695020e+00, v6;
	_ =	sdelay $0x1  }
0x303: {  	(erf) = vpow2.f32 v6;
	_ =	sdelay $0x3  }
0x304: {  	v7 =	vld [tilespmem:$0x6500]  }
0x305: {  	v8 =	vld [tilespmem:$0x65A0];
	_ =	sdelay $0x2  }
0x306: {  	s13 =	sadd.s32 $0x30, s5  }
0x307: {  	p5 =	slt.u32 s13, $0x4E200;
	v6 =	vpop (erf)  }
0x308: {  	v6 =	vpsel !p5, $0x0, v6  }
0x309: {  	[tilespmem:$0x6630] =	vst v6  }
0x30a: {  	v7 =	vld.idx.msk [tilespmem:v7+s18+$0x0], $0xffff  }
0x30b: {  	v8 =	vld.idx.msk [tilespmem:v8+s15+$0x0], $0xffff;
	_ =	sdelay $0x4  }
0x30c: {  	v7 =	vadd.f32 v8, v7;
	_ =	sdelay $0x1  }
0x30d: {  	v8 =	vmul.f32 $9.999999770e-03, v7  }
0x30e: {  	vm15 =	vgt.f32 v7, $0.0e+00  }
0x30f: {  	v7 =	vsel vm15, v7, v8  }
0x310: {  	v7 =	vsub.f32 v7, v1;
	_ =	sdelay $0x1  }
0x311: {  	v7 =	vmul.f32 $1.442695020e+00, v7;
	_ =	sdelay $0x1  }
0x312: {  	(erf) = vpow2.f32 v7;
	_ =	sdelay $0x6  }
0x313: {  	s17 =	simm.s32 $0x2;
	v7 =	vmov s18  }
0x314: {  	s5 =	sadd.s32 $0x40, s5;
	v8 =	vmov s17;
	v7 =	vand.u32 $0xFFFFFFFC, v7  }
0x315: {  	p6 =	slt.u32 s5, $0x4E200;
	v8 =	vand.u32 $0xFFFFFFFE, v8;
	v10 =	vbroadcast v7, $0x0;
	v9 =	vpop (erf)  }
0x316: {  	v8 =	vbroadcast v8, $0x0;
	v7 =	vpsel !p6, $0x0, v9  }
0x317: {  	[tilespmem:$0x6640] =	vst v7  }
0x318: {  	_ =	swait.ge [sflag:s24], $0x2800  }
0x319: {  	[sflag:s24] =	ssyncset.done $0x0  }
0x31a: {  	[sflag:s24] =	ssyncadd.s32 $0xFFFFD800  }
0x31b: {  	v10 =	vld.idx.msk [tilespmem:v10+s25+$0x0], $0xffff  }
0x31c: {  	s8 =	simm.s32 $0x1;
	s5 =	simm.s32 $0x67A0;
	v9 =	vld.idx.msk [tilespmem:v8+s25+$0x0], $0xffff  }
0x31d: {  	v8 =	vmov s8;
	v11 =	vld [tilespmem:s5+$0x70]  }
0x31e: {  	v12 =	vld [tilespmem:s5+$0xFFFFFF00];
	v8 =	vand.u32 $0xFFFFFFFD, v8  }
0x31f: {  	v13 =	vld [tilespmem:s5+$0xFFFFFF10];
	v8 =	vbroadcast v8, $0x0  }
0x320: {  	v14 =	vld [tilespmem:s5+$0xFFFFFF20]  }
0x321: {  	v15 =	vld [tilespmem:s5+$0xFFFFFF30]  }
0x322: {  	v16 =	vld [tilespmem:s5+$0xFFFFFF40]  }
0x323: {  	v17 =	vld [tilespmem:s5+$0xFFFFFF50]  }
0x324: {  	v18 =	vld [tilespmem:s5+$0xFFFFFF60];
	v12 =	vmul.f32 v12, v10  }
0x325: {  	v19 =	vld.idx.msk [tilespmem:v8+s25+$0x0], $0xffff;
	v8 =	vmul.f32 v11, v9  }
0x326: {  	[tilespmem:s5+$0xFFFFFF00] =	vst v12;
	v12 =	vld [tilespmem:s5+$0xFFFFFF70];
	v11 =	vmul.f32 v13, v10  }
0x327: {  	v13 =	vld [tilespmem:s5+$0xFFFFFF80];
	[tilespmem:s5+$0x70] =	vst v8;
	v8 =	vmul.f32 v14, v10  }
0x328: {  	s11 =	simm.s32 $0x3;
	[tilespmem:s5+$0xFFFFFF10] =	vst v11;
	v11 =	vmul.f32 v15, v10;
	v14 =	vld [tilespmem:s5+$0xFFFFFF90]  }
0x329: {  	v15 =	vmov s11;
	[tilespmem:s5+$0xFFFFFF20] =	vst v8;
	v8 =	vmul.f32 v16, v10;
	v16 =	vld [tilespmem:s5+$0xFFFFFFA0]  }
0x32a: {  	[tilespmem:s5+$0xFFFFFF30] =	vst v11;
	v11 =	vmul.f32 v17, v10;
	v17 =	vld [tilespmem:s5+$0xFFFFFFB0]  }
0x32b: {  	[tilespmem:s5+$0xFFFFFF40] =	vst v8;
	v8 =	vmul.f32 v18, v10;
	v18 =	vld [tilespmem:s5+$0xFFFFFFC0]  }
0x32c: {  	[tilespmem:s5+$0xFFFFFF50] =	vst v11;
	v11 =	vmul.f32 v13, v19;
	v13 =	vld [tilespmem:s5+$0xFFFFFFD0]  }
0x32d: {  	v10 =	vmul.f32 v12, v10;
	v12 =	vld [tilespmem:s5+$0xFFFFFFE0];
	[tilespmem:s5+$0xFFFFFF60] =	vst v8  }
0x32e: {  	v14 =	vmul.f32 v14, v19;
	v8 =	vld.idx.msk [tilespmem:v15+s25+$0x0], $0xffff;
	[tilespmem:s5+$0xFFFFFF80] =	vst v11  }
0x32f: {  	[tilespmem:s5+$0xFFFFFF70] =	vst v10;
	v11 =	vld [tilespmem:s5+$0xFFFFFFF0];
	v10 =	vmul.f32 v16, v19  }
0x330: {  	v15 =	vld [tilespmem:s5+$0x0];
	[tilespmem:s5+$0xFFFFFF90] =	vst v14;
	v14 =	vmul.f32 v17, v19  }
0x331: {  	v16 =	vld [tilespmem:s5+$0x10];
	[tilespmem:s5+$0xFFFFFFA0] =	vst v10;
	v10 =	vmul.f32 v18, v19  }
0x332: {  	[tilespmem:s5+$0xFFFFFFB0] =	vst v14;
	v13 =	vmul.f32 v13, v19;
	v14 =	vld [tilespmem:s5+$0x20]  }
0x333: {  	v17 =	vld [tilespmem:s5+$0x30];
	[tilespmem:s5+$0xFFFFFFC0] =	vst v10;
	v10 =	vmul.f32 v12, v19  }
0x334: {  	v18 =	vld [tilespmem:s5+$0x40];
	[tilespmem:s5+$0xFFFFFFD0] =	vst v13;
	v12 =	vmul.f32 v11, v19  }
0x335: {  	v13 =	vmul.f32 v15, v9;
	v11 =	vld [tilespmem:s5+$0x50];
	[tilespmem:s5+$0xFFFFFFE0] =	vst v10  }
0x336: {  	s13 =	simm.s32 $0x4;
	v16 =	vmul.f32 v16, v9;
	[tilespmem:s5+$0xFFFFFFF0] =	vst v12;
	v10 =	vld [tilespmem:s5+$0x60]  }
0x337: {  	s8 =	simm.s32 $0x5;
	v15 =	vld [tilespmem:s5+$0x80];
	v12 =	vmov s13;
	[tilespmem:s5+$0x0] =	vst v13;
	v20 =	vmul.f32 v14, v9  }
0x338: {  	s17 =	simm.s32 $0x7;
	v19 =	vmov s8;
	v17 =	vmul.f32 v17, v9;
	v13 =	vand.u32 $0xFFFFFFFC, v12;
	[tilespmem:s5+$0x10] =	vst v16;
	v14 =	vld [tilespmem:s5+$0x90]  }
0x339: {  	s7 =	simm.s32 $0x8;
	s11 =	simm.s32 $0x6;
	s8 =	simm.s32 $0x67A0;
	v12 =	vmov s17;
	v18 =	vmul.f32 v18, v9;
	v16 =	vld [tilespmem:s5+$0xA0];
	v13 =	vbroadcast v13, $0x0;
	[tilespmem:s5+$0x20] =	vst v20  }
.LBB2_12:
0x33a: {  	p0 =	slt.u32 s7, $0x4C;
	v19 =	vand.u32 $0xFFFFFFFD, v19;
	v20 =	vmov s11;
	[tilespmem:s5+$0x30] =	vst v17;
	v11 =	vmul.f32 v11, v9;
	v17 =	vld [tilespmem:s5+$0xB0]  }
0x33b: {  	v19 =	vbroadcast v19, $0x0;
	v20 =	vand.u32 $0xFFFFFFFE, v20;
	[tilespmem:s5+$0x40] =	vst v18;
	v9 =	vmul.f32 v10, v9;
	v10 =	vld [tilespmem:s5+$0xC0]  }
0x33c: {  	v18 =	vbroadcast v20, $0x0;
	[tilespmem:s5+$0x50] =	vst v11;
	v11 =	vmul.f32 v15, v8;
	v15 =	vld [tilespmem:s5+$0xD0]  }
0x33d: {  	[tilespmem:s5+$0x60] =	vst v9;
	v9 =	vmul.f32 v14, v8;
	v14 =	vld [tilespmem:s5+$0xE0]  }
0x33e: {  	[tilespmem:s5+$0x80] =	vst v11;
	v11 =	vmul.f32 v16, v8;
	v16 =	vld [tilespmem:s5+$0xF0]  }
0x33f: {  	v12 =	vld.idx.msk [tilespmem:v12+s25+$0x0], $0xffff;
	[tilespmem:s5+$0x90] =	vst v9;
	v9 =	vmul.f32 v17, v8  }
0x340: {  	v13 =	vld.idx.msk [tilespmem:v13+s25+$0x0], $0xffff;
	[tilespmem:s5+$0xA0] =	vst v11;
	v10 =	vmul.f32 v10, v8  }
0x341: {  	v11 =	vld.idx.msk [tilespmem:v19+s25+$0x0], $0xffff;
	[tilespmem:s5+$0xB0] =	vst v9;
	v15 =	vmul.f32 v15, v8  }
0x342: {  	s5 =	sadd.s32 $0x200, s5;
	v9 =	vld.idx.msk [tilespmem:v18+s25+$0x0], $0xffff;
	[tilespmem:s8+$0xC0] =	vst v10;
	v10 =	vmul.f32 v14, v8  }
0x343: {  	v14 =	vld [tilespmem:s5+$0x70];
	[tilespmem:s8+$0xD0] =	vst v15;
	v16 =	vmul.f32 v16, v8  }
0x344: {  	v15 =	vld [tilespmem:s5+$0xFFFFFF00];
	[tilespmem:s8+$0xE0] =	vst v10  }
0x345: {  	v8 =	vmov v12;
	v10 =	vld [tilespmem:s5+$0xFFFFFF10];
	[tilespmem:s8+$0xF0] =	vst v16;
	s8 =	smov.u32 s5  }
0x346: {  	v12 =	vld [tilespmem:s5+$0xFFFFFF20]  }
0x347: {  	v16 =	vld [tilespmem:s5+$0xFFFFFF30]  }
0x348: {  	v17 =	vld [tilespmem:s5+$0xFFFFFF40];
	v14 =	vmul.f32 v14, v9  }
0x349: {  	v15 =	vmul.f32 v15, v13;
	v18 =	vld [tilespmem:s5+$0xFFFFFF50]  }
0x34a: {  	v10 =	vmul.f32 v10, v13;
	v19 =	vld [tilespmem:s5+$0xFFFFFF60];
	[tilespmem:s5+$0x70] =	vst v14  }
0x34b: {  	[tilespmem:s5+$0xFFFFFF00] =	vst v15;
	v12 =	vmul.f32 v12, v13;
	v14 =	vld [tilespmem:s5+$0xFFFFFF70]  }
0x34c: {  	[tilespmem:s5+$0xFFFFFF10] =	vst v10;
	v10 =	vmul.f32 v16, v13;
	v15 =	vld [tilespmem:s5+$0xFFFFFF80]  }
0x34d: {  	[tilespmem:s5+$0xFFFFFF20] =	vst v12;
	v12 =	vmul.f32 v17, v13;
	v16 =	vld [tilespmem:s5+$0xFFFFFF90]  }
0x34e: {  	[tilespmem:s5+$0xFFFFFF30] =	vst v10;
	v10 =	vmul.f32 v18, v13;
	v17 =	vld [tilespmem:s5+$0xFFFFFFA0]  }
0x34f: {  	[tilespmem:s5+$0xFFFFFF40] =	vst v12;
	v12 =	vmul.f32 v19, v13;
	v18 =	vld [tilespmem:s5+$0xFFFFFFB0]  }
0x350: {  	[tilespmem:s5+$0xFFFFFF50] =	vst v10;
	v10 =	vmul.f32 v14, v13;
	v13 =	vld [tilespmem:s5+$0xFFFFFFC0]  }
0x351: {  	[tilespmem:s5+$0xFFFFFF60] =	vst v12;
	v12 =	vmul.f32 v15, v11;
	v14 =	vld [tilespmem:s5+$0xFFFFFFD0]  }
0x352: {  	[tilespmem:s5+$0xFFFFFF70] =	vst v10;
	v10 =	vmul.f32 v16, v11;
	v15 =	vld [tilespmem:s5+$0xFFFFFFE0]  }
0x353: {  	[tilespmem:s5+$0xFFFFFF80] =	vst v12;
	v12 =	vmul.f32 v17, v11;
	v16 =	vld [tilespmem:s5+$0xFFFFFFF0]  }
0x354: {  	[tilespmem:s5+$0xFFFFFF90] =	vst v10;
	v10 =	vmul.f32 v18, v11;
	v17 =	vld [tilespmem:s5+$0x0]  }
0x355: {  	[tilespmem:s5+$0xFFFFFFA0] =	vst v12;
	v12 =	vmul.f32 v13, v11;
	v13 =	vld [tilespmem:s5+$0x10]  }
0x356: {  	[tilespmem:s5+$0xFFFFFFB0] =	vst v10;
	v10 =	vmul.f32 v14, v11;
	v14 =	vld [tilespmem:s5+$0x20]  }
0x357: {  	[tilespmem:s5+$0xFFFFFFC0] =	vst v12;
	v12 =	vmul.f32 v15, v11;
	v18 =	vld [tilespmem:s5+$0x30]  }
0x358: {  	[tilespmem:s5+$0xFFFFFFD0] =	vst v10;
	v10 =	vmul.f32 v16, v11;
	v16 =	vld [tilespmem:s5+$0x40]  }
.Ltmp7:
0x359: {  	[tilespmem:s5+$0xFFFFFFE0] =	vst v12;
	v12 =	vmul.f32 v17, v9;
	v11 =	vld [tilespmem:s5+$0x50];
	(pc) =	sbr.rel @p0 .LBB2_12-.Ltmp7, $4  }
0x35a: {  	[tilespmem:s5+$0xFFFFFFF0] =	vst v10;
	v13 =	vmul.f32 v13, v9;
	v10 =	vld [tilespmem:s5+$0x60]  }
0x35b: {  	s11 =	sadd.s32 $0x3, s7;
	v17 =	vmov s7;
	[tilespmem:s5+$0x0] =	vst v12;
	v20 =	vmul.f32 v14, v9;
	v15 =	vld [tilespmem:s5+$0x80]  }
0x35c: {  	s13 =	sadd.s32 $0x1, s7;
	v19 =	vand.u32 $0xFFFFFFFC, v17;
	v12 =	vmov s11;
	[tilespmem:s5+$0x10] =	vst v13;
	v17 =	vmul.f32 v18, v9;
	v14 =	vld [tilespmem:s5+$0x90]  }
0x35d: {  	s11 =	sadd.s32 $0x2, s7;
	s7 =	sadd.s32 $0x4, s7;
	v13 =	vbroadcast v19, $0x0;
	v19 =	vmov s13;
	[tilespmem:s5+$0x20] =	vst v20;
	v18 =	vmul.f32 v16, v9;
	v16 =	vld [tilespmem:s5+$0xA0]  }
0x35e: {  	v20 =	vld [tilespmem:s5+$0xB0]  }
0x35f: {  	v22 =	vld [tilespmem:s5+$0xC0]  }
0x360: {  	v21 =	vmov s11;
	v23 =	vld [tilespmem:s5+$0xD0]  }
0x361: {  	v24 =	vld [tilespmem:s5+$0xE0];
	[tilespmem:s5+$0x30] =	vst v17;
	v11 =	vmul.f32 v11, v9;
	v21 =	vand.u32 $0xFFFFFFFE, v21  }
0x362: {  	v19 =	vand.u32 $0xFFFFFFFD, v19;
	v12 =	vld.idx.msk [tilespmem:v12+s25+$0x0], $0xffff;
	[tilespmem:s5+$0x40] =	vst v18;
	v9 =	vmul.f32 v10, v9;
	v21 =	vbroadcast v21, $0x0  }
0x363: {  	s7 =	sadd.s32 $0x200, s5;
	v19 =	vbroadcast v19, $0x0;
	v10 =	vld.idx.msk [tilespmem:v13+s25+$0x0], $0xffff;
	v15 =	vmul.f32 v15, v8;
	[tilespmem:s5+$0x50] =	vst v11  }
0x364: {  	v17 =	vld [tilespmem:s7+$0xFFFFFF00];
	v11 =	vmul.f32 v14, v8;
	[tilespmem:s5+$0x60] =	vst v9  }
0x365: {  	[tilespmem:s5+$0x80] =	vst v15;
	v15 =	vld [tilespmem:s5+$0xF0];
	v9 =	vmul.f32 v16, v8  }
0x366: {  	v18 =	vld [tilespmem:s7+$0xFFFFFF10];
	[tilespmem:s5+$0x90] =	vst v11;
	v11 =	vmul.f32 v20, v8  }
0x367: {  	v16 =	vld [tilespmem:s7+$0x70];
	[tilespmem:s5+$0xA0] =	vst v9;
	v9 =	vmul.f32 v22, v8  }
0x368: {  	[tilespmem:s5+$0xB0] =	vst v11;
	v11 =	vmul.f32 v23, v8;
	v14 =	vld.idx.msk [tilespmem:v21+s25+$0x0], $0xffff  }
0x369: {  	v13 =	vld.idx.msk [tilespmem:v19+s25+$0x0], $0xffff;
	[tilespmem:s8+$0xC0] =	vst v9;
	v9 =	vmul.f32 v24, v8  }
0x36a: {  	v19 =	vld [tilespmem:s7+$0xFFFFFF20];
	[tilespmem:s8+$0xD0] =	vst v11;
	v8 =	vmul.f32 v15, v8  }
0x36b: {  	v11 =	vld [tilespmem:s7+$0xFFFFFF30];
	[tilespmem:s8+$0xE0] =	vst v9  }
0x36c: {  	v9 =	vld [tilespmem:s7+$0xFFFFFF40];
	[tilespmem:s8+$0xF0] =	vst v8;
	v8 =	vmul.f32 v17, v10  }
0x36d: {  	v15 =	vmul.f32 v16, v14;
	v16 =	vld [tilespmem:s7+$0xFFFFFF50]  }
0x36e: {  	v17 =	vmul.f32 v18, v10;
	v18 =	vld [tilespmem:s7+$0xFFFFFF60];
	[tilespmem:s7+$0xFFFFFF00] =	vst v8  }
0x36f: {  	v8 =	vmul.f32 v19, v10;
	[tilespmem:s7+$0x70] =	vst v15;
	v15 =	vld [tilespmem:s7+$0xFFFFFF70]  }
0x370: {  	[tilespmem:s7+$0xFFFFFF10] =	vst v17;
	v17 =	vld [tilespmem:s7+$0xFFFFFF80];
	v11 =	vmul.f32 v11, v10  }
0x371: {  	[tilespmem:s7+$0xFFFFFF20] =	vst v8;
	v8 =	vmul.f32 v9, v10;
	v9 =	vld [tilespmem:s7+$0xFFFFFF90]  }
0x372: {  	[tilespmem:s7+$0xFFFFFF30] =	vst v11;
	v11 =	vmul.f32 v16, v10;
	v16 =	vld [tilespmem:s7+$0xFFFFFFA0]  }
0x373: {  	[tilespmem:s7+$0xFFFFFF40] =	vst v8;
	v8 =	vmul.f32 v18, v10;
	v18 =	vld [tilespmem:s7+$0xFFFFFFB0]  }
0x374: {  	[tilespmem:s7+$0xFFFFFF50] =	vst v11;
	v10 =	vmul.f32 v15, v10;
	v11 =	vld [tilespmem:s7+$0xFFFFFFC0]  }
0x375: {  	[tilespmem:s7+$0xFFFFFF60] =	vst v8;
	v8 =	vmul.f32 v17, v13;
	v15 =	vld [tilespmem:s7+$0xFFFFFFD0]  }
0x376: {  	v9 =	vmul.f32 v9, v13;
	[tilespmem:s7+$0xFFFFFF70] =	vst v10;
	v10 =	vld [tilespmem:s7+$0xFFFFFFE0]  }
0x377: {  	[tilespmem:s7+$0xFFFFFF80] =	vst v8;
	v8 =	vmul.f32 v16, v13;
	v16 =	vld [tilespmem:s7+$0xFFFFFFF0]  }
0x378: {  	v17 =	vld [tilespmem:s7+$0x0];
	[tilespmem:s7+$0xFFFFFF90] =	vst v9;
	v9 =	vmul.f32 v18, v13  }
0x379: {  	[tilespmem:s7+$0xFFFFFFA0] =	vst v8;
	v8 =	vmul.f32 v11, v13;
	v11 =	vld [tilespmem:s7+$0x10]  }
0x37a: {  	[tilespmem:s7+$0xFFFFFFB0] =	vst v9;
	v9 =	vmul.f32 v15, v13;
	v15 =	vld [tilespmem:s7+$0x20]  }
0x37b: {  	[tilespmem:s7+$0xFFFFFFC0] =	vst v8;
	v8 =	vmul.f32 v10, v13;
	v10 =	vld [tilespmem:s7+$0x30]  }
0x37c: {  	[tilespmem:s7+$0xFFFFFFD0] =	vst v9;
	v9 =	vmul.f32 v16, v13;
	v13 =	vld [tilespmem:s7+$0x40]  }
0x37d: {  	v16 =	vld [tilespmem:s7+$0x50];
	[tilespmem:s7+$0xFFFFFFE0] =	vst v8;
	v8 =	vmul.f32 v17, v14  }
0x37e: {  	[tilespmem:s7+$0xFFFFFFF0] =	vst v9;
	v9 =	vmul.f32 v11, v14;
	v11 =	vld [tilespmem:s7+$0x60]  }
0x37f: {  	[tilespmem:s7+$0x0] =	vst v8;
	v8 =	vmul.f32 v15, v14;
	v15 =	vld [tilespmem:s7+$0x80]  }
0x380: {  	[tilespmem:s7+$0x10] =	vst v9;
	v9 =	vmul.f32 v10, v14;
	v10 =	vld [tilespmem:s7+$0x90]  }
0x381: {  	[tilespmem:s7+$0x20] =	vst v8;
	v8 =	vmul.f32 v13, v14;
	v13 =	vld [tilespmem:s7+$0xA0]  }
0x382: {  	[tilespmem:s7+$0x30] =	vst v9;
	v9 =	vmul.f32 v16, v14;
	v16 =	vld [tilespmem:s7+$0xB0]  }
0x383: {  	[tilespmem:s7+$0x40] =	vst v8;
	v8 =	vmul.f32 v11, v14;
	v11 =	vld [tilespmem:s7+$0xC0]  }
0x384: {  	v14 =	vld [tilespmem:s7+$0xD0];
	[tilespmem:s7+$0x50] =	vst v9;
	v9 =	vmul.f32 v15, v12  }
0x385: {  	[tilespmem:s7+$0x60] =	vst v8;
	v8 =	vmul.f32 v10, v12;
	v10 =	vld [tilespmem:s7+$0xE0]  }
0x386: {  	[tilespmem:s7+$0x80] =	vst v9;
	v9 =	vmul.f32 v13, v12;
	v13 =	vld [tilespmem:s7+$0xF0]  }
0x387: {  	[tilespmem:s7+$0x90] =	vst v8;
	v8 =	vmul.f32 v16, v12  }
0x388: {  	[tilespmem:s7+$0xA0] =	vst v9;
	v9 =	vmul.f32 v11, v12  }
0x389: {  	[tilespmem:s7+$0xB0] =	vst v8;
	v8 =	vmul.f32 v14, v12  }
0x38a: {  	[tilespmem:s7+$0xC0] =	vst v9;
	v9 =	vmul.f32 v10, v12  }
0x38b: {  	[tilespmem:s7+$0xD0] =	vst v8;
	v8 =	vmul.f32 v13, v12  }
0x38c: {  	[tilespmem:s7+$0xE0] =	vst v9  }
0x38d: {  	[tilespmem:s7+$0xF0] =	vst v8  }
0x38e: {  	[spmem:s3] =	stream.indirect.scatter.add.f32 [tilespmem:s16], [sflag:$0x3], $0x80, s26, s19, $0xb8;
	[tilespmem:$0x1F1A0] =	vst v63  }
0x38f: {  	_ = 	snop  }
0x390: {  	[spmem:s4] =	stream.indirect.scatter.add.f32 [tilespmem:s25], [sflag:$0x5], $0x1, s26, s19, $0xb8;
	[tilespmem:$0x1F1A0] =	vst v63  }
0x391: {  	v8 =	vld [tilespmem:$0x6510]  }
0x392: {  	v9 =	vld [tilespmem:$0x65B0];
	_ =	sdelay $0x5  }
0x393: {  	s5 =	simm.s32 $0x0  }
0x394: {  	v8 =	vld.idx.msk [tilespmem:v8+s5+$0x0], $0xffff  }
0x395: {  	v9 =	vld.idx.msk [tilespmem:v9+s15+$0x0], $0xffff;
	_ =	sdelay $0x4  }
0x396: {  	v8 =	vadd.f32 v9, v8;
	_ =	sdelay $0x1  }
0x397: {  	v9 =	vmul.f32 $9.999999770e-03, v8  }
0x398: {  	vm0 =	vgt.f32 v8, $0.0e+00  }
0x399: {  	v8 =	vsel vm0, v8, v9  }
0x39a: {  	v8 =	vsub.f32 v8, v1;
	_ =	sdelay $0x1  }
0x39b: {  	v8 =	vmul.f32 $1.442695020e+00, v8;
	_ =	sdelay $0x1  }
0x39c: {  	(erf) = vpow2.f32 v8;
	_ =	sdelay $0x3  }
0x39d: {  	v9 =	vld [tilespmem:$0x6520]  }
0x39e: {  	v10 =	vld [tilespmem:$0x65C0];
	_ =	sdelay $0x1  }
0x39f: {  	s7 =	rddreg [dreg:$0x1e]  }
0x3a0: {  	s7 =	sadd.s32 s30, s7  }
0x3a1: {  	p0 =	slt.u32 s7, $0x4E200;
	v8 =	vpop (erf)  }
0x3a2: {  	v8 =	vpsel !p0, $0x0, v8  }
0x3a3: {  	[tilespmem:$0x6650] =	vst v8  }
0x3a4: {  	v9 =	vld.idx.msk [tilespmem:v9+s5+$0x0], $0xffff  }
0x3a5: {  	v10 =	vld.idx.msk [tilespmem:v10+s15+$0x0], $0xffff;
	_ =	sdelay $0x4  }
0x3a6: {  	v9 =	vadd.f32 v10, v9;
	_ =	sdelay $0x1  }
0x3a7: {  	v10 =	vmul.f32 $9.999999770e-03, v9  }
0x3a8: {  	vm12 =	vgt.f32 v9, $0.0e+00  }
0x3a9: {  	v9 =	vsel vm12, v9, v10  }
0x3aa: {  	v9 =	vsub.f32 v9, v1;
	_ =	sdelay $0x1  }
0x3ab: {  	v9 =	vmul.f32 $1.442695020e+00, v9;
	_ =	sdelay $0x1  }
0x3ac: {  	(erf) = vpow2.f32 v9;
	_ =	sdelay $0x3  }
0x3ad: {  	v10 =	vld [tilespmem:$0x6530]  }
0x3ae: {  	v11 =	vld [tilespmem:$0x65D0];
	_ =	sdelay $0x2  }
0x3af: {  	s13 =	sadd.s32 $0x10, s7  }
0x3b0: {  	p3 =	slt.u32 s13, $0x4E200;
	v9 =	vpop (erf)  }
0x3b1: {  	v9 =	vpsel !p3, $0x0, v9  }
0x3b2: {  	[tilespmem:$0x6660] =	vst v9  }
0x3b3: {  	v10 =	vld.idx.msk [tilespmem:v10+s5+$0x0], $0xffff  }
0x3b4: {  	v11 =	vld.idx.msk [tilespmem:v11+s15+$0x0], $0xffff;
	_ =	sdelay $0x4  }
0x3b5: {  	v10 =	vadd.f32 v11, v10;
	_ =	sdelay $0x1  }
0x3b6: {  	v11 =	vmul.f32 $9.999999770e-03, v10  }
0x3b7: {  	vm13 =	vgt.f32 v10, $0.0e+00  }
0x3b8: {  	v10 =	vsel vm13, v10, v11  }
0x3b9: {  	v10 =	vsub.f32 v10, v1;
	_ =	sdelay $0x1  }
0x3ba: {  	v10 =	vmul.f32 $1.442695020e+00, v10;
	_ =	sdelay $0x1  }
0x3bb: {  	(erf) = vpow2.f32 v10;
	_ =	sdelay $0x3  }
0x3bc: {  	v11 =	vld [tilespmem:$0x6540]  }
0x3bd: {  	v12 =	vld [tilespmem:$0x65E0];
	_ =	sdelay $0x2  }
0x3be: {  	s17 =	sadd.s32 $0x20, s7  }
0x3bf: {  	p4 =	slt.u32 s17, $0x4E200;
	v10 =	vpop (erf)  }
0x3c0: {  	v10 =	vpsel !p4, $0x0, v10  }
0x3c1: {  	[tilespmem:$0x6670] =	vst v10  }
0x3c2: {  	v11 =	vld.idx.msk [tilespmem:v11+s5+$0x0], $0xffff  }
0x3c3: {  	v12 =	vld.idx.msk [tilespmem:v12+s15+$0x0], $0xffff;
	_ =	sdelay $0x4  }
0x3c4: {  	v11 =	vadd.f32 v12, v11;
	_ =	sdelay $0x1  }
0x3c5: {  	v12 =	vmul.f32 $9.999999770e-03, v11  }
0x3c6: {  	vm14 =	vgt.f32 v11, $0.0e+00  }
0x3c7: {  	v11 =	vsel vm14, v11, v12  }
0x3c8: {  	v11 =	vsub.f32 v11, v1;
	_ =	sdelay $0x1  }
0x3c9: {  	v11 =	vmul.f32 $1.442695020e+00, v11;
	_ =	sdelay $0x1  }
0x3ca: {  	(erf) = vpow2.f32 v11;
	_ =	sdelay $0x3  }
0x3cb: {  	v12 =	vld [tilespmem:$0x6550]  }
0x3cc: {  	v13 =	vld [tilespmem:$0x65F0];
	_ =	sdelay $0x2  }
0x3cd: {  	s11 =	sadd.s32 $0x30, s7  }
0x3ce: {  	p5 =	slt.u32 s11, $0x4E200;
	v11 =	vpop (erf)  }
0x3cf: {  	v11 =	vpsel !p5, $0x0, v11  }
0x3d0: {  	[tilespmem:$0x6680] =	vst v11  }
0x3d1: {  	v12 =	vld.idx.msk [tilespmem:v12+s5+$0x0], $0xffff  }
0x3d2: {  	v13 =	vld.idx.msk [tilespmem:v13+s15+$0x0], $0xffff;
	_ =	sdelay $0x4  }
0x3d3: {  	v12 =	vadd.f32 v13, v12;
	_ =	sdelay $0x1  }
0x3d4: {  	v13 =	vmul.f32 $9.999999770e-03, v12  }
0x3d5: {  	vm15 =	vgt.f32 v12, $0.0e+00  }
0x3d6: {  	v12 =	vsel vm15, v12, v13  }
0x3d7: {  	v12 =	vsub.f32 v12, v1;
	_ =	sdelay $0x1  }
0x3d8: {  	v12 =	vmul.f32 $1.442695020e+00, v12;
	_ =	sdelay $0x1  }
0x3d9: {  	(erf) = vpow2.f32 v12;
	_ =	sdelay $0x6  }
0x3da: {  	s13 =	simm.s32 $0x2;
	v12 =	vmov s5  }
0x3db: {  	s7 =	sadd.s32 $0x40, s7;
	v13 =	vmov s13;
	v12 =	vand.u32 $0xFFFFFFFC, v12  }
0x3dc: {  	p6 =	slt.u32 s7, $0x4E200;
	v13 =	vand.u32 $0xFFFFFFFE, v13;
	v15 =	vbroadcast v12, $0x0;
	v14 =	vpop (erf)  }
0x3dd: {  	v13 =	vbroadcast v13, $0x0;
	v12 =	vpsel !p6, $0x0, v14  }
0x3de: {  	[tilespmem:$0x6690] =	vst v12  }
0x3df: {  	_ =	swait.ge [sflag:s28], $0x2800  }
0x3e0: {  	[sflag:s28] =	ssyncset.done $0x0  }
0x3e1: {  	[sflag:s28] =	ssyncadd.s32 $0xFFFFD800  }
0x3e2: {  	v15 =	vld.idx.msk [tilespmem:v15+s29+$0x0], $0xffff  }
0x3e3: {  	s8 =	simm.s32 $0x8FA0;
	v14 =	vld.idx.msk [tilespmem:v13+s29+$0x0], $0xffff  }
0x3e4: {  	s17 =	simm.s32 $0x1;
	v16 =	vld [tilespmem:s8+$0x70]  }
0x3e5: {  	v13 =	vmov s17;
	v17 =	vld [tilespmem:s8+$0xFFFFFF00]  }
0x3e6: {  	v18 =	vld [tilespmem:s8+$0xFFFFFF10];
	v13 =	vand.u32 $0xFFFFFFFD, v13  }
0x3e7: {  	v63 =	vld [tilespmem:s8+$0x10];
	v13 =	vbroadcast v13, $0x0  }
0x3e8: {  	v19 =	vld [tilespmem:s8+$0xFFFFFF20]  }
0x3e9: {  	v2 =	vmax.f32 v2, v3;
	v20 =	vld [tilespmem:s8+$0xFFFFFF30]  }
0x3ea: {  	v2 =	vmax.f32 v2, v4;
	v56 =	vld [tilespmem:s8+$0xFFFFFF40]  }
0x3eb: {  	v2 =	vmax.f32 v2, v5;
	v57 =	vld [tilespmem:s8+$0xFFFFFF50];
	v17 =	vmul.f32 v17, v15  }
0x3ec: {  	v2 =	vmax.f32 v2, v6;
	v58 =	vld [tilespmem:s8+$0xFFFFFF60];
	v6 =	vmul.f32 v63, v14  }
0x3ed: {  	[tilespmem:s8+$0xFFFFFF00] =	vst v17;
	v59 =	vld.idx.msk [tilespmem:v13+s29+$0x0], $0xffff;
	v13 =	vmul.f32 v16, v14;
	v16 =	vmul.f32 v18, v15  }
0x3ee: {  	[tilespmem:s8+$0x10] =	vst v6;
	v18 =	vld [tilespmem:s8+$0xFFFFFF80]  }
0x3ef: {  	v17 =	vld [tilespmem:s8+$0xFFFFFF70];
	[tilespmem:s8+$0xFFFFFF10] =	vst v16;
	v16 =	vmul.f32 v20, v15  }
0x3f0: {  	[tilespmem:s8+$0x70] =	vst v13;
	v13 =	vmul.f32 v19, v15;
	v19 =	vld [tilespmem:s8+$0xFFFFFF90]  }
0x3f1: {  	s7 =	simm.s32 $0x3;
	v60 =	vld [tilespmem:s8+$0xFFFFFFA0];
	[tilespmem:s8+$0xFFFFFF30] =	vst v16;
	v16 =	vmul.f32 v57, v15  }
0x3f2: {  	v61 =	vld [tilespmem:s8+$0xFFFFFFB0];
	v20 =	vmov s7;
	[tilespmem:s8+$0xFFFFFF20] =	vst v13;
	v13 =	vmul.f32 v56, v15  }
0x3f3: {  	v62 =	vld [tilespmem:s8+$0xFFFFFFC0];
	[tilespmem:s8+$0xFFFFFF50] =	vst v16;
	v16 =	vmul.f32 v18, v59  }
0x3f4: {  	[tilespmem:s8+$0xFFFFFF40] =	vst v13;
	v13 =	vmul.f32 v58, v15;
	v18 =	vld [tilespmem:s8+$0xFFFFFFD0]  }
0x3f5: {  	v15 =	vmul.f32 v17, v15;
	v17 =	vld [tilespmem:s8+$0xFFFFFFE0];
	[tilespmem:s8+$0xFFFFFF80] =	vst v16;
	v16 =	vmul.f32 v19, v59  }
0x3f6: {  	[tilespmem:s8+$0xFFFFFF60] =	vst v13;
	v19 =	vld [tilespmem:s8+$0xFFFFFFF0]  }
0x3f7: {  	v13 =	vld.idx.msk [tilespmem:v20+s29+$0x0], $0xffff;
	[tilespmem:s8+$0xFFFFFF90] =	vst v16;
	v16 =	vmul.f32 v61, v59  }
0x3f8: {  	[tilespmem:s8+$0xFFFFFF70] =	vst v15;
	v15 =	vmul.f32 v60, v59;
	v20 =	vld [tilespmem:s8+$0x0]  }
0x3f9: {  	[tilespmem:s8+$0xFFFFFFB0] =	vst v16;
	v16 =	vmul.f32 v18, v59;
	v18 =	vld [tilespmem:s8+$0x20]  }
0x3fa: {  	[tilespmem:s8+$0xFFFFFFA0] =	vst v15;
	v3 =	vmul.f32 v17, v59;
	v17 =	vld [tilespmem:s8+$0x30]  }
0x3fb: {  	v4 =	vmul.f32 v19, v59;
	[tilespmem:s8+$0xFFFFFFD0] =	vst v16;
	v16 =	vld [tilespmem:s8+$0x40]  }
0x3fc: {  	s11 =	simm.s32 $0x4;
	v15 =	vmul.f32 v62, v59;
	[tilespmem:s8+$0xFFFFFFE0] =	vst v3;
	v3 =	vld [tilespmem:s8+$0x50]  }
0x3fd: {  	v2 =	vmax.f32 v2, v7;
	v7 =	vmov s11;
	v5 =	vmul.f32 v20, v14;
	[tilespmem:s8+$0xFFFFFFF0] =	vst v4;
	v4 =	vld [tilespmem:s8+$0x60]  }
0x3fe: {  	[tilespmem:s8+$0xFFFFFFC0] =	vst v15;
	v15 =	vld [tilespmem:s8+$0x80];
	v19 =	vand.u32 $0xFFFFFFFC, v7;
	v18 =	vmul.f32 v18, v14  }
0x3ff: {  	s13 =	simm.s32 $0x7;
	s17 =	simm.s32 $0x5;
	v7 =	vld [tilespmem:s8+$0x90];
	v6 =	vbroadcast v19, $0x0;
	[tilespmem:s8+$0x0] =	vst v5;
	v17 =	vmul.f32 v17, v14  }
0x400: {  	s11 =	simm.s32 $0x6;
	s5 =	simm.s32 $0x8FA0;
	s7 =	simm.s32 $0x8;
	v19 =	vmov s17;
	v5 =	vmov s13;
	[tilespmem:s8+$0x20] =	vst v18;
	v18 =	vmul.f32 v16, v14;
	v16 =	vld [tilespmem:s8+$0xA0]  }
.LBB2_14:
0x401: {  	p0 =	slt.u32 s7, $0x4C;
	v19 =	vand.u32 $0xFFFFFFFD, v19;
	v20 =	vmov s11;
	[tilespmem:s8+$0x30] =	vst v17;
	v3 =	vmul.f32 v3, v14;
	v17 =	vld [tilespmem:s8+$0xB0]  }
0x402: {  	v19 =	vbroadcast v19, $0x0;
	v20 =	vand.u32 $0xFFFFFFFE, v20;
	[tilespmem:s8+$0x40] =	vst v18;
	v4 =	vmul.f32 v4, v14;
	v14 =	vld [tilespmem:s8+$0xC0]  }
0x403: {  	v18 =	vbroadcast v20, $0x0;
	[tilespmem:s8+$0x50] =	vst v3;
	v3 =	vmul.f32 v15, v13;
	v15 =	vld [tilespmem:s8+$0xD0]  }
0x404: {  	[tilespmem:s8+$0x60] =	vst v4;
	v4 =	vmul.f32 v7, v13;
	v7 =	vld [tilespmem:s8+$0xE0]  }
0x405: {  	[tilespmem:s8+$0x80] =	vst v3;
	v3 =	vmul.f32 v16, v13;
	v16 =	vld [tilespmem:s8+$0xF0]  }
0x406: {  	v5 =	vld.idx.msk [tilespmem:v5+s29+$0x0], $0xffff;
	[tilespmem:s8+$0x90] =	vst v4;
	v4 =	vmul.f32 v17, v13  }
0x407: {  	v6 =	vld.idx.msk [tilespmem:v6+s29+$0x0], $0xffff;
	[tilespmem:s8+$0xA0] =	vst v3;
	v3 =	vmul.f32 v14, v13  }
0x408: {  	v17 =	vld.idx.msk [tilespmem:v19+s29+$0x0], $0xffff;
	[tilespmem:s8+$0xB0] =	vst v4;
	v4 =	vmul.f32 v15, v13  }
0x409: {  	s8 =	sadd.s32 $0x200, s8;
	v14 =	vld.idx.msk [tilespmem:v18+s29+$0x0], $0xffff;
	[tilespmem:s5+$0xC0] =	vst v3;
	v3 =	vmul.f32 v7, v13  }
0x40a: {  	v7 =	vld [tilespmem:s8+$0x70];
	[tilespmem:s5+$0xD0] =	vst v4;
	v4 =	vmul.f32 v16, v13  }
0x40b: {  	v15 =	vld [tilespmem:s8+$0xFFFFFF00];
	[tilespmem:s5+$0xE0] =	vst v3  }
0x40c: {  	v13 =	vmov v5;
	v3 =	vld [tilespmem:s8+$0xFFFFFF10];
	[tilespmem:s5+$0xF0] =	vst v4;
	s5 =	smov.u32 s8  }
0x40d: {  	v4 =	vld [tilespmem:s8+$0xFFFFFF20]  }
0x40e: {  	v5 =	vld [tilespmem:s8+$0xFFFFFF30]  }
0x40f: {  	v16 =	vld [tilespmem:s8+$0xFFFFFF40];
	v7 =	vmul.f32 v7, v14  }
0x410: {  	v15 =	vmul.f32 v15, v6;
	v18 =	vld [tilespmem:s8+$0xFFFFFF50]  }
0x411: {  	v3 =	vmul.f32 v3, v6;
	v19 =	vld [tilespmem:s8+$0xFFFFFF60];
	[tilespmem:s8+$0x70] =	vst v7  }
0x412: {  	[tilespmem:s8+$0xFFFFFF00] =	vst v15;
	v4 =	vmul.f32 v4, v6;
	v7 =	vld [tilespmem:s8+$0xFFFFFF70]  }
0x413: {  	[tilespmem:s8+$0xFFFFFF10] =	vst v3;
	v3 =	vmul.f32 v5, v6;
	v5 =	vld [tilespmem:s8+$0xFFFFFF80]  }
0x414: {  	[tilespmem:s8+$0xFFFFFF20] =	vst v4;
	v4 =	vmul.f32 v16, v6;
	v15 =	vld [tilespmem:s8+$0xFFFFFF90]  }
0x415: {  	[tilespmem:s8+$0xFFFFFF30] =	vst v3;
	v3 =	vmul.f32 v18, v6;
	v16 =	vld [tilespmem:s8+$0xFFFFFFA0]  }
0x416: {  	[tilespmem:s8+$0xFFFFFF40] =	vst v4;
	v4 =	vmul.f32 v19, v6;
	v18 =	vld [tilespmem:s8+$0xFFFFFFB0]  }
0x417: {  	[tilespmem:s8+$0xFFFFFF50] =	vst v3;
	v3 =	vmul.f32 v7, v6;
	v6 =	vld [tilespmem:s8+$0xFFFFFFC0]  }
0x418: {  	[tilespmem:s8+$0xFFFFFF60] =	vst v4;
	v4 =	vmul.f32 v5, v17;
	v5 =	vld [tilespmem:s8+$0xFFFFFFD0]  }
0x419: {  	[tilespmem:s8+$0xFFFFFF70] =	vst v3;
	v3 =	vmul.f32 v15, v17;
	v7 =	vld [tilespmem:s8+$0xFFFFFFE0]  }
0x41a: {  	[tilespmem:s8+$0xFFFFFF80] =	vst v4;
	v4 =	vmul.f32 v16, v17;
	v15 =	vld [tilespmem:s8+$0xFFFFFFF0]  }
0x41b: {  	[tilespmem:s8+$0xFFFFFF90] =	vst v3;
	v3 =	vmul.f32 v18, v17;
	v16 =	vld [tilespmem:s8+$0x0]  }
0x41c: {  	[tilespmem:s8+$0xFFFFFFA0] =	vst v4;
	v4 =	vmul.f32 v6, v17;
	v6 =	vld [tilespmem:s8+$0x10]  }
0x41d: {  	[tilespmem:s8+$0xFFFFFFB0] =	vst v3;
	v3 =	vmul.f32 v5, v17;
	v5 =	vld [tilespmem:s8+$0x20]  }
0x41e: {  	[tilespmem:s8+$0xFFFFFFC0] =	vst v4;
	v4 =	vmul.f32 v7, v17;
	v7 =	vld [tilespmem:s8+$0x30]  }
0x41f: {  	[tilespmem:s8+$0xFFFFFFD0] =	vst v3;
	v15 =	vmul.f32 v15, v17;
	v18 =	vld [tilespmem:s8+$0x40]  }
.Ltmp8:
0x420: {  	[tilespmem:s8+$0xFFFFFFE0] =	vst v4;
	v16 =	vmul.f32 v16, v14;
	v3 =	vld [tilespmem:s8+$0x50];
	(pc) =	sbr.rel @p0 .LBB2_14-.Ltmp8, $4  }
0x421: {  	[tilespmem:s8+$0xFFFFFFF0] =	vst v15;
	v6 =	vmul.f32 v6, v14;
	v4 =	vld [tilespmem:s8+$0x60]  }
0x422: {  	s11 =	sadd.s32 $0x3, s7;
	v17 =	vmov s7;
	[tilespmem:s8+$0x0] =	vst v16;
	v16 =	vmul.f32 v5, v14;
	v15 =	vld [tilespmem:s8+$0x80]  }
0x423: {  	s13 =	sadd.s32 $0x1, s7;
	v19 =	vand.u32 $0xFFFFFFFC, v17;
	v5 =	vmov s11;
	[tilespmem:s8+$0x10] =	vst v6;
	v17 =	vmul.f32 v7, v14;
	v7 =	vld [tilespmem:s8+$0x90]  }
0x424: {  	s11 =	sadd.s32 $0x2, s7;
	s7 =	sadd.s32 $0x4, s7;
	v6 =	vbroadcast v19, $0x0;
	v19 =	vmov s13;
	[tilespmem:s8+$0x20] =	vst v16;
	v18 =	vmul.f32 v18, v14;
	v16 =	vld [tilespmem:s8+$0xA0]  }
0x425: {  	v20 =	vld [tilespmem:s8+$0xB0]  }
0x426: {  	v22 =	vld [tilespmem:s8+$0xC0]  }
0x427: {  	v23 =	vld [tilespmem:s8+$0xD0]  }
0x428: {  	v24 =	vld [tilespmem:s8+$0xE0]  }
0x429: {  	v56 =	vld [tilespmem:s8+$0xF0];
	[tilespmem:s8+$0x30] =	vst v17;
	v3 =	vmul.f32 v3, v14  }
0x42a: {  	v21 =	vmov s11;
	v5 =	vld.idx.msk [tilespmem:v5+s29+$0x0], $0xffff;
	[tilespmem:s8+$0x40] =	vst v18;
	v4 =	vmul.f32 v4, v14  }
0x42b: {  	s7 =	sadd.s32 $0x200, s8;
	v21 =	vand.u32 $0xFFFFFFFE, v21;
	v6 =	vld.idx.msk [tilespmem:v6+s29+$0x0], $0xffff;
	v15 =	vmul.f32 v15, v13;
	[tilespmem:s8+$0x50] =	vst v3  }
0x42c: {  	v63 =	vld [tilespmem:s7+$0xFFFFFF10];
	v21 =	vbroadcast v21, $0x0;
	v3 =	vmul.f32 v7, v13;
	[tilespmem:s8+$0x60] =	vst v4  }
0x42d: {  	v19 =	vand.u32 $0xFFFFFFFD, v19;
	v62 =	vld [tilespmem:s7+$0xFFFFFF00];
	[tilespmem:s8+$0x80] =	vst v15;
	v58 =	vmul.f32 v16, v13  }
0x42e: {  	v19 =	vbroadcast v19, $0x0;
	v26 =	vld [tilespmem:s7+$0xFFFFFF50];
	[tilespmem:s8+$0x90] =	vst v3;
	v3 =	vmul.f32 v20, v13  }
0x42f: {  	v31 =	vld [tilespmem:s7+$0xFFFFFF90];
	v61 =	vmul.f32 v22, v13;
	[tilespmem:s8+$0xA0] =	vst v58  }
0x430: {  	v22 =	vld [tilespmem:s7+$0xFFFFFF20];
	[tilespmem:s8+$0xB0] =	vst v3;
	v3 =	vmul.f32 v23, v13  }
0x431: {  	v27 =	vmul.f32 v63, v6;
	v23 =	vld [tilespmem:s7+$0xFFFFFF30];
	[tilespmem:s5+$0xC0] =	vst v61  }
0x432: {  	v59 =	vld.idx.msk [tilespmem:v21+s29+$0x0], $0xffff;
	[tilespmem:s5+$0xD0] =	vst v3;
	v3 =	vmul.f32 v56, v13  }
0x433: {  	v32 =	vmul.f32 v26, v6;
	v21 =	vmul.f32 v24, v13;
	v24 =	vld [tilespmem:s7+$0xFFFFFF40];
	[tilespmem:s7+$0xFFFFFF10] =	vst v27  }
0x434: {  	v57 =	vld.idx.msk [tilespmem:v19+s29+$0x0], $0xffff;
	[tilespmem:s5+$0xF0] =	vst v3;
	v3 =	vmul.f32 v62, v6  }
0x435: {  	v28 =	vld [tilespmem:s7+$0xFFFFFF60];
	[tilespmem:s7+$0xFFFFFF50] =	vst v32  }
0x436: {  	v34 =	vld [tilespmem:s7+$0xFFFFFFB0];
	[tilespmem:s7+$0xFFFFFF00] =	vst v3;
	v3 =	vmul.f32 v22, v6  }
0x437: {  	v30 =	vld [tilespmem:s7+$0xFFFFFF80];
	[tilespmem:s5+$0xE0] =	vst v21;
	v13 =	vmul.f32 v23, v6  }
0x438: {  	v36 =	vld [tilespmem:s7+$0xFFFFFFD0];
	[tilespmem:s7+$0xFFFFFF20] =	vst v3;
	v3 =	vmul.f32 v24, v6  }
0x439: {  	v33 =	vld [tilespmem:s7+$0xFFFFFFA0];
	v4 =	vmul.f32 v31, v57;
	[tilespmem:s7+$0xFFFFFF30] =	vst v13  }
0x43a: {  	v38 =	vld [tilespmem:s7+$0xFFFFFFF0];
	[tilespmem:s7+$0xFFFFFF40] =	vst v3;
	v3 =	vmul.f32 v28, v6  }
0x43b: {  	v35 =	vld [tilespmem:s7+$0xFFFFFFC0];
	v39 =	vmul.f32 v34, v57;
	[tilespmem:s7+$0xFFFFFF90] =	vst v4  }
0x43c: {  	v60 =	vld [tilespmem:s7+$0x70];
	[tilespmem:s7+$0xFFFFFF60] =	vst v3;
	v3 =	vmul.f32 v30, v57  }
0x43d: {  	v37 =	vld [tilespmem:s7+$0xFFFFFFE0];
	v42 =	vmul.f32 v36, v57;
	[tilespmem:s7+$0xFFFFFFB0] =	vst v39  }
0x43e: {  	v41 =	vld [tilespmem:s7+$0x10];
	[tilespmem:s7+$0xFFFFFF80] =	vst v3;
	v3 =	vmul.f32 v33, v57  }
0x43f: {  	v40 =	vld [tilespmem:s7+$0x0];
	v45 =	vmul.f32 v38, v57;
	[tilespmem:s7+$0xFFFFFFD0] =	vst v42  }
0x440: {  	v44 =	vld [tilespmem:s7+$0x30];
	[tilespmem:s7+$0xFFFFFFA0] =	vst v3;
	v3 =	vmul.f32 v35, v57  }
0x441: {  	v43 =	vld [tilespmem:s7+$0x20];
	v25 =	vmul.f32 v60, v59;
	[tilespmem:s7+$0xFFFFFFF0] =	vst v45  }
0x442: {  	v47 =	vld [tilespmem:s7+$0x50];
	[tilespmem:s7+$0xFFFFFFC0] =	vst v3;
	v3 =	vmul.f32 v37, v57  }
0x443: {  	v46 =	vld [tilespmem:s7+$0x40];
	v48 =	vmul.f32 v41, v59;
	[tilespmem:s7+$0x70] =	vst v25  }
0x444: {  	v53 =	vld [tilespmem:s7+$0xA0];
	[tilespmem:s7+$0xFFFFFFE0] =	vst v3;
	v3 =	vmul.f32 v40, v59  }
0x445: {  	v49 =	vld [tilespmem:s7+$0x60];
	v51 =	vmul.f32 v44, v59;
	[tilespmem:s7+$0x10] =	vst v48  }
0x446: {  	v56 =	vld [tilespmem:s7+$0xC0];
	[tilespmem:s7+$0x0] =	vst v3;
	v3 =	vmul.f32 v43, v59  }
0x447: {  	v52 =	vld [tilespmem:s7+$0x90];
	v54 =	vmul.f32 v47, v59;
	[tilespmem:s7+$0x30] =	vst v51  }
0x448: {  	v29 =	vld [tilespmem:s7+$0xFFFFFF70];
	[tilespmem:s7+$0x20] =	vst v3;
	v3 =	vmul.f32 v46, v59  }
0x449: {  	v55 =	vld [tilespmem:s7+$0xB0];
	v60 =	vmul.f32 v53, v5;
	[tilespmem:s7+$0x50] =	vst v54  }
0x44a: {  	v50 =	vld [tilespmem:s7+$0x80];
	[tilespmem:s7+$0x40] =	vst v3;
	v3 =	vmul.f32 v49, v59  }
0x44b: {  	v58 =	vld [tilespmem:s7+$0xD0];
	v62 =	vmul.f32 v56, v5;
	[tilespmem:s7+$0xA0] =	vst v60  }
0x44c: {  	v59 =	vld [tilespmem:s7+$0xE0];
	[tilespmem:s7+$0x60] =	vst v3;
	v3 =	vmul.f32 v52, v5  }
0x44d: {  	v61 =	vld [tilespmem:s7+$0xF0];
	[tilespmem:s7+$0xC0] =	vst v62;
	v6 =	vmul.f32 v29, v6  }
0x44e: {  	[tilespmem:s7+$0x90] =	vst v3;
	v3 =	vmul.f32 v55, v5  }
0x44f: {  	[tilespmem:s7+$0xFFFFFF70] =	vst v6;
	v57 =	vmul.f32 v50, v5  }
0x450: {  	[tilespmem:s7+$0xB0] =	vst v3;
	v3 =	vmul.f32 v58, v5  }
0x451: {  	[tilespmem:s7+$0x80] =	vst v57;
	v63 =	vmul.f32 v59, v5  }
0x452: {  	[tilespmem:s7+$0xD0] =	vst v3;
	v3 =	vmul.f32 v61, v5  }
0x453: {  	[tilespmem:s7+$0xE0] =	vst v63  }
0x454: {  	[tilespmem:s7+$0xF0] =	vst v3  }
0x455: {  	[spmem:s3] =	stream.indirect.scatter.add.f32 [tilespmem:s23], [sflag:$0x4], $0x80, s31, s19, $0xb8;
	[tilespmem:$0x1F1A0] =	vst v63  }
0x456: {  	_ = 	snop  }
0x457: {  	[spmem:s4] =	stream.indirect.scatter.add.f32 [tilespmem:s29], [sflag:$0x6], $0x1, s31, s19, $0xb8;
	[tilespmem:$0x1F1A0] =	vst v63  }
0x458: {  	p0 =	seq.s32 s21, $0xF;
	_ =	swait.ge [sflag:s2], $0x2800  }
.Ltmp9:
0x459: {  	v2 =	vmax.f32 v2, v8;
	[sflag:s2] =	ssyncset.done $0x0;
	(pc) =	sbr.rel @p0 .LBB2_17-.Ltmp9, $4  }
0x45a: {  	v2 =	vmax.f32 v2, v9;
	[sflag:s2] =	ssyncadd.s32 $0xFFFFD800  }
0x45b: {  	v2 =	vmax.f32 v2, v10;
	_ =	swait.ge [sflag:s0], $0x50  }
0x45c: {  	v2 =	vmax.f32 v2, v11;
	[sflag:s0] =	ssyncset.done $0x0  }
0x45d: {  	v2 =	vmax.f32 v2, v12;
	[sflag:s0] =	ssyncadd.s32 $0xFFFFFFB0  }
0x45e: {  	v3 =	vld [tilespmem:s30+$0x5160];
	_ =	sdelay $0x4  }
0x45f: {  	[tilespmem:$0x64C0] =	vst v3  }
0x460: {  	v3 =	vld [tilespmem:s30+$0x5B60];
	_ =	sdelay $0x4  }
0x461: {  	[tilespmem:$0x6560] =	vst v3  }
0x462: {  	v3 =	vld [tilespmem:s30+$0x5170];
	_ =	sdelay $0x4  }
0x463: {  	[tilespmem:$0x64D0] =	vst v3  }
0x464: {  	v3 =	vld [tilespmem:s30+$0x5B70];
	_ =	sdelay $0x4  }
0x465: {  	[tilespmem:$0x6570] =	vst v3  }
0x466: {  	v3 =	vld [tilespmem:s30+$0x5180];
	_ =	sdelay $0x4  }
0x467: {  	[tilespmem:$0x64E0] =	vst v3  }
0x468: {  	v3 =	vld [tilespmem:s30+$0x5B80];
	_ =	sdelay $0x4  }
0x469: {  	[tilespmem:$0x6580] =	vst v3  }
0x46a: {  	v3 =	vld [tilespmem:s30+$0x5190];
	_ =	sdelay $0x4  }
0x46b: {  	[tilespmem:$0x64F0] =	vst v3  }
0x46c: {  	v3 =	vld [tilespmem:s30+$0x5B90];
	_ =	sdelay $0x4  }
0x46d: {  	[tilespmem:$0x6590] =	vst v3  }
0x46e: {  	v3 =	vld [tilespmem:s30+$0x51A0];
	_ =	sdelay $0x4  }
0x46f: {  	[tilespmem:$0x6500] =	vst v3  }
0x470: {  	v3 =	vld [tilespmem:s30+$0x5BA0];
	_ =	sdelay $0x1  }
.Ltmp10:
0x471: {  	_ = 	snop;
	(pc) =	sbr.rel .LBB2_11-.Ltmp10, $3  }
0x472: {  	_ =	sdelay $0x1  }
0x473: {  	s21 =	sadd.s32 $0x1, s21;
	[tilespmem:$0x65A0] =	vst v3  }
0x474: {  	[tilespmem:s16], [sflag:$0x1] =	stream.indirect.gather [hbm4b:s1+s19], $0x80, s20, s19, $0xb8;
	[tilespmem:$0x1F1A0] =	vst v63  }
.LBB2_17:
0x475: {  	s5 =	simm.s32 $0x4  }
0x476: {  	_ =	swait.ge [sflag:s5], $0x2800  }
0x477: {  	[sflag:s5] =	ssyncset.done $0x0  }
0x478: {  	s13 =	simm.s32 $0x6;
	[sflag:s5] =	ssyncadd.s32 $0xFFFFD800  }
0x479: {  	_ =	swait.ge [sflag:s13], $0x50  }
0x47a: {  	s18 =	simm.s32 $0x0;
	[sflag:s13] =	ssyncset.done $0x0  }
0x47b: {  	s7 =	simm.s32 $0x50C0;
	s17 =	rddreg [dreg:$0xa];
	[sflag:s13] =	ssyncadd.s32 $0xFFFFFFB0  }
0x47c: {  	[tilespmem:s7], [sflag:$0x7] =	stream.linear.gather [hbm4b:s17+s18], $0xA00, $0x38;
	[tilespmem:$0x1F1A0] =	vst v63  }
0x47d: {  	_ =	swait.ge [sflag:s14], $0xA00  }
0x47e: {  	[sflag:s14] =	ssyncset.done $0x0  }
0x47f: {  	s30 =	simm.s32 $0x5AC0;
	s21 =	rddreg [dreg:$0xb];
	[sflag:s14] =	ssyncadd.s32 $0xFFFFF600  }
0x480: {  	[tilespmem:s30], [sflag:$0x7] =	stream.linear.gather [hbm4b:s21+s18], $0xA00, $0x38;
	[tilespmem:$0x1F1A0] =	vst v63  }
0x481: {  	_ =	swait.ge [sflag:s14], $0xA00  }
0x482: {  	[sflag:s14] =	ssyncset.done $0x0  }
0x483: {  	[sflag:s14] =	ssyncadd.s32 $0xFFFFF600  }
0x484: {  	v3 =	vld [tilespmem:$0x50C0]  }
0x485: {  	v4 =	vld [tilespmem:$0x5AC0]  }
0x486: {  	v5 =	vld [tilespmem:$0x50D0]  }
0x487: {  	v6 =	vld [tilespmem:$0x5AD0]  }
0x488: {  	v7 =	vld [tilespmem:$0x50E0]  }
0x489: {  	v60 =	vld [tilespmem:$0x50F0];
	[tilespmem:$0x64C0] =	vst v3  }
0x48a: {  	v61 =	vld [tilespmem:$0x5AF0];
	[tilespmem:$0x6560] =	vst v4  }
0x48b: {  	v62 =	vld [tilespmem:$0x5100];
	[tilespmem:$0x64D0] =	vst v5  }
0x48c: {  	v63 =	vld [tilespmem:$0x5B00];
	[tilespmem:$0x6570] =	vst v6  }
0x48d: {  	v3 =	vld [tilespmem:$0x5AE0];
	[tilespmem:$0x64E0] =	vst v7  }
0x48e: {  	[tilespmem:$0x64F0] =	vst v60  }
0x48f: {  	[tilespmem:$0x6590] =	vst v61  }
0x490: {  	[tilespmem:$0x6500] =	vst v62  }
0x491: {  	[tilespmem:$0x65A0] =	vst v63  }
0x492: {  	s21 =	simm.s32 $0x0;
	[tilespmem:$0x6580] =	vst v3  }
0x493: {  	[tilespmem:s16], [sflag:$0x1] =	stream.indirect.gather [hbm4b:s1+s19], $0x80, s20, s19, $0xb8;
	[tilespmem:$0x1F1A0] =	vst v63  }
.LBB2_18:
0x494: {  	p0 =	seq.s32 s21, $0x0  }
0x495: {  	s5 =	simm.s32 @!p0 $0x4  }
0x496: {  	_ =	swait.ge @!p0 [sflag:s5], $0x2800  }
0x497: {  	[sflag:s5] =	ssyncset.done @!p0 $0x0  }
0x498: {  	[sflag:s5] =	ssyncadd.s32 @!p0 $0xFFFFD800;
	s5 =	simm.s32 @!p0 $0x6  }
0x499: {  	_ =	swait.ge @!p0 [sflag:s5], $0x50  }
0x49a: {  	s30 =	smul.u32 $0xA0, s21;
	[sflag:s5] =	ssyncset.done @!p0 $0x0  }
0x49b: {  	[sflag:s5] =	ssyncadd.s32 @!p0 $0xFFFFFFB0  }
0x49c: {  	v3 =	vld [tilespmem:s30+$0x5110];
	_ =	sdelay $0x4  }
0x49d: {  	[tilespmem:$0x6510] =	vst v3  }
0x49e: {  	v3 =	vld [tilespmem:s30+$0x5B10];
	_ =	sdelay $0x4  }
0x49f: {  	[tilespmem:$0x65B0] =	vst v3  }
0x4a0: {  	v3 =	vld [tilespmem:s30+$0x5120];
	_ =	sdelay $0x4  }
0x4a1: {  	[tilespmem:$0x6520] =	vst v3  }
0x4a2: {  	v3 =	vld [tilespmem:s30+$0x5B20];
	_ =	sdelay $0x4  }
0x4a3: {  	[tilespmem:$0x65C0] =	vst v3  }
0x4a4: {  	v3 =	vld [tilespmem:s30+$0x5130];
	_ =	sdelay $0x4  }
0x4a5: {  	[tilespmem:$0x6530] =	vst v3  }
0x4a6: {  	v3 =	vld [tilespmem:s30+$0x5B30];
	_ =	sdelay $0x4  }
0x4a7: {  	[tilespmem:$0x65D0] =	vst v3  }
0x4a8: {  	v3 =	vld [tilespmem:s30+$0x5140];
	_ =	sdelay $0x4  }
0x4a9: {  	[tilespmem:$0x6540] =	vst v3  }
0x4aa: {  	v3 =	vld [tilespmem:s30+$0x5B40];
	_ =	sdelay $0x4  }
0x4ab: {  	[tilespmem:$0x65E0] =	vst v3  }
0x4ac: {  	v3 =	vld [tilespmem:s30+$0x5150];
	_ =	sdelay $0x4  }
0x4ad: {  	[tilespmem:$0x6550] =	vst v3  }
0x4ae: {  	v3 =	vld [tilespmem:s30+$0x5B50];
	_ =	sdelay $0x4  }
0x4af: {  	[tilespmem:$0x65F0] =	vst v3  }
0x4b0: {  	[tilespmem:s23], [sflag:$0x2] =	stream.indirect.gather [hbm4b:s1+s19], $0x80, s22, s19, $0xb8;
	[tilespmem:$0x1F1A0] =	vst v63  }
0x4b1: {  	v3 =	vld [tilespmem:$0x64C0]  }
0x4b2: {  	v4 =	vld [tilespmem:$0x6560];
	_ =	sdelay $0x6  }
0x4b3: {  	v3 =	vld.idx.msk [tilespmem:v3+s18+$0x0], $0xffff  }
0x4b4: {  	v4 =	vld.idx.msk [tilespmem:v4+s15+$0x0], $0xffff;
	_ =	sdelay $0x4  }
0x4b5: {  	v3 =	vadd.f32 v4, v3;
	_ =	sdelay $0x1  }
0x4b6: {  	v4 =	vmul.f32 $9.999999770e-03, v3  }
0x4b7: {  	vm0 =	vgt.f32 v3, $0.0e+00  }
0x4b8: {  	v3 =	vsel vm0, v3, v4  }
0x4b9: {  	v3 =	vsub.f32 v3, v1;
	_ =	sdelay $0x1  }
0x4ba: {  	v3 =	vmul.f32 $1.442695020e+00, v3;
	_ =	sdelay $0x1  }
0x4bb: {  	(erf) = vpow2.f32 v3;
	_ =	sdelay $0x3  }
0x4bc: {  	v4 =	vld [tilespmem:$0x64D0]  }
0x4bd: {  	v5 =	vld [tilespmem:$0x6570];
	_ =	sdelay $0x2  }
0x4be: {  	s8 =	sadd.s32 s30, s12  }
0x4bf: {  	p2 =	slt.u32 s8, $0x4E200;
	v3 =	vpop (erf)  }
0x4c0: {  	v3 =	vpsel !p2, $0x0, v3  }
0x4c1: {  	[tilespmem:$0x6600] =	vst v3  }
0x4c2: {  	v4 =	vld.idx.msk [tilespmem:v4+s18+$0x0], $0xffff  }
0x4c3: {  	v5 =	vld.idx.msk [tilespmem:v5+s15+$0x0], $0xffff;
	_ =	sdelay $0x4  }
0x4c4: {  	v4 =	vadd.f32 v5, v4;
	_ =	sdelay $0x1  }
0x4c5: {  	v5 =	vmul.f32 $9.999999770e-03, v4  }
0x4c6: {  	vm12 =	vgt.f32 v4, $0.0e+00  }
0x4c7: {  	v4 =	vsel vm12, v4, v5  }
0x4c8: {  	v4 =	vsub.f32 v4, v1;
	_ =	sdelay $0x1  }
0x4c9: {  	v4 =	vmul.f32 $1.442695020e+00, v4;
	_ =	sdelay $0x1  }
0x4ca: {  	(erf) = vpow2.f32 v4;
	_ =	sdelay $0x3  }
0x4cb: {  	v5 =	vld [tilespmem:$0x64E0]  }
0x4cc: {  	v6 =	vld [tilespmem:$0x6580];
	_ =	sdelay $0x2  }
0x4cd: {  	s7 =	sor.u32 $0x10, s8  }
0x4ce: {  	p3 =	slt.u32 s7, $0x4E200;
	v4 =	vpop (erf)  }
0x4cf: {  	v4 =	vpsel !p3, $0x0, v4  }
0x4d0: {  	[tilespmem:$0x6610] =	vst v4  }
0x4d1: {  	v5 =	vld.idx.msk [tilespmem:v5+s18+$0x0], $0xffff  }
0x4d2: {  	v6 =	vld.idx.msk [tilespmem:v6+s15+$0x0], $0xffff;
	_ =	sdelay $0x4  }
0x4d3: {  	v5 =	vadd.f32 v6, v5;
	_ =	sdelay $0x1  }
0x4d4: {  	v6 =	vmul.f32 $9.999999770e-03, v5  }
0x4d5: {  	vm13 =	vgt.f32 v5, $0.0e+00  }
0x4d6: {  	v5 =	vsel vm13, v5, v6  }
0x4d7: {  	v5 =	vsub.f32 v5, v1;
	_ =	sdelay $0x1  }
0x4d8: {  	v5 =	vmul.f32 $1.442695020e+00, v5;
	_ =	sdelay $0x1  }
0x4d9: {  	(erf) = vpow2.f32 v5;
	_ =	sdelay $0x3  }
0x4da: {  	v6 =	vld [tilespmem:$0x64F0]  }
0x4db: {  	v7 =	vld [tilespmem:$0x6590];
	_ =	sdelay $0x2  }
0x4dc: {  	s11 =	sadd.s32 $0x20, s8  }
0x4dd: {  	p4 =	slt.u32 s11, $0x4E200;
	v5 =	vpop (erf)  }
0x4de: {  	v5 =	vpsel !p4, $0x0, v5  }
0x4df: {  	[tilespmem:$0x6620] =	vst v5  }
0x4e0: {  	v6 =	vld.idx.msk [tilespmem:v6+s18+$0x0], $0xffff  }
0x4e1: {  	v7 =	vld.idx.msk [tilespmem:v7+s15+$0x0], $0xffff;
	_ =	sdelay $0x4  }
0x4e2: {  	v6 =	vadd.f32 v7, v6;
	_ =	sdelay $0x1  }
0x4e3: {  	v7 =	vmul.f32 $9.999999770e-03, v6  }
0x4e4: {  	vm14 =	vgt.f32 v6, $0.0e+00  }
0x4e5: {  	v6 =	vsel vm14, v6, v7  }
0x4e6: {  	v6 =	vsub.f32 v6, v1;
	_ =	sdelay $0x1  }
0x4e7: {  	v6 =	vmul.f32 $1.442695020e+00, v6;
	_ =	sdelay $0x1  }
0x4e8: {  	(erf) = vpow2.f32 v6;
	_ =	sdelay $0x3  }
0x4e9: {  	v7 =	vld [tilespmem:$0x6500]  }
0x4ea: {  	v8 =	vld [tilespmem:$0x65A0];
	_ =	sdelay $0x2  }
0x4eb: {  	s13 =	sadd.s32 $0x30, s8  }
0x4ec: {  	p5 =	slt.u32 s13, $0x4E200;
	v6 =	vpop (erf)  }
0x4ed: {  	v6 =	vpsel !p5, $0x0, v6  }
0x4ee: {  	[tilespmem:$0x6630] =	vst v6  }
0x4ef: {  	v7 =	vld.idx.msk [tilespmem:v7+s18+$0x0], $0xffff  }
0x4f0: {  	v8 =	vld.idx.msk [tilespmem:v8+s15+$0x0], $0xffff;
	_ =	sdelay $0x4  }
0x4f1: {  	v7 =	vadd.f32 v8, v7;
	_ =	sdelay $0x1  }
0x4f2: {  	v8 =	vmul.f32 $9.999999770e-03, v7  }
0x4f3: {  	vm15 =	vgt.f32 v7, $0.0e+00  }
0x4f4: {  	v7 =	vsel vm15, v7, v8  }
0x4f5: {  	v7 =	vsub.f32 v7, v1;
	_ =	sdelay $0x1  }
0x4f6: {  	v7 =	vmul.f32 $1.442695020e+00, v7;
	_ =	sdelay $0x1  }
0x4f7: {  	(erf) = vpow2.f32 v7;
	_ =	sdelay $0x6  }
0x4f8: {  	s17 =	simm.s32 $0x2;
	v7 =	vmov s18  }
0x4f9: {  	s5 =	sadd.s32 $0x40, s8;
	v8 =	vmov s17;
	v7 =	vand.u32 $0xFFFFFFFC, v7  }
0x4fa: {  	p6 =	slt.u32 s5, $0x4E200;
	v8 =	vand.u32 $0xFFFFFFFE, v8;
	v10 =	vbroadcast v7, $0x0;
	v9 =	vpop (erf)  }
0x4fb: {  	v8 =	vbroadcast v8, $0x0;
	v7 =	vpsel !p6, $0x0, v9  }
0x4fc: {  	[tilespmem:$0x6640] =	vst v7  }
0x4fd: {  	_ =	swait.ge [sflag:s24], $0x2800  }
0x4fe: {  	[sflag:s24] =	ssyncset.done $0x0  }
0x4ff: {  	[sflag:s24] =	ssyncadd.s32 $0xFFFFD800  }
0x500: {  	v10 =	vld.idx.msk [tilespmem:v10+s25+$0x0], $0xffff  }
0x501: {  	s8 =	simm.s32 $0x1;
	s5 =	simm.s32 $0x67A0;
	v9 =	vld.idx.msk [tilespmem:v8+s25+$0x0], $0xffff  }
0x502: {  	v8 =	vmov s8;
	v11 =	vld [tilespmem:s5+$0x70]  }
0x503: {  	v12 =	vld [tilespmem:s5+$0xFFFFFF00];
	v8 =	vand.u32 $0xFFFFFFFD, v8  }
0x504: {  	v13 =	vld [tilespmem:s5+$0xFFFFFF10];
	v8 =	vbroadcast v8, $0x0  }
0x505: {  	v14 =	vld [tilespmem:s5+$0xFFFFFF20]  }
0x506: {  	v15 =	vld [tilespmem:s5+$0xFFFFFF30]  }
0x507: {  	v16 =	vld [tilespmem:s5+$0xFFFFFF40]  }
0x508: {  	v17 =	vld [tilespmem:s5+$0xFFFFFF50]  }
0x509: {  	v18 =	vld [tilespmem:s5+$0xFFFFFF60];
	v12 =	vmul.f32 v12, v10  }
0x50a: {  	v19 =	vld.idx.msk [tilespmem:v8+s25+$0x0], $0xffff;
	v8 =	vmul.f32 v11, v9  }
0x50b: {  	[tilespmem:s5+$0xFFFFFF00] =	vst v12;
	v12 =	vld [tilespmem:s5+$0xFFFFFF70];
	v11 =	vmul.f32 v13, v10  }
0x50c: {  	v13 =	vld [tilespmem:s5+$0xFFFFFF80];
	[tilespmem:s5+$0x70] =	vst v8;
	v8 =	vmul.f32 v14, v10  }
0x50d: {  	s11 =	simm.s32 $0x3;
	[tilespmem:s5+$0xFFFFFF10] =	vst v11;
	v11 =	vmul.f32 v15, v10;
	v14 =	vld [tilespmem:s5+$0xFFFFFF90]  }
0x50e: {  	v15 =	vmov s11;
	[tilespmem:s5+$0xFFFFFF20] =	vst v8;
	v8 =	vmul.f32 v16, v10;
	v16 =	vld [tilespmem:s5+$0xFFFFFFA0]  }
0x50f: {  	[tilespmem:s5+$0xFFFFFF30] =	vst v11;
	v11 =	vmul.f32 v17, v10;
	v17 =	vld [tilespmem:s5+$0xFFFFFFB0]  }
0x510: {  	[tilespmem:s5+$0xFFFFFF40] =	vst v8;
	v8 =	vmul.f32 v18, v10;
	v18 =	vld [tilespmem:s5+$0xFFFFFFC0]  }
0x511: {  	[tilespmem:s5+$0xFFFFFF50] =	vst v11;
	v11 =	vmul.f32 v13, v19;
	v13 =	vld [tilespmem:s5+$0xFFFFFFD0]  }
0x512: {  	v10 =	vmul.f32 v12, v10;
	v12 =	vld [tilespmem:s5+$0xFFFFFFE0];
	[tilespmem:s5+$0xFFFFFF60] =	vst v8  }
0x513: {  	v14 =	vmul.f32 v14, v19;
	v8 =	vld.idx.msk [tilespmem:v15+s25+$0x0], $0xffff;
	[tilespmem:s5+$0xFFFFFF80] =	vst v11  }
0x514: {  	[tilespmem:s5+$0xFFFFFF70] =	vst v10;
	v11 =	vld [tilespmem:s5+$0xFFFFFFF0];
	v10 =	vmul.f32 v16, v19  }
0x515: {  	v15 =	vld [tilespmem:s5+$0x0];
	[tilespmem:s5+$0xFFFFFF90] =	vst v14;
	v14 =	vmul.f32 v17, v19  }
0x516: {  	v16 =	vld [tilespmem:s5+$0x10];
	[tilespmem:s5+$0xFFFFFFA0] =	vst v10;
	v10 =	vmul.f32 v18, v19  }
0x517: {  	[tilespmem:s5+$0xFFFFFFB0] =	vst v14;
	v13 =	vmul.f32 v13, v19;
	v14 =	vld [tilespmem:s5+$0x20]  }
0x518: {  	v17 =	vld [tilespmem:s5+$0x30];
	[tilespmem:s5+$0xFFFFFFC0] =	vst v10;
	v10 =	vmul.f32 v12, v19  }
0x519: {  	v18 =	vld [tilespmem:s5+$0x40];
	[tilespmem:s5+$0xFFFFFFD0] =	vst v13;
	v12 =	vmul.f32 v11, v19  }
0x51a: {  	v13 =	vmul.f32 v15, v9;
	v11 =	vld [tilespmem:s5+$0x50];
	[tilespmem:s5+$0xFFFFFFE0] =	vst v10  }
0x51b: {  	s13 =	simm.s32 $0x4;
	v16 =	vmul.f32 v16, v9;
	[tilespmem:s5+$0xFFFFFFF0] =	vst v12;
	v10 =	vld [tilespmem:s5+$0x60]  }
0x51c: {  	s8 =	simm.s32 $0x5;
	v15 =	vld [tilespmem:s5+$0x80];
	v12 =	vmov s13;
	[tilespmem:s5+$0x0] =	vst v13;
	v20 =	vmul.f32 v14, v9  }
0x51d: {  	s17 =	simm.s32 $0x7;
	v19 =	vmov s8;
	v17 =	vmul.f32 v17, v9;
	v13 =	vand.u32 $0xFFFFFFFC, v12;
	[tilespmem:s5+$0x10] =	vst v16;
	v14 =	vld [tilespmem:s5+$0x90]  }
0x51e: {  	s7 =	simm.s32 $0x8;
	s11 =	simm.s32 $0x6;
	s8 =	simm.s32 $0x67A0;
	v12 =	vmov s17;
	v18 =	vmul.f32 v18, v9;
	v16 =	vld [tilespmem:s5+$0xA0];
	v13 =	vbroadcast v13, $0x0;
	[tilespmem:s5+$0x20] =	vst v20  }
.LBB2_19:
0x51f: {  	p0 =	slt.u32 s7, $0x4C;
	v19 =	vand.u32 $0xFFFFFFFD, v19;
	v20 =	vmov s11;
	[tilespmem:s5+$0x30] =	vst v17;
	v11 =	vmul.f32 v11, v9;
	v17 =	vld [tilespmem:s5+$0xB0]  }
0x520: {  	v19 =	vbroadcast v19, $0x0;
	v20 =	vand.u32 $0xFFFFFFFE, v20;
	[tilespmem:s5+$0x40] =	vst v18;
	v9 =	vmul.f32 v10, v9;
	v10 =	vld [tilespmem:s5+$0xC0]  }
0x521: {  	v18 =	vbroadcast v20, $0x0;
	[tilespmem:s5+$0x50] =	vst v11;
	v11 =	vmul.f32 v15, v8;
	v15 =	vld [tilespmem:s5+$0xD0]  }
0x522: {  	[tilespmem:s5+$0x60] =	vst v9;
	v9 =	vmul.f32 v14, v8;
	v14 =	vld [tilespmem:s5+$0xE0]  }
0x523: {  	[tilespmem:s5+$0x80] =	vst v11;
	v11 =	vmul.f32 v16, v8;
	v16 =	vld [tilespmem:s5+$0xF0]  }
0x524: {  	v12 =	vld.idx.msk [tilespmem:v12+s25+$0x0], $0xffff;
	[tilespmem:s5+$0x90] =	vst v9;
	v9 =	vmul.f32 v17, v8  }
0x525: {  	v13 =	vld.idx.msk [tilespmem:v13+s25+$0x0], $0xffff;
	[tilespmem:s5+$0xA0] =	vst v11;
	v10 =	vmul.f32 v10, v8  }
0x526: {  	v11 =	vld.idx.msk [tilespmem:v19+s25+$0x0], $0xffff;
	[tilespmem:s5+$0xB0] =	vst v9;
	v15 =	vmul.f32 v15, v8  }
0x527: {  	s5 =	sadd.s32 $0x200, s5;
	v9 =	vld.idx.msk [tilespmem:v18+s25+$0x0], $0xffff;
	[tilespmem:s8+$0xC0] =	vst v10;
	v10 =	vmul.f32 v14, v8  }
0x528: {  	v14 =	vld [tilespmem:s5+$0x70];
	[tilespmem:s8+$0xD0] =	vst v15;
	v16 =	vmul.f32 v16, v8  }
0x529: {  	v15 =	vld [tilespmem:s5+$0xFFFFFF00];
	[tilespmem:s8+$0xE0] =	vst v10  }
0x52a: {  	v8 =	vmov v12;
	v10 =	vld [tilespmem:s5+$0xFFFFFF10];
	[tilespmem:s8+$0xF0] =	vst v16;
	s8 =	smov.u32 s5  }
0x52b: {  	v12 =	vld [tilespmem:s5+$0xFFFFFF20]  }
0x52c: {  	v16 =	vld [tilespmem:s5+$0xFFFFFF30]  }
0x52d: {  	v17 =	vld [tilespmem:s5+$0xFFFFFF40];
	v14 =	vmul.f32 v14, v9  }
0x52e: {  	v15 =	vmul.f32 v15, v13;
	v18 =	vld [tilespmem:s5+$0xFFFFFF50]  }
0x52f: {  	v10 =	vmul.f32 v10, v13;
	v19 =	vld [tilespmem:s5+$0xFFFFFF60];
	[tilespmem:s5+$0x70] =	vst v14  }
0x530: {  	[tilespmem:s5+$0xFFFFFF00] =	vst v15;
	v12 =	vmul.f32 v12, v13;
	v14 =	vld [tilespmem:s5+$0xFFFFFF70]  }
0x531: {  	[tilespmem:s5+$0xFFFFFF10] =	vst v10;
	v10 =	vmul.f32 v16, v13;
	v15 =	vld [tilespmem:s5+$0xFFFFFF80]  }
0x532: {  	[tilespmem:s5+$0xFFFFFF20] =	vst v12;
	v12 =	vmul.f32 v17, v13;
	v16 =	vld [tilespmem:s5+$0xFFFFFF90]  }
0x533: {  	[tilespmem:s5+$0xFFFFFF30] =	vst v10;
	v10 =	vmul.f32 v18, v13;
	v17 =	vld [tilespmem:s5+$0xFFFFFFA0]  }
0x534: {  	[tilespmem:s5+$0xFFFFFF40] =	vst v12;
	v12 =	vmul.f32 v19, v13;
	v18 =	vld [tilespmem:s5+$0xFFFFFFB0]  }
0x535: {  	[tilespmem:s5+$0xFFFFFF50] =	vst v10;
	v10 =	vmul.f32 v14, v13;
	v13 =	vld [tilespmem:s5+$0xFFFFFFC0]  }
0x536: {  	[tilespmem:s5+$0xFFFFFF60] =	vst v12;
	v12 =	vmul.f32 v15, v11;
	v14 =	vld [tilespmem:s5+$0xFFFFFFD0]  }
0x537: {  	[tilespmem:s5+$0xFFFFFF70] =	vst v10;
	v10 =	vmul.f32 v16, v11;
	v15 =	vld [tilespmem:s5+$0xFFFFFFE0]  }
0x538: {  	[tilespmem:s5+$0xFFFFFF80] =	vst v12;
	v12 =	vmul.f32 v17, v11;
	v16 =	vld [tilespmem:s5+$0xFFFFFFF0]  }
0x539: {  	[tilespmem:s5+$0xFFFFFF90] =	vst v10;
	v10 =	vmul.f32 v18, v11;
	v17 =	vld [tilespmem:s5+$0x0]  }
0x53a: {  	[tilespmem:s5+$0xFFFFFFA0] =	vst v12;
	v12 =	vmul.f32 v13, v11;
	v13 =	vld [tilespmem:s5+$0x10]  }
0x53b: {  	[tilespmem:s5+$0xFFFFFFB0] =	vst v10;
	v10 =	vmul.f32 v14, v11;
	v14 =	vld [tilespmem:s5+$0x20]  }
0x53c: {  	[tilespmem:s5+$0xFFFFFFC0] =	vst v12;
	v12 =	vmul.f32 v15, v11;
	v18 =	vld [tilespmem:s5+$0x30]  }
0x53d: {  	[tilespmem:s5+$0xFFFFFFD0] =	vst v10;
	v10 =	vmul.f32 v16, v11;
	v16 =	vld [tilespmem:s5+$0x40]  }
.Ltmp11:
0x53e: {  	[tilespmem:s5+$0xFFFFFFE0] =	vst v12;
	v12 =	vmul.f32 v17, v9;
	v11 =	vld [tilespmem:s5+$0x50];
	(pc) =	sbr.rel @p0 .LBB2_19-.Ltmp11, $4  }
0x53f: {  	[tilespmem:s5+$0xFFFFFFF0] =	vst v10;
	v13 =	vmul.f32 v13, v9;
	v10 =	vld [tilespmem:s5+$0x60]  }
0x540: {  	s11 =	sadd.s32 $0x3, s7;
	v17 =	vmov s7;
	[tilespmem:s5+$0x0] =	vst v12;
	v20 =	vmul.f32 v14, v9;
	v15 =	vld [tilespmem:s5+$0x80]  }
0x541: {  	s13 =	sadd.s32 $0x1, s7;
	v19 =	vand.u32 $0xFFFFFFFC, v17;
	v12 =	vmov s11;
	[tilespmem:s5+$0x10] =	vst v13;
	v17 =	vmul.f32 v18, v9;
	v14 =	vld [tilespmem:s5+$0x90]  }
0x542: {  	s11 =	sadd.s32 $0x2, s7;
	s7 =	sadd.s32 $0x4, s7;
	v13 =	vbroadcast v19, $0x0;
	v19 =	vmov s13;
	[tilespmem:s5+$0x20] =	vst v20;
	v18 =	vmul.f32 v16, v9;
	v16 =	vld [tilespmem:s5+$0xA0]  }
0x543: {  	v20 =	vld [tilespmem:s5+$0xB0]  }
0x544: {  	v22 =	vld [tilespmem:s5+$0xC0]  }
0x545: {  	v21 =	vmov s11;
	v23 =	vld [tilespmem:s5+$0xD0]  }
0x546: {  	v24 =	vld [tilespmem:s5+$0xE0];
	[tilespmem:s5+$0x30] =	vst v17;
	v11 =	vmul.f32 v11, v9;
	v21 =	vand.u32 $0xFFFFFFFE, v21  }
0x547: {  	v19 =	vand.u32 $0xFFFFFFFD, v19;
	v12 =	vld.idx.msk [tilespmem:v12+s25+$0x0], $0xffff;
	[tilespmem:s5+$0x40] =	vst v18;
	v9 =	vmul.f32 v10, v9;
	v21 =	vbroadcast v21, $0x0  }
0x548: {  	s7 =	sadd.s32 $0x200, s5;
	v19 =	vbroadcast v19, $0x0;
	v10 =	vld.idx.msk [tilespmem:v13+s25+$0x0], $0xffff;
	v15 =	vmul.f32 v15, v8;
	[tilespmem:s5+$0x50] =	vst v11  }
0x549: {  	v17 =	vld [tilespmem:s7+$0xFFFFFF00];
	v11 =	vmul.f32 v14, v8;
	[tilespmem:s5+$0x60] =	vst v9  }
0x54a: {  	[tilespmem:s5+$0x80] =	vst v15;
	v15 =	vld [tilespmem:s5+$0xF0];
	v9 =	vmul.f32 v16, v8  }
0x54b: {  	v18 =	vld [tilespmem:s7+$0xFFFFFF10];
	[tilespmem:s5+$0x90] =	vst v11;
	v11 =	vmul.f32 v20, v8  }
0x54c: {  	v16 =	vld [tilespmem:s7+$0x70];
	[tilespmem:s5+$0xA0] =	vst v9;
	v9 =	vmul.f32 v22, v8  }
0x54d: {  	[tilespmem:s5+$0xB0] =	vst v11;
	v11 =	vmul.f32 v23, v8;
	v14 =	vld.idx.msk [tilespmem:v21+s25+$0x0], $0xffff  }
0x54e: {  	v13 =	vld.idx.msk [tilespmem:v19+s25+$0x0], $0xffff;
	[tilespmem:s8+$0xC0] =	vst v9;
	v9 =	vmul.f32 v24, v8  }
0x54f: {  	v19 =	vld [tilespmem:s7+$0xFFFFFF20];
	[tilespmem:s8+$0xD0] =	vst v11;
	v8 =	vmul.f32 v15, v8  }
0x550: {  	v11 =	vld [tilespmem:s7+$0xFFFFFF30];
	[tilespmem:s8+$0xE0] =	vst v9  }
0x551: {  	v9 =	vld [tilespmem:s7+$0xFFFFFF40];
	[tilespmem:s8+$0xF0] =	vst v8;
	v8 =	vmul.f32 v17, v10  }
0x552: {  	v15 =	vmul.f32 v16, v14;
	v16 =	vld [tilespmem:s7+$0xFFFFFF50]  }
0x553: {  	v17 =	vmul.f32 v18, v10;
	v18 =	vld [tilespmem:s7+$0xFFFFFF60];
	[tilespmem:s7+$0xFFFFFF00] =	vst v8  }
0x554: {  	v8 =	vmul.f32 v19, v10;
	[tilespmem:s7+$0x70] =	vst v15;
	v15 =	vld [tilespmem:s7+$0xFFFFFF70]  }
0x555: {  	[tilespmem:s7+$0xFFFFFF10] =	vst v17;
	v17 =	vld [tilespmem:s7+$0xFFFFFF80];
	v11 =	vmul.f32 v11, v10  }
0x556: {  	[tilespmem:s7+$0xFFFFFF20] =	vst v8;
	v8 =	vmul.f32 v9, v10;
	v9 =	vld [tilespmem:s7+$0xFFFFFF90]  }
0x557: {  	[tilespmem:s7+$0xFFFFFF30] =	vst v11;
	v11 =	vmul.f32 v16, v10;
	v16 =	vld [tilespmem:s7+$0xFFFFFFA0]  }
0x558: {  	[tilespmem:s7+$0xFFFFFF40] =	vst v8;
	v8 =	vmul.f32 v18, v10;
	v18 =	vld [tilespmem:s7+$0xFFFFFFB0]  }
0x559: {  	[tilespmem:s7+$0xFFFFFF50] =	vst v11;
	v10 =	vmul.f32 v15, v10;
	v11 =	vld [tilespmem:s7+$0xFFFFFFC0]  }
0x55a: {  	[tilespmem:s7+$0xFFFFFF60] =	vst v8;
	v8 =	vmul.f32 v17, v13;
	v15 =	vld [tilespmem:s7+$0xFFFFFFD0]  }
0x55b: {  	v9 =	vmul.f32 v9, v13;
	[tilespmem:s7+$0xFFFFFF70] =	vst v10;
	v10 =	vld [tilespmem:s7+$0xFFFFFFE0]  }
0x55c: {  	[tilespmem:s7+$0xFFFFFF80] =	vst v8;
	v8 =	vmul.f32 v16, v13;
	v16 =	vld [tilespmem:s7+$0xFFFFFFF0]  }
0x55d: {  	v17 =	vld [tilespmem:s7+$0x0];
	[tilespmem:s7+$0xFFFFFF90] =	vst v9;
	v9 =	vmul.f32 v18, v13  }
0x55e: {  	[tilespmem:s7+$0xFFFFFFA0] =	vst v8;
	v8 =	vmul.f32 v11, v13;
	v11 =	vld [tilespmem:s7+$0x10]  }
0x55f: {  	[tilespmem:s7+$0xFFFFFFB0] =	vst v9;
	v9 =	vmul.f32 v15, v13;
	v15 =	vld [tilespmem:s7+$0x20]  }
0x560: {  	[tilespmem:s7+$0xFFFFFFC0] =	vst v8;
	v8 =	vmul.f32 v10, v13;
	v10 =	vld [tilespmem:s7+$0x30]  }
0x561: {  	[tilespmem:s7+$0xFFFFFFD0] =	vst v9;
	v9 =	vmul.f32 v16, v13;
	v13 =	vld [tilespmem:s7+$0x40]  }
0x562: {  	v16 =	vld [tilespmem:s7+$0x50];
	[tilespmem:s7+$0xFFFFFFE0] =	vst v8;
	v8 =	vmul.f32 v17, v14  }
0x563: {  	[tilespmem:s7+$0xFFFFFFF0] =	vst v9;
	v9 =	vmul.f32 v11, v14;
	v11 =	vld [tilespmem:s7+$0x60]  }
0x564: {  	[tilespmem:s7+$0x0] =	vst v8;
	v8 =	vmul.f32 v15, v14;
	v15 =	vld [tilespmem:s7+$0x80]  }
0x565: {  	[tilespmem:s7+$0x10] =	vst v9;
	v9 =	vmul.f32 v10, v14;
	v10 =	vld [tilespmem:s7+$0x90]  }
0x566: {  	[tilespmem:s7+$0x20] =	vst v8;
	v8 =	vmul.f32 v13, v14;
	v13 =	vld [tilespmem:s7+$0xA0]  }
0x567: {  	[tilespmem:s7+$0x30] =	vst v9;
	v9 =	vmul.f32 v16, v14;
	v16 =	vld [tilespmem:s7+$0xB0]  }
0x568: {  	[tilespmem:s7+$0x40] =	vst v8;
	v8 =	vmul.f32 v11, v14;
	v11 =	vld [tilespmem:s7+$0xC0]  }
0x569: {  	v14 =	vld [tilespmem:s7+$0xD0];
	[tilespmem:s7+$0x50] =	vst v9;
	v9 =	vmul.f32 v15, v12  }
0x56a: {  	[tilespmem:s7+$0x60] =	vst v8;
	v8 =	vmul.f32 v10, v12;
	v10 =	vld [tilespmem:s7+$0xE0]  }
0x56b: {  	[tilespmem:s7+$0x80] =	vst v9;
	v9 =	vmul.f32 v13, v12;
	v13 =	vld [tilespmem:s7+$0xF0]  }
0x56c: {  	[tilespmem:s7+$0x90] =	vst v8;
	v8 =	vmul.f32 v16, v12  }
0x56d: {  	[tilespmem:s7+$0xA0] =	vst v9;
	v9 =	vmul.f32 v11, v12  }
0x56e: {  	[tilespmem:s7+$0xB0] =	vst v8;
	v8 =	vmul.f32 v14, v12  }
0x56f: {  	[tilespmem:s7+$0xC0] =	vst v9;
	v9 =	vmul.f32 v10, v12  }
0x570: {  	[tilespmem:s7+$0xD0] =	vst v8;
	v8 =	vmul.f32 v13, v12  }
0x571: {  	[tilespmem:s7+$0xE0] =	vst v9  }
0x572: {  	[tilespmem:s7+$0xF0] =	vst v8  }
0x573: {  	[spmem:s3] =	stream.indirect.scatter.add.f32 [tilespmem:s16], [sflag:$0x3], $0x80, s26, s19, $0xb8;
	[tilespmem:$0x1F1A0] =	vst v63  }
0x574: {  	_ = 	snop  }
0x575: {  	[spmem:s4] =	stream.indirect.scatter.add.f32 [tilespmem:s25], [sflag:$0x5], $0x1, s26, s19, $0xb8;
	[tilespmem:$0x1F1A0] =	vst v63  }
0x576: {  	v8 =	vld [tilespmem:$0x6510]  }
0x577: {  	v9 =	vld [tilespmem:$0x65B0];
	_ =	sdelay $0x5  }
0x578: {  	s5 =	simm.s32 $0x0  }
0x579: {  	v8 =	vld.idx.msk [tilespmem:v8+s5+$0x0], $0xffff  }
0x57a: {  	v9 =	vld.idx.msk [tilespmem:v9+s15+$0x0], $0xffff;
	_ =	sdelay $0x4  }
0x57b: {  	v8 =	vadd.f32 v9, v8;
	_ =	sdelay $0x1  }
0x57c: {  	v9 =	vmul.f32 $9.999999770e-03, v8  }
0x57d: {  	vm0 =	vgt.f32 v8, $0.0e+00  }
0x57e: {  	v8 =	vsel vm0, v8, v9  }
0x57f: {  	v8 =	vsub.f32 v8, v1;
	_ =	sdelay $0x1  }
0x580: {  	v8 =	vmul.f32 $1.442695020e+00, v8;
	_ =	sdelay $0x1  }
0x581: {  	(erf) = vpow2.f32 v8;
	_ =	sdelay $0x3  }
0x582: {  	v9 =	vld [tilespmem:$0x6520]  }
0x583: {  	v10 =	vld [tilespmem:$0x65C0];
	_ =	sdelay $0x1  }
0x584: {  	s7 =	rddreg [dreg:$0x1f]  }
0x585: {  	s7 =	sadd.s32 s30, s7  }
0x586: {  	p0 =	slt.u32 s7, $0x4E200;
	v8 =	vpop (erf)  }
0x587: {  	v8 =	vpsel !p0, $0x0, v8  }
0x588: {  	[tilespmem:$0x6650] =	vst v8  }
0x589: {  	v9 =	vld.idx.msk [tilespmem:v9+s5+$0x0], $0xffff  }
0x58a: {  	v10 =	vld.idx.msk [tilespmem:v10+s15+$0x0], $0xffff;
	_ =	sdelay $0x4  }
0x58b: {  	v9 =	vadd.f32 v10, v9;
	_ =	sdelay $0x1  }
0x58c: {  	v10 =	vmul.f32 $9.999999770e-03, v9  }
0x58d: {  	vm12 =	vgt.f32 v9, $0.0e+00  }
0x58e: {  	v9 =	vsel vm12, v9, v10  }
0x58f: {  	v9 =	vsub.f32 v9, v1;
	_ =	sdelay $0x1  }
0x590: {  	v9 =	vmul.f32 $1.442695020e+00, v9;
	_ =	sdelay $0x1  }
0x591: {  	(erf) = vpow2.f32 v9;
	_ =	sdelay $0x3  }
0x592: {  	v10 =	vld [tilespmem:$0x6530]  }
0x593: {  	v11 =	vld [tilespmem:$0x65D0];
	_ =	sdelay $0x2  }
0x594: {  	s13 =	sadd.s32 $0x10, s7  }
0x595: {  	p3 =	slt.u32 s13, $0x4E200;
	v9 =	vpop (erf)  }
0x596: {  	v9 =	vpsel !p3, $0x0, v9  }
0x597: {  	[tilespmem:$0x6660] =	vst v9  }
0x598: {  	v10 =	vld.idx.msk [tilespmem:v10+s5+$0x0], $0xffff  }
0x599: {  	v11 =	vld.idx.msk [tilespmem:v11+s15+$0x0], $0xffff;
	_ =	sdelay $0x4  }
0x59a: {  	v10 =	vadd.f32 v11, v10;
	_ =	sdelay $0x1  }
0x59b: {  	v11 =	vmul.f32 $9.999999770e-03, v10  }
0x59c: {  	vm13 =	vgt.f32 v10, $0.0e+00  }
0x59d: {  	v10 =	vsel vm13, v10, v11  }
0x59e: {  	v10 =	vsub.f32 v10, v1;
	_ =	sdelay $0x1  }
0x59f: {  	v10 =	vmul.f32 $1.442695020e+00, v10;
	_ =	sdelay $0x1  }
0x5a0: {  	(erf) = vpow2.f32 v10;
	_ =	sdelay $0x3  }
0x5a1: {  	v11 =	vld [tilespmem:$0x6540]  }
0x5a2: {  	v12 =	vld [tilespmem:$0x65E0];
	_ =	sdelay $0x2  }
0x5a3: {  	s17 =	sadd.s32 $0x20, s7  }
0x5a4: {  	p4 =	slt.u32 s17, $0x4E200;
	v10 =	vpop (erf)  }
0x5a5: {  	v10 =	vpsel !p4, $0x0, v10  }
0x5a6: {  	[tilespmem:$0x6670] =	vst v10  }
0x5a7: {  	v11 =	vld.idx.msk [tilespmem:v11+s5+$0x0], $0xffff  }
0x5a8: {  	v12 =	vld.idx.msk [tilespmem:v12+s15+$0x0], $0xffff;
	_ =	sdelay $0x4  }
0x5a9: {  	v11 =	vadd.f32 v12, v11;
	_ =	sdelay $0x1  }
0x5aa: {  	v12 =	vmul.f32 $9.999999770e-03, v11  }
0x5ab: {  	vm14 =	vgt.f32 v11, $0.0e+00  }
0x5ac: {  	v11 =	vsel vm14, v11, v12  }
0x5ad: {  	v11 =	vsub.f32 v11, v1;
	_ =	sdelay $0x1  }
0x5ae: {  	v11 =	vmul.f32 $1.442695020e+00, v11;
	_ =	sdelay $0x1  }
0x5af: {  	(erf) = vpow2.f32 v11;
	_ =	sdelay $0x3  }
0x5b0: {  	v12 =	vld [tilespmem:$0x6550]  }
0x5b1: {  	v13 =	vld [tilespmem:$0x65F0];
	_ =	sdelay $0x2  }
0x5b2: {  	s11 =	sadd.s32 $0x30, s7  }
0x5b3: {  	p5 =	slt.u32 s11, $0x4E200;
	v11 =	vpop (erf)  }
0x5b4: {  	v11 =	vpsel !p5, $0x0, v11  }
0x5b5: {  	[tilespmem:$0x6680] =	vst v11  }
0x5b6: {  	v12 =	vld.idx.msk [tilespmem:v12+s5+$0x0], $0xffff  }
0x5b7: {  	v13 =	vld.idx.msk [tilespmem:v13+s15+$0x0], $0xffff;
	_ =	sdelay $0x4  }
0x5b8: {  	v12 =	vadd.f32 v13, v12;
	_ =	sdelay $0x1  }
0x5b9: {  	v13 =	vmul.f32 $9.999999770e-03, v12  }
0x5ba: {  	vm15 =	vgt.f32 v12, $0.0e+00  }
0x5bb: {  	v12 =	vsel vm15, v12, v13  }
0x5bc: {  	v12 =	vsub.f32 v12, v1;
	_ =	sdelay $0x1  }
0x5bd: {  	v12 =	vmul.f32 $1.442695020e+00, v12;
	_ =	sdelay $0x1  }
0x5be: {  	(erf) = vpow2.f32 v12;
	_ =	sdelay $0x6  }
0x5bf: {  	s13 =	simm.s32 $0x2;
	v12 =	vmov s5  }
0x5c0: {  	s7 =	sadd.s32 $0x40, s7;
	v13 =	vmov s13;
	v12 =	vand.u32 $0xFFFFFFFC, v12  }
0x5c1: {  	p6 =	slt.u32 s7, $0x4E200;
	v13 =	vand.u32 $0xFFFFFFFE, v13;
	v15 =	vbroadcast v12, $0x0;
	v14 =	vpop (erf)  }
0x5c2: {  	v13 =	vbroadcast v13, $0x0;
	v12 =	vpsel !p6, $0x0, v14  }
0x5c3: {  	[tilespmem:$0x6690] =	vst v12  }
0x5c4: {  	_ =	swait.ge [sflag:s28], $0x2800  }
0x5c5: {  	[sflag:s28] =	ssyncset.done $0x0  }
0x5c6: {  	[sflag:s28] =	ssyncadd.s32 $0xFFFFD800  }
0x5c7: {  	v15 =	vld.idx.msk [tilespmem:v15+s29+$0x0], $0xffff  }
0x5c8: {  	s8 =	simm.s32 $0x8FA0;
	v14 =	vld.idx.msk [tilespmem:v13+s29+$0x0], $0xffff  }
0x5c9: {  	s17 =	simm.s32 $0x1;
	v16 =	vld [tilespmem:s8+$0x70]  }
0x5ca: {  	v13 =	vmov s17;
	v17 =	vld [tilespmem:s8+$0xFFFFFF00]  }
0x5cb: {  	v18 =	vld [tilespmem:s8+$0xFFFFFF10];
	v13 =	vand.u32 $0xFFFFFFFD, v13  }
0x5cc: {  	v63 =	vld [tilespmem:s8+$0x10];
	v13 =	vbroadcast v13, $0x0  }
0x5cd: {  	v19 =	vld [tilespmem:s8+$0xFFFFFF20]  }
0x5ce: {  	v2 =	vmax.f32 v2, v3;
	v20 =	vld [tilespmem:s8+$0xFFFFFF30]  }
0x5cf: {  	v2 =	vmax.f32 v2, v4;
	v56 =	vld [tilespmem:s8+$0xFFFFFF40]  }
0x5d0: {  	v2 =	vmax.f32 v2, v5;
	v57 =	vld [tilespmem:s8+$0xFFFFFF50];
	v17 =	vmul.f32 v17, v15  }
0x5d1: {  	v2 =	vmax.f32 v2, v6;
	v58 =	vld [tilespmem:s8+$0xFFFFFF60];
	v6 =	vmul.f32 v63, v14  }
0x5d2: {  	[tilespmem:s8+$0xFFFFFF00] =	vst v17;
	v59 =	vld.idx.msk [tilespmem:v13+s29+$0x0], $0xffff;
	v13 =	vmul.f32 v16, v14;
	v16 =	vmul.f32 v18, v15  }
0x5d3: {  	[tilespmem:s8+$0x10] =	vst v6;
	v18 =	vld [tilespmem:s8+$0xFFFFFF80]  }
0x5d4: {  	v17 =	vld [tilespmem:s8+$0xFFFFFF70];
	[tilespmem:s8+$0xFFFFFF10] =	vst v16;
	v16 =	vmul.f32 v20, v15  }
0x5d5: {  	[tilespmem:s8+$0x70] =	vst v13;
	v13 =	vmul.f32 v19, v15;
	v19 =	vld [tilespmem:s8+$0xFFFFFF90]  }
0x5d6: {  	s7 =	simm.s32 $0x3;
	v60 =	vld [tilespmem:s8+$0xFFFFFFA0];
	[tilespmem:s8+$0xFFFFFF30] =	vst v16;
	v16 =	vmul.f32 v57, v15  }
0x5d7: {  	v61 =	vld [tilespmem:s8+$0xFFFFFFB0];
	v20 =	vmov s7;
	[tilespmem:s8+$0xFFFFFF20] =	vst v13;
	v13 =	vmul.f32 v56, v15  }
0x5d8: {  	v62 =	vld [tilespmem:s8+$0xFFFFFFC0];
	[tilespmem:s8+$0xFFFFFF50] =	vst v16;
	v16 =	vmul.f32 v18, v59  }
0x5d9: {  	[tilespmem:s8+$0xFFFFFF40] =	vst v13;
	v13 =	vmul.f32 v58, v15;
	v18 =	vld [tilespmem:s8+$0xFFFFFFD0]  }
0x5da: {  	v15 =	vmul.f32 v17, v15;
	v17 =	vld [tilespmem:s8+$0xFFFFFFE0];
	[tilespmem:s8+$0xFFFFFF80] =	vst v16;
	v16 =	vmul.f32 v19, v59  }
0x5db: {  	[tilespmem:s8+$0xFFFFFF60] =	vst v13;
	v19 =	vld [tilespmem:s8+$0xFFFFFFF0]  }
0x5dc: {  	v13 =	vld.idx.msk [tilespmem:v20+s29+$0x0], $0xffff;
	[tilespmem:s8+$0xFFFFFF90] =	vst v16;
	v16 =	vmul.f32 v61, v59  }
0x5dd: {  	[tilespmem:s8+$0xFFFFFF70] =	vst v15;
	v15 =	vmul.f32 v60, v59;
	v20 =	vld [tilespmem:s8+$0x0]  }
0x5de: {  	[tilespmem:s8+$0xFFFFFFB0] =	vst v16;
	v16 =	vmul.f32 v18, v59;
	v18 =	vld [tilespmem:s8+$0x20]  }
0x5df: {  	[tilespmem:s8+$0xFFFFFFA0] =	vst v15;
	v3 =	vmul.f32 v17, v59;
	v17 =	vld [tilespmem:s8+$0x30]  }
0x5e0: {  	v4 =	vmul.f32 v19, v59;
	[tilespmem:s8+$0xFFFFFFD0] =	vst v16;
	v16 =	vld [tilespmem:s8+$0x40]  }
0x5e1: {  	s11 =	simm.s32 $0x4;
	v15 =	vmul.f32 v62, v59;
	[tilespmem:s8+$0xFFFFFFE0] =	vst v3;
	v3 =	vld [tilespmem:s8+$0x50]  }
0x5e2: {  	v2 =	vmax.f32 v2, v7;
	v7 =	vmov s11;
	v5 =	vmul.f32 v20, v14;
	[tilespmem:s8+$0xFFFFFFF0] =	vst v4;
	v4 =	vld [tilespmem:s8+$0x60]  }
0x5e3: {  	[tilespmem:s8+$0xFFFFFFC0] =	vst v15;
	v15 =	vld [tilespmem:s8+$0x80];
	v19 =	vand.u32 $0xFFFFFFFC, v7;
	v18 =	vmul.f32 v18, v14  }
0x5e4: {  	s13 =	simm.s32 $0x7;
	s17 =	simm.s32 $0x5;
	v7 =	vld [tilespmem:s8+$0x90];
	v6 =	vbroadcast v19, $0x0;
	[tilespmem:s8+$0x0] =	vst v5;
	v17 =	vmul.f32 v17, v14  }
0x5e5: {  	s11 =	simm.s32 $0x6;
	s5 =	simm.s32 $0x8FA0;
	s7 =	simm.s32 $0x8;
	v19 =	vmov s17;
	v5 =	vmov s13;
	[tilespmem:s8+$0x20] =	vst v18;
	v18 =	vmul.f32 v16, v14;
	v16 =	vld [tilespmem:s8+$0xA0]  }
.LBB2_21:
0x5e6: {  	p0 =	slt.u32 s7, $0x4C;
	v19 =	vand.u32 $0xFFFFFFFD, v19;
	v20 =	vmov s11;
	[tilespmem:s8+$0x30] =	vst v17;
	v3 =	vmul.f32 v3, v14;
	v17 =	vld [tilespmem:s8+$0xB0]  }
0x5e7: {  	v19 =	vbroadcast v19, $0x0;
	v20 =	vand.u32 $0xFFFFFFFE, v20;
	[tilespmem:s8+$0x40] =	vst v18;
	v4 =	vmul.f32 v4, v14;
	v14 =	vld [tilespmem:s8+$0xC0]  }
0x5e8: {  	v18 =	vbroadcast v20, $0x0;
	[tilespmem:s8+$0x50] =	vst v3;
	v3 =	vmul.f32 v15, v13;
	v15 =	vld [tilespmem:s8+$0xD0]  }
0x5e9: {  	[tilespmem:s8+$0x60] =	vst v4;
	v4 =	vmul.f32 v7, v13;
	v7 =	vld [tilespmem:s8+$0xE0]  }
0x5ea: {  	[tilespmem:s8+$0x80] =	vst v3;
	v3 =	vmul.f32 v16, v13;
	v16 =	vld [tilespmem:s8+$0xF0]  }
0x5eb: {  	v5 =	vld.idx.msk [tilespmem:v5+s29+$0x0], $0xffff;
	[tilespmem:s8+$0x90] =	vst v4;
	v4 =	vmul.f32 v17, v13  }
0x5ec: {  	v6 =	vld.idx.msk [tilespmem:v6+s29+$0x0], $0xffff;
	[tilespmem:s8+$0xA0] =	vst v3;
	v3 =	vmul.f32 v14, v13  }
0x5ed: {  	v17 =	vld.idx.msk [tilespmem:v19+s29+$0x0], $0xffff;
	[tilespmem:s8+$0xB0] =	vst v4;
	v4 =	vmul.f32 v15, v13  }
0x5ee: {  	s8 =	sadd.s32 $0x200, s8;
	v14 =	vld.idx.msk [tilespmem:v18+s29+$0x0], $0xffff;
	[tilespmem:s5+$0xC0] =	vst v3;
	v3 =	vmul.f32 v7, v13  }
0x5ef: {  	v7 =	vld [tilespmem:s8+$0x70];
	[tilespmem:s5+$0xD0] =	vst v4;
	v4 =	vmul.f32 v16, v13  }
0x5f0: {  	v15 =	vld [tilespmem:s8+$0xFFFFFF00];
	[tilespmem:s5+$0xE0] =	vst v3  }
0x5f1: {  	v13 =	vmov v5;
	v3 =	vld [tilespmem:s8+$0xFFFFFF10];
	[tilespmem:s5+$0xF0] =	vst v4;
	s5 =	smov.u32 s8  }
0x5f2: {  	v4 =	vld [tilespmem:s8+$0xFFFFFF20]  }
0x5f3: {  	v5 =	vld [tilespmem:s8+$0xFFFFFF30]  }
0x5f4: {  	v16 =	vld [tilespmem:s8+$0xFFFFFF40];
	v7 =	vmul.f32 v7, v14  }
0x5f5: {  	v15 =	vmul.f32 v15, v6;
	v18 =	vld [tilespmem:s8+$0xFFFFFF50]  }
0x5f6: {  	v3 =	vmul.f32 v3, v6;
	v19 =	vld [tilespmem:s8+$0xFFFFFF60];
	[tilespmem:s8+$0x70] =	vst v7  }
0x5f7: {  	[tilespmem:s8+$0xFFFFFF00] =	vst v15;
	v4 =	vmul.f32 v4, v6;
	v7 =	vld [tilespmem:s8+$0xFFFFFF70]  }
0x5f8: {  	[tilespmem:s8+$0xFFFFFF10] =	vst v3;
	v3 =	vmul.f32 v5, v6;
	v5 =	vld [tilespmem:s8+$0xFFFFFF80]  }
0x5f9: {  	[tilespmem:s8+$0xFFFFFF20] =	vst v4;
	v4 =	vmul.f32 v16, v6;
	v15 =	vld [tilespmem:s8+$0xFFFFFF90]  }
0x5fa: {  	[tilespmem:s8+$0xFFFFFF30] =	vst v3;
	v3 =	vmul.f32 v18, v6;
	v16 =	vld [tilespmem:s8+$0xFFFFFFA0]  }
0x5fb: {  	[tilespmem:s8+$0xFFFFFF40] =	vst v4;
	v4 =	vmul.f32 v19, v6;
	v18 =	vld [tilespmem:s8+$0xFFFFFFB0]  }
0x5fc: {  	[tilespmem:s8+$0xFFFFFF50] =	vst v3;
	v3 =	vmul.f32 v7, v6;
	v6 =	vld [tilespmem:s8+$0xFFFFFFC0]  }
0x5fd: {  	[tilespmem:s8+$0xFFFFFF60] =	vst v4;
	v4 =	vmul.f32 v5, v17;
	v5 =	vld [tilespmem:s8+$0xFFFFFFD0]  }
0x5fe: {  	[tilespmem:s8+$0xFFFFFF70] =	vst v3;
	v3 =	vmul.f32 v15, v17;
	v7 =	vld [tilespmem:s8+$0xFFFFFFE0]  }
0x5ff: {  	[tilespmem:s8+$0xFFFFFF80] =	vst v4;
	v4 =	vmul.f32 v16, v17;
	v15 =	vld [tilespmem:s8+$0xFFFFFFF0]  }
0x600: {  	[tilespmem:s8+$0xFFFFFF90] =	vst v3;
	v3 =	vmul.f32 v18, v17;
	v16 =	vld [tilespmem:s8+$0x0]  }
0x601: {  	[tilespmem:s8+$0xFFFFFFA0] =	vst v4;
	v4 =	vmul.f32 v6, v17;
	v6 =	vld [tilespmem:s8+$0x10]  }
0x602: {  	[tilespmem:s8+$0xFFFFFFB0] =	vst v3;
	v3 =	vmul.f32 v5, v17;
	v5 =	vld [tilespmem:s8+$0x20]  }
0x603: {  	[tilespmem:s8+$0xFFFFFFC0] =	vst v4;
	v4 =	vmul.f32 v7, v17;
	v7 =	vld [tilespmem:s8+$0x30]  }
0x604: {  	[tilespmem:s8+$0xFFFFFFD0] =	vst v3;
	v15 =	vmul.f32 v15, v17;
	v18 =	vld [tilespmem:s8+$0x40]  }
.Ltmp12:
0x605: {  	[tilespmem:s8+$0xFFFFFFE0] =	vst v4;
	v16 =	vmul.f32 v16, v14;
	v3 =	vld [tilespmem:s8+$0x50];
	(pc) =	sbr.rel @p0 .LBB2_21-.Ltmp12, $4  }
0x606: {  	[tilespmem:s8+$0xFFFFFFF0] =	vst v15;
	v6 =	vmul.f32 v6, v14;
	v4 =	vld [tilespmem:s8+$0x60]  }
0x607: {  	s11 =	sadd.s32 $0x3, s7;
	v17 =	vmov s7;
	[tilespmem:s8+$0x0] =	vst v16;
	v16 =	vmul.f32 v5, v14;
	v15 =	vld [tilespmem:s8+$0x80]  }
0x608: {  	s13 =	sadd.s32 $0x1, s7;
	v19 =	vand.u32 $0xFFFFFFFC, v17;
	v5 =	vmov s11;
	[tilespmem:s8+$0x10] =	vst v6;
	v17 =	vmul.f32 v7, v14;
	v7 =	vld [tilespmem:s8+$0x90]  }
0x609: {  	s11 =	sadd.s32 $0x2, s7;
	s7 =	sadd.s32 $0x4, s7;
	v6 =	vbroadcast v19, $0x0;
	v19 =	vmov s13;
	[tilespmem:s8+$0x20] =	vst v16;
	v18 =	vmul.f32 v18, v14;
	v16 =	vld [tilespmem:s8+$0xA0]  }
0x60a: {  	v20 =	vld [tilespmem:s8+$0xB0]  }
0x60b: {  	v22 =	vld [tilespmem:s8+$0xC0]  }
0x60c: {  	v23 =	vld [tilespmem:s8+$0xD0]  }
0x60d: {  	v24 =	vld [tilespmem:s8+$0xE0]  }
0x60e: {  	v56 =	vld [tilespmem:s8+$0xF0];
	[tilespmem:s8+$0x30] =	vst v17;
	v3 =	vmul.f32 v3, v14  }
0x60f: {  	v21 =	vmov s11;
	v5 =	vld.idx.msk [tilespmem:v5+s29+$0x0], $0xffff;
	[tilespmem:s8+$0x40] =	vst v18;
	v4 =	vmul.f32 v4, v14  }
0x610: {  	s7 =	sadd.s32 $0x200, s8;
	v21 =	vand.u32 $0xFFFFFFFE, v21;
	v6 =	vld.idx.msk [tilespmem:v6+s29+$0x0], $0xffff;
	v15 =	vmul.f32 v15, v13;
	[tilespmem:s8+$0x50] =	vst v3  }
0x611: {  	v63 =	vld [tilespmem:s7+$0xFFFFFF10];
	v21 =	vbroadcast v21, $0x0;
	v3 =	vmul.f32 v7, v13;
	[tilespmem:s8+$0x60] =	vst v4  }
0x612: {  	v19 =	vand.u32 $0xFFFFFFFD, v19;
	v62 =	vld [tilespmem:s7+$0xFFFFFF00];
	[tilespmem:s8+$0x80] =	vst v15;
	v58 =	vmul.f32 v16, v13  }
0x613: {  	v19 =	vbroadcast v19, $0x0;
	v26 =	vld [tilespmem:s7+$0xFFFFFF50];
	[tilespmem:s8+$0x90] =	vst v3;
	v3 =	vmul.f32 v20, v13  }
0x614: {  	v31 =	vld [tilespmem:s7+$0xFFFFFF90];
	v61 =	vmul.f32 v22, v13;
	[tilespmem:s8+$0xA0] =	vst v58  }
0x615: {  	v22 =	vld [tilespmem:s7+$0xFFFFFF20];
	[tilespmem:s8+$0xB0] =	vst v3;
	v3 =	vmul.f32 v23, v13  }
0x616: {  	v27 =	vmul.f32 v63, v6;
	v23 =	vld [tilespmem:s7+$0xFFFFFF30];
	[tilespmem:s5+$0xC0] =	vst v61  }
0x617: {  	v59 =	vld.idx.msk [tilespmem:v21+s29+$0x0], $0xffff;
	[tilespmem:s5+$0xD0] =	vst v3;
	v3 =	vmul.f32 v56, v13  }
0x618: {  	v32 =	vmul.f32 v26, v6;
	v21 =	vmul.f32 v24, v13;
	v24 =	vld [tilespmem:s7+$0xFFFFFF40];
	[tilespmem:s7+$0xFFFFFF10] =	vst v27  }
0x619: {  	v57 =	vld.idx.msk [tilespmem:v19+s29+$0x0], $0xffff;
	[tilespmem:s5+$0xF0] =	vst v3;
	v3 =	vmul.f32 v62, v6  }
0x61a: {  	v28 =	vld [tilespmem:s7+$0xFFFFFF60];
	[tilespmem:s7+$0xFFFFFF50] =	vst v32  }
0x61b: {  	v34 =	vld [tilespmem:s7+$0xFFFFFFB0];
	[tilespmem:s7+$0xFFFFFF00] =	vst v3;
	v3 =	vmul.f32 v22, v6  }
0x61c: {  	v30 =	vld [tilespmem:s7+$0xFFFFFF80];
	[tilespmem:s5+$0xE0] =	vst v21;
	v13 =	vmul.f32 v23, v6  }
0x61d: {  	v36 =	vld [tilespmem:s7+$0xFFFFFFD0];
	[tilespmem:s7+$0xFFFFFF20] =	vst v3;
	v3 =	vmul.f32 v24, v6  }
0x61e: {  	v33 =	vld [tilespmem:s7+$0xFFFFFFA0];
	v4 =	vmul.f32 v31, v57;
	[tilespmem:s7+$0xFFFFFF30] =	vst v13  }
0x61f: {  	v38 =	vld [tilespmem:s7+$0xFFFFFFF0];
	[tilespmem:s7+$0xFFFFFF40] =	vst v3;
	v3 =	vmul.f32 v28, v6  }
0x620: {  	v35 =	vld [tilespmem:s7+$0xFFFFFFC0];
	v39 =	vmul.f32 v34, v57;
	[tilespmem:s7+$0xFFFFFF90] =	vst v4  }
0x621: {  	v60 =	vld [tilespmem:s7+$0x70];
	[tilespmem:s7+$0xFFFFFF60] =	vst v3;
	v3 =	vmul.f32 v30, v57  }
0x622: {  	v37 =	vld [tilespmem:s7+$0xFFFFFFE0];
	v42 =	vmul.f32 v36, v57;
	[tilespmem:s7+$0xFFFFFFB0] =	vst v39  }
0x623: {  	v41 =	vld [tilespmem:s7+$0x10];
	[tilespmem:s7+$0xFFFFFF80] =	vst v3;
	v3 =	vmul.f32 v33, v57  }
0x624: {  	v40 =	vld [tilespmem:s7+$0x0];
	v45 =	vmul.f32 v38, v57;
	[tilespmem:s7+$0xFFFFFFD0] =	vst v42  }
0x625: {  	v44 =	vld [tilespmem:s7+$0x30];
	[tilespmem:s7+$0xFFFFFFA0] =	vst v3;
	v3 =	vmul.f32 v35, v57  }
0x626: {  	v43 =	vld [tilespmem:s7+$0x20];
	v25 =	vmul.f32 v60, v59;
	[tilespmem:s7+$0xFFFFFFF0] =	vst v45  }
0x627: {  	v47 =	vld [tilespmem:s7+$0x50];
	[tilespmem:s7+$0xFFFFFFC0] =	vst v3;
	v3 =	vmul.f32 v37, v57  }
0x628: {  	v46 =	vld [tilespmem:s7+$0x40];
	v48 =	vmul.f32 v41, v59;
	[tilespmem:s7+$0x70] =	vst v25  }
0x629: {  	v53 =	vld [tilespmem:s7+$0xA0];
	[tilespmem:s7+$0xFFFFFFE0] =	vst v3;
	v3 =	vmul.f32 v40, v59  }
0x62a: {  	v49 =	vld [tilespmem:s7+$0x60];
	v51 =	vmul.f32 v44, v59;
	[tilespmem:s7+$0x10] =	vst v48  }
0x62b: {  	v56 =	vld [tilespmem:s7+$0xC0];
	[tilespmem:s7+$0x0] =	vst v3;
	v3 =	vmul.f32 v43, v59  }
0x62c: {  	v52 =	vld [tilespmem:s7+$0x90];
	v54 =	vmul.f32 v47, v59;
	[tilespmem:s7+$0x30] =	vst v51  }
0x62d: {  	v29 =	vld [tilespmem:s7+$0xFFFFFF70];
	[tilespmem:s7+$0x20] =	vst v3;
	v3 =	vmul.f32 v46, v59  }
0x62e: {  	v55 =	vld [tilespmem:s7+$0xB0];
	v60 =	vmul.f32 v53, v5;
	[tilespmem:s7+$0x50] =	vst v54  }
0x62f: {  	v50 =	vld [tilespmem:s7+$0x80];
	[tilespmem:s7+$0x40] =	vst v3;
	v3 =	vmul.f32 v49, v59  }
0x630: {  	v58 =	vld [tilespmem:s7+$0xD0];
	v62 =	vmul.f32 v56, v5;
	[tilespmem:s7+$0xA0] =	vst v60  }
0x631: {  	v59 =	vld [tilespmem:s7+$0xE0];
	[tilespmem:s7+$0x60] =	vst v3;
	v3 =	vmul.f32 v52, v5  }
0x632: {  	v61 =	vld [tilespmem:s7+$0xF0];
	[tilespmem:s7+$0xC0] =	vst v62;
	v6 =	vmul.f32 v29, v6  }
0x633: {  	[tilespmem:s7+$0x90] =	vst v3;
	v3 =	vmul.f32 v55, v5  }
0x634: {  	[tilespmem:s7+$0xFFFFFF70] =	vst v6;
	v57 =	vmul.f32 v50, v5  }
0x635: {  	[tilespmem:s7+$0xB0] =	vst v3;
	v3 =	vmul.f32 v58, v5  }
0x636: {  	[tilespmem:s7+$0x80] =	vst v57;
	v63 =	vmul.f32 v59, v5  }
0x637: {  	[tilespmem:s7+$0xD0] =	vst v3;
	v3 =	vmul.f32 v61, v5  }
0x638: {  	[tilespmem:s7+$0xE0] =	vst v63  }
0x639: {  	[tilespmem:s7+$0xF0] =	vst v3  }
0x63a: {  	[spmem:s3] =	stream.indirect.scatter.add.f32 [tilespmem:s23], [sflag:$0x4], $0x80, s31, s19, $0xb8;
	[tilespmem:$0x1F1A0] =	vst v63  }
0x63b: {  	_ = 	snop  }
0x63c: {  	[spmem:s4] =	stream.indirect.scatter.add.f32 [tilespmem:s29], [sflag:$0x6], $0x1, s31, s19, $0xb8;
	[tilespmem:$0x1F1A0] =	vst v63  }
0x63d: {  	p0 =	seq.s32 s21, $0xF;
	_ =	swait.ge [sflag:s2], $0x2800  }
.Ltmp13:
0x63e: {  	v2 =	vmax.f32 v2, v8;
	[sflag:s2] =	ssyncset.done $0x0;
	(pc) =	sbr.rel @p0 .LBB2_24-.Ltmp13, $4  }
0x63f: {  	v2 =	vmax.f32 v2, v9;
	[sflag:s2] =	ssyncadd.s32 $0xFFFFD800  }
0x640: {  	v2 =	vmax.f32 v2, v10;
	_ =	swait.ge [sflag:s0], $0x50  }
0x641: {  	v2 =	vmax.f32 v2, v11;
	[sflag:s0] =	ssyncset.done $0x0  }
0x642: {  	v2 =	vmax.f32 v2, v12;
	[sflag:s0] =	ssyncadd.s32 $0xFFFFFFB0  }
0x643: {  	v3 =	vld [tilespmem:s30+$0x5160];
	_ =	sdelay $0x4  }
0x644: {  	[tilespmem:$0x64C0] =	vst v3  }
0x645: {  	v3 =	vld [tilespmem:s30+$0x5B60];
	_ =	sdelay $0x4  }
0x646: {  	[tilespmem:$0x6560] =	vst v3  }
0x647: {  	v3 =	vld [tilespmem:s30+$0x5170];
	_ =	sdelay $0x4  }
0x648: {  	[tilespmem:$0x64D0] =	vst v3  }
0x649: {  	v3 =	vld [tilespmem:s30+$0x5B70];
	_ =	sdelay $0x4  }
0x64a: {  	[tilespmem:$0x6570] =	vst v3  }
0x64b: {  	v3 =	vld [tilespmem:s30+$0x5180];
	_ =	sdelay $0x4  }
0x64c: {  	[tilespmem:$0x64E0] =	vst v3  }
0x64d: {  	v3 =	vld [tilespmem:s30+$0x5B80];
	_ =	sdelay $0x4  }
0x64e: {  	[tilespmem:$0x6580] =	vst v3  }
0x64f: {  	v3 =	vld [tilespmem:s30+$0x5190];
	_ =	sdelay $0x4  }
0x650: {  	[tilespmem:$0x64F0] =	vst v3  }
0x651: {  	v3 =	vld [tilespmem:s30+$0x5B90];
	_ =	sdelay $0x4  }
0x652: {  	[tilespmem:$0x6590] =	vst v3  }
0x653: {  	v3 =	vld [tilespmem:s30+$0x51A0];
	_ =	sdelay $0x4  }
0x654: {  	[tilespmem:$0x6500] =	vst v3  }
0x655: {  	v3 =	vld [tilespmem:s30+$0x5BA0];
	_ =	sdelay $0x1  }
.Ltmp14:
0x656: {  	_ = 	snop;
	(pc) =	sbr.rel .LBB2_18-.Ltmp14, $3  }
0x657: {  	_ =	sdelay $0x1  }
0x658: {  	s21 =	sadd.s32 $0x1, s21;
	[tilespmem:$0x65A0] =	vst v3  }
0x659: {  	[tilespmem:s16], [sflag:$0x1] =	stream.indirect.gather [hbm4b:s1+s19], $0x80, s20, s19, $0xb8;
	[tilespmem:$0x1F1A0] =	vst v63  }
.LBB2_24:
0x65a: {  	s5 =	simm.s32 $0x4  }
0x65b: {  	_ =	swait.ge [sflag:s5], $0x2800  }
0x65c: {  	[sflag:s5] =	ssyncset.done $0x0  }
0x65d: {  	s13 =	simm.s32 $0x6;
	[sflag:s5] =	ssyncadd.s32 $0xFFFFD800  }
0x65e: {  	_ =	swait.ge [sflag:s13], $0x50  }
0x65f: {  	s18 =	simm.s32 $0x0;
	[sflag:s13] =	ssyncset.done $0x0  }
0x660: {  	s7 =	simm.s32 $0x50C0;
	s17 =	rddreg [dreg:$0xc];
	[sflag:s13] =	ssyncadd.s32 $0xFFFFFFB0  }
0x661: {  	[tilespmem:s7], [sflag:$0x7] =	stream.linear.gather [hbm4b:s17+s18], $0xA00, $0x38;
	[tilespmem:$0x1F1A0] =	vst v63  }
0x662: {  	_ =	swait.ge [sflag:s14], $0xA00  }
0x663: {  	[sflag:s14] =	ssyncset.done $0x0  }
0x664: {  	s30 =	simm.s32 $0x5AC0;
	s21 =	rddreg [dreg:$0xd];
	[sflag:s14] =	ssyncadd.s32 $0xFFFFF600  }
0x665: {  	[tilespmem:s30], [sflag:$0x7] =	stream.linear.gather [hbm4b:s21+s18], $0xA00, $0x38;
	[tilespmem:$0x1F1A0] =	vst v63  }
0x666: {  	_ =	swait.ge [sflag:s14], $0xA00  }
0x667: {  	[sflag:s14] =	ssyncset.done $0x0  }
0x668: {  	[sflag:s14] =	ssyncadd.s32 $0xFFFFF600  }
0x669: {  	v3 =	vld [tilespmem:$0x50C0]  }
0x66a: {  	v4 =	vld [tilespmem:$0x5AC0]  }
0x66b: {  	v5 =	vld [tilespmem:$0x50D0]  }
0x66c: {  	v6 =	vld [tilespmem:$0x5AD0]  }
0x66d: {  	v7 =	vld [tilespmem:$0x50E0]  }
0x66e: {  	v60 =	vld [tilespmem:$0x50F0];
	[tilespmem:$0x64C0] =	vst v3  }
0x66f: {  	v61 =	vld [tilespmem:$0x5AF0];
	[tilespmem:$0x6560] =	vst v4  }
0x670: {  	v62 =	vld [tilespmem:$0x5100];
	[tilespmem:$0x64D0] =	vst v5  }
0x671: {  	v63 =	vld [tilespmem:$0x5B00];
	[tilespmem:$0x6570] =	vst v6  }
0x672: {  	v3 =	vld [tilespmem:$0x5AE0];
	[tilespmem:$0x64E0] =	vst v7  }
0x673: {  	[tilespmem:$0x64F0] =	vst v60  }
0x674: {  	[tilespmem:$0x6590] =	vst v61  }
0x675: {  	[tilespmem:$0x6500] =	vst v62  }
0x676: {  	[tilespmem:$0x65A0] =	vst v63  }
0x677: {  	s21 =	simm.s32 $0x0;
	[tilespmem:$0x6580] =	vst v3  }
0x678: {  	[tilespmem:s16], [sflag:$0x1] =	stream.indirect.gather [hbm4b:s1+s19], $0x80, s20, s19, $0xb8;
	[tilespmem:$0x1F1A0] =	vst v63  }
.LBB2_25:
0x679: {  	p0 =	seq.s32 s21, $0x0  }
0x67a: {  	s5 =	simm.s32 @!p0 $0x4  }
0x67b: {  	_ =	swait.ge @!p0 [sflag:s5], $0x2800  }
0x67c: {  	[sflag:s5] =	ssyncset.done @!p0 $0x0  }
0x67d: {  	[sflag:s5] =	ssyncadd.s32 @!p0 $0xFFFFD800;
	s5 =	simm.s32 @!p0 $0x6  }
0x67e: {  	_ =	swait.ge @!p0 [sflag:s5], $0x50  }
0x67f: {  	s30 =	smul.u32 $0xA0, s21;
	[sflag:s5] =	ssyncset.done @!p0 $0x0  }
0x680: {  	[sflag:s5] =	ssyncadd.s32 @!p0 $0xFFFFFFB0  }
0x681: {  	v3 =	vld [tilespmem:s30+$0x5110];
	_ =	sdelay $0x4  }
0x682: {  	[tilespmem:$0x6510] =	vst v3  }
0x683: {  	v3 =	vld [tilespmem:s30+$0x5B10];
	_ =	sdelay $0x4  }
0x684: {  	[tilespmem:$0x65B0] =	vst v3  }
0x685: {  	v3 =	vld [tilespmem:s30+$0x5120];
	_ =	sdelay $0x4  }
0x686: {  	[tilespmem:$0x6520] =	vst v3  }
0x687: {  	v3 =	vld [tilespmem:s30+$0x5B20];
	_ =	sdelay $0x4  }
0x688: {  	[tilespmem:$0x65C0] =	vst v3  }
0x689: {  	v3 =	vld [tilespmem:s30+$0x5130];
	_ =	sdelay $0x4  }
0x68a: {  	[tilespmem:$0x6530] =	vst v3  }
0x68b: {  	v3 =	vld [tilespmem:s30+$0x5B30];
	_ =	sdelay $0x4  }
0x68c: {  	[tilespmem:$0x65D0] =	vst v3  }
0x68d: {  	v3 =	vld [tilespmem:s30+$0x5140];
	_ =	sdelay $0x4  }
0x68e: {  	[tilespmem:$0x6540] =	vst v3  }
0x68f: {  	v3 =	vld [tilespmem:s30+$0x5B40];
	_ =	sdelay $0x4  }
0x690: {  	[tilespmem:$0x65E0] =	vst v3  }
0x691: {  	v3 =	vld [tilespmem:s30+$0x5150];
	_ =	sdelay $0x4  }
0x692: {  	[tilespmem:$0x6550] =	vst v3  }
0x693: {  	v3 =	vld [tilespmem:s30+$0x5B50];
	_ =	sdelay $0x4  }
0x694: {  	[tilespmem:$0x65F0] =	vst v3  }
0x695: {  	[tilespmem:s23], [sflag:$0x2] =	stream.indirect.gather [hbm4b:s1+s19], $0x80, s22, s19, $0xb8;
	[tilespmem:$0x1F1A0] =	vst v63  }
0x696: {  	v3 =	vld [tilespmem:$0x64C0]  }
0x697: {  	v4 =	vld [tilespmem:$0x6560];
	_ =	sdelay $0x6  }
0x698: {  	v3 =	vld.idx.msk [tilespmem:v3+s18+$0x0], $0xffff  }
0x699: {  	v4 =	vld.idx.msk [tilespmem:v4+s15+$0x0], $0xffff;
	_ =	sdelay $0x4  }
0x69a: {  	v3 =	vadd.f32 v4, v3;
	_ =	sdelay $0x1  }
0x69b: {  	v4 =	vmul.f32 $9.999999770e-03, v3  }
0x69c: {  	vm0 =	vgt.f32 v3, $0.0e+00  }
0x69d: {  	v3 =	vsel vm0, v3, v4  }
0x69e: {  	v3 =	vsub.f32 v3, v1;
	_ =	sdelay $0x1  }
0x69f: {  	v3 =	vmul.f32 $1.442695020e+00, v3;
	_ =	sdelay $0x1  }
0x6a0: {  	(erf) = vpow2.f32 v3;
	_ =	sdelay $0x3  }
0x6a1: {  	v4 =	vld [tilespmem:$0x64D0]  }
0x6a2: {  	v5 =	vld [tilespmem:$0x6570];
	_ =	sdelay $0x2  }
0x6a3: {  	s8 =	sadd.s32 s30, s10  }
0x6a4: {  	p2 =	slt.u32 s8, $0x4E200;
	v3 =	vpop (erf)  }
0x6a5: {  	v3 =	vpsel !p2, $0x0, v3  }
0x6a6: {  	[tilespmem:$0x6600] =	vst v3  }
0x6a7: {  	v4 =	vld.idx.msk [tilespmem:v4+s18+$0x0], $0xffff  }
0x6a8: {  	v5 =	vld.idx.msk [tilespmem:v5+s15+$0x0], $0xffff;
	_ =	sdelay $0x4  }
0x6a9: {  	v4 =	vadd.f32 v5, v4;
	_ =	sdelay $0x1  }
0x6aa: {  	v5 =	vmul.f32 $9.999999770e-03, v4  }
0x6ab: {  	vm12 =	vgt.f32 v4, $0.0e+00  }
0x6ac: {  	v4 =	vsel vm12, v4, v5  }
0x6ad: {  	v4 =	vsub.f32 v4, v1;
	_ =	sdelay $0x1  }
0x6ae: {  	v4 =	vmul.f32 $1.442695020e+00, v4;
	_ =	sdelay $0x1  }
0x6af: {  	(erf) = vpow2.f32 v4;
	_ =	sdelay $0x3  }
0x6b0: {  	v5 =	vld [tilespmem:$0x64E0]  }
0x6b1: {  	v6 =	vld [tilespmem:$0x6580];
	_ =	sdelay $0x2  }
0x6b2: {  	s7 =	sor.u32 $0x10, s8  }
0x6b3: {  	p3 =	slt.u32 s7, $0x4E200;
	v4 =	vpop (erf)  }
0x6b4: {  	v4 =	vpsel !p3, $0x0, v4  }
0x6b5: {  	[tilespmem:$0x6610] =	vst v4  }
0x6b6: {  	v5 =	vld.idx.msk [tilespmem:v5+s18+$0x0], $0xffff  }
0x6b7: {  	v6 =	vld.idx.msk [tilespmem:v6+s15+$0x0], $0xffff;
	_ =	sdelay $0x4  }
0x6b8: {  	v5 =	vadd.f32 v6, v5;
	_ =	sdelay $0x1  }
0x6b9: {  	v6 =	vmul.f32 $9.999999770e-03, v5  }
0x6ba: {  	vm13 =	vgt.f32 v5, $0.0e+00  }
0x6bb: {  	v5 =	vsel vm13, v5, v6  }
0x6bc: {  	v5 =	vsub.f32 v5, v1;
	_ =	sdelay $0x1  }
0x6bd: {  	v5 =	vmul.f32 $1.442695020e+00, v5;
	_ =	sdelay $0x1  }
0x6be: {  	(erf) = vpow2.f32 v5;
	_ =	sdelay $0x3  }
0x6bf: {  	v6 =	vld [tilespmem:$0x64F0]  }
0x6c0: {  	v7 =	vld [tilespmem:$0x6590];
	_ =	sdelay $0x2  }
0x6c1: {  	s11 =	sadd.s32 $0x20, s8  }
0x6c2: {  	p4 =	slt.u32 s11, $0x4E200;
	v5 =	vpop (erf)  }
0x6c3: {  	v5 =	vpsel !p4, $0x0, v5  }
0x6c4: {  	[tilespmem:$0x6620] =	vst v5  }
0x6c5: {  	v6 =	vld.idx.msk [tilespmem:v6+s18+$0x0], $0xffff  }
0x6c6: {  	v7 =	vld.idx.msk [tilespmem:v7+s15+$0x0], $0xffff;
	_ =	sdelay $0x4  }
0x6c7: {  	v6 =	vadd.f32 v7, v6;
	_ =	sdelay $0x1  }
0x6c8: {  	v7 =	vmul.f32 $9.999999770e-03, v6  }
0x6c9: {  	vm14 =	vgt.f32 v6, $0.0e+00  }
0x6ca: {  	v6 =	vsel vm14, v6, v7  }
0x6cb: {  	v6 =	vsub.f32 v6, v1;
	_ =	sdelay $0x1  }
0x6cc: {  	v6 =	vmul.f32 $1.442695020e+00, v6;
	_ =	sdelay $0x1  }
0x6cd: {  	(erf) = vpow2.f32 v6;
	_ =	sdelay $0x3  }
0x6ce: {  	v7 =	vld [tilespmem:$0x6500]  }
0x6cf: {  	v8 =	vld [tilespmem:$0x65A0];
	_ =	sdelay $0x2  }
0x6d0: {  	s13 =	sadd.s32 $0x30, s8  }
0x6d1: {  	p5 =	slt.u32 s13, $0x4E200;
	v6 =	vpop (erf)  }
0x6d2: {  	v6 =	vpsel !p5, $0x0, v6  }
0x6d3: {  	[tilespmem:$0x6630] =	vst v6  }
0x6d4: {  	v7 =	vld.idx.msk [tilespmem:v7+s18+$0x0], $0xffff  }
0x6d5: {  	v8 =	vld.idx.msk [tilespmem:v8+s15+$0x0], $0xffff;
	_ =	sdelay $0x4  }
0x6d6: {  	v7 =	vadd.f32 v8, v7;
	_ =	sdelay $0x1  }
0x6d7: {  	v8 =	vmul.f32 $9.999999770e-03, v7  }
0x6d8: {  	vm15 =	vgt.f32 v7, $0.0e+00  }
0x6d9: {  	v7 =	vsel vm15, v7, v8  }
0x6da: {  	v7 =	vsub.f32 v7, v1;
	_ =	sdelay $0x1  }
0x6db: {  	v7 =	vmul.f32 $1.442695020e+00, v7;
	_ =	sdelay $0x1  }
0x6dc: {  	(erf) = vpow2.f32 v7;
	_ =	sdelay $0x6  }
0x6dd: {  	s17 =	simm.s32 $0x2;
	v7 =	vmov s18  }
0x6de: {  	s5 =	sadd.s32 $0x40, s8;
	v8 =	vmov s17;
	v7 =	vand.u32 $0xFFFFFFFC, v7  }
0x6df: {  	p6 =	slt.u32 s5, $0x4E200;
	v8 =	vand.u32 $0xFFFFFFFE, v8;
	v10 =	vbroadcast v7, $0x0;
	v9 =	vpop (erf)  }
0x6e0: {  	v8 =	vbroadcast v8, $0x0;
	v7 =	vpsel !p6, $0x0, v9  }
0x6e1: {  	[tilespmem:$0x6640] =	vst v7  }
0x6e2: {  	_ =	swait.ge [sflag:s24], $0x2800  }
0x6e3: {  	[sflag:s24] =	ssyncset.done $0x0  }
0x6e4: {  	[sflag:s24] =	ssyncadd.s32 $0xFFFFD800  }
0x6e5: {  	v10 =	vld.idx.msk [tilespmem:v10+s25+$0x0], $0xffff  }
0x6e6: {  	s8 =	simm.s32 $0x1;
	s5 =	simm.s32 $0x67A0;
	v9 =	vld.idx.msk [tilespmem:v8+s25+$0x0], $0xffff  }
0x6e7: {  	v8 =	vmov s8;
	v11 =	vld [tilespmem:s5+$0x70]  }
0x6e8: {  	v12 =	vld [tilespmem:s5+$0xFFFFFF00];
	v8 =	vand.u32 $0xFFFFFFFD, v8  }
0x6e9: {  	v13 =	vld [tilespmem:s5+$0xFFFFFF10];
	v8 =	vbroadcast v8, $0x0  }
0x6ea: {  	v14 =	vld [tilespmem:s5+$0xFFFFFF20]  }
0x6eb: {  	v15 =	vld [tilespmem:s5+$0xFFFFFF30]  }
0x6ec: {  	v16 =	vld [tilespmem:s5+$0xFFFFFF40]  }
0x6ed: {  	v17 =	vld [tilespmem:s5+$0xFFFFFF50]  }
0x6ee: {  	v18 =	vld [tilespmem:s5+$0xFFFFFF60];
	v12 =	vmul.f32 v12, v10  }
0x6ef: {  	v19 =	vld.idx.msk [tilespmem:v8+s25+$0x0], $0xffff;
	v8 =	vmul.f32 v11, v9  }
0x6f0: {  	[tilespmem:s5+$0xFFFFFF00] =	vst v12;
	v12 =	vld [tilespmem:s5+$0xFFFFFF70];
	v11 =	vmul.f32 v13, v10  }
0x6f1: {  	v13 =	vld [tilespmem:s5+$0xFFFFFF80];
	[tilespmem:s5+$0x70] =	vst v8;
	v8 =	vmul.f32 v14, v10  }
0x6f2: {  	s11 =	simm.s32 $0x3;
	[tilespmem:s5+$0xFFFFFF10] =	vst v11;
	v11 =	vmul.f32 v15, v10;
	v14 =	vld [tilespmem:s5+$0xFFFFFF90]  }
0x6f3: {  	v15 =	vmov s11;
	[tilespmem:s5+$0xFFFFFF20] =	vst v8;
	v8 =	vmul.f32 v16, v10;
	v16 =	vld [tilespmem:s5+$0xFFFFFFA0]  }
0x6f4: {  	[tilespmem:s5+$0xFFFFFF30] =	vst v11;
	v11 =	vmul.f32 v17, v10;
	v17 =	vld [tilespmem:s5+$0xFFFFFFB0]  }
0x6f5: {  	[tilespmem:s5+$0xFFFFFF40] =	vst v8;
	v8 =	vmul.f32 v18, v10;
	v18 =	vld [tilespmem:s5+$0xFFFFFFC0]  }
0x6f6: {  	[tilespmem:s5+$0xFFFFFF50] =	vst v11;
	v11 =	vmul.f32 v13, v19;
	v13 =	vld [tilespmem:s5+$0xFFFFFFD0]  }
0x6f7: {  	v10 =	vmul.f32 v12, v10;
	v12 =	vld [tilespmem:s5+$0xFFFFFFE0];
	[tilespmem:s5+$0xFFFFFF60] =	vst v8  }
0x6f8: {  	v14 =	vmul.f32 v14, v19;
	v8 =	vld.idx.msk [tilespmem:v15+s25+$0x0], $0xffff;
	[tilespmem:s5+$0xFFFFFF80] =	vst v11  }
0x6f9: {  	[tilespmem:s5+$0xFFFFFF70] =	vst v10;
	v11 =	vld [tilespmem:s5+$0xFFFFFFF0];
	v10 =	vmul.f32 v16, v19  }
0x6fa: {  	v15 =	vld [tilespmem:s5+$0x0];
	[tilespmem:s5+$0xFFFFFF90] =	vst v14;
	v14 =	vmul.f32 v17, v19  }
0x6fb: {  	v16 =	vld [tilespmem:s5+$0x10];
	[tilespmem:s5+$0xFFFFFFA0] =	vst v10;
	v10 =	vmul.f32 v18, v19  }
0x6fc: {  	[tilespmem:s5+$0xFFFFFFB0] =	vst v14;
	v13 =	vmul.f32 v13, v19;
	v14 =	vld [tilespmem:s5+$0x20]  }
0x6fd: {  	v17 =	vld [tilespmem:s5+$0x30];
	[tilespmem:s5+$0xFFFFFFC0] =	vst v10;
	v10 =	vmul.f32 v12, v19  }
0x6fe: {  	v18 =	vld [tilespmem:s5+$0x40];
	[tilespmem:s5+$0xFFFFFFD0] =	vst v13;
	v12 =	vmul.f32 v11, v19  }
0x6ff: {  	v13 =	vmul.f32 v15, v9;
	v11 =	vld [tilespmem:s5+$0x50];
	[tilespmem:s5+$0xFFFFFFE0] =	vst v10  }
0x700: {  	s13 =	simm.s32 $0x4;
	v16 =	vmul.f32 v16, v9;
	[tilespmem:s5+$0xFFFFFFF0] =	vst v12;
	v10 =	vld [tilespmem:s5+$0x60]  }
0x701: {  	s8 =	simm.s32 $0x5;
	v15 =	vld [tilespmem:s5+$0x80];
	v12 =	vmov s13;
	[tilespmem:s5+$0x0] =	vst v13;
	v20 =	vmul.f32 v14, v9  }
0x702: {  	s17 =	simm.s32 $0x7;
	v19 =	vmov s8;
	v17 =	vmul.f32 v17, v9;
	v13 =	vand.u32 $0xFFFFFFFC, v12;
	[tilespmem:s5+$0x10] =	vst v16;
	v14 =	vld [tilespmem:s5+$0x90]  }
0x703: {  	s7 =	simm.s32 $0x8;
	s11 =	simm.s32 $0x6;
	s8 =	simm.s32 $0x67A0;
	v12 =	vmov s17;
	v18 =	vmul.f32 v18, v9;
	v16 =	vld [tilespmem:s5+$0xA0];
	v13 =	vbroadcast v13, $0x0;
	[tilespmem:s5+$0x20] =	vst v20  }
.LBB2_26:
0x704: {  	p0 =	slt.u32 s7, $0x4C;
	v19 =	vand.u32 $0xFFFFFFFD, v19;
	v20 =	vmov s11;
	[tilespmem:s5+$0x30] =	vst v17;
	v11 =	vmul.f32 v11, v9;
	v17 =	vld [tilespmem:s5+$0xB0]  }
0x705: {  	v19 =	vbroadcast v19, $0x0;
	v20 =	vand.u32 $0xFFFFFFFE, v20;
	[tilespmem:s5+$0x40] =	vst v18;
	v9 =	vmul.f32 v10, v9;
	v10 =	vld [tilespmem:s5+$0xC0]  }
0x706: {  	v18 =	vbroadcast v20, $0x0;
	[tilespmem:s5+$0x50] =	vst v11;
	v11 =	vmul.f32 v15, v8;
	v15 =	vld [tilespmem:s5+$0xD0]  }
0x707: {  	[tilespmem:s5+$0x60] =	vst v9;
	v9 =	vmul.f32 v14, v8;
	v14 =	vld [tilespmem:s5+$0xE0]  }
0x708: {  	[tilespmem:s5+$0x80] =	vst v11;
	v11 =	vmul.f32 v16, v8;
	v16 =	vld [tilespmem:s5+$0xF0]  }
0x709: {  	v12 =	vld.idx.msk [tilespmem:v12+s25+$0x0], $0xffff;
	[tilespmem:s5+$0x90] =	vst v9;
	v9 =	vmul.f32 v17, v8  }
0x70a: {  	v13 =	vld.idx.msk [tilespmem:v13+s25+$0x0], $0xffff;
	[tilespmem:s5+$0xA0] =	vst v11;
	v10 =	vmul.f32 v10, v8  }
0x70b: {  	v11 =	vld.idx.msk [tilespmem:v19+s25+$0x0], $0xffff;
	[tilespmem:s5+$0xB0] =	vst v9;
	v15 =	vmul.f32 v15, v8  }
0x70c: {  	s5 =	sadd.s32 $0x200, s5;
	v9 =	vld.idx.msk [tilespmem:v18+s25+$0x0], $0xffff;
	[tilespmem:s8+$0xC0] =	vst v10;
	v10 =	vmul.f32 v14, v8  }
0x70d: {  	v14 =	vld [tilespmem:s5+$0x70];
	[tilespmem:s8+$0xD0] =	vst v15;
	v16 =	vmul.f32 v16, v8  }
0x70e: {  	v15 =	vld [tilespmem:s5+$0xFFFFFF00];
	[tilespmem:s8+$0xE0] =	vst v10  }
0x70f: {  	v8 =	vmov v12;
	v10 =	vld [tilespmem:s5+$0xFFFFFF10];
	[tilespmem:s8+$0xF0] =	vst v16;
	s8 =	smov.u32 s5  }
0x710: {  	v12 =	vld [tilespmem:s5+$0xFFFFFF20]  }
0x711: {  	v16 =	vld [tilespmem:s5+$0xFFFFFF30]  }
0x712: {  	v17 =	vld [tilespmem:s5+$0xFFFFFF40];
	v14 =	vmul.f32 v14, v9  }
0x713: {  	v15 =	vmul.f32 v15, v13;
	v18 =	vld [tilespmem:s5+$0xFFFFFF50]  }
0x714: {  	v10 =	vmul.f32 v10, v13;
	v19 =	vld [tilespmem:s5+$0xFFFFFF60];
	[tilespmem:s5+$0x70] =	vst v14  }
0x715: {  	[tilespmem:s5+$0xFFFFFF00] =	vst v15;
	v12 =	vmul.f32 v12, v13;
	v14 =	vld [tilespmem:s5+$0xFFFFFF70]  }
0x716: {  	[tilespmem:s5+$0xFFFFFF10] =	vst v10;
	v10 =	vmul.f32 v16, v13;
	v15 =	vld [tilespmem:s5+$0xFFFFFF80]  }
0x717: {  	[tilespmem:s5+$0xFFFFFF20] =	vst v12;
	v12 =	vmul.f32 v17, v13;
	v16 =	vld [tilespmem:s5+$0xFFFFFF90]  }
0x718: {  	[tilespmem:s5+$0xFFFFFF30] =	vst v10;
	v10 =	vmul.f32 v18, v13;
	v17 =	vld [tilespmem:s5+$0xFFFFFFA0]  }
0x719: {  	[tilespmem:s5+$0xFFFFFF40] =	vst v12;
	v12 =	vmul.f32 v19, v13;
	v18 =	vld [tilespmem:s5+$0xFFFFFFB0]  }
0x71a: {  	[tilespmem:s5+$0xFFFFFF50] =	vst v10;
	v10 =	vmul.f32 v14, v13;
	v13 =	vld [tilespmem:s5+$0xFFFFFFC0]  }
0x71b: {  	[tilespmem:s5+$0xFFFFFF60] =	vst v12;
	v12 =	vmul.f32 v15, v11;
	v14 =	vld [tilespmem:s5+$0xFFFFFFD0]  }
0x71c: {  	[tilespmem:s5+$0xFFFFFF70] =	vst v10;
	v10 =	vmul.f32 v16, v11;
	v15 =	vld [tilespmem:s5+$0xFFFFFFE0]  }
0x71d: {  	[tilespmem:s5+$0xFFFFFF80] =	vst v12;
	v12 =	vmul.f32 v17, v11;
	v16 =	vld [tilespmem:s5+$0xFFFFFFF0]  }
0x71e: {  	[tilespmem:s5+$0xFFFFFF90] =	vst v10;
	v10 =	vmul.f32 v18, v11;
	v17 =	vld [tilespmem:s5+$0x0]  }
0x71f: {  	[tilespmem:s5+$0xFFFFFFA0] =	vst v12;
	v12 =	vmul.f32 v13, v11;
	v13 =	vld [tilespmem:s5+$0x10]  }
0x720: {  	[tilespmem:s5+$0xFFFFFFB0] =	vst v10;
	v10 =	vmul.f32 v14, v11;
	v14 =	vld [tilespmem:s5+$0x20]  }
0x721: {  	[tilespmem:s5+$0xFFFFFFC0] =	vst v12;
	v12 =	vmul.f32 v15, v11;
	v18 =	vld [tilespmem:s5+$0x30]  }
0x722: {  	[tilespmem:s5+$0xFFFFFFD0] =	vst v10;
	v10 =	vmul.f32 v16, v11;
	v16 =	vld [tilespmem:s5+$0x40]  }
.Ltmp15:
0x723: {  	[tilespmem:s5+$0xFFFFFFE0] =	vst v12;
	v12 =	vmul.f32 v17, v9;
	v11 =	vld [tilespmem:s5+$0x50];
	(pc) =	sbr.rel @p0 .LBB2_26-.Ltmp15, $4  }
0x724: {  	[tilespmem:s5+$0xFFFFFFF0] =	vst v10;
	v13 =	vmul.f32 v13, v9;
	v10 =	vld [tilespmem:s5+$0x60]  }
0x725: {  	s11 =	sadd.s32 $0x3, s7;
	v17 =	vmov s7;
	[tilespmem:s5+$0x0] =	vst v12;
	v20 =	vmul.f32 v14, v9;
	v15 =	vld [tilespmem:s5+$0x80]  }
0x726: {  	s13 =	sadd.s32 $0x1, s7;
	v19 =	vand.u32 $0xFFFFFFFC, v17;
	v12 =	vmov s11;
	[tilespmem:s5+$0x10] =	vst v13;
	v17 =	vmul.f32 v18, v9;
	v14 =	vld [tilespmem:s5+$0x90]  }
0x727: {  	s11 =	sadd.s32 $0x2, s7;
	s7 =	sadd.s32 $0x4, s7;
	v13 =	vbroadcast v19, $0x0;
	v19 =	vmov s13;
	[tilespmem:s5+$0x20] =	vst v20;
	v18 =	vmul.f32 v16, v9;
	v16 =	vld [tilespmem:s5+$0xA0]  }
0x728: {  	v20 =	vld [tilespmem:s5+$0xB0]  }
0x729: {  	v22 =	vld [tilespmem:s5+$0xC0]  }
0x72a: {  	v21 =	vmov s11;
	v23 =	vld [tilespmem:s5+$0xD0]  }
0x72b: {  	v24 =	vld [tilespmem:s5+$0xE0];
	[tilespmem:s5+$0x30] =	vst v17;
	v11 =	vmul.f32 v11, v9;
	v21 =	vand.u32 $0xFFFFFFFE, v21  }
0x72c: {  	v19 =	vand.u32 $0xFFFFFFFD, v19;
	v12 =	vld.idx.msk [tilespmem:v12+s25+$0x0], $0xffff;
	[tilespmem:s5+$0x40] =	vst v18;
	v9 =	vmul.f32 v10, v9;
	v21 =	vbroadcast v21, $0x0  }
0x72d: {  	s7 =	sadd.s32 $0x200, s5;
	v19 =	vbroadcast v19, $0x0;
	v10 =	vld.idx.msk [tilespmem:v13+s25+$0x0], $0xffff;
	v15 =	vmul.f32 v15, v8;
	[tilespmem:s5+$0x50] =	vst v11  }
0x72e: {  	v17 =	vld [tilespmem:s7+$0xFFFFFF00];
	v11 =	vmul.f32 v14, v8;
	[tilespmem:s5+$0x60] =	vst v9  }
0x72f: {  	[tilespmem:s5+$0x80] =	vst v15;
	v15 =	vld [tilespmem:s5+$0xF0];
	v9 =	vmul.f32 v16, v8  }
0x730: {  	v18 =	vld [tilespmem:s7+$0xFFFFFF10];
	[tilespmem:s5+$0x90] =	vst v11;
	v11 =	vmul.f32 v20, v8  }
0x731: {  	v16 =	vld [tilespmem:s7+$0x70];
	[tilespmem:s5+$0xA0] =	vst v9;
	v9 =	vmul.f32 v22, v8  }
0x732: {  	[tilespmem:s5+$0xB0] =	vst v11;
	v11 =	vmul.f32 v23, v8;
	v14 =	vld.idx.msk [tilespmem:v21+s25+$0x0], $0xffff  }
0x733: {  	v13 =	vld.idx.msk [tilespmem:v19+s25+$0x0], $0xffff;
	[tilespmem:s8+$0xC0] =	vst v9;
	v9 =	vmul.f32 v24, v8  }
0x734: {  	v19 =	vld [tilespmem:s7+$0xFFFFFF20];
	[tilespmem:s8+$0xD0] =	vst v11;
	v8 =	vmul.f32 v15, v8  }
0x735: {  	v11 =	vld [tilespmem:s7+$0xFFFFFF30];
	[tilespmem:s8+$0xE0] =	vst v9  }
0x736: {  	v9 =	vld [tilespmem:s7+$0xFFFFFF40];
	[tilespmem:s8+$0xF0] =	vst v8;
	v8 =	vmul.f32 v17, v10  }
0x737: {  	v15 =	vmul.f32 v16, v14;
	v16 =	vld [tilespmem:s7+$0xFFFFFF50]  }
0x738: {  	v17 =	vmul.f32 v18, v10;
	v18 =	vld [tilespmem:s7+$0xFFFFFF60];
	[tilespmem:s7+$0xFFFFFF00] =	vst v8  }
0x739: {  	v8 =	vmul.f32 v19, v10;
	[tilespmem:s7+$0x70] =	vst v15;
	v15 =	vld [tilespmem:s7+$0xFFFFFF70]  }
0x73a: {  	[tilespmem:s7+$0xFFFFFF10] =	vst v17;
	v17 =	vld [tilespmem:s7+$0xFFFFFF80];
	v11 =	vmul.f32 v11, v10  }
0x73b: {  	[tilespmem:s7+$0xFFFFFF20] =	vst v8;
	v8 =	vmul.f32 v9, v10;
	v9 =	vld [tilespmem:s7+$0xFFFFFF90]  }
0x73c: {  	[tilespmem:s7+$0xFFFFFF30] =	vst v11;
	v11 =	vmul.f32 v16, v10;
	v16 =	vld [tilespmem:s7+$0xFFFFFFA0]  }
0x73d: {  	[tilespmem:s7+$0xFFFFFF40] =	vst v8;
	v8 =	vmul.f32 v18, v10;
	v18 =	vld [tilespmem:s7+$0xFFFFFFB0]  }
0x73e: {  	[tilespmem:s7+$0xFFFFFF50] =	vst v11;
	v10 =	vmul.f32 v15, v10;
	v11 =	vld [tilespmem:s7+$0xFFFFFFC0]  }
0x73f: {  	[tilespmem:s7+$0xFFFFFF60] =	vst v8;
	v8 =	vmul.f32 v17, v13;
	v15 =	vld [tilespmem:s7+$0xFFFFFFD0]  }
0x740: {  	v9 =	vmul.f32 v9, v13;
	[tilespmem:s7+$0xFFFFFF70] =	vst v10;
	v10 =	vld [tilespmem:s7+$0xFFFFFFE0]  }
0x741: {  	[tilespmem:s7+$0xFFFFFF80] =	vst v8;
	v8 =	vmul.f32 v16, v13;
	v16 =	vld [tilespmem:s7+$0xFFFFFFF0]  }
0x742: {  	v17 =	vld [tilespmem:s7+$0x0];
	[tilespmem:s7+$0xFFFFFF90] =	vst v9;
	v9 =	vmul.f32 v18, v13  }
0x743: {  	[tilespmem:s7+$0xFFFFFFA0] =	vst v8;
	v8 =	vmul.f32 v11, v13;
	v11 =	vld [tilespmem:s7+$0x10]  }
0x744: {  	[tilespmem:s7+$0xFFFFFFB0] =	vst v9;
	v9 =	vmul.f32 v15, v13;
	v15 =	vld [tilespmem:s7+$0x20]  }
0x745: {  	[tilespmem:s7+$0xFFFFFFC0] =	vst v8;
	v8 =	vmul.f32 v10, v13;
	v10 =	vld [tilespmem:s7+$0x30]  }
0x746: {  	[tilespmem:s7+$0xFFFFFFD0] =	vst v9;
	v9 =	vmul.f32 v16, v13;
	v13 =	vld [tilespmem:s7+$0x40]  }
0x747: {  	v16 =	vld [tilespmem:s7+$0x50];
	[tilespmem:s7+$0xFFFFFFE0] =	vst v8;
	v8 =	vmul.f32 v17, v14  }
0x748: {  	[tilespmem:s7+$0xFFFFFFF0] =	vst v9;
	v9 =	vmul.f32 v11, v14;
	v11 =	vld [tilespmem:s7+$0x60]  }
0x749: {  	[tilespmem:s7+$0x0] =	vst v8;
	v8 =	vmul.f32 v15, v14;
	v15 =	vld [tilespmem:s7+$0x80]  }
0x74a: {  	[tilespmem:s7+$0x10] =	vst v9;
	v9 =	vmul.f32 v10, v14;
	v10 =	vld [tilespmem:s7+$0x90]  }
0x74b: {  	[tilespmem:s7+$0x20] =	vst v8;
	v8 =	vmul.f32 v13, v14;
	v13 =	vld [tilespmem:s7+$0xA0]  }
0x74c: {  	[tilespmem:s7+$0x30] =	vst v9;
	v9 =	vmul.f32 v16, v14;
	v16 =	vld [tilespmem:s7+$0xB0]  }
0x74d: {  	[tilespmem:s7+$0x40] =	vst v8;
	v8 =	vmul.f32 v11, v14;
	v11 =	vld [tilespmem:s7+$0xC0]  }
0x74e: {  	v14 =	vld [tilespmem:s7+$0xD0];
	[tilespmem:s7+$0x50] =	vst v9;
	v9 =	vmul.f32 v15, v12  }
0x74f: {  	[tilespmem:s7+$0x60] =	vst v8;
	v8 =	vmul.f32 v10, v12;
	v10 =	vld [tilespmem:s7+$0xE0]  }
0x750: {  	[tilespmem:s7+$0x80] =	vst v9;
	v9 =	vmul.f32 v13, v12;
	v13 =	vld [tilespmem:s7+$0xF0]  }
0x751: {  	[tilespmem:s7+$0x90] =	vst v8;
	v8 =	vmul.f32 v16, v12  }
0x752: {  	[tilespmem:s7+$0xA0] =	vst v9;
	v9 =	vmul.f32 v11, v12  }
0x753: {  	[tilespmem:s7+$0xB0] =	vst v8;
	v8 =	vmul.f32 v14, v12  }
0x754: {  	[tilespmem:s7+$0xC0] =	vst v9;
	v9 =	vmul.f32 v10, v12  }
0x755: {  	[tilespmem:s7+$0xD0] =	vst v8;
	v8 =	vmul.f32 v13, v12  }
0x756: {  	[tilespmem:s7+$0xE0] =	vst v9  }
0x757: {  	[tilespmem:s7+$0xF0] =	vst v8  }
0x758: {  	[spmem:s3] =	stream.indirect.scatter.add.f32 [tilespmem:s16], [sflag:$0x3], $0x80, s26, s19, $0xb8;
	[tilespmem:$0x1F1A0] =	vst v63  }
0x759: {  	_ = 	snop  }
0x75a: {  	[spmem:s4] =	stream.indirect.scatter.add.f32 [tilespmem:s25], [sflag:$0x5], $0x1, s26, s19, $0xb8;
	[tilespmem:$0x1F1A0] =	vst v63  }
0x75b: {  	v8 =	vld [tilespmem:$0x6510]  }
0x75c: {  	v9 =	vld [tilespmem:$0x65B0];
	_ =	sdelay $0x5  }
0x75d: {  	s5 =	simm.s32 $0x0  }
0x75e: {  	v8 =	vld.idx.msk [tilespmem:v8+s5+$0x0], $0xffff  }
0x75f: {  	v9 =	vld.idx.msk [tilespmem:v9+s15+$0x0], $0xffff;
	_ =	sdelay $0x4  }
0x760: {  	v8 =	vadd.f32 v9, v8;
	_ =	sdelay $0x1  }
0x761: {  	v9 =	vmul.f32 $9.999999770e-03, v8  }
0x762: {  	vm0 =	vgt.f32 v8, $0.0e+00  }
0x763: {  	v8 =	vsel vm0, v8, v9  }
0x764: {  	v8 =	vsub.f32 v8, v1;
	_ =	sdelay $0x1  }
0x765: {  	v8 =	vmul.f32 $1.442695020e+00, v8;
	_ =	sdelay $0x1  }
0x766: {  	(erf) = vpow2.f32 v8;
	_ =	sdelay $0x3  }
0x767: {  	v9 =	vld [tilespmem:$0x6520]  }
0x768: {  	v10 =	vld [tilespmem:$0x65C0];
	_ =	sdelay $0x2  }
0x769: {  	s7 =	sadd.s32 s30, s9  }
0x76a: {  	p0 =	slt.u32 s7, $0x4E200;
	v8 =	vpop (erf)  }
0x76b: {  	v8 =	vpsel !p0, $0x0, v8  }
0x76c: {  	[tilespmem:$0x6650] =	vst v8  }
0x76d: {  	v9 =	vld.idx.msk [tilespmem:v9+s5+$0x0], $0xffff  }
0x76e: {  	v10 =	vld.idx.msk [tilespmem:v10+s15+$0x0], $0xffff;
	_ =	sdelay $0x4  }
0x76f: {  	v9 =	vadd.f32 v10, v9;
	_ =	sdelay $0x1  }
0x770: {  	v10 =	vmul.f32 $9.999999770e-03, v9  }
0x771: {  	vm12 =	vgt.f32 v9, $0.0e+00  }
0x772: {  	v9 =	vsel vm12, v9, v10  }
0x773: {  	v9 =	vsub.f32 v9, v1;
	_ =	sdelay $0x1  }
0x774: {  	v9 =	vmul.f32 $1.442695020e+00, v9;
	_ =	sdelay $0x1  }
0x775: {  	(erf) = vpow2.f32 v9;
	_ =	sdelay $0x3  }
0x776: {  	v10 =	vld [tilespmem:$0x6530]  }
0x777: {  	v11 =	vld [tilespmem:$0x65D0];
	_ =	sdelay $0x2  }
0x778: {  	s13 =	sadd.s32 $0x10, s7  }
0x779: {  	p3 =	slt.u32 s13, $0x4E200;
	v9 =	vpop (erf)  }
0x77a: {  	v9 =	vpsel !p3, $0x0, v9  }
0x77b: {  	[tilespmem:$0x6660] =	vst v9  }
0x77c: {  	v10 =	vld.idx.msk [tilespmem:v10+s5+$0x0], $0xffff  }
0x77d: {  	v11 =	vld.idx.msk [tilespmem:v11+s15+$0x0], $0xffff;
	_ =	sdelay $0x4  }
0x77e: {  	v10 =	vadd.f32 v11, v10;
	_ =	sdelay $0x1  }
0x77f: {  	v11 =	vmul.f32 $9.999999770e-03, v10  }
0x780: {  	vm13 =	vgt.f32 v10, $0.0e+00  }
0x781: {  	v10 =	vsel vm13, v10, v11  }
0x782: {  	v10 =	vsub.f32 v10, v1;
	_ =	sdelay $0x1  }
0x783: {  	v10 =	vmul.f32 $1.442695020e+00, v10;
	_ =	sdelay $0x1  }
0x784: {  	(erf) = vpow2.f32 v10;
	_ =	sdelay $0x3  }
0x785: {  	v11 =	vld [tilespmem:$0x6540]  }
0x786: {  	v12 =	vld [tilespmem:$0x65E0];
	_ =	sdelay $0x2  }
0x787: {  	s17 =	sadd.s32 $0x20, s7  }
0x788: {  	p4 =	slt.u32 s17, $0x4E200;
	v10 =	vpop (erf)  }
0x789: {  	v10 =	vpsel !p4, $0x0, v10  }
0x78a: {  	[tilespmem:$0x6670] =	vst v10  }
0x78b: {  	v11 =	vld.idx.msk [tilespmem:v11+s5+$0x0], $0xffff  }
0x78c: {  	v12 =	vld.idx.msk [tilespmem:v12+s15+$0x0], $0xffff;
	_ =	sdelay $0x4  }
0x78d: {  	v11 =	vadd.f32 v12, v11;
	_ =	sdelay $0x1  }
0x78e: {  	v12 =	vmul.f32 $9.999999770e-03, v11  }
0x78f: {  	vm14 =	vgt.f32 v11, $0.0e+00  }
0x790: {  	v11 =	vsel vm14, v11, v12  }
0x791: {  	v11 =	vsub.f32 v11, v1;
	_ =	sdelay $0x1  }
0x792: {  	v11 =	vmul.f32 $1.442695020e+00, v11;
	_ =	sdelay $0x1  }
0x793: {  	(erf) = vpow2.f32 v11;
	_ =	sdelay $0x3  }
0x794: {  	v12 =	vld [tilespmem:$0x6550]  }
0x795: {  	v13 =	vld [tilespmem:$0x65F0];
	_ =	sdelay $0x2  }
0x796: {  	s11 =	sadd.s32 $0x30, s7  }
0x797: {  	p5 =	slt.u32 s11, $0x4E200;
	v11 =	vpop (erf)  }
0x798: {  	v11 =	vpsel !p5, $0x0, v11  }
0x799: {  	[tilespmem:$0x6680] =	vst v11  }
0x79a: {  	v12 =	vld.idx.msk [tilespmem:v12+s5+$0x0], $0xffff  }
0x79b: {  	v13 =	vld.idx.msk [tilespmem:v13+s15+$0x0], $0xffff;
	_ =	sdelay $0x4  }
0x79c: {  	v12 =	vadd.f32 v13, v12;
	_ =	sdelay $0x1  }
0x79d: {  	v13 =	vmul.f32 $9.999999770e-03, v12  }
0x79e: {  	vm15 =	vgt.f32 v12, $0.0e+00  }
0x79f: {  	v12 =	vsel vm15, v12, v13  }
0x7a0: {  	v12 =	vsub.f32 v12, v1;
	_ =	sdelay $0x1  }
0x7a1: {  	v12 =	vmul.f32 $1.442695020e+00, v12;
	_ =	sdelay $0x1  }
0x7a2: {  	(erf) = vpow2.f32 v12;
	_ =	sdelay $0x6  }
0x7a3: {  	s13 =	simm.s32 $0x2;
	v12 =	vmov s5  }
0x7a4: {  	s7 =	sadd.s32 $0x40, s7;
	v13 =	vmov s13;
	v12 =	vand.u32 $0xFFFFFFFC, v12  }
0x7a5: {  	p6 =	slt.u32 s7, $0x4E200;
	v13 =	vand.u32 $0xFFFFFFFE, v13;
	v15 =	vbroadcast v12, $0x0;
	v14 =	vpop (erf)  }
0x7a6: {  	v13 =	vbroadcast v13, $0x0;
	v12 =	vpsel !p6, $0x0, v14  }
0x7a7: {  	[tilespmem:$0x6690] =	vst v12  }
0x7a8: {  	_ =	swait.ge [sflag:s28], $0x2800  }
0x7a9: {  	[sflag:s28] =	ssyncset.done $0x0  }
0x7aa: {  	[sflag:s28] =	ssyncadd.s32 $0xFFFFD800  }
0x7ab: {  	v15 =	vld.idx.msk [tilespmem:v15+s29+$0x0], $0xffff  }
0x7ac: {  	s8 =	simm.s32 $0x8FA0;
	v14 =	vld.idx.msk [tilespmem:v13+s29+$0x0], $0xffff  }
0x7ad: {  	s17 =	simm.s32 $0x1;
	v16 =	vld [tilespmem:s8+$0x70]  }
0x7ae: {  	v13 =	vmov s17;
	v17 =	vld [tilespmem:s8+$0xFFFFFF00]  }
0x7af: {  	v18 =	vld [tilespmem:s8+$0xFFFFFF10];
	v13 =	vand.u32 $0xFFFFFFFD, v13  }
0x7b0: {  	v63 =	vld [tilespmem:s8+$0x10];
	v13 =	vbroadcast v13, $0x0  }
0x7b1: {  	v19 =	vld [tilespmem:s8+$0xFFFFFF20]  }
0x7b2: {  	v2 =	vmax.f32 v2, v3;
	v20 =	vld [tilespmem:s8+$0xFFFFFF30]  }
0x7b3: {  	v2 =	vmax.f32 v2, v4;
	v56 =	vld [tilespmem:s8+$0xFFFFFF40]  }
0x7b4: {  	v2 =	vmax.f32 v2, v5;
	v57 =	vld [tilespmem:s8+$0xFFFFFF50];
	v17 =	vmul.f32 v17, v15  }
0x7b5: {  	v2 =	vmax.f32 v2, v6;
	v58 =	vld [tilespmem:s8+$0xFFFFFF60];
	v6 =	vmul.f32 v63, v14  }
0x7b6: {  	[tilespmem:s8+$0xFFFFFF00] =	vst v17;
	v59 =	vld.idx.msk [tilespmem:v13+s29+$0x0], $0xffff;
	v13 =	vmul.f32 v16, v14;
	v16 =	vmul.f32 v18, v15  }
0x7b7: {  	[tilespmem:s8+$0x10] =	vst v6;
	v18 =	vld [tilespmem:s8+$0xFFFFFF80]  }
0x7b8: {  	v17 =	vld [tilespmem:s8+$0xFFFFFF70];
	[tilespmem:s8+$0xFFFFFF10] =	vst v16;
	v16 =	vmul.f32 v20, v15  }
0x7b9: {  	[tilespmem:s8+$0x70] =	vst v13;
	v13 =	vmul.f32 v19, v15;
	v19 =	vld [tilespmem:s8+$0xFFFFFF90]  }
0x7ba: {  	s7 =	simm.s32 $0x3;
	v60 =	vld [tilespmem:s8+$0xFFFFFFA0];
	[tilespmem:s8+$0xFFFFFF30] =	vst v16;
	v16 =	vmul.f32 v57, v15  }
0x7bb: {  	v61 =	vld [tilespmem:s8+$0xFFFFFFB0];
	v20 =	vmov s7;
	[tilespmem:s8+$0xFFFFFF20] =	vst v13;
	v13 =	vmul.f32 v56, v15  }
0x7bc: {  	v62 =	vld [tilespmem:s8+$0xFFFFFFC0];
	[tilespmem:s8+$0xFFFFFF50] =	vst v16;
	v16 =	vmul.f32 v18, v59  }
0x7bd: {  	[tilespmem:s8+$0xFFFFFF40] =	vst v13;
	v13 =	vmul.f32 v58, v15;
	v18 =	vld [tilespmem:s8+$0xFFFFFFD0]  }
0x7be: {  	v15 =	vmul.f32 v17, v15;
	v17 =	vld [tilespmem:s8+$0xFFFFFFE0];
	[tilespmem:s8+$0xFFFFFF80] =	vst v16;
	v16 =	vmul.f32 v19, v59  }
0x7bf: {  	[tilespmem:s8+$0xFFFFFF60] =	vst v13;
	v19 =	vld [tilespmem:s8+$0xFFFFFFF0]  }
0x7c0: {  	v13 =	vld.idx.msk [tilespmem:v20+s29+$0x0], $0xffff;
	[tilespmem:s8+$0xFFFFFF90] =	vst v16;
	v16 =	vmul.f32 v61, v59  }
0x7c1: {  	[tilespmem:s8+$0xFFFFFF70] =	vst v15;
	v15 =	vmul.f32 v60, v59;
	v20 =	vld [tilespmem:s8+$0x0]  }
0x7c2: {  	[tilespmem:s8+$0xFFFFFFB0] =	vst v16;
	v16 =	vmul.f32 v18, v59;
	v18 =	vld [tilespmem:s8+$0x20]  }
0x7c3: {  	[tilespmem:s8+$0xFFFFFFA0] =	vst v15;
	v3 =	vmul.f32 v17, v59;
	v17 =	vld [tilespmem:s8+$0x30]  }
0x7c4: {  	v4 =	vmul.f32 v19, v59;
	[tilespmem:s8+$0xFFFFFFD0] =	vst v16;
	v16 =	vld [tilespmem:s8+$0x40]  }
0x7c5: {  	s11 =	simm.s32 $0x4;
	v15 =	vmul.f32 v62, v59;
	[tilespmem:s8+$0xFFFFFFE0] =	vst v3;
	v3 =	vld [tilespmem:s8+$0x50]  }
0x7c6: {  	v2 =	vmax.f32 v2, v7;
	v7 =	vmov s11;
	v5 =	vmul.f32 v20, v14;
	[tilespmem:s8+$0xFFFFFFF0] =	vst v4;
	v4 =	vld [tilespmem:s8+$0x60]  }
0x7c7: {  	[tilespmem:s8+$0xFFFFFFC0] =	vst v15;
	v15 =	vld [tilespmem:s8+$0x80];
	v19 =	vand.u32 $0xFFFFFFFC, v7;
	v18 =	vmul.f32 v18, v14  }
0x7c8: {  	s13 =	simm.s32 $0x7;
	s17 =	simm.s32 $0x5;
	v7 =	vld [tilespmem:s8+$0x90];
	v6 =	vbroadcast v19, $0x0;
	[tilespmem:s8+$0x0] =	vst v5;
	v17 =	vmul.f32 v17, v14  }
0x7c9: {  	s11 =	simm.s32 $0x6;
	s5 =	simm.s32 $0x8FA0;
	s7 =	simm.s32 $0x8;
	v19 =	vmov s17;
	v5 =	vmov s13;
	[tilespmem:s8+$0x20] =	vst v18;
	v18 =	vmul.f32 v16, v14;
	v16 =	vld [tilespmem:s8+$0xA0]  }
.LBB2_28:
0x7ca: {  	p0 =	slt.u32 s7, $0x4C;
	v19 =	vand.u32 $0xFFFFFFFD, v19;
	v20 =	vmov s11;
	[tilespmem:s8+$0x30] =	vst v17;
	v3 =	vmul.f32 v3, v14;
	v17 =	vld [tilespmem:s8+$0xB0]  }
0x7cb: {  	v19 =	vbroadcast v19, $0x0;
	v20 =	vand.u32 $0xFFFFFFFE, v20;
	[tilespmem:s8+$0x40] =	vst v18;
	v4 =	vmul.f32 v4, v14;
	v14 =	vld [tilespmem:s8+$0xC0]  }
0x7cc: {  	v18 =	vbroadcast v20, $0x0;
	[tilespmem:s8+$0x50] =	vst v3;
	v3 =	vmul.f32 v15, v13;
	v15 =	vld [tilespmem:s8+$0xD0]  }
0x7cd: {  	[tilespmem:s8+$0x60] =	vst v4;
	v4 =	vmul.f32 v7, v13;
	v7 =	vld [tilespmem:s8+$0xE0]  }
0x7ce: {  	[tilespmem:s8+$0x80] =	vst v3;
	v3 =	vmul.f32 v16, v13;
	v16 =	vld [tilespmem:s8+$0xF0]  }
0x7cf: {  	v5 =	vld.idx.msk [tilespmem:v5+s29+$0x0], $0xffff;
	[tilespmem:s8+$0x90] =	vst v4;
	v4 =	vmul.f32 v17, v13  }
0x7d0: {  	v6 =	vld.idx.msk [tilespmem:v6+s29+$0x0], $0xffff;
	[tilespmem:s8+$0xA0] =	vst v3;
	v3 =	vmul.f32 v14, v13  }
0x7d1: {  	v17 =	vld.idx.msk [tilespmem:v19+s29+$0x0], $0xffff;
	[tilespmem:s8+$0xB0] =	vst v4;
	v4 =	vmul.f32 v15, v13  }
0x7d2: {  	s8 =	sadd.s32 $0x200, s8;
	v14 =	vld.idx.msk [tilespmem:v18+s29+$0x0], $0xffff;
	[tilespmem:s5+$0xC0] =	vst v3;
	v3 =	vmul.f32 v7, v13  }
0x7d3: {  	v7 =	vld [tilespmem:s8+$0x70];
	[tilespmem:s5+$0xD0] =	vst v4;
	v4 =	vmul.f32 v16, v13  }
0x7d4: {  	v15 =	vld [tilespmem:s8+$0xFFFFFF00];
	[tilespmem:s5+$0xE0] =	vst v3  }
0x7d5: {  	v13 =	vmov v5;
	v3 =	vld [tilespmem:s8+$0xFFFFFF10];
	[tilespmem:s5+$0xF0] =	vst v4;
	s5 =	smov.u32 s8  }
0x7d6: {  	v4 =	vld [tilespmem:s8+$0xFFFFFF20]  }
0x7d7: {  	v5 =	vld [tilespmem:s8+$0xFFFFFF30]  }
0x7d8: {  	v16 =	vld [tilespmem:s8+$0xFFFFFF40];
	v7 =	vmul.f32 v7, v14  }
0x7d9: {  	v15 =	vmul.f32 v15, v6;
	v18 =	vld [tilespmem:s8+$0xFFFFFF50]  }
0x7da: {  	v3 =	vmul.f32 v3, v6;
	v19 =	vld [tilespmem:s8+$0xFFFFFF60];
	[tilespmem:s8+$0x70] =	vst v7  }
0x7db: {  	[tilespmem:s8+$0xFFFFFF00] =	vst v15;
	v4 =	vmul.f32 v4, v6;
	v7 =	vld [tilespmem:s8+$0xFFFFFF70]  }
0x7dc: {  	[tilespmem:s8+$0xFFFFFF10] =	vst v3;
	v3 =	vmul.f32 v5, v6;
	v5 =	vld [tilespmem:s8+$0xFFFFFF80]  }
0x7dd: {  	[tilespmem:s8+$0xFFFFFF20] =	vst v4;
	v4 =	vmul.f32 v16, v6;
	v15 =	vld [tilespmem:s8+$0xFFFFFF90]  }
0x7de: {  	[tilespmem:s8+$0xFFFFFF30] =	vst v3;
	v3 =	vmul.f32 v18, v6;
	v16 =	vld [tilespmem:s8+$0xFFFFFFA0]  }
0x7df: {  	[tilespmem:s8+$0xFFFFFF40] =	vst v4;
	v4 =	vmul.f32 v19, v6;
	v18 =	vld [tilespmem:s8+$0xFFFFFFB0]  }
0x7e0: {  	[tilespmem:s8+$0xFFFFFF50] =	vst v3;
	v3 =	vmul.f32 v7, v6;
	v6 =	vld [tilespmem:s8+$0xFFFFFFC0]  }
0x7e1: {  	[tilespmem:s8+$0xFFFFFF60] =	vst v4;
	v4 =	vmul.f32 v5, v17;
	v5 =	vld [tilespmem:s8+$0xFFFFFFD0]  }
0x7e2: {  	[tilespmem:s8+$0xFFFFFF70] =	vst v3;
	v3 =	vmul.f32 v15, v17;
	v7 =	vld [tilespmem:s8+$0xFFFFFFE0]  }
0x7e3: {  	[tilespmem:s8+$0xFFFFFF80] =	vst v4;
	v4 =	vmul.f32 v16, v17;
	v15 =	vld [tilespmem:s8+$0xFFFFFFF0]  }
0x7e4: {  	[tilespmem:s8+$0xFFFFFF90] =	vst v3;
	v3 =	vmul.f32 v18, v17;
	v16 =	vld [tilespmem:s8+$0x0]  }
0x7e5: {  	[tilespmem:s8+$0xFFFFFFA0] =	vst v4;
	v4 =	vmul.f32 v6, v17;
	v6 =	vld [tilespmem:s8+$0x10]  }
0x7e6: {  	[tilespmem:s8+$0xFFFFFFB0] =	vst v3;
	v3 =	vmul.f32 v5, v17;
	v5 =	vld [tilespmem:s8+$0x20]  }
0x7e7: {  	[tilespmem:s8+$0xFFFFFFC0] =	vst v4;
	v4 =	vmul.f32 v7, v17;
	v7 =	vld [tilespmem:s8+$0x30]  }
0x7e8: {  	[tilespmem:s8+$0xFFFFFFD0] =	vst v3;
	v15 =	vmul.f32 v15, v17;
	v18 =	vld [tilespmem:s8+$0x40]  }
.Ltmp16:
0x7e9: {  	[tilespmem:s8+$0xFFFFFFE0] =	vst v4;
	v16 =	vmul.f32 v16, v14;
	v3 =	vld [tilespmem:s8+$0x50];
	(pc) =	sbr.rel @p0 .LBB2_28-.Ltmp16, $4  }
0x7ea: {  	[tilespmem:s8+$0xFFFFFFF0] =	vst v15;
	v6 =	vmul.f32 v6, v14;
	v4 =	vld [tilespmem:s8+$0x60]  }
0x7eb: {  	s11 =	sadd.s32 $0x3, s7;
	v17 =	vmov s7;
	[tilespmem:s8+$0x0] =	vst v16;
	v16 =	vmul.f32 v5, v14;
	v15 =	vld [tilespmem:s8+$0x80]  }
0x7ec: {  	s13 =	sadd.s32 $0x1, s7;
	v19 =	vand.u32 $0xFFFFFFFC, v17;
	v5 =	vmov s11;
	[tilespmem:s8+$0x10] =	vst v6;
	v17 =	vmul.f32 v7, v14;
	v7 =	vld [tilespmem:s8+$0x90]  }
0x7ed: {  	s11 =	sadd.s32 $0x2, s7;
	s7 =	sadd.s32 $0x4, s7;
	v6 =	vbroadcast v19, $0x0;
	v19 =	vmov s13;
	[tilespmem:s8+$0x20] =	vst v16;
	v18 =	vmul.f32 v18, v14;
	v16 =	vld [tilespmem:s8+$0xA0]  }
0x7ee: {  	v20 =	vld [tilespmem:s8+$0xB0]  }
0x7ef: {  	v22 =	vld [tilespmem:s8+$0xC0]  }
0x7f0: {  	v23 =	vld [tilespmem:s8+$0xD0]  }
0x7f1: {  	v24 =	vld [tilespmem:s8+$0xE0]  }
0x7f2: {  	v56 =	vld [tilespmem:s8+$0xF0];
	[tilespmem:s8+$0x30] =	vst v17;
	v3 =	vmul.f32 v3, v14  }
0x7f3: {  	v21 =	vmov s11;
	v5 =	vld.idx.msk [tilespmem:v5+s29+$0x0], $0xffff;
	[tilespmem:s8+$0x40] =	vst v18;
	v4 =	vmul.f32 v4, v14  }
0x7f4: {  	s7 =	sadd.s32 $0x200, s8;
	v21 =	vand.u32 $0xFFFFFFFE, v21;
	v6 =	vld.idx.msk [tilespmem:v6+s29+$0x0], $0xffff;
	v15 =	vmul.f32 v15, v13;
	[tilespmem:s8+$0x50] =	vst v3  }
0x7f5: {  	v63 =	vld [tilespmem:s7+$0xFFFFFF10];
	v21 =	vbroadcast v21, $0x0;
	v3 =	vmul.f32 v7, v13;
	[tilespmem:s8+$0x60] =	vst v4  }
0x7f6: {  	v19 =	vand.u32 $0xFFFFFFFD, v19;
	v62 =	vld [tilespmem:s7+$0xFFFFFF00];
	[tilespmem:s8+$0x80] =	vst v15;
	v58 =	vmul.f32 v16, v13  }
0x7f7: {  	v19 =	vbroadcast v19, $0x0;
	v26 =	vld [tilespmem:s7+$0xFFFFFF50];
	[tilespmem:s8+$0x90] =	vst v3;
	v3 =	vmul.f32 v20, v13  }
0x7f8: {  	v31 =	vld [tilespmem:s7+$0xFFFFFF90];
	v61 =	vmul.f32 v22, v13;
	[tilespmem:s8+$0xA0] =	vst v58  }
0x7f9: {  	v22 =	vld [tilespmem:s7+$0xFFFFFF20];
	[tilespmem:s8+$0xB0] =	vst v3;
	v3 =	vmul.f32 v23, v13  }
0x7fa: {  	v27 =	vmul.f32 v63, v6;
	v23 =	vld [tilespmem:s7+$0xFFFFFF30];
	[tilespmem:s5+$0xC0] =	vst v61  }
0x7fb: {  	v59 =	vld.idx.msk [tilespmem:v21+s29+$0x0], $0xffff;
	[tilespmem:s5+$0xD0] =	vst v3;
	v3 =	vmul.f32 v56, v13  }
0x7fc: {  	v32 =	vmul.f32 v26, v6;
	v21 =	vmul.f32 v24, v13;
	v24 =	vld [tilespmem:s7+$0xFFFFFF40];
	[tilespmem:s7+$0xFFFFFF10] =	vst v27  }
0x7fd: {  	v57 =	vld.idx.msk [tilespmem:v19+s29+$0x0], $0xffff;
	[tilespmem:s5+$0xF0] =	vst v3;
	v3 =	vmul.f32 v62, v6  }
0x7fe: {  	v28 =	vld [tilespmem:s7+$0xFFFFFF60];
	[tilespmem:s7+$0xFFFFFF50] =	vst v32  }
0x7ff: {  	v34 =	vld [tilespmem:s7+$0xFFFFFFB0];
	[tilespmem:s7+$0xFFFFFF00] =	vst v3;
	v3 =	vmul.f32 v22, v6  }
0x800: {  	v30 =	vld [tilespmem:s7+$0xFFFFFF80];
	[tilespmem:s5+$0xE0] =	vst v21;
	v13 =	vmul.f32 v23, v6  }
0x801: {  	v36 =	vld [tilespmem:s7+$0xFFFFFFD0];
	[tilespmem:s7+$0xFFFFFF20] =	vst v3;
	v3 =	vmul.f32 v24, v6  }
0x802: {  	v33 =	vld [tilespmem:s7+$0xFFFFFFA0];
	v4 =	vmul.f32 v31, v57;
	[tilespmem:s7+$0xFFFFFF30] =	vst v13  }
0x803: {  	v38 =	vld [tilespmem:s7+$0xFFFFFFF0];
	[tilespmem:s7+$0xFFFFFF40] =	vst v3;
	v3 =	vmul.f32 v28, v6  }
0x804: {  	v35 =	vld [tilespmem:s7+$0xFFFFFFC0];
	v39 =	vmul.f32 v34, v57;
	[tilespmem:s7+$0xFFFFFF90] =	vst v4  }
0x805: {  	v60 =	vld [tilespmem:s7+$0x70];
	[tilespmem:s7+$0xFFFFFF60] =	vst v3;
	v3 =	vmul.f32 v30, v57  }
0x806: {  	v37 =	vld [tilespmem:s7+$0xFFFFFFE0];
	v42 =	vmul.f32 v36, v57;
	[tilespmem:s7+$0xFFFFFFB0] =	vst v39  }
0x807: {  	v41 =	vld [tilespmem:s7+$0x10];
	[tilespmem:s7+$0xFFFFFF80] =	vst v3;
	v3 =	vmul.f32 v33, v57  }
0x808: {  	v40 =	vld [tilespmem:s7+$0x0];
	v45 =	vmul.f32 v38, v57;
	[tilespmem:s7+$0xFFFFFFD0] =	vst v42  }
0x809: {  	v44 =	vld [tilespmem:s7+$0x30];
	[tilespmem:s7+$0xFFFFFFA0] =	vst v3;
	v3 =	vmul.f32 v35, v57  }
0x80a: {  	v43 =	vld [tilespmem:s7+$0x20];
	v25 =	vmul.f32 v60, v59;
	[tilespmem:s7+$0xFFFFFFF0] =	vst v45  }
0x80b: {  	v47 =	vld [tilespmem:s7+$0x50];
	[tilespmem:s7+$0xFFFFFFC0] =	vst v3;
	v3 =	vmul.f32 v37, v57  }
0x80c: {  	v46 =	vld [tilespmem:s7+$0x40];
	v48 =	vmul.f32 v41, v59;
	[tilespmem:s7+$0x70] =	vst v25  }
0x80d: {  	v53 =	vld [tilespmem:s7+$0xA0];
	[tilespmem:s7+$0xFFFFFFE0] =	vst v3;
	v3 =	vmul.f32 v40, v59  }
0x80e: {  	v49 =	vld [tilespmem:s7+$0x60];
	v51 =	vmul.f32 v44, v59;
	[tilespmem:s7+$0x10] =	vst v48  }
0x80f: {  	v56 =	vld [tilespmem:s7+$0xC0];
	[tilespmem:s7+$0x0] =	vst v3;
	v3 =	vmul.f32 v43, v59  }
0x810: {  	v52 =	vld [tilespmem:s7+$0x90];
	v54 =	vmul.f32 v47, v59;
	[tilespmem:s7+$0x30] =	vst v51  }
0x811: {  	v29 =	vld [tilespmem:s7+$0xFFFFFF70];
	[tilespmem:s7+$0x20] =	vst v3;
	v3 =	vmul.f32 v46, v59  }
0x812: {  	v55 =	vld [tilespmem:s7+$0xB0];
	v60 =	vmul.f32 v53, v5;
	[tilespmem:s7+$0x50] =	vst v54  }
0x813: {  	v50 =	vld [tilespmem:s7+$0x80];
	[tilespmem:s7+$0x40] =	vst v3;
	v3 =	vmul.f32 v49, v59  }
0x814: {  	v58 =	vld [tilespmem:s7+$0xD0];
	v62 =	vmul.f32 v56, v5;
	[tilespmem:s7+$0xA0] =	vst v60  }
0x815: {  	v59 =	vld [tilespmem:s7+$0xE0];
	[tilespmem:s7+$0x60] =	vst v3;
	v3 =	vmul.f32 v52, v5  }
0x816: {  	v61 =	vld [tilespmem:s7+$0xF0];
	[tilespmem:s7+$0xC0] =	vst v62;
	v6 =	vmul.f32 v29, v6  }
0x817: {  	[tilespmem:s7+$0x90] =	vst v3;
	v3 =	vmul.f32 v55, v5  }
0x818: {  	[tilespmem:s7+$0xFFFFFF70] =	vst v6;
	v57 =	vmul.f32 v50, v5  }
0x819: {  	[tilespmem:s7+$0xB0] =	vst v3;
	v3 =	vmul.f32 v58, v5  }
0x81a: {  	[tilespmem:s7+$0x80] =	vst v57;
	v63 =	vmul.f32 v59, v5  }
0x81b: {  	[tilespmem:s7+$0xD0] =	vst v3;
	v3 =	vmul.f32 v61, v5  }
0x81c: {  	[tilespmem:s7+$0xE0] =	vst v63  }
0x81d: {  	[tilespmem:s7+$0xF0] =	vst v3  }
0x81e: {  	[spmem:s3] =	stream.indirect.scatter.add.f32 [tilespmem:s23], [sflag:$0x4], $0x80, s31, s19, $0xb8;
	[tilespmem:$0x1F1A0] =	vst v63  }
0x81f: {  	_ = 	snop  }
0x820: {  	[spmem:s4] =	stream.indirect.scatter.add.f32 [tilespmem:s29], [sflag:$0x6], $0x1, s31, s19, $0xb8;
	[tilespmem:$0x1F1A0] =	vst v63  }
0x821: {  	p0 =	seq.s32 s21, $0xF;
	_ =	swait.ge [sflag:s2], $0x2800  }
.Ltmp17:
0x822: {  	v2 =	vmax.f32 v2, v8;
	[sflag:s2] =	ssyncset.done $0x0;
	(pc) =	sbr.rel @p0 .LBB2_31-.Ltmp17, $4  }
0x823: {  	v2 =	vmax.f32 v2, v9;
	[sflag:s2] =	ssyncadd.s32 $0xFFFFD800  }
0x824: {  	v2 =	vmax.f32 v2, v10;
	_ =	swait.ge [sflag:s0], $0x50  }
0x825: {  	v2 =	vmax.f32 v2, v11;
	[sflag:s0] =	ssyncset.done $0x0  }
0x826: {  	v2 =	vmax.f32 v2, v12;
	[sflag:s0] =	ssyncadd.s32 $0xFFFFFFB0  }
0x827: {  	v3 =	vld [tilespmem:s30+$0x5160];
	_ =	sdelay $0x4  }
0x828: {  	[tilespmem:$0x64C0] =	vst v3  }
0x829: {  	v3 =	vld [tilespmem:s30+$0x5B60];
	_ =	sdelay $0x4  }
0x82a: {  	[tilespmem:$0x6560] =	vst v3  }
0x82b: {  	v3 =	vld [tilespmem:s30+$0x5170];
	_ =	sdelay $0x4  }
0x82c: {  	[tilespmem:$0x64D0] =	vst v3  }
0x82d: {  	v3 =	vld [tilespmem:s30+$0x5B70];
	_ =	sdelay $0x4  }
0x82e: {  	[tilespmem:$0x6570] =	vst v3  }
0x82f: {  	v3 =	vld [tilespmem:s30+$0x5180];
	_ =	sdelay $0x4  }
0x830: {  	[tilespmem:$0x64E0] =	vst v3  }
0x831: {  	v3 =	vld [tilespmem:s30+$0x5B80];
	_ =	sdelay $0x4  }
0x832: {  	[tilespmem:$0x6580] =	vst v3  }
0x833: {  	v3 =	vld [tilespmem:s30+$0x5190];
	_ =	sdelay $0x4  }
0x834: {  	[tilespmem:$0x64F0] =	vst v3  }
0x835: {  	v3 =	vld [tilespmem:s30+$0x5B90];
	_ =	sdelay $0x4  }
0x836: {  	[tilespmem:$0x6590] =	vst v3  }
0x837: {  	v3 =	vld [tilespmem:s30+$0x51A0];
	_ =	sdelay $0x4  }
0x838: {  	[tilespmem:$0x6500] =	vst v3  }
0x839: {  	v3 =	vld [tilespmem:s30+$0x5BA0];
	_ =	sdelay $0x1  }
.Ltmp18:
0x83a: {  	_ = 	snop;
	(pc) =	sbr.rel .LBB2_25-.Ltmp18, $3  }
0x83b: {  	_ =	sdelay $0x1  }
0x83c: {  	s21 =	sadd.s32 $0x1, s21;
	[tilespmem:$0x65A0] =	vst v3  }
0x83d: {  	[tilespmem:s16], [sflag:$0x1] =	stream.indirect.gather [hbm4b:s1+s19], $0x80, s20, s19, $0xb8;
	[tilespmem:$0x1F1A0] =	vst v63  }
.LBB2_32:
0x83e: {  	_ =	sfence.sel $0x180000  }
0x83f: {  	[bflag:$0x0] =	sbarrier.arrive $0xFFFF  }
0x840: {  	_ =	strace $0x90000047  }
0x841: {  	s0 =	stileid.u32;
	[bflag:$0x2] =	sbarrier.arrive $0xFFFF  }
0x842: {  	p0 =	sne.s32 s0, $0x0;
	s0 =	rddreg [dreg:$0x4]  }
0x843: {  	s0 =	sadd.s32 @!p0 $0x100000, s0  }
0x844: {  	[sflag:s0] =	ssyncadd.tile.s32 @!p0 $0x1;
	_ =	shalt  }
.Lfunc_end2:
_tile_overlayer_lowered:
.L_overlay_start_2:
0x845: {  	(tag) =	ssettag $0x2  }
0x846: {  	s0 =	rddreg [dreg:$0x0];
	s2 =	stileid.u32  }
0x847: {  	s1 =	rddreg [dreg:$0x1];
	p0 =	sne.s32 s2, $0x0  }
0x848: {  	s3 =	rddreg [dreg:$0x2];
	[bflag:$0x3] =	sbarrier.arrive $0xFFFF;
	s2 =	simm.s32 @!p0 $0x1C07  }
0x849: {  	[timem:s3], [sflag:s2] =	dma.local @!p0 [hbm:s0], s1  }
0x84a: {  	s0 =	simm.s32 @!p0 $0x7  }
0x84b: {  	_ =	swait.ge @!p0 [sflag:s0], s1  }
0x84c: {  	s1 =	ssub.s32 @!p0 $0x0, s1;
	[sflag:s0] =	ssyncset.done @!p0 $0x0  }
0x84d: {  	[sflag:s0] =	ssyncadd.s32 @!p0 s1  }
0x84e: {  	[bflag:$0x3] =	sbarrier.arrive $0xFFFF  }
0x84f: {  	_ =	shalt  }

</sc_bundles>
